<compile_context>
chip_gen: v7x
topology: tpu7x:2x2x1
jax: 0.10.2.dev20260603
libtpu: 0.0.44.dev20260713+nightly
codegen_flags: <defaults>
</compile_context>

<pallas_src>
import functools

import jax
import jax.numpy as jnp
from jax import lax
from jax.experimental import pallas as pl
from jax.experimental.pallas import tpu as pltpu
from jax.experimental.pallas import tpu_sc as plsc

N = 10000
NP = 10240
E = 160000
G = 64
NC = 2
NS = 16
NW = NC * NS
CH = 128
NCHUNK = 40
NCK = 48
EPW = NCHUNK * CH
EPAD = EPW * NW
DUMMY = 10008
RPT = NP // NS
R_BLK = 1280
P_BLK = 640

_sc_mesh = plsc.VectorSubcoreMesh(
    core_axis_name="c", subcore_axis_name="s", num_cores=NC, num_subcores=NS
)


def _make_agg(S):
    @functools.partial(
        pl.kernel,
        out_type=jax.ShapeDtypeStruct((NC * S * NP, 128), jnp.float32),
        mesh=_sc_mesh,
        scratch_types=[
            pltpu.VMEM((NCK, CH), jnp.int32),
            pltpu.VMEM((NCK, CH), jnp.int32),
            pltpu.VMEM((CH, 128), jnp.float32),
            pltpu.VMEM((CH, 128), jnp.float32),
            pltpu.VMEM_SHARED((NP, 128), jnp.float32),
            pltpu.SemaphoreType.DMA,
            pltpu.SemaphoreType.DMA,
        ],
    )
    def agg(s_hbm, src_hbm, dst_hbm, out_hbm, srcv, dstv, g0, g1, acc, s0, s1):
        c = lax.axis_index("c")
        t = lax.axis_index("s")
        w = c * NS + t
        pltpu.sync_copy(dst_hbm.at[pl.ds(w * NCK, NCK)], dstv)
        for sl in range(S):
            pltpu.sync_copy(
                src_hbm.at[pl.ds((sl * NW + w) * NCK, NCK)], srcv
            )
            init = jnp.where(c == 0, sl * NP, S * NP) + t * RPT
            pltpu.sync_copy(
                s_hbm.at[pl.ds(init, RPT)], acc.at[pl.ds(t * RPT, RPT)]
            )
            plsc.subcore_barrier()

            pltpu.async_copy(s_hbm.at[srcv.at[0]], g0, s0)

            def ebody(j, carry):
                a = 2 * j
                pltpu.async_copy(s_hbm.at[srcv.at[a + 1]], g1, s1)
                pltpu.make_async_copy(s_hbm.at[pl.ds(0, CH)], g0, s0).wait()
                pltpu.sync_copy(g0, acc.at[dstv.at[a]], add=True)
                pltpu.async_copy(s_hbm.at[srcv.at[a + 2]], g0, s0)
                pltpu.make_async_copy(s_hbm.at[pl.ds(0, CH)], g1, s1).wait()
                pltpu.sync_copy(g1, acc.at[dstv.at[a + 1]], add=True)
                return carry

            lax.fori_loop(0, NCHUNK // 2, ebody, 0)
            pltpu.make_async_copy(s_hbm.at[pl.ds(0, CH)], g0, s0).wait()
            plsc.subcore_barrier()
            out = (c * S + sl) * NP + t * RPT
            pltpu.sync_copy(
                acc.at[pl.ds(t * RPT, RPT)], out_hbm.at[pl.ds(out, RPT)]
            )
            if sl + 1 < S:
                plsc.subcore_barrier()

    return agg


_agg1 = _make_agg(1)
_agg2 = _make_agg(2)
_agg4 = _make_agg(4)


def _prescale_body(x_ref, dp_ref, out_ref):
    d = lax.rsqrt(dp_ref[0][:, 0:1] + dp_ref[1][:, 0:1])
    sx = x_ref[...] * d
    out_ref[0] = sx[:, :128]
    out_ref[1] = sx[:, 128:]


def _prescale(x, degp):
    return pl.pallas_call(
        _prescale_body,
        grid=(NP // R_BLK,),
        in_specs=[
            pl.BlockSpec((R_BLK, 256), lambda i: (i, 0)),
            pl.BlockSpec((2, R_BLK, 128), lambda i: (0, i, 0)),
        ],
        out_specs=pl.BlockSpec((2, R_BLK, 128), lambda i: (0, i, 0)),
        out_shape=jax.ShapeDtypeStruct((2, NP, 128), jnp.float32),
    )(x, degp)


def _make_layer(Si, Dout, post_scale, out_sliced):
    So = Dout // 128

    def body(a_ref, dp_ref, w_ref, b_ref, out_ref):
        d = lax.rsqrt(dp_ref[0][:, 0:1] + dp_ref[1][:, 0:1])
        acc = None
        for ci in range(Si):
            xs = (a_ref[ci] + a_ref[Si + ci]) * d
            p = jnp.dot(
                xs,
                w_ref[ci * 128 : (ci + 1) * 128, :],
                preferred_element_type=jnp.float32,
            )
            acc = p if acc is None else acc + p
        z = jnp.maximum(acc + b_ref[0], 0.0)
        if post_scale:
            z = z * d
        if out_sliced:
            for j in range(So):
                out_ref[j] = z[:, j * 128 : (j + 1) * 128]
        else:
            out_ref[...] = z

    if out_sliced:
        out_specs = pl.BlockSpec((So, R_BLK, 128), lambda i: (0, i, 0))
        out_shape = jax.ShapeDtypeStruct((So, NP, 128), jnp.float32)
    else:
        out_specs = pl.BlockSpec((R_BLK, Dout), lambda i: (i, 0))
        out_shape = jax.ShapeDtypeStruct((NP, Dout), jnp.float32)

    def run(a3d, degp, W, b2d):
        return pl.pallas_call(
            body,
            grid=(NP // R_BLK,),
            in_specs=[
                pl.BlockSpec((2 * Si, R_BLK, 128), lambda i: (0, i, 0)),
                pl.BlockSpec((2, R_BLK, 128), lambda i: (0, i, 0)),
                pl.BlockSpec((Si * 128, Dout), lambda i: (0, 0)),
                pl.BlockSpec((1, Dout), lambda i: (0, 0)),
            ],
            out_specs=out_specs,
            out_shape=out_shape,
        )(a3d, degp, W, b2d)

    return run


_layer1 = _make_layer(2, 256, True, True)
_layer2 = _make_layer(2, 512, True, True)
_layer3 = _make_layer(4, 1024, False, False)


def _pool_body(h_ref, b_ref, out_ref):
    i = pl.program_id(0)

    @pl.when(i == 0)
    def _():
        out_ref[...] = jnp.full((G, 1024), -jnp.inf, jnp.float32)

    h = h_ref[...]
    bcol = b_ref[:, 0:1]
    rows = []
    for g in range(G):
        m = jnp.where(bcol == g, 0.0, -jnp.inf)
        rows.append(jnp.max(h + m, axis=0, keepdims=True))
    out_ref[...] = jnp.maximum(out_ref[...], jnp.concatenate(rows, axis=0))


def _pool(h3, batchb):
    return pl.pallas_call(
        _pool_body,
        grid=(NP // P_BLK,),
        in_specs=[
            pl.BlockSpec((P_BLK, 1024), lambda i: (i, 0)),
            pl.BlockSpec((P_BLK, 128), lambda i: (i, 0)),
        ],
        out_specs=pl.BlockSpec((G, 1024), lambda i: (0, 0)),
        out_shape=jax.ShapeDtypeStruct((G, 1024), jnp.float32),
    )(h3, batchb)


def _fc_body(p_ref, wg1_ref, bg1_ref, wg2_ref, bg2_ref, out_ref):
    gmat = jnp.maximum(
        jnp.dot(p_ref[...], wg1_ref[...], preferred_element_type=jnp.float32)
        + bg1_ref[0],
        0.0,
    )
    out_ref[...] = (
        jnp.dot(gmat, wg2_ref[...], preferred_element_type=jnp.float32) + bg2_ref[0]
    )


def _fc(pooled, Wg1, bg1_2d, Wg2, bg2_2d):
    return pl.pallas_call(
        _fc_body,
        out_shape=jax.ShapeDtypeStruct((G, 128), jnp.float32),
    )(pooled, Wg1, bg1_2d, Wg2, bg2_2d)


def _edge_tables(edge_index):
    pad = EPAD - E
    src = jnp.concatenate([edge_index[0], jnp.zeros((pad,), jnp.int32)])
    dst = jnp.concatenate([edge_index[1], jnp.full((pad,), DUMMY, jnp.int32)])
    xtra = NCK - NCHUNK
    src3 = jnp.concatenate(
        [src.reshape(NW, NCHUNK, CH), jnp.zeros((NW, xtra, CH), jnp.int32)], axis=1
    )
    dst3 = jnp.concatenate(
        [
            dst.reshape(NW, NCHUNK, CH),
            jnp.full((NW, xtra, CH), DUMMY, jnp.int32),
        ],
        axis=1,
    )
    dst2d = dst3.reshape(NW * NCK, CH)
    offs = {}
    for S in (1, 2, 4):
        o = (jnp.arange(S, dtype=jnp.int32) * NP)[:, None, None, None]
        offs[S] = (src3[None] + o).reshape(S * NW * NCK, CH)
    return offs, dst2d


def _with_zeros(s_flat):
    return jnp.concatenate([s_flat, jnp.zeros((NP, 128), jnp.float32)], axis=0)


def kernel(x, edge_index, batch, W1, b1, W2, b2, W3, b3, Wg1, bg1, Wg2, bg2):
    offs, dst2d = _edge_tables(edge_index)
    xp = jnp.pad(x, ((0, NP - N), (0, 0)))
    batchb = jnp.broadcast_to(
        jnp.concatenate([batch, jnp.full((NP - N,), G, jnp.int32)])[:, None],
        (NP, 128),
    )

    ones = jnp.ones((NP, 128), jnp.float32)
    degp = _agg1(_with_zeros(ones), offs[1], dst2d).reshape(2, NP, 128)

    s0 = _prescale(xp, degp)
    a1 = _agg2(_with_zeros(s0.reshape(2 * NP, 128)), offs[2], dst2d)
    s1 = _layer1(a1.reshape(4, NP, 128), degp, W1, b1.reshape(1, -1))
    a2 = _agg2(_with_zeros(s1.reshape(2 * NP, 128)), offs[2], dst2d)
    s2 = _layer2(a2.reshape(4, NP, 128), degp, W2, b2.reshape(1, -1))
    a3 = _agg4(_with_zeros(s2.reshape(4 * NP, 128)), offs[4], dst2d)
    h3 = _layer3(a3.reshape(8, NP, 128), degp, W3, b3.reshape(1, -1))
    pooled = _pool(h3, batchb)
    out = _fc(pooled, Wg1, bg1.reshape(1, -1), Wg2, bg2.reshape(1, -1))
    return out

# --- scband reference (transcript-rebuilt; emitter-appended) ---
"""Pipeline reference for scband-drug-gcnnet-18236431139474 (READ-ONLY COPY).

The authoritative reference and input builder live on the scoring server;
editing this copy changes nothing except your own understanding.
"""

import jax, jax.numpy as jnp
import numpy as np

N_NODES = 10000
N_EDGES = 160000
N_GRAPHS = 64
D_IN = 256


def setup_inputs(seed: int = 0) -> dict:
    key = jax.random.key(seed)
    ks = jax.random.split(key, 16)
    x = jax.random.normal(ks[0], (N_NODES, D_IN), dtype=jnp.float32)
    edge_index = jax.random.randint(ks[1], (2, N_EDGES), 0, N_NODES, dtype=jnp.int32)
    batch = jnp.sort(jax.random.randint(ks[2], (N_NODES,), 0, N_GRAPHS, dtype=jnp.int32))

    def glorot(k, fan_in, fan_out):
        return jax.random.normal(k, (fan_in, fan_out), dtype=jnp.float32) * (1.0 / np.sqrt(fan_in))

    W1 = glorot(ks[3], D_IN, D_IN)
    b1 = jnp.zeros((D_IN,), dtype=jnp.float32)
    W2 = glorot(ks[4], D_IN, D_IN * 2)
    b2 = jnp.zeros((D_IN * 2,), dtype=jnp.float32)
    W3 = glorot(ks[5], D_IN * 2, D_IN * 4)
    b3 = jnp.zeros((D_IN * 4,), dtype=jnp.float32)
    Wg1 = glorot(ks[6], D_IN * 4, 1024)
    bg1 = jnp.zeros((1024,), dtype=jnp.float32)
    Wg2 = glorot(ks[7], 1024, 128)
    bg2 = jnp.zeros((128,), dtype=jnp.float32)
    return {"x": x, "edge_index": edge_index, "batch": batch,
            "W1": W1, "b1": b1, "W2": W2, "b2": b2, "W3": W3, "b3": b3,
            "Wg1": Wg1, "bg1": bg1, "Wg2": Wg2, "bg2": bg2}


def _gcn_conv(x, edge_index, W, b):
    # PyG GCNConv: add self-loops, symmetric normalization D^-1/2 (A+I) D^-1/2, then XW aggregate + bias
    src = edge_index[0]
    dst = edge_index[1]
    loop = jnp.arange(N_NODES, dtype=src.dtype)
    src = jnp.concatenate([src, loop])
    dst = jnp.concatenate([dst, loop])
    ones = jnp.ones(src.shape[0], dtype=x.dtype)
    deg = jnp.zeros((N_NODES,), dtype=x.dtype).at[dst].add(ones)
    deg_inv_sqrt = jnp.where(deg > 0, jax.lax.rsqrt(jnp.maximum(deg, 1e-12)), 0.0)
    norm = deg_inv_sqrt[src] * deg_inv_sqrt[dst]
    h = x @ W
    msg = h[src] * norm[:, None]
    out = jnp.zeros((N_NODES, h.shape[1]), dtype=x.dtype).at[dst].add(msg)
    return out + b


def reference(x, edge_index, batch, W1, b1, W2, b2, W3, b3, Wg1, bg1, Wg2, bg2):
    h = jax.nn.relu(_gcn_conv(x, edge_index, W1, b1))
    h = jax.nn.relu(_gcn_conv(h, edge_index, W2, b2))
    h = jax.nn.relu(_gcn_conv(h, edge_index, W3, b3))
    pooled = jax.ops.segment_max(h, batch, num_segments=N_GRAPHS)
    g = jax.nn.relu(pooled @ Wg1 + bg1)
    # dropout is identity in eval mode
    out = g @ Wg2 + bg2
    return out

if __name__ == "__main__":
    import jax
    _d = setup_inputs()
    print(jax.jit(kernel)(*tuple(_d.values())))

</pallas_src>

<mosaic_0001>
#map = affine_map<(d0, d1) -> (0, 0)>
module attributes {stable_mosaic.version = 14 : i64} {
  func.func @agg(%arg0: i32, %arg1: i32, %arg2: memref<20480x128xf32, #tpu.memory_space<hbm>>, %arg3: memref<1536x128xi32, #tpu.memory_space<hbm>>, %arg4: memref<1536x128xi32, #tpu.memory_space<hbm>>, %arg5: memref<20480x128xf32, #tpu.memory_space<hbm>>, %arg6: memref<48x128xi32, #tpu.memory_space<vmem>>, %arg7: memref<48x128xi32, #tpu.memory_space<vmem>>, %arg8: memref<128x128xf32, #tpu.memory_space<vmem>>, %arg9: memref<128x128xf32, #tpu.memory_space<vmem>>, %arg10: memref<10240x128xf32, #tpu.memory_space<vmem_shared>>, %arg11: memref<!tpu.dma_semaphore, #tpu.memory_space<semaphore_mem>>, %arg12: memref<!tpu.dma_semaphore, #tpu.memory_space<semaphore_mem>>) attributes {dimension_semantics = [#tpu.dimension_semantics<core_parallel>, #tpu.dimension_semantics<subcore_parallel>], iteration_bounds = array<i64: 2, 16>, scalar_prefetch = 0 : i64, scratch_operands = 7 : i64, tpu.core_type = #tpu.core_type<sc_vector_subcore>, window_params = [{transform_indices = #map}, {transform_indices = #map}, {transform_indices = #map}, {transform_indices = #map}]} {
    %mul3A = arith.constant 16 : i32
    %mul3A_0 = arith.muli %arg0, %mul3A : i32
    %add3A = arith.addi %mul3A_0, %arg1 : i32
    %mul3A_1 = arith.constant 48 : i32
    %mul3A_2 = arith.muli %add3A, %mul3A_1 : i32
    "tpu.region"() ({
      %run_scoped3A = tpu.sem_alloc : memref<!tpu.dma_semaphore, #tpu.memory_space<semaphore_mem>>
      %dma_start3A_42 = arith.constant 0 : i32
      %dma_start3A_43 = tpu.memref_slice %arg4[%mul3A_2, %dma_start3A_42] : memref<1536x128xi32, #tpu.memory_space<hbm>> -> memref<48x128xi32, #tpu.memory_space<hbm>>
      %dma_start3A_44 = arith.constant 0 : i32
      %dma_start3A_45 = tpu.memref_slice %arg4[%mul3A_2, %dma_start3A_44] : memref<1536x128xi32, #tpu.memory_space<hbm>> -> memref<48x128xi32, #tpu.memory_space<hbm>>
      tpu.enqueue_dma source(%dma_start3A_45 : memref<48x128xi32, #tpu.memory_space<hbm>>) target(%arg7 : memref<48x128xi32, #tpu.memory_space<vmem>>) target_semaphore(%run_scoped3A : memref<!tpu.dma_semaphore, #tpu.memory_space<semaphore_mem>>)
      %dma_wait3A_46 = arith.constant 0 : i32
      %dma_wait3A_47 = tpu.memref_slice %arg4[%mul3A_2, %dma_wait3A_46] : memref<1536x128xi32, #tpu.memory_space<hbm>> -> memref<48x128xi32, #tpu.memory_space<hbm>>
      %dma_wait3A_48 = arith.constant 0 : i32
      %dma_wait3A_49 = tpu.memref_slice %arg4[%mul3A_2, %dma_wait3A_48] : memref<1536x128xi32, #tpu.memory_space<hbm>> -> memref<48x128xi32, #tpu.memory_space<hbm>>
      tpu.wait_dma2 semaphore(%run_scoped3A : memref<!tpu.dma_semaphore, #tpu.memory_space<semaphore_mem>>) src(%dma_wait3A_49 : memref<48x128xi32, #tpu.memory_space<hbm>>) dst(%arg7 : memref<48x128xi32, #tpu.memory_space<vmem>>)
      tpu.yield
    }) : () -> ()
    %add3A_3 = arith.constant 0 : i32
    %add3A_4 = arith.addi %add3A_3, %add3A : i32
    %mul3A_5 = arith.constant 48 : i32
    %mul3A_6 = arith.muli %add3A_4, %mul3A_5 : i32
    "tpu.region"() ({
      %run_scoped3A = tpu.sem_alloc : memref<!tpu.dma_semaphore, #tpu.memory_space<semaphore_mem>>
      %dma_start3A_42 = arith.constant 0 : i32
      %dma_start3A_43 = tpu.memref_slice %arg3[%mul3A_6, %dma_start3A_42] : memref<1536x128xi32, #tpu.memory_space<hbm>> -> memref<48x128xi32, #tpu.memory_space<hbm>>
      %dma_start3A_44 = arith.constant 0 : i32
      %dma_start3A_45 = tpu.memref_slice %arg3[%mul3A_6, %dma_start3A_44] : memref<1536x128xi32, #tpu.memory_space<hbm>> -> memref<48x128xi32, #tpu.memory_space<hbm>>
      tpu.enqueue_dma source(%dma_start3A_45 : memref<48x128xi32, #tpu.memory_space<hbm>>) target(%arg6 : memref<48x128xi32, #tpu.memory_space<vmem>>) target_semaphore(%run_scoped3A : memref<!tpu.dma_semaphore, #tpu.memory_space<semaphore_mem>>)
      %dma_wait3A_46 = arith.constant 0 : i32
      %dma_wait3A_47 = tpu.memref_slice %arg3[%mul3A_6, %dma_wait3A_46] : memref<1536x128xi32, #tpu.memory_space<hbm>> -> memref<48x128xi32, #tpu.memory_space<hbm>>
      %dma_wait3A_48 = arith.constant 0 : i32
      %dma_wait3A_49 = tpu.memref_slice %arg3[%mul3A_6, %dma_wait3A_48] : memref<1536x128xi32, #tpu.memory_space<hbm>> -> memref<48x128xi32, #tpu.memory_space<hbm>>
      tpu.wait_dma2 semaphore(%run_scoped3A : memref<!tpu.dma_semaphore, #tpu.memory_space<semaphore_mem>>) src(%dma_wait3A_49 : memref<48x128xi32, #tpu.memory_space<hbm>>) dst(%arg6 : memref<48x128xi32, #tpu.memory_space<vmem>>)
      tpu.yield
    }) : () -> ()
    %eq3A = arith.constant 0 : i32
    %eq3A_7 = arith.cmpi eq, %arg0, %eq3A : i32
    %jit3A = arith.constant 0 : i32
    %jit3A_8 = arith.constant 10240 : i32
    %select_n3A = arith.select %eq3A_7, %jit3A, %jit3A_8 : i32
    %mul3A_9 = arith.constant 640 : i32
    %mul3A_10 = arith.muli %arg1, %mul3A_9 : i32
    %add3A_11 = arith.addi %select_n3A, %mul3A_10 : i32
    %mul3A_12 = arith.constant 640 : i32
    %mul3A_13 = arith.muli %arg1, %mul3A_12 : i32
    "tpu.region"() ({
      %run_scoped3A = tpu.sem_alloc : memref<!tpu.dma_semaphore, #tpu.memory_space<semaphore_mem>>
      %dma_start3A_42 = arith.constant 0 : i32
      %dma_start3A_43 = tpu.memref_slice %arg10[%mul3A_13, %dma_start3A_42] : memref<10240x128xf32, #tpu.memory_space<vmem_shared>> -> memref<640x128xf32, #tpu.memory_space<vmem_shared>>
      %dma_start3A_44 = arith.constant 0 : i32
      %dma_start3A_45 = tpu.memref_slice %arg2[%add3A_11, %dma_start3A_44] : memref<20480x128xf32, #tpu.memory_space<hbm>> -> memref<640x128xf32, #tpu.memory_space<hbm>>
      tpu.enqueue_dma source(%dma_start3A_45 : memref<640x128xf32, #tpu.memory_space<hbm>>) target(%dma_start3A_43 : memref<640x128xf32, #tpu.memory_space<vmem_shared>>) target_semaphore(%run_scoped3A : memref<!tpu.dma_semaphore, #tpu.memory_space<semaphore_mem>>)
      %dma_wait3A_46 = arith.constant 0 : i32
      %dma_wait3A_47 = tpu.memref_slice %arg10[%mul3A_13, %dma_wait3A_46] : memref<10240x128xf32, #tpu.memory_space<vmem_shared>> -> memref<640x128xf32, #tpu.memory_space<vmem_shared>>
      %dma_wait3A_48 = arith.constant 0 : i32
      %dma_wait3A_49 = tpu.memref_slice %arg2[%add3A_11, %dma_wait3A_48] : memref<20480x128xf32, #tpu.memory_space<hbm>> -> memref<640x128xf32, #tpu.memory_space<hbm>>
      tpu.wait_dma2 semaphore(%run_scoped3A : memref<!tpu.dma_semaphore, #tpu.memory_space<semaphore_mem>>) src(%dma_wait3A_49 : memref<640x128xf32, #tpu.memory_space<hbm>>) dst(%dma_wait3A_47 : memref<640x128xf32, #tpu.memory_space<vmem_shared>>)
      tpu.yield
    }) : () -> ()
    %barrier3A = arith.constant 0 : index
    tpu.barrier barrier_id(%barrier3A)
    %dma_start3A = arith.constant 0 : i32
    %dma_start3A_14 = arith.constant 0 : i32
    %dma_start3A_15 = tpu.memref_slice %arg6[%dma_start3A, %dma_start3A_14] : memref<48x128xi32, #tpu.memory_space<vmem>> -> memref<1x128xi32, #tpu.memory_space<vmem>>
    %dma_start3A_16 = tpu.memref_squeeze %dma_start3A_15 : memref<1x128xi32, #tpu.memory_space<vmem>> -> memref<128xi32, #tpu.memory_space<vmem>>
    %dma_start3A_17 = arith.constant 0 : i32
    %dma_start3A_18 = arith.constant 0 : i32
    %dma_start3A_19 = tpu.memref_slice %arg2[%dma_start3A_17, %dma_start3A_18] : memref<20480x128xf32, #tpu.memory_space<hbm>> -> memref<20480x128xf32, #tpu.memory_space<hbm>>
    tpu.enqueue_indirect_dma source(%dma_start3A_19 : memref<20480x128xf32, #tpu.memory_space<hbm>>) target(%arg8 : memref<128x128xf32, #tpu.memory_space<vmem>>) offsets(%dma_start3A_16 : memref<128xi32, #tpu.memory_space<vmem>>) semaphore(%arg11 : memref<!tpu.dma_semaphore, #tpu.memory_space<semaphore_mem>>)
    %scan3A = arith.constant 0 : i32
    %scan3A_20 = arith.constant 0 : i32
    %scan3A_21 = arith.constant 20 : i32
    %scan3A_22 = arith.addi %scan3A_20, %scan3A_21 : i32
    %scan3A_23 = arith.constant 1 : i32
    scf.for %scan3A_42 = %scan3A_20 to %scan3A_22 step %scan3A_23  : i32 {
      %mul3A_43 = arith.constant 2 : i32
      %mul3A_44 = arith.muli %mul3A_43, %scan3A_42 : i32
      %add3A_45 = arith.constant 1 : i32
      %add3A_46 = arith.addi %mul3A_44, %add3A_45 : i32
      %dma_start3A_47 = arith.constant 0 : i32
      %dma_start3A_48 = tpu.memref_slice %arg6[%add3A_46, %dma_start3A_47] : memref<48x128xi32, #tpu.memory_space<vmem>> -> memref<1x128xi32, #tpu.memory_space<vmem>>
      %dma_start3A_49 = tpu.memref_squeeze %dma_start3A_48 : memref<1x128xi32, #tpu.memory_space<vmem>> -> memref<128xi32, #tpu.memory_space<vmem>>
      %dma_start3A_50 = arith.constant 0 : i32
      %dma_start3A_51 = arith.constant 0 : i32
      %dma_start3A_52 = tpu.memref_slice %arg2[%dma_start3A_50, %dma_start3A_51] : memref<20480x128xf32, #tpu.memory_space<hbm>> -> memref<20480x128xf32, #tpu.memory_space<hbm>>
      tpu.enqueue_indirect_dma source(%dma_start3A_52 : memref<20480x128xf32, #tpu.memory_space<hbm>>) target(%arg9 : memref<128x128xf32, #tpu.memory_space<vmem>>) offsets(%dma_start3A_49 : memref<128xi32, #tpu.memory_space<vmem>>) semaphore(%arg12 : memref<!tpu.dma_semaphore, #tpu.memory_space<semaphore_mem>>)
      %dma_wait3A_53 = arith.constant 0 : i32
      %dma_wait3A_54 = arith.constant 0 : i32
      %dma_wait3A_55 = tpu.memref_slice %arg2[%dma_wait3A_53, %dma_wait3A_54] : memref<20480x128xf32, #tpu.memory_space<hbm>> -> memref<128x128xf32, #tpu.memory_space<hbm>>
      %dma_wait3A_56 = arith.constant 0 : i32
      %dma_wait3A_57 = arith.constant 0 : i32
      %dma_wait3A_58 = tpu.memref_slice %arg2[%dma_wait3A_56, %dma_wait3A_57] : memref<20480x128xf32, #tpu.memory_space<hbm>> -> memref<128x128xf32, #tpu.memory_space<hbm>>
      tpu.wait_dma2 semaphore(%arg11 : memref<!tpu.dma_semaphore, #tpu.memory_space<semaphore_mem>>) src(%dma_wait3A_58 : memref<128x128xf32, #tpu.memory_space<hbm>>) dst(%arg8 : memref<128x128xf32, #tpu.memory_space<vmem>>)
      "tpu.region"() ({
        %run_scoped3A = tpu.sem_alloc : memref<!tpu.dma_semaphore, #tpu.memory_space<semaphore_mem>>
        %dma_start3A_75 = arith.constant 0 : i32
        %dma_start3A_76 = tpu.memref_slice %arg7[%mul3A_44, %dma_start3A_75] : memref<48x128xi32, #tpu.memory_space<vmem>> -> memref<1x128xi32, #tpu.memory_space<vmem>>
        %dma_start3A_77 = tpu.memref_squeeze %dma_start3A_76 : memref<1x128xi32, #tpu.memory_space<vmem>> -> memref<128xi32, #tpu.memory_space<vmem>>
        %dma_start3A_78 = arith.constant 0 : i32
        %dma_start3A_79 = arith.constant 0 : i32
        %dma_start3A_80 = tpu.memref_slice %arg10[%dma_start3A_78, %dma_start3A_79] : memref<10240x128xf32, #tpu.memory_space<vmem_shared>> -> memref<10240x128xf32, #tpu.memory_space<vmem_shared>>
        tpu.enqueue_indirect_dma source(%arg8 : memref<128x128xf32, #tpu.memory_space<vmem>>) target(%dma_start3A_80 : memref<10240x128xf32, #tpu.memory_space<vmem_shared>>) offsets(%dma_start3A_77 : memref<128xi32, #tpu.memory_space<vmem>>) semaphore(%run_scoped3A : memref<!tpu.dma_semaphore, #tpu.memory_space<semaphore_mem>>) {add = true}
        %dma_wait3A_81 = arith.constant 0 : i32
        %dma_wait3A_82 = tpu.memref_slice %arg7[%mul3A_44, %dma_wait3A_81] : memref<48x128xi32, #tpu.memory_space<vmem>> -> memref<1x128xi32, #tpu.memory_space<vmem>>
        %dma_wait3A_83 = tpu.memref_squeeze %dma_wait3A_82 : memref<1x128xi32, #tpu.memory_space<vmem>> -> memref<128xi32, #tpu.memory_space<vmem>>
        %dma_wait3A_84 = arith.constant 0 : i32
        %dma_wait3A_85 = arith.constant 0 : i32
        %dma_wait3A_86 = tpu.memref_slice %arg10[%dma_wait3A_84, %dma_wait3A_85] : memref<10240x128xf32, #tpu.memory_space<vmem_shared>> -> memref<10240x128xf32, #tpu.memory_space<vmem_shared>>
        tpu.wait_indirect_dma semaphore(%run_scoped3A : memref<!tpu.dma_semaphore, #tpu.memory_space<semaphore_mem>>) src(%arg8 : memref<128x128xf32, #tpu.memory_space<vmem>>) dst(%dma_wait3A_86 : memref<10240x128xf32, #tpu.memory_space<vmem_shared>>)
        tpu.yield
      }) : () -> ()
      %add3A_59 = arith.constant 2 : i32
      %add3A_60 = arith.addi %mul3A_44, %add3A_59 : i32
      %dma_start3A_61 = arith.constant 0 : i32
      %dma_start3A_62 = tpu.memref_slice %arg6[%add3A_60, %dma_start3A_61] : memref<48x128xi32, #tpu.memory_space<vmem>> -> memref<1x128xi32, #tpu.memory_space<vmem>>
      %dma_start3A_63 = tpu.memref_squeeze %dma_start3A_62 : memref<1x128xi32, #tpu.memory_space<vmem>> -> memref<128xi32, #tpu.memory_space<vmem>>
      %dma_start3A_64 = arith.constant 0 : i32
      %dma_start3A_65 = arith.constant 0 : i32
      %dma_start3A_66 = tpu.memref_slice %arg2[%dma_start3A_64, %dma_start3A_65] : memref<20480x128xf32, #tpu.memory_space<hbm>> -> memref<20480x128xf32, #tpu.memory_space<hbm>>
      tpu.enqueue_indirect_dma source(%dma_start3A_66 : memref<20480x128xf32, #tpu.memory_space<hbm>>) target(%arg8 : memref<128x128xf32, #tpu.memory_space<vmem>>) offsets(%dma_start3A_63 : memref<128xi32, #tpu.memory_space<vmem>>) semaphore(%arg11 : memref<!tpu.dma_semaphore, #tpu.memory_space<semaphore_mem>>)
      %dma_wait3A_67 = arith.constant 0 : i32
      %dma_wait3A_68 = arith.constant 0 : i32
      %dma_wait3A_69 = tpu.memref_slice %arg2[%dma_wait3A_67, %dma_wait3A_68] : memref<20480x128xf32, #tpu.memory_space<hbm>> -> memref<128x128xf32, #tpu.memory_space<hbm>>
      %dma_wait3A_70 = arith.constant 0 : i32
      %dma_wait3A_71 = arith.constant 0 : i32
      %dma_wait3A_72 = tpu.memref_slice %arg2[%dma_wait3A_70, %dma_wait3A_71] : memref<20480x128xf32, #tpu.memory_space<hbm>> -> memref<128x128xf32, #tpu.memory_space<hbm>>
      tpu.wait_dma2 semaphore(%arg12 : memref<!tpu.dma_semaphore, #tpu.memory_space<semaphore_mem>>) src(%dma_wait3A_72 : memref<128x128xf32, #tpu.memory_space<hbm>>) dst(%arg9 : memref<128x128xf32, #tpu.memory_space<vmem>>)
      %add3A_73 = arith.constant 1 : i32
      %add3A_74 = arith.addi %mul3A_44, %add3A_73 : i32
      "tpu.region"() ({
        %run_scoped3A = tpu.sem_alloc : memref<!tpu.dma_semaphore, #tpu.memory_space<semaphore_mem>>
        %dma_start3A_75 = arith.constant 0 : i32
        %dma_start3A_76 = tpu.memref_slice %arg7[%add3A_74, %dma_start3A_75] : memref<48x128xi32, #tpu.memory_space<vmem>> -> memref<1x128xi32, #tpu.memory_space<vmem>>
        %dma_start3A_77 = tpu.memref_squeeze %dma_start3A_76 : memref<1x128xi32, #tpu.memory_space<vmem>> -> memref<128xi32, #tpu.memory_space<vmem>>
        %dma_start3A_78 = arith.constant 0 : i32
        %dma_start3A_79 = arith.constant 0 : i32
        %dma_start3A_80 = tpu.memref_slice %arg10[%dma_start3A_78, %dma_start3A_79] : memref<10240x128xf32, #tpu.memory_space<vmem_shared>> -> memref<10240x128xf32, #tpu.memory_space<vmem_shared>>
        tpu.enqueue_indirect_dma source(%arg9 : memref<128x128xf32, #tpu.memory_space<vmem>>) target(%dma_start3A_80 : memref<10240x128xf32, #tpu.memory_space<vmem_shared>>) offsets(%dma_start3A_77 : memref<128xi32, #tpu.memory_space<vmem>>) semaphore(%run_scoped3A : memref<!tpu.dma_semaphore, #tpu.memory_space<semaphore_mem>>) {add = true}
        %dma_wait3A_81 = arith.constant 0 : i32
        %dma_wait3A_82 = tpu.memref_slice %arg7[%add3A_74, %dma_wait3A_81] : memref<48x128xi32, #tpu.memory_space<vmem>> -> memref<1x128xi32, #tpu.memory_space<vmem>>
        %dma_wait3A_83 = tpu.memref_squeeze %dma_wait3A_82 : memref<1x128xi32, #tpu.memory_space<vmem>> -> memref<128xi32, #tpu.memory_space<vmem>>
        %dma_wait3A_84 = arith.constant 0 : i32
        %dma_wait3A_85 = arith.constant 0 : i32
        %dma_wait3A_86 = tpu.memref_slice %arg10[%dma_wait3A_84, %dma_wait3A_85] : memref<10240x128xf32, #tpu.memory_space<vmem_shared>> -> memref<10240x128xf32, #tpu.memory_space<vmem_shared>>
        tpu.wait_indirect_dma semaphore(%run_scoped3A : memref<!tpu.dma_semaphore, #tpu.memory_space<semaphore_mem>>) src(%arg9 : memref<128x128xf32, #tpu.memory_space<vmem>>) dst(%dma_wait3A_86 : memref<10240x128xf32, #tpu.memory_space<vmem_shared>>)
        tpu.yield
      }) : () -> ()
    }
    %scan3A_24 = arith.constant 20 : i32
    %dma_wait3A = arith.constant 0 : i32
    %dma_wait3A_25 = arith.constant 0 : i32
    %dma_wait3A_26 = tpu.memref_slice %arg2[%dma_wait3A, %dma_wait3A_25] : memref<20480x128xf32, #tpu.memory_space<hbm>> -> memref<128x128xf32, #tpu.memory_space<hbm>>
    %dma_wait3A_27 = arith.constant 0 : i32
    %dma_wait3A_28 = arith.constant 0 : i32
    %dma_wait3A_29 = tpu.memref_slice %arg2[%dma_wait3A_27, %dma_wait3A_28] : memref<20480x128xf32, #tpu.memory_space<hbm>> -> memref<128x128xf32, #tpu.memory_space<hbm>>
    tpu.wait_dma2 semaphore(%arg11 : memref<!tpu.dma_semaphore, #tpu.memory_space<semaphore_mem>>) src(%dma_wait3A_29 : memref<128x128xf32, #tpu.memory_space<hbm>>) dst(%arg8 : memref<128x128xf32, #tpu.memory_space<vmem>>)
    %barrier3A_30 = arith.constant 0 : index
    tpu.barrier barrier_id(%barrier3A_30)
    %mul3A_31 = arith.constant 1 : i32
    %mul3A_32 = arith.muli %arg0, %mul3A_31 : i32
    %add3A_33 = arith.constant 0 : i32
    %add3A_34 = arith.addi %mul3A_32, %add3A_33 : i32
    %mul3A_35 = arith.constant 10240 : i32
    %mul3A_36 = arith.muli %add3A_34, %mul3A_35 : i32
    %mul3A_37 = arith.constant 640 : i32
    %mul3A_38 = arith.muli %arg1, %mul3A_37 : i32
    %add3A_39 = arith.addi %mul3A_36, %mul3A_38 : i32
    %mul3A_40 = arith.constant 640 : i32
    %mul3A_41 = arith.muli %arg1, %mul3A_40 : i32
    "tpu.region"() ({
      %run_scoped3A = tpu.sem_alloc : memref<!tpu.dma_semaphore, #tpu.memory_space<semaphore_mem>>
      %dma_start3A_42 = arith.constant 0 : i32
      %dma_start3A_43 = tpu.memref_slice %arg5[%add3A_39, %dma_start3A_42] : memref<20480x128xf32, #tpu.memory_space<hbm>> -> memref<640x128xf32, #tpu.memory_space<hbm>>
      %dma_start3A_44 = arith.constant 0 : i32
      %dma_start3A_45 = tpu.memref_slice %arg10[%mul3A_41, %dma_start3A_44] : memref<10240x128xf32, #tpu.memory_space<vmem_shared>> -> memref<640x128xf32, #tpu.memory_space<vmem_shared>>
      tpu.enqueue_dma source(%dma_start3A_45 : memref<640x128xf32, #tpu.memory_space<vmem_shared>>) target(%dma_start3A_43 : memref<640x128xf32, #tpu.memory_space<hbm>>) target_semaphore(%run_scoped3A : memref<!tpu.dma_semaphore, #tpu.memory_space<semaphore_mem>>)
      %dma_wait3A_46 = arith.constant 0 : i32
      %dma_wait3A_47 = tpu.memref_slice %arg5[%add3A_39, %dma_wait3A_46] : memref<20480x128xf32, #tpu.memory_space<hbm>> -> memref<640x128xf32, #tpu.memory_space<hbm>>
      %dma_wait3A_48 = arith.constant 0 : i32
      %dma_wait3A_49 = tpu.memref_slice %arg10[%mul3A_41, %dma_wait3A_48] : memref<10240x128xf32, #tpu.memory_space<vmem_shared>> -> memref<640x128xf32, #tpu.memory_space<vmem_shared>>
      tpu.wait_dma2 semaphore(%run_scoped3A : memref<!tpu.dma_semaphore, #tpu.memory_space<semaphore_mem>>) src(%dma_wait3A_49 : memref<640x128xf32, #tpu.memory_space<vmem_shared>>) dst(%dma_wait3A_47 : memref<640x128xf32, #tpu.memory_space<hbm>>)
      tpu.yield
    }) : () -> ()
    return
  }
}

#map = affine_map<(d0, d1) -> (0, 0)>
module attributes {stable_mosaic.version = 14 : i64} {
  func.func @agg(%arg0: i32, %arg1: i32, %arg2: memref<30720x128xf32, #tpu.memory_space<hbm>>, %arg3: memref<3072x128xi32, #tpu.memory_space<hbm>>, %arg4: memref<1536x128xi32, #tpu.memory_space<hbm>>, %arg5: memref<40960x128xf32, #tpu.memory_space<hbm>>, %arg6: memref<48x128xi32, #tpu.memory_space<vmem>>, %arg7: memref<48x128xi32, #tpu.memory_space<vmem>>, %arg8: memref<128x128xf32, #tpu.memory_space<vmem>>, %arg9: memref<128x128xf32, #tpu.memory_space<vmem>>, %arg10: memref<10240x128xf32, #tpu.memory_space<vmem_shared>>, %arg11: memref<!tpu.dma_semaphore, #tpu.memory_space<semaphore_mem>>, %arg12: memref<!tpu.dma_semaphore, #tpu.memory_space<semaphore_mem>>) attributes {dimension_semantics = [#tpu.dimension_semantics<core_parallel>, #tpu.dimension_semantics<subcore_parallel>], iteration_bounds = array<i64: 2, 16>, scalar_prefetch = 0 : i64, scratch_operands = 7 : i64, tpu.core_type = #tpu.core_type<sc_vector_subcore>, window_params = [{transform_indices = #map}, {transform_indices = #map}, {transform_indices = #map}, {transform_indices = #map}]} {
    %mul3A = arith.constant 16 : i32
    %mul3A_0 = arith.muli %arg0, %mul3A : i32
    %add3A = arith.addi %mul3A_0, %arg1 : i32
    %mul3A_1 = arith.constant 48 : i32
    %mul3A_2 = arith.muli %add3A, %mul3A_1 : i32
    "tpu.region"() ({
      %run_scoped3A = tpu.sem_alloc : memref<!tpu.dma_semaphore, #tpu.memory_space<semaphore_mem>>
      %dma_start3A_89 = arith.constant 0 : i32
      %dma_start3A_90 = tpu.memref_slice %arg4[%mul3A_2, %dma_start3A_89] : memref<1536x128xi32, #tpu.memory_space<hbm>> -> memref<48x128xi32, #tpu.memory_space<hbm>>
      %dma_start3A_91 = arith.constant 0 : i32
      %dma_start3A_92 = tpu.memref_slice %arg4[%mul3A_2, %dma_start3A_91] : memref<1536x128xi32, #tpu.memory_space<hbm>> -> memref<48x128xi32, #tpu.memory_space<hbm>>
      tpu.enqueue_dma source(%dma_start3A_92 : memref<48x128xi32, #tpu.memory_space<hbm>>) target(%arg7 : memref<48x128xi32, #tpu.memory_space<vmem>>) target_semaphore(%run_scoped3A : memref<!tpu.dma_semaphore, #tpu.memory_space<semaphore_mem>>)
      %dma_wait3A_93 = arith.constant 0 : i32
      %dma_wait3A_94 = tpu.memref_slice %arg4[%mul3A_2, %dma_wait3A_93] : memref<1536x128xi32, #tpu.memory_space<hbm>> -> memref<48x128xi32, #tpu.memory_space<hbm>>
      %dma_wait3A_95 = arith.constant 0 : i32
      %dma_wait3A_96 = tpu.memref_slice %arg4[%mul3A_2, %dma_wait3A_95] : memref<1536x128xi32, #tpu.memory_space<hbm>> -> memref<48x128xi32, #tpu.memory_space<hbm>>
      tpu.wait_dma2 semaphore(%run_scoped3A : memref<!tpu.dma_semaphore, #tpu.memory_space<semaphore_mem>>) src(%dma_wait3A_96 : memref<48x128xi32, #tpu.memory_space<hbm>>) dst(%arg7 : memref<48x128xi32, #tpu.memory_space<vmem>>)
      tpu.yield
    }) : () -> ()
    %add3A_3 = arith.constant 0 : i32
    %add3A_4 = arith.addi %add3A_3, %add3A : i32
    %mul3A_5 = arith.constant 48 : i32
    %mul3A_6 = arith.muli %add3A_4, %mul3A_5 : i32
    "tpu.region"() ({
      %run_scoped3A = tpu.sem_alloc : memref<!tpu.dma_semaphore, #tpu.memory_space<semaphore_mem>>
      %dma_start3A_89 = arith.constant 0 : i32
      %dma_start3A_90 = tpu.memref_slice %arg3[%mul3A_6, %dma_start3A_89] : memref<3072x128xi32, #tpu.memory_space<hbm>> -> memref<48x128xi32, #tpu.memory_space<hbm>>
      %dma_start3A_91 = arith.constant 0 : i32
      %dma_start3A_92 = tpu.memref_slice %arg3[%mul3A_6, %dma_start3A_91] : memref<3072x128xi32, #tpu.memory_space<hbm>> -> memref<48x128xi32, #tpu.memory_space<hbm>>
      tpu.enqueue_dma source(%dma_start3A_92 : memref<48x128xi32, #tpu.memory_space<hbm>>) target(%arg6 : memref<48x128xi32, #tpu.memory_space<vmem>>) target_semaphore(%run_scoped3A : memref<!tpu.dma_semaphore, #tpu.memory_space<semaphore_mem>>)
      %dma_wait3A_93 = arith.constant 0 : i32
      %dma_wait3A_94 = tpu.memref_slice %arg3[%mul3A_6, %dma_wait3A_93] : memref<3072x128xi32, #tpu.memory_space<hbm>> -> memref<48x128xi32, #tpu.memory_space<hbm>>
      %dma_wait3A_95 = arith.constant 0 : i32
      %dma_wait3A_96 = tpu.memref_slice %arg3[%mul3A_6, %dma_wait3A_95] : memref<3072x128xi32, #tpu.memory_space<hbm>> -> memref<48x128xi32, #tpu.memory_space<hbm>>
      tpu.wait_dma2 semaphore(%run_scoped3A : memref<!tpu.dma_semaphore, #tpu.memory_space<semaphore_mem>>) src(%dma_wait3A_96 : memref<48x128xi32, #tpu.memory_space<hbm>>) dst(%arg6 : memref<48x128xi32, #tpu.memory_space<vmem>>)
      tpu.yield
    }) : () -> ()
    %eq3A = arith.constant 0 : i32
    %eq3A_7 = arith.cmpi eq, %arg0, %eq3A : i32
    %jit3A = arith.constant 0 : i32
    %jit3A_8 = arith.constant 20480 : i32
    %select_n3A = arith.select %eq3A_7, %jit3A, %jit3A_8 : i32
    %mul3A_9 = arith.constant 640 : i32
    %mul3A_10 = arith.muli %arg1, %mul3A_9 : i32
    %add3A_11 = arith.addi %select_n3A, %mul3A_10 : i32
    %mul3A_12 = arith.constant 640 : i32
    %mul3A_13 = arith.muli %arg1, %mul3A_12 : i32
    "tpu.region"() ({
      %run_scoped3A = tpu.sem_alloc : memref<!tpu.dma_semaphore, #tpu.memory_space<semaphore_mem>>
      %dma_start3A_89 = arith.constant 0 : i32
      %dma_start3A_90 = tpu.memref_slice %arg10[%mul3A_13, %dma_start3A_89] : memref<10240x128xf32, #tpu.memory_space<vmem_shared>> -> memref<640x128xf32, #tpu.memory_space<vmem_shared>>
      %dma_start3A_91 = arith.constant 0 : i32
      %dma_start3A_92 = tpu.memref_slice %arg2[%add3A_11, %dma_start3A_91] : memref<30720x128xf32, #tpu.memory_space<hbm>> -> memref<640x128xf32, #tpu.memory_space<hbm>>
      tpu.enqueue_dma source(%dma_start3A_92 : memref<640x128xf32, #tpu.memory_space<hbm>>) target(%dma_start3A_90 : memref<640x128xf32, #tpu.memory_space<vmem_shared>>) target_semaphore(%run_scoped3A : memref<!tpu.dma_semaphore, #tpu.memory_space<semaphore_mem>>)
      %dma_wait3A_93 = arith.constant 0 : i32
      %dma_wait3A_94 = tpu.memref_slice %arg10[%mul3A_13, %dma_wait3A_93] : memref<10240x128xf32, #tpu.memory_space<vmem_shared>> -> memref<640x128xf32, #tpu.memory_space<vmem_shared>>
      %dma_wait3A_95 = arith.constant 0 : i32
      %dma_wait3A_96 = tpu.memref_slice %arg2[%add3A_11, %dma_wait3A_95] : memref<30720x128xf32, #tpu.memory_space<hbm>> -> memref<640x128xf32, #tpu.memory_space<hbm>>
      tpu.wait_dma2 semaphore(%run_scoped3A : memref<!tpu.dma_semaphore, #tpu.memory_space<semaphore_mem>>) src(%dma_wait3A_96 : memref<640x128xf32, #tpu.memory_space<hbm>>) dst(%dma_wait3A_94 : memref<640x128xf32, #tpu.memory_space<vmem_shared>>)
      tpu.yield
    }) : () -> ()
    %barrier3A = arith.constant 0 : index
    tpu.barrier barrier_id(%barrier3A)
    %dma_start3A = arith.constant 0 : i32
    %dma_start3A_14 = arith.constant 0 : i32
    %dma_start3A_15 = tpu.memref_slice %arg6[%dma_start3A, %dma_start3A_14] : memref<48x128xi32, #tpu.memory_space<vmem>> -> memref<1x128xi32, #tpu.memory_space<vmem>>
    %dma_start3A_16 = tpu.memref_squeeze %dma_start3A_15 : memref<1x128xi32, #tpu.memory_space<vmem>> -> memref<128xi32, #tpu.memory_space<vmem>>
    %dma_start3A_17 = arith.constant 0 : i32
    %dma_start3A_18 = arith.constant 0 : i32
    %dma_start3A_19 = tpu.memref_slice %arg2[%dma_start3A_17, %dma_start3A_18] : memref<30720x128xf32, #tpu.memory_space<hbm>> -> memref<30720x128xf32, #tpu.memory_space<hbm>>
    tpu.enqueue_indirect_dma source(%dma_start3A_19 : memref<30720x128xf32, #tpu.memory_space<hbm>>) target(%arg8 : memref<128x128xf32, #tpu.memory_space<vmem>>) offsets(%dma_start3A_16 : memref<128xi32, #tpu.memory_space<vmem>>) semaphore(%arg11 : memref<!tpu.dma_semaphore, #tpu.memory_space<semaphore_mem>>)
    %scan3A = arith.constant 0 : i32
    %scan3A_20 = arith.constant 0 : i32
    %scan3A_21 = arith.constant 20 : i32
    %scan3A_22 = arith.addi %scan3A_20, %scan3A_21 : i32
    %scan3A_23 = arith.constant 1 : i32
    scf.for %scan3A_89 = %scan3A_20 to %scan3A_22 step %scan3A_23  : i32 {
      %mul3A_90 = arith.constant 2 : i32
      %mul3A_91 = arith.muli %mul3A_90, %scan3A_89 : i32
      %add3A_92 = arith.constant 1 : i32
      %add3A_93 = arith.addi %mul3A_91, %add3A_92 : i32
      %dma_start3A_94 = arith.constant 0 : i32
      %dma_start3A_95 = tpu.memref_slice %arg6[%add3A_93, %dma_start3A_94] : memref<48x128xi32, #tpu.memory_space<vmem>> -> memref<1x128xi32, #tpu.memory_space<vmem>>
      %dma_start3A_96 = tpu.memref_squeeze %dma_start3A_95 : memref<1x128xi32, #tpu.memory_space<vmem>> -> memref<128xi32, #tpu.memory_space<vmem>>
      %dma_start3A_97 = arith.constant 0 : i32
      %dma_start3A_98 = arith.constant 0 : i32
      %dma_start3A_99 = tpu.memref_slice %arg2[%dma_start3A_97, %dma_start3A_98] : memref<30720x128xf32, #tpu.memory_space<hbm>> -> memref<30720x128xf32, #tpu.memory_space<hbm>>
      tpu.enqueue_indirect_dma source(%dma_start3A_99 : memref<30720x128xf32, #tpu.memory_space<hbm>>) target(%arg9 : memref<128x128xf32, #tpu.memory_space<vmem>>) offsets(%dma_start3A_96 : memref<128xi32, #tpu.memory_space<vmem>>) semaphore(%arg12 : memref<!tpu.dma_semaphore, #tpu.memory_space<semaphore_mem>>)
      %dma_wait3A_100 = arith.constant 0 : i32
      %dma_wait3A_101 = arith.constant 0 : i32
      %dma_wait3A_102 = tpu.memref_slice %arg2[%dma_wait3A_100, %dma_wait3A_101] : memref<30720x128xf32, #tpu.memory_space<hbm>> -> memref<128x128xf32, #tpu.memory_space<hbm>>
      %dma_wait3A_103 = arith.constant 0 : i32
      %dma_wait3A_104 = arith.constant 0 : i32
      %dma_wait3A_105 = tpu.memref_slice %arg2[%dma_wait3A_103, %dma_wait3A_104] : memref<30720x128xf32, #tpu.memory_space<hbm>> -> memref<128x128xf32, #tpu.memory_space<hbm>>
      tpu.wait_dma2 semaphore(%arg11 : memref<!tpu.dma_semaphore, #tpu.memory_space<semaphore_mem>>) src(%dma_wait3A_105 : memref<128x128xf32, #tpu.memory_space<hbm>>) dst(%arg8 : memref<128x128xf32, #tpu.memory_space<vmem>>)
      "tpu.region"() ({
        %run_scoped3A = tpu.sem_alloc : memref<!tpu.dma_semaphore, #tpu.memory_space<semaphore_mem>>
        %dma_start3A_122 = arith.constant 0 : i32
        %dma_start3A_123 = tpu.memref_slice %arg7[%mul3A_91, %dma_start3A_122] : memref<48x128xi32, #tpu.memory_space<vmem>> -> memref<1x128xi32, #tpu.memory_space<vmem>>
        %dma_start3A_124 = tpu.memref_squeeze %dma_start3A_123 : memref<1x128xi32, #tpu.memory_space<vmem>> -> memref<128xi32, #tpu.memory_space<vmem>>
        %dma_start3A_125 = arith.constant 0 : i32
        %dma_start3A_126 = arith.constant 0 : i32
        %dma_start3A_127 = tpu.memref_slice %arg10[%dma_start3A_125, %dma_start3A_126] : memref<10240x128xf32, #tpu.memory_space<vmem_shared>> -> memref<10240x128xf32, #tpu.memory_space<vmem_shared>>
        tpu.enqueue_indirect_dma source(%arg8 : memref<128x128xf32, #tpu.memory_space<vmem>>) target(%dma_start3A_127 : memref<10240x128xf32, #tpu.memory_space<vmem_shared>>) offsets(%dma_start3A_124 : memref<128xi32, #tpu.memory_space<vmem>>) semaphore(%run_scoped3A : memref<!tpu.dma_semaphore, #tpu.memory_space<semaphore_mem>>) {add = true}
        %dma_wait3A_128 = arith.constant 0 : i32
        %dma_wait3A_129 = tpu.memref_slice %arg7[%mul3A_91, %dma_wait3A_128] : memref<48x128xi32, #tpu.memory_space<vmem>> -> memref<1x128xi32, #tpu.memory_space<vmem>>
        %dma_wait3A_130 = tpu.memref_squeeze %dma_wait3A_129 : memref<1x128xi32, #tpu.memory_space<vmem>> -> memref<128xi32, #tpu.memory_space<vmem>>
        %dma_wait3A_131 = arith.constant 0 : i32
        %dma_wait3A_132 = arith.constant 0 : i32
        %dma_wait3A_133 = tpu.memref_slice %arg10[%dma_wait3A_131, %dma_wait3A_132] : memref<10240x128xf32, #tpu.memory_space<vmem_shared>> -> memref<10240x128xf32, #tpu.memory_space<vmem_shared>>
        tpu.wait_indirect_dma semaphore(%run_scoped3A : memref<!tpu.dma_semaphore, #tpu.memory_space<semaphore_mem>>) src(%arg8 : memref<128x128xf32, #tpu.memory_space<vmem>>) dst(%dma_wait3A_133 : memref<10240x128xf32, #tpu.memory_space<vmem_shared>>)
        tpu.yield
      }) : () -> ()
      %add3A_106 = arith.constant 2 : i32
      %add3A_107 = arith.addi %mul3A_91, %add3A_106 : i32
      %dma_start3A_108 = arith.constant 0 : i32
      %dma_start3A_109 = tpu.memref_slice %arg6[%add3A_107, %dma_start3A_108] : memref<48x128xi32, #tpu.memory_space<vmem>> -> memref<1x128xi32, #tpu.memory_space<vmem>>
      %dma_start3A_110 = tpu.memref_squeeze %dma_start3A_109 : memref<1x128xi32, #tpu.memory_space<vmem>> -> memref<128xi32, #tpu.memory_space<vmem>>
      %dma_start3A_111 = arith.constant 0 : i32
      %dma_start3A_112 = arith.constant 0 : i32
      %dma_start3A_113 = tpu.memref_slice %arg2[%dma_start3A_111, %dma_start3A_112] : memref<30720x128xf32, #tpu.memory_space<hbm>> -> memref<30720x128xf32, #tpu.memory_space<hbm>>
      tpu.enqueue_indirect_dma source(%dma_start3A_113 : memref<30720x128xf32, #tpu.memory_space<hbm>>) target(%arg8 : memref<128x128xf32, #tpu.memory_space<vmem>>) offsets(%dma_start3A_110 : memref<128xi32, #tpu.memory_space<vmem>>) semaphore(%arg11 : memref<!tpu.dma_semaphore, #tpu.memory_space<semaphore_mem>>)
      %dma_wait3A_114 = arith.constant 0 : i32
      %dma_wait3A_115 = arith.constant 0 : i32
      %dma_wait3A_116 = tpu.memref_slice %arg2[%dma_wait3A_114, %dma_wait3A_115] : memref<30720x128xf32, #tpu.memory_space<hbm>> -> memref<128x128xf32, #tpu.memory_space<hbm>>
      %dma_wait3A_117 = arith.constant 0 : i32
      %dma_wait3A_118 = arith.constant 0 : i32
      %dma_wait3A_119 = tpu.memref_slice %arg2[%dma_wait3A_117, %dma_wait3A_118] : memref<30720x128xf32, #tpu.memory_space<hbm>> -> memref<128x128xf32, #tpu.memory_space<hbm>>
      tpu.wait_dma2 semaphore(%arg12 : memref<!tpu.dma_semaphore, #tpu.memory_space<semaphore_mem>>) src(%dma_wait3A_119 : memref<128x128xf32, #tpu.memory_space<hbm>>) dst(%arg9 : memref<128x128xf32, #tpu.memory_space<vmem>>)
      %add3A_120 = arith.constant 1 : i32
      %add3A_121 = arith.addi %mul3A_91, %add3A_120 : i32
      "tpu.region"() ({
        %run_scoped3A = tpu.sem_alloc : memref<!tpu.dma_semaphore, #tpu.memory_space<semaphore_mem>>
        %dma_start3A_122 = arith.constant 0 : i32
        %dma_start3A_123 = tpu.memref_slice %arg7[%add3A_121, %dma_start3A_122] : memref<48x128xi32, #tpu.memory_space<vmem>> -> memref<1x128xi32, #tpu.memory_space<vmem>>
        %dma_start3A_124 = tpu.memref_squeeze %dma_start3A_123 : memref<1x128xi32, #tpu.memory_space<vmem>> -> memref<128xi32, #tpu.memory_space<vmem>>
        %dma_start3A_125 = arith.constant 0 : i32
        %dma_start3A_126 = arith.constant 0 : i32
        %dma_start3A_127 = tpu.memref_slice %arg10[%dma_start3A_125, %dma_start3A_126] : memref<10240x128xf32, #tpu.memory_space<vmem_shared>> -> memref<10240x128xf32, #tpu.memory_space<vmem_shared>>
        tpu.enqueue_indirect_dma source(%arg9 : memref<128x128xf32, #tpu.memory_space<vmem>>) target(%dma_start3A_127 : memref<10240x128xf32, #tpu.memory_space<vmem_shared>>) offsets(%dma_start3A_124 : memref<128xi32, #tpu.memory_space<vmem>>) semaphore(%run_scoped3A : memref<!tpu.dma_semaphore, #tpu.memory_space<semaphore_mem>>) {add = true}
        %dma_wait3A_128 = arith.constant 0 : i32
        %dma_wait3A_129 = tpu.memref_slice %arg7[%add3A_121, %dma_wait3A_128] : memref<48x128xi32, #tpu.memory_space<vmem>> -> memref<1x128xi32, #tpu.memory_space<vmem>>
        %dma_wait3A_130 = tpu.memref_squeeze %dma_wait3A_129 : memref<1x128xi32, #tpu.memory_space<vmem>> -> memref<128xi32, #tpu.memory_space<vmem>>
        %dma_wait3A_131 = arith.constant 0 : i32
        %dma_wait3A_132 = arith.constant 0 : i32
        %dma_wait3A_133 = tpu.memref_slice %arg10[%dma_wait3A_131, %dma_wait3A_132] : memref<10240x128xf32, #tpu.memory_space<vmem_shared>> -> memref<10240x128xf32, #tpu.memory_space<vmem_shared>>
        tpu.wait_indirect_dma semaphore(%run_scoped3A : memref<!tpu.dma_semaphore, #tpu.memory_space<semaphore_mem>>) src(%arg9 : memref<128x128xf32, #tpu.memory_space<vmem>>) dst(%dma_wait3A_133 : memref<10240x128xf32, #tpu.memory_space<vmem_shared>>)
        tpu.yield
      }) : () -> ()
    }
    %scan3A_24 = arith.constant 20 : i32
    %dma_wait3A = arith.constant 0 : i32
    %dma_wait3A_25 = arith.constant 0 : i32
    %dma_wait3A_26 = tpu.memref_slice %arg2[%dma_wait3A, %dma_wait3A_25] : memref<30720x128xf32, #tpu.memory_space<hbm>> -> memref<128x128xf32, #tpu.memory_space<hbm>>
    %dma_wait3A_27 = arith.constant 0 : i32
    %dma_wait3A_28 = arith.constant 0 : i32
    %dma_wait3A_29 = tpu.memref_slice %arg2[%dma_wait3A_27, %dma_wait3A_28] : memref<30720x128xf32, #tpu.memory_space<hbm>> -> memref<128x128xf32, #tpu.memory_space<hbm>>
    tpu.wait_dma2 semaphore(%arg11 : memref<!tpu.dma_semaphore, #tpu.memory_space<semaphore_mem>>) src(%dma_wait3A_29 : memref<128x128xf32, #tpu.memory_space<hbm>>) dst(%arg8 : memref<128x128xf32, #tpu.memory_space<vmem>>)
    %barrier3A_30 = arith.constant 0 : index
    tpu.barrier barrier_id(%barrier3A_30)
    %mul3A_31 = arith.constant 2 : i32
    %mul3A_32 = arith.muli %arg0, %mul3A_31 : i32
    %add3A_33 = arith.constant 0 : i32
    %add3A_34 = arith.addi %mul3A_32, %add3A_33 : i32
    %mul3A_35 = arith.constant 10240 : i32
    %mul3A_36 = arith.muli %add3A_34, %mul3A_35 : i32
    %mul3A_37 = arith.constant 640 : i32
    %mul3A_38 = arith.muli %arg1, %mul3A_37 : i32
    %add3A_39 = arith.addi %mul3A_36, %mul3A_38 : i32
    %mul3A_40 = arith.constant 640 : i32
    %mul3A_41 = arith.muli %arg1, %mul3A_40 : i32
    "tpu.region"() ({
      %run_scoped3A = tpu.sem_alloc : memref<!tpu.dma_semaphore, #tpu.memory_space<semaphore_mem>>
      %dma_start3A_89 = arith.constant 0 : i32
      %dma_start3A_90 = tpu.memref_slice %arg5[%add3A_39, %dma_start3A_89] : memref<40960x128xf32, #tpu.memory_space<hbm>> -> memref<640x128xf32, #tpu.memory_space<hbm>>
      %dma_start3A_91 = arith.constant 0 : i32
      %dma_start3A_92 = tpu.memref_slice %arg10[%mul3A_41, %dma_start3A_91] : memref<10240x128xf32, #tpu.memory_space<vmem_shared>> -> memref<640x128xf32, #tpu.memory_space<vmem_shared>>
      tpu.enqueue_dma source(%dma_start3A_92 : memref<640x128xf32, #tpu.memory_space<vmem_shared>>) target(%dma_start3A_90 : memref<640x128xf32, #tpu.memory_space<hbm>>) target_semaphore(%run_scoped3A : memref<!tpu.dma_semaphore, #tpu.memory_space<semaphore_mem>>)
      %dma_wait3A_93 = arith.constant 0 : i32
      %dma_wait3A_94 = tpu.memref_slice %arg5[%add3A_39, %dma_wait3A_93] : memref<40960x128xf32, #tpu.memory_space<hbm>> -> memref<640x128xf32, #tpu.memory_space<hbm>>
      %dma_wait3A_95 = arith.constant 0 : i32
      %dma_wait3A_96 = tpu.memref_slice %arg10[%mul3A_41, %dma_wait3A_95] : memref<10240x128xf32, #tpu.memory_space<vmem_shared>> -> memref<640x128xf32, #tpu.memory_space<vmem_shared>>
      tpu.wait_dma2 semaphore(%run_scoped3A : memref<!tpu.dma_semaphore, #tpu.memory_space<semaphore_mem>>) src(%dma_wait3A_96 : memref<640x128xf32, #tpu.memory_space<vmem_shared>>) dst(%dma_wait3A_94 : memref<640x128xf32, #tpu.memory_space<hbm>>)
      tpu.yield
    }) : () -> ()
    %barrier3A_42 = arith.constant 0 : index
    tpu.barrier barrier_id(%barrier3A_42)
    %add3A_43 = arith.constant 32 : i32
    %add3A_44 = arith.addi %add3A_43, %add3A : i32
    %mul3A_45 = arith.constant 48 : i32
    %mul3A_46 = arith.muli %add3A_44, %mul3A_45 : i32
    "tpu.region"() ({
      %run_scoped3A = tpu.sem_alloc : memref<!tpu.dma_semaphore, #tpu.memory_space<semaphore_mem>>
      %dma_start3A_89 = arith.constant 0 : i32
      %dma_start3A_90 = tpu.memref_slice %arg3[%mul3A_46, %dma_start3A_89] : memref<3072x128xi32, #tpu.memory_space<hbm>> -> memref<48x128xi32, #tpu.memory_space<hbm>>
      %dma_start3A_91 = arith.constant 0 : i32
      %dma_start3A_92 = tpu.memref_slice %arg3[%mul3A_46, %dma_start3A_91] : memref<3072x128xi32, #tpu.memory_space<hbm>> -> memref<48x128xi32, #tpu.memory_space<hbm>>
      tpu.enqueue_dma source(%dma_start3A_92 : memref<48x128xi32, #tpu.memory_space<hbm>>) target(%arg6 : memref<48x128xi32, #tpu.memory_space<vmem>>) target_semaphore(%run_scoped3A : memref<!tpu.dma_semaphore, #tpu.memory_space<semaphore_mem>>)
      %dma_wait3A_93 = arith.constant 0 : i32
      %dma_wait3A_94 = tpu.memref_slice %arg3[%mul3A_46, %dma_wait3A_93] : memref<3072x128xi32, #tpu.memory_space<hbm>> -> memref<48x128xi32, #tpu.memory_space<hbm>>
      %dma_wait3A_95 = arith.constant 0 : i32
      %dma_wait3A_96 = tpu.memref_slice %arg3[%mul3A_46, %dma_wait3A_95] : memref<3072x128xi32, #tpu.memory_space<hbm>> -> memref<48x128xi32, #tpu.memory_space<hbm>>
      tpu.wait_dma2 semaphore(%run_scoped3A : memref<!tpu.dma_semaphore, #tpu.memory_space<semaphore_mem>>) src(%dma_wait3A_96 : memref<48x128xi32, #tpu.memory_space<hbm>>) dst(%arg6 : memref<48x128xi32, #tpu.memory_space<vmem>>)
      tpu.yield
    }) : () -> ()
    %eq3A_47 = arith.constant 0 : i32
    %eq3A_48 = arith.cmpi eq, %arg0, %eq3A_47 : i32
    %jit3A_49 = arith.constant 10240 : i32
    %jit3A_50 = arith.constant 20480 : i32
    %select_n3A_51 = arith.select %eq3A_48, %jit3A_49, %jit3A_50 : i32
    %mul3A_52 = arith.constant 640 : i32
    %mul3A_53 = arith.muli %arg1, %mul3A_52 : i32
    %add3A_54 = arith.addi %select_n3A_51, %mul3A_53 : i32
    %mul3A_55 = arith.constant 640 : i32
    %mul3A_56 = arith.muli %arg1, %mul3A_55 : i32
    "tpu.region"() ({
      %run_scoped3A = tpu.sem_alloc : memref<!tpu.dma_semaphore, #tpu.memory_space<semaphore_mem>>
      %dma_start3A_89 = arith.constant 0 : i32
      %dma_start3A_90 = tpu.memref_slice %arg10[%mul3A_56, %dma_start3A_89] : memref<10240x128xf32, #tpu.memory_space<vmem_shared>> -> memref<640x128xf32, #tpu.memory_space<vmem_shared>>
      %dma_start3A_91 = arith.constant 0 : i32
      %dma_start3A_92 = tpu.memref_slice %arg2[%add3A_54, %dma_start3A_91] : memref<30720x128xf32, #tpu.memory_space<hbm>> -> memref<640x128xf32, #tpu.memory_space<hbm>>
      tpu.enqueue_dma source(%dma_start3A_92 : memref<640x128xf32, #tpu.memory_space<hbm>>) target(%dma_start3A_90 : memref<640x128xf32, #tpu.memory_space<vmem_shared>>) target_semaphore(%run_scoped3A : memref<!tpu.dma_semaphore, #tpu.memory_space<semaphore_mem>>)
      %dma_wait3A_93 = arith.constant 0 : i32
      %dma_wait3A_94 = tpu.memref_slice %arg10[%mul3A_56, %dma_wait3A_93] : memref<10240x128xf32, #tpu.memory_space<vmem_shared>> -> memref<640x128xf32, #tpu.memory_space<vmem_shared>>
      %dma_wait3A_95 = arith.constant 0 : i32
      %dma_wait3A_96 = tpu.memref_slice %arg2[%add3A_54, %dma_wait3A_95] : memref<30720x128xf32, #tpu.memory_space<hbm>> -> memref<640x128xf32, #tpu.memory_space<hbm>>
      tpu.wait_dma2 semaphore(%run_scoped3A : memref<!tpu.dma_semaphore, #tpu.memory_space<semaphore_mem>>) src(%dma_wait3A_96 : memref<640x128xf32, #tpu.memory_space<hbm>>) dst(%dma_wait3A_94 : memref<640x128xf32, #tpu.memory_space<vmem_shared>>)
      tpu.yield
    }) : () -> ()
    %barrier3A_57 = arith.constant 0 : index
    tpu.barrier barrier_id(%barrier3A_57)
    %dma_start3A_58 = arith.constant 0 : i32
    %dma_start3A_59 = arith.constant 0 : i32
    %dma_start3A_60 = tpu.memref_slice %arg6[%dma_start3A_58, %dma_start3A_59] : memref<48x128xi32, #tpu.memory_space<vmem>> -> memref<1x128xi32, #tpu.memory_space<vmem>>
    %dma_start3A_61 = tpu.memref_squeeze %dma_start3A_60 : memref<1x128xi32, #tpu.memory_space<vmem>> -> memref<128xi32, #tpu.memory_space<vmem>>
    %dma_start3A_62 = arith.constant 0 : i32
    %dma_start3A_63 = arith.constant 0 : i32
    %dma_start3A_64 = tpu.memref_slice %arg2[%dma_start3A_62, %dma_start3A_63] : memref<30720x128xf32, #tpu.memory_space<hbm>> -> memref<30720x128xf32, #tpu.memory_space<hbm>>
    tpu.enqueue_indirect_dma source(%dma_start3A_64 : memref<30720x128xf32, #tpu.memory_space<hbm>>) target(%arg8 : memref<128x128xf32, #tpu.memory_space<vmem>>) offsets(%dma_start3A_61 : memref<128xi32, #tpu.memory_space<vmem>>) semaphore(%arg11 : memref<!tpu.dma_semaphore, #tpu.memory_space<semaphore_mem>>)
    %scan3A_65 = arith.constant 0 : i32
    %scan3A_66 = arith.constant 0 : i32
    %scan3A_67 = arith.constant 20 : i32
    %scan3A_68 = arith.addi %scan3A_66, %scan3A_67 : i32
    %scan3A_69 = arith.constant 1 : i32
    scf.for %scan3A_89 = %scan3A_66 to %scan3A_68 step %scan3A_69  : i32 {
      %mul3A_90 = arith.constant 2 : i32
      %mul3A_91 = arith.muli %mul3A_90, %scan3A_89 : i32
      %add3A_92 = arith.constant 1 : i32
      %add3A_93 = arith.addi %mul3A_91, %add3A_92 : i32
      %dma_start3A_94 = arith.constant 0 : i32
      %dma_start3A_95 = tpu.memref_slice %arg6[%add3A_93, %dma_start3A_94] : memref<48x128xi32, #tpu.memory_space<vmem>> -> memref<1x128xi32, #tpu.memory_space<vmem>>
      %dma_start3A_96 = tpu.memref_squeeze %dma_start3A_95 : memref<1x128xi32, #tpu.memory_space<vmem>> -> memref<128xi32, #tpu.memory_space<vmem>>
      %dma_start3A_97 = arith.constant 0 : i32
      %dma_start3A_98 = arith.constant 0 : i32
      %dma_start3A_99 = tpu.memref_slice %arg2[%dma_start3A_97, %dma_start3A_98] : memref<30720x128xf32, #tpu.memory_space<hbm>> -> memref<30720x128xf32, #tpu.memory_space<hbm>>
      tpu.enqueue_indirect_dma source(%dma_start3A_99 : memref<30720x128xf32, #tpu.memory_space<hbm>>) target(%arg9 : memref<128x128xf32, #tpu.memory_space<vmem>>) offsets(%dma_start3A_96 : memref<128xi32, #tpu.memory_space<vmem>>) semaphore(%arg12 : memref<!tpu.dma_semaphore, #tpu.memory_space<semaphore_mem>>)
      %dma_wait3A_100 = arith.constant 0 : i32
      %dma_wait3A_101 = arith.constant 0 : i32
      %dma_wait3A_102 = tpu.memref_slice %arg2[%dma_wait3A_100, %dma_wait3A_101] : memref<30720x128xf32, #tpu.memory_space<hbm>> -> memref<128x128xf32, #tpu.memory_space<hbm>>
      %dma_wait3A_103 = arith.constant 0 : i32
      %dma_wait3A_104 = arith.constant 0 : i32
      %dma_wait3A_105 = tpu.memref_slice %arg2[%dma_wait3A_103, %dma_wait3A_104] : memref<30720x128xf32, #tpu.memory_space<hbm>> -> memref<128x128xf32, #tpu.memory_space<hbm>>
      tpu.wait_dma2 semaphore(%arg11 : memref<!tpu.dma_semaphore, #tpu.memory_space<semaphore_mem>>) src(%dma_wait3A_105 : memref<128x128xf32, #tpu.memory_space<hbm>>) dst(%arg8 : memref<128x128xf32, #tpu.memory_space<vmem>>)
      "tpu.region"() ({
        %run_scoped3A = tpu.sem_alloc : memref<!tpu.dma_semaphore, #tpu.memory_space<semaphore_mem>>
        %dma_start3A_122 = arith.constant 0 : i32
        %dma_start3A_123 = tpu.memref_slice %arg7[%mul3A_91, %dma_start3A_122] : memref<48x128xi32, #tpu.memory_space<vmem>> -> memref<1x128xi32, #tpu.memory_space<vmem>>
        %dma_start3A_124 = tpu.memref_squeeze %dma_start3A_123 : memref<1x128xi32, #tpu.memory_space<vmem>> -> memref<128xi32, #tpu.memory_space<vmem>>
        %dma_start3A_125 = arith.constant 0 : i32
        %dma_start3A_126 = arith.constant 0 : i32
        %dma_start3A_127 = tpu.memref_slice %arg10[%dma_start3A_125, %dma_start3A_126] : memref<10240x128xf32, #tpu.memory_space<vmem_shared>> -> memref<10240x128xf32, #tpu.memory_space<vmem_shared>>
        tpu.enqueue_indirect_dma source(%arg8 : memref<128x128xf32, #tpu.memory_space<vmem>>) target(%dma_start3A_127 : memref<10240x128xf32, #tpu.memory_space<vmem_shared>>) offsets(%dma_start3A_124 : memref<128xi32, #tpu.memory_space<vmem>>) semaphore(%run_scoped3A : memref<!tpu.dma_semaphore, #tpu.memory_space<semaphore_mem>>) {add = true}
        %dma_wait3A_128 = arith.constant 0 : i32
        %dma_wait3A_129 = tpu.memref_slice %arg7[%mul3A_91, %dma_wait3A_128] : memref<48x128xi32, #tpu.memory_space<vmem>> -> memref<1x128xi32, #tpu.memory_space<vmem>>
        %dma_wait3A_130 = tpu.memref_squeeze %dma_wait3A_129 : memref<1x128xi32, #tpu.memory_space<vmem>> -> memref<128xi32, #tpu.memory_space<vmem>>
        %dma_wait3A_131 = arith.constant 0 : i32
        %dma_wait3A_132 = arith.constant 0 : i32
        %dma_wait3A_133 = tpu.memref_slice %arg10[%dma_wait3A_131, %dma_wait3A_132] : memref<10240x128xf32, #tpu.memory_space<vmem_shared>> -> memref<10240x128xf32, #tpu.memory_space<vmem_shared>>
        tpu.wait_indirect_dma semaphore(%run_scoped3A : memref<!tpu.dma_semaphore, #tpu.memory_space<semaphore_mem>>) src(%arg8 : memref<128x128xf32, #tpu.memory_space<vmem>>) dst(%dma_wait3A_133 : memref<10240x128xf32, #tpu.memory_space<vmem_shared>>)
        tpu.yield
      }) : () -> ()
      %add3A_106 = arith.constant 2 : i32
      %add3A_107 = arith.addi %mul3A_91, %add3A_106 : i32
      %dma_start3A_108 = arith.constant 0 : i32
      %dma_start3A_109 = tpu.memref_slice %arg6[%add3A_107, %dma_start3A_108] : memref<48x128xi32, #tpu.memory_space<vmem>> -> memref<1x128xi32, #tpu.memory_space<vmem>>
      %dma_start3A_110 = tpu.memref_squeeze %dma_start3A_109 : memref<1x128xi32, #tpu.memory_space<vmem>> -> memref<128xi32, #tpu.memory_space<vmem>>
      %dma_start3A_111 = arith.constant 0 : i32
      %dma_start3A_112 = arith.constant 0 : i32
      %dma_start3A_113 = tpu.memref_slice %arg2[%dma_start3A_111, %dma_start3A_112] : memref<30720x128xf32, #tpu.memory_space<hbm>> -> memref<30720x128xf32, #tpu.memory_space<hbm>>
      tpu.enqueue_indirect_dma source(%dma_start3A_113 : memref<30720x128xf32, #tpu.memory_space<hbm>>) target(%arg8 : memref<128x128xf32, #tpu.memory_space<vmem>>) offsets(%dma_start3A_110 : memref<128xi32, #tpu.memory_space<vmem>>) semaphore(%arg11 : memref<!tpu.dma_semaphore, #tpu.memory_space<semaphore_mem>>)
      %dma_wait3A_114 = arith.constant 0 : i32
      %dma_wait3A_115 = arith.constant 0 : i32
      %dma_wait3A_116 = tpu.memref_slice %arg2[%dma_wait3A_114, %dma_wait3A_115] : memref<30720x128xf32, #tpu.memory_space<hbm>> -> memref<128x128xf32, #tpu.memory_space<hbm>>
      %dma_wait3A_117 = arith.constant 0 : i32
      %dma_wait3A_118 = arith.constant 0 : i32
      %dma_wait3A_119 = tpu.memref_slice %arg2[%dma_wait3A_117, %dma_wait3A_118] : memref<30720x128xf32, #tpu.memory_space<hbm>> -> memref<128x128xf32, #tpu.memory_space<hbm>>
      tpu.wait_dma2 semaphore(%arg12 : memref<!tpu.dma_semaphore, #tpu.memory_space<semaphore_mem>>) src(%dma_wait3A_119 : memref<128x128xf32, #tpu.memory_space<hbm>>) dst(%arg9 : memref<128x128xf32, #tpu.memory_space<vmem>>)
      %add3A_120 = arith.constant 1 : i32
      %add3A_121 = arith.addi %mul3A_91, %add3A_120 : i32
      "tpu.region"() ({
        %run_scoped3A = tpu.sem_alloc : memref<!tpu.dma_semaphore, #tpu.memory_space<semaphore_mem>>
        %dma_start3A_122 = arith.constant 0 : i32
        %dma_start3A_123 = tpu.memref_slice %arg7[%add3A_121, %dma_start3A_122] : memref<48x128xi32, #tpu.memory_space<vmem>> -> memref<1x128xi32, #tpu.memory_space<vmem>>
        %dma_start3A_124 = tpu.memref_squeeze %dma_start3A_123 : memref<1x128xi32, #tpu.memory_space<vmem>> -> memref<128xi32, #tpu.memory_space<vmem>>
        %dma_start3A_125 = arith.constant 0 : i32
        %dma_start3A_126 = arith.constant 0 : i32
        %dma_start3A_127 = tpu.memref_slice %arg10[%dma_start3A_125, %dma_start3A_126] : memref<10240x128xf32, #tpu.memory_space<vmem_shared>> -> memref<10240x128xf32, #tpu.memory_space<vmem_shared>>
        tpu.enqueue_indirect_dma source(%arg9 : memref<128x128xf32, #tpu.memory_space<vmem>>) target(%dma_start3A_127 : memref<10240x128xf32, #tpu.memory_space<vmem_shared>>) offsets(%dma_start3A_124 : memref<128xi32, #tpu.memory_space<vmem>>) semaphore(%run_scoped3A : memref<!tpu.dma_semaphore, #tpu.memory_space<semaphore_mem>>) {add = true}
        %dma_wait3A_128 = arith.constant 0 : i32
        %dma_wait3A_129 = tpu.memref_slice %arg7[%add3A_121, %dma_wait3A_128] : memref<48x128xi32, #tpu.memory_space<vmem>> -> memref<1x128xi32, #tpu.memory_space<vmem>>
        %dma_wait3A_130 = tpu.memref_squeeze %dma_wait3A_129 : memref<1x128xi32, #tpu.memory_space<vmem>> -> memref<128xi32, #tpu.memory_space<vmem>>
        %dma_wait3A_131 = arith.constant 0 : i32
        %dma_wait3A_132 = arith.constant 0 : i32
        %dma_wait3A_133 = tpu.memref_slice %arg10[%dma_wait3A_131, %dma_wait3A_132] : memref<10240x128xf32, #tpu.memory_space<vmem_shared>> -> memref<10240x128xf32, #tpu.memory_space<vmem_shared>>
        tpu.wait_indirect_dma semaphore(%run_scoped3A : memref<!tpu.dma_semaphore, #tpu.memory_space<semaphore_mem>>) src(%arg9 : memref<128x128xf32, #tpu.memory_space<vmem>>) dst(%dma_wait3A_133 : memref<10240x128xf32, #tpu.memory_space<vmem_shared>>)
        tpu.yield
      }) : () -> ()
    }
    %scan3A_70 = arith.constant 20 : i32
    %dma_wait3A_71 = arith.constant 0 : i32
    %dma_wait3A_72 = arith.constant 0 : i32
    %dma_wait3A_73 = tpu.memref_slice %arg2[%dma_wait3A_71, %dma_wait3A_72] : memref<30720x128xf32, #tpu.memory_space<hbm>> -> memref<128x128xf32, #tpu.memory_space<hbm>>
    %dma_wait3A_74 = arith.constant 0 : i32
    %dma_wait3A_75 = arith.constant 0 : i32
    %dma_wait3A_76 = tpu.memref_slice %arg2[%dma_wait3A_74, %dma_wait3A_75] : memref<30720x128xf32, #tpu.memory_space<hbm>> -> memref<128x128xf32, #tpu.memory_space<hbm>>
    tpu.wait_dma2 semaphore(%arg11 : memref<!tpu.dma_semaphore, #tpu.memory_space<semaphore_mem>>) src(%dma_wait3A_76 : memref<128x128xf32, #tpu.memory_space<hbm>>) dst(%arg8 : memref<128x128xf32, #tpu.memory_space<vmem>>)
    %barrier3A_77 = arith.constant 0 : index
    tpu.barrier barrier_id(%barrier3A_77)
    %mul3A_78 = arith.constant 2 : i32
    %mul3A_79 = arith.muli %arg0, %mul3A_78 : i32
    %add3A_80 = arith.constant 1 : i32
    %add3A_81 = arith.addi %mul3A_79, %add3A_80 : i32
    %mul3A_82 = arith.constant 10240 : i32
    %mul3A_83 = arith.muli %add3A_81, %mul3A_82 : i32
    %mul3A_84 = arith.constant 640 : i32
    %mul3A_85 = arith.muli %arg1, %mul3A_84 : i32
    %add3A_86 = arith.addi %mul3A_83, %mul3A_85 : i32
    %mul3A_87 = arith.constant 640 : i32
    %mul3A_88 = arith.muli %arg1, %mul3A_87 : i32
    "tpu.region"() ({
      %run_scoped3A = tpu.sem_alloc : memref<!tpu.dma_semaphore, #tpu.memory_space<semaphore_mem>>
      %dma_start3A_89 = arith.constant 0 : i32
      %dma_start3A_90 = tpu.memref_slice %arg5[%add3A_86, %dma_start3A_89] : memref<40960x128xf32, #tpu.memory_space<hbm>> -> memref<640x128xf32, #tpu.memory_space<hbm>>
      %dma_start3A_91 = arith.constant 0 : i32
      %dma_start3A_92 = tpu.memref_slice %arg10[%mul3A_88, %dma_start3A_91] : memref<10240x128xf32, #tpu.memory_space<vmem_shared>> -> memref<640x128xf32, #tpu.memory_space<vmem_shared>>
      tpu.enqueue_dma source(%dma_start3A_92 : memref<640x128xf32, #tpu.memory_space<vmem_shared>>) target(%dma_start3A_90 : memref<640x128xf32, #tpu.memory_space<hbm>>) target_semaphore(%run_scoped3A : memref<!tpu.dma_semaphore, #tpu.memory_space<semaphore_mem>>)
      %dma_wait3A_93 = arith.constant 0 : i32
      %dma_wait3A_94 = tpu.memref_slice %arg5[%add3A_86, %dma_wait3A_93] : memref<40960x128xf32, #tpu.memory_space<hbm>> -> memref<640x128xf32, #tpu.memory_space<hbm>>
      %dma_wait3A_95 = arith.constant 0 : i32
      %dma_wait3A_96 = tpu.memref_slice %arg10[%mul3A_88, %dma_wait3A_95] : memref<10240x128xf32, #tpu.memory_space<vmem_shared>> -> memref<640x128xf32, #tpu.memory_space<vmem_shared>>
      tpu.wait_dma2 semaphore(%run_scoped3A : memref<!tpu.dma_semaphore, #tpu.memory_space<semaphore_mem>>) src(%dma_wait3A_96 : memref<640x128xf32, #tpu.memory_space<vmem_shared>>) dst(%dma_wait3A_94 : memref<640x128xf32, #tpu.memory_space<hbm>>)
      tpu.yield
    }) : () -> ()
    return
  }
}

#map = affine_map<(d0, d1) -> (0, 0)>
module attributes {stable_mosaic.version = 14 : i64} {
  func.func @agg(%arg0: i32, %arg1: i32, %arg2: memref<30720x128xf32, #tpu.memory_space<hbm>>, %arg3: memref<3072x128xi32, #tpu.memory_space<hbm>>, %arg4: memref<1536x128xi32, #tpu.memory_space<hbm>>, %arg5: memref<40960x128xf32, #tpu.memory_space<hbm>>, %arg6: memref<48x128xi32, #tpu.memory_space<vmem>>, %arg7: memref<48x128xi32, #tpu.memory_space<vmem>>, %arg8: memref<128x128xf32, #tpu.memory_space<vmem>>, %arg9: memref<128x128xf32, #tpu.memory_space<vmem>>, %arg10: memref<10240x128xf32, #tpu.memory_space<vmem_shared>>, %arg11: memref<!tpu.dma_semaphore, #tpu.memory_space<semaphore_mem>>, %arg12: memref<!tpu.dma_semaphore, #tpu.memory_space<semaphore_mem>>) attributes {dimension_semantics = [#tpu.dimension_semantics<core_parallel>, #tpu.dimension_semantics<subcore_parallel>], iteration_bounds = array<i64: 2, 16>, scalar_prefetch = 0 : i64, scratch_operands = 7 : i64, tpu.core_type = #tpu.core_type<sc_vector_subcore>, window_params = [{transform_indices = #map}, {transform_indices = #map}, {transform_indices = #map}, {transform_indices = #map}]} {
    %mul3A = arith.constant 16 : i32
    %mul3A_0 = arith.muli %arg0, %mul3A : i32
    %add3A = arith.addi %mul3A_0, %arg1 : i32
    %mul3A_1 = arith.constant 48 : i32
    %mul3A_2 = arith.muli %add3A, %mul3A_1 : i32
    "tpu.region"() ({
      %run_scoped3A = tpu.sem_alloc : memref<!tpu.dma_semaphore, #tpu.memory_space<semaphore_mem>>
      %dma_start3A_89 = arith.constant 0 : i32
      %dma_start3A_90 = tpu.memref_slice %arg4[%mul3A_2, %dma_start3A_89] : memref<1536x128xi32, #tpu.memory_space<hbm>> -> memref<48x128xi32, #tpu.memory_space<hbm>>
      %dma_start3A_91 = arith.constant 0 : i32
      %dma_start3A_92 = tpu.memref_slice %arg4[%mul3A_2, %dma_start3A_91] : memref<1536x128xi32, #tpu.memory_space<hbm>> -> memref<48x128xi32, #tpu.memory_space<hbm>>
      tpu.enqueue_dma source(%dma_start3A_92 : memref<48x128xi32, #tpu.memory_space<hbm>>) target(%arg7 : memref<48x128xi32, #tpu.memory_space<vmem>>) target_semaphore(%run_scoped3A : memref<!tpu.dma_semaphore, #tpu.memory_space<semaphore_mem>>)
      %dma_wait3A_93 = arith.constant 0 : i32
      %dma_wait3A_94 = tpu.memref_slice %arg4[%mul3A_2, %dma_wait3A_93] : memref<1536x128xi32, #tpu.memory_space<hbm>> -> memref<48x128xi32, #tpu.memory_space<hbm>>
      %dma_wait3A_95 = arith.constant 0 : i32
      %dma_wait3A_96 = tpu.memref_slice %arg4[%mul3A_2, %dma_wait3A_95] : memref<1536x128xi32, #tpu.memory_space<hbm>> -> memref<48x128xi32, #tpu.memory_space<hbm>>
      tpu.wait_dma2 semaphore(%run_scoped3A : memref<!tpu.dma_semaphore, #tpu.memory_space<semaphore_mem>>) src(%dma_wait3A_96 : memref<48x128xi32, #tpu.memory_space<hbm>>) dst(%arg7 : memref<48x128xi32, #tpu.memory_space<vmem>>)
      tpu.yield
    }) : () -> ()
    %add3A_3 = arith.constant 0 : i32
    %add3A_4 = arith.addi %add3A_3, %add3A : i32
    %mul3A_5 = arith.constant 48 : i32
    %mul3A_6 = arith.muli %add3A_4, %mul3A_5 : i32
    "tpu.region"() ({
      %run_scoped3A = tpu.sem_alloc : memref<!tpu.dma_semaphore, #tpu.memory_space<semaphore_mem>>
      %dma_start3A_89 = arith.constant 0 : i32
      %dma_start3A_90 = tpu.memref_slice %arg3[%mul3A_6, %dma_start3A_89] : memref<3072x128xi32, #tpu.memory_space<hbm>> -> memref<48x128xi32, #tpu.memory_space<hbm>>
      %dma_start3A_91 = arith.constant 0 : i32
      %dma_start3A_92 = tpu.memref_slice %arg3[%mul3A_6, %dma_start3A_91] : memref<3072x128xi32, #tpu.memory_space<hbm>> -> memref<48x128xi32, #tpu.memory_space<hbm>>
      tpu.enqueue_dma source(%dma_start3A_92 : memref<48x128xi32, #tpu.memory_space<hbm>>) target(%arg6 : memref<48x128xi32, #tpu.memory_space<vmem>>) target_semaphore(%run_scoped3A : memref<!tpu.dma_semaphore, #tpu.memory_space<semaphore_mem>>)
      %dma_wait3A_93 = arith.constant 0 : i32
      %dma_wait3A_94 = tpu.memref_slice %arg3[%mul3A_6, %dma_wait3A_93] : memref<3072x128xi32, #tpu.memory_space<hbm>> -> memref<48x128xi32, #tpu.memory_space<hbm>>
      %dma_wait3A_95 = arith.constant 0 : i32
      %dma_wait3A_96 = tpu.memref_slice %arg3[%mul3A_6, %dma_wait3A_95] : memref<3072x128xi32, #tpu.memory_space<hbm>> -> memref<48x128xi32, #tpu.memory_space<hbm>>
      tpu.wait_dma2 semaphore(%run_scoped3A : memref<!tpu.dma_semaphore, #tpu.memory_space<semaphore_mem>>) src(%dma_wait3A_96 : memref<48x128xi32, #tpu.memory_space<hbm>>) dst(%arg6 : memref<48x128xi32, #tpu.memory_space<vmem>>)
      tpu.yield
    }) : () -> ()
    %eq3A = arith.constant 0 : i32
    %eq3A_7 = arith.cmpi eq, %arg0, %eq3A : i32
    %jit3A = arith.constant 0 : i32
    %jit3A_8 = arith.constant 20480 : i32
    %select_n3A = arith.select %eq3A_7, %jit3A, %jit3A_8 : i32
    %mul3A_9 = arith.constant 640 : i32
    %mul3A_10 = arith.muli %arg1, %mul3A_9 : i32
    %add3A_11 = arith.addi %select_n3A, %mul3A_10 : i32
    %mul3A_12 = arith.constant 640 : i32
    %mul3A_13 = arith.muli %arg1, %mul3A_12 : i32
    "tpu.region"() ({
      %run_scoped3A = tpu.sem_alloc : memref<!tpu.dma_semaphore, #tpu.memory_space<semaphore_mem>>
      %dma_start3A_89 = arith.constant 0 : i32
      %dma_start3A_90 = tpu.memref_slice %arg10[%mul3A_13, %dma_start3A_89] : memref<10240x128xf32, #tpu.memory_space<vmem_shared>> -> memref<640x128xf32, #tpu.memory_space<vmem_shared>>
      %dma_start3A_91 = arith.constant 0 : i32
      %dma_start3A_92 = tpu.memref_slice %arg2[%add3A_11, %dma_start3A_91] : memref<30720x128xf32, #tpu.memory_space<hbm>> -> memref<640x128xf32, #tpu.memory_space<hbm>>
      tpu.enqueue_dma source(%dma_start3A_92 : memref<640x128xf32, #tpu.memory_space<hbm>>) target(%dma_start3A_90 : memref<640x128xf32, #tpu.memory_space<vmem_shared>>) target_semaphore(%run_scoped3A : memref<!tpu.dma_semaphore, #tpu.memory_space<semaphore_mem>>)
      %dma_wait3A_93 = arith.constant 0 : i32
      %dma_wait3A_94 = tpu.memref_slice %arg10[%mul3A_13, %dma_wait3A_93] : memref<10240x128xf32, #tpu.memory_space<vmem_shared>> -> memref<640x128xf32, #tpu.memory_space<vmem_shared>>
      %dma_wait3A_95 = arith.constant 0 : i32
      %dma_wait3A_96 = tpu.memref_slice %arg2[%add3A_11, %dma_wait3A_95] : memref<30720x128xf32, #tpu.memory_space<hbm>> -> memref<640x128xf32, #tpu.memory_space<hbm>>
      tpu.wait_dma2 semaphore(%run_scoped3A : memref<!tpu.dma_semaphore, #tpu.memory_space<semaphore_mem>>) src(%dma_wait3A_96 : memref<640x128xf32, #tpu.memory_space<hbm>>) dst(%dma_wait3A_94 : memref<640x128xf32, #tpu.memory_space<vmem_shared>>)
      tpu.yield
    }) : () -> ()
    %barrier3A = arith.constant 0 : index
    tpu.barrier barrier_id(%barrier3A)
    %dma_start3A = arith.constant 0 : i32
    %dma_start3A_14 = arith.constant 0 : i32
    %dma_start3A_15 = tpu.memref_slice %arg6[%dma_start3A, %dma_start3A_14] : memref<48x128xi32, #tpu.memory_space<vmem>> -> memref<1x128xi32, #tpu.memory_space<vmem>>
    %dma_start3A_16 = tpu.memref_squeeze %dma_start3A_15 : memref<1x128xi32, #tpu.memory_space<vmem>> -> memref<128xi32, #tpu.memory_space<vmem>>
    %dma_start3A_17 = arith.constant 0 : i32
    %dma_start3A_18 = arith.constant 0 : i32
    %dma_start3A_19 = tpu.memref_slice %arg2[%dma_start3A_17, %dma_start3A_18] : memref<30720x128xf32, #tpu.memory_space<hbm>> -> memref<30720x128xf32, #tpu.memory_space<hbm>>
    tpu.enqueue_indirect_dma source(%dma_start3A_19 : memref<30720x128xf32, #tpu.memory_space<hbm>>) target(%arg8 : memref<128x128xf32, #tpu.memory_space<vmem>>) offsets(%dma_start3A_16 : memref<128xi32, #tpu.memory_space<vmem>>) semaphore(%arg11 : memref<!tpu.dma_semaphore, #tpu.memory_space<semaphore_mem>>)
    %scan3A = arith.constant 0 : i32
    %scan3A_20 = arith.constant 0 : i32
    %scan3A_21 = arith.constant 20 : i32
    %scan3A_22 = arith.addi %scan3A_20, %scan3A_21 : i32
    %scan3A_23 = arith.constant 1 : i32
    scf.for %scan3A_89 = %scan3A_20 to %scan3A_22 step %scan3A_23  : i32 {
      %mul3A_90 = arith.constant 2 : i32
      %mul3A_91 = arith.muli %mul3A_90, %scan3A_89 : i32
      %add3A_92 = arith.constant 1 : i32
      %add3A_93 = arith.addi %mul3A_91, %add3A_92 : i32
      %dma_start3A_94 = arith.constant 0 : i32
      %dma_start3A_95 = tpu.memref_slice %arg6[%add3A_93, %dma_start3A_94] : memref<48x128xi32, #tpu.memory_space<vmem>> -> memref<1x128xi32, #tpu.memory_space<vmem>>
      %dma_start3A_96 = tpu.memref_squeeze %dma_start3A_95 : memref<1x128xi32, #tpu.memory_space<vmem>> -> memref<128xi32, #tpu.memory_space<vmem>>
      %dma_start3A_97 = arith.constant 0 : i32
      %dma_start3A_98 = arith.constant 0 : i32
      %dma_start3A_99 = tpu.memref_slice %arg2[%dma_start3A_97, %dma_start3A_98] : memref<30720x128xf32, #tpu.memory_space<hbm>> -> memref<30720x128xf32, #tpu.memory_space<hbm>>
      tpu.enqueue_indirect_dma source(%dma_start3A_99 : memref<30720x128xf32, #tpu.memory_space<hbm>>) target(%arg9 : memref<128x128xf32, #tpu.memory_space<vmem>>) offsets(%dma_start3A_96 : memref<128xi32, #tpu.memory_space<vmem>>) semaphore(%arg12 : memref<!tpu.dma_semaphore, #tpu.memory_space<semaphore_mem>>)
      %dma_wait3A_100 = arith.constant 0 : i32
      %dma_wait3A_101 = arith.constant 0 : i32
      %dma_wait3A_102 = tpu.memref_slice %arg2[%dma_wait3A_100, %dma_wait3A_101] : memref<30720x128xf32, #tpu.memory_space<hbm>> -> memref<128x128xf32, #tpu.memory_space<hbm>>
      %dma_wait3A_103 = arith.constant 0 : i32
      %dma_wait3A_104 = arith.constant 0 : i32
      %dma_wait3A_105 = tpu.memref_slice %arg2[%dma_wait3A_103, %dma_wait3A_104] : memref<30720x128xf32, #tpu.memory_space<hbm>> -> memref<128x128xf32, #tpu.memory_space<hbm>>
      tpu.wait_dma2 semaphore(%arg11 : memref<!tpu.dma_semaphore, #tpu.memory_space<semaphore_mem>>) src(%dma_wait3A_105 : memref<128x128xf32, #tpu.memory_space<hbm>>) dst(%arg8 : memref<128x128xf32, #tpu.memory_space<vmem>>)
      "tpu.region"() ({
        %run_scoped3A = tpu.sem_alloc : memref<!tpu.dma_semaphore, #tpu.memory_space<semaphore_mem>>
        %dma_start3A_122 = arith.constant 0 : i32
        %dma_start3A_123 = tpu.memref_slice %arg7[%mul3A_91, %dma_start3A_122] : memref<48x128xi32, #tpu.memory_space<vmem>> -> memref<1x128xi32, #tpu.memory_space<vmem>>
        %dma_start3A_124 = tpu.memref_squeeze %dma_start3A_123 : memref<1x128xi32, #tpu.memory_space<vmem>> -> memref<128xi32, #tpu.memory_space<vmem>>
        %dma_start3A_125 = arith.constant 0 : i32
        %dma_start3A_126 = arith.constant 0 : i32
        %dma_start3A_127 = tpu.memref_slice %arg10[%dma_start3A_125, %dma_start3A_126] : memref<10240x128xf32, #tpu.memory_space<vmem_shared>> -> memref<10240x128xf32, #tpu.memory_space<vmem_shared>>
        tpu.enqueue_indirect_dma source(%arg8 : memref<128x128xf32, #tpu.memory_space<vmem>>) target(%dma_start3A_127 : memref<10240x128xf32, #tpu.memory_space<vmem_shared>>) offsets(%dma_start3A_124 : memref<128xi32, #tpu.memory_space<vmem>>) semaphore(%run_scoped3A : memref<!tpu.dma_semaphore, #tpu.memory_space<semaphore_mem>>) {add = true}
        %dma_wait3A_128 = arith.constant 0 : i32
        %dma_wait3A_129 = tpu.memref_slice %arg7[%mul3A_91, %dma_wait3A_128] : memref<48x128xi32, #tpu.memory_space<vmem>> -> memref<1x128xi32, #tpu.memory_space<vmem>>
        %dma_wait3A_130 = tpu.memref_squeeze %dma_wait3A_129 : memref<1x128xi32, #tpu.memory_space<vmem>> -> memref<128xi32, #tpu.memory_space<vmem>>
        %dma_wait3A_131 = arith.constant 0 : i32
        %dma_wait3A_132 = arith.constant 0 : i32
        %dma_wait3A_133 = tpu.memref_slice %arg10[%dma_wait3A_131, %dma_wait3A_132] : memref<10240x128xf32, #tpu.memory_space<vmem_shared>> -> memref<10240x128xf32, #tpu.memory_space<vmem_shared>>
        tpu.wait_indirect_dma semaphore(%run_scoped3A : memref<!tpu.dma_semaphore, #tpu.memory_space<semaphore_mem>>) src(%arg8 : memref<128x128xf32, #tpu.memory_space<vmem>>) dst(%dma_wait3A_133 : memref<10240x128xf32, #tpu.memory_space<vmem_shared>>)
        tpu.yield
      }) : () -> ()
      %add3A_106 = arith.constant 2 : i32
      %add3A_107 = arith.addi %mul3A_91, %add3A_106 : i32
      %dma_start3A_108 = arith.constant 0 : i32
      %dma_start3A_109 = tpu.memref_slice %arg6[%add3A_107, %dma_start3A_108] : memref<48x128xi32, #tpu.memory_space<vmem>> -> memref<1x128xi32, #tpu.memory_space<vmem>>
      %dma_start3A_110 = tpu.memref_squeeze %dma_start3A_109 : memref<1x128xi32, #tpu.memory_space<vmem>> -> memref<128xi32, #tpu.memory_space<vmem>>
      %dma_start3A_111 = arith.constant 0 : i32
      %dma_start3A_112 = arith.constant 0 : i32
      %dma_start3A_113 = tpu.memref_slice %arg2[%dma_start3A_111, %dma_start3A_112] : memref<30720x128xf32, #tpu.memory_space<hbm>> -> memref<30720x128xf32, #tpu.memory_space<hbm>>
      tpu.enqueue_indirect_dma source(%dma_start3A_113 : memref<30720x128xf32, #tpu.memory_space<hbm>>) target(%arg8 : memref<128x128xf32, #tpu.memory_space<vmem>>) offsets(%dma_start3A_110 : memref<128xi32, #tpu.memory_space<vmem>>) semaphore(%arg11 : memref<!tpu.dma_semaphore, #tpu.memory_space<semaphore_mem>>)
      %dma_wait3A_114 = arith.constant 0 : i32
      %dma_wait3A_115 = arith.constant 0 : i32
      %dma_wait3A_116 = tpu.memref_slice %arg2[%dma_wait3A_114, %dma_wait3A_115] : memref<30720x128xf32, #tpu.memory_space<hbm>> -> memref<128x128xf32, #tpu.memory_space<hbm>>
      %dma_wait3A_117 = arith.constant 0 : i32
      %dma_wait3A_118 = arith.constant 0 : i32
      %dma_wait3A_119 = tpu.memref_slice %arg2[%dma_wait3A_117, %dma_wait3A_118] : memref<30720x128xf32, #tpu.memory_space<hbm>> -> memref<128x128xf32, #tpu.memory_space<hbm>>
      tpu.wait_dma2 semaphore(%arg12 : memref<!tpu.dma_semaphore, #tpu.memory_space<semaphore_mem>>) src(%dma_wait3A_119 : memref<128x128xf32, #tpu.memory_space<hbm>>) dst(%arg9 : memref<128x128xf32, #tpu.memory_space<vmem>>)
      %add3A_120 = arith.constant 1 : i32
      %add3A_121 = arith.addi %mul3A_91, %add3A_120 : i32
      "tpu.region"() ({
        %run_scoped3A = tpu.sem_alloc : memref<!tpu.dma_semaphore, #tpu.memory_space<semaphore_mem>>
        %dma_start3A_122 = arith.constant 0 : i32
        %dma_start3A_123 = tpu.memref_slice %arg7[%add3A_121, %dma_start3A_122] : memref<48x128xi32, #tpu.memory_space<vmem>> -> memref<1x128xi32, #tpu.memory_space<vmem>>
        %dma_start3A_124 = tpu.memref_squeeze %dma_start3A_123 : memref<1x128xi32, #tpu.memory_space<vmem>> -> memref<128xi32, #tpu.memory_space<vmem>>
        %dma_start3A_125 = arith.constant 0 : i32
        %dma_start3A_126 = arith.constant 0 : i32
        %dma_start3A_127 = tpu.memref_slice %arg10[%dma_start3A_125, %dma_start3A_126] : memref<10240x128xf32, #tpu.memory_space<vmem_shared>> -> memref<10240x128xf32, #tpu.memory_space<vmem_shared>>
        tpu.enqueue_indirect_dma source(%arg9 : memref<128x128xf32, #tpu.memory_space<vmem>>) target(%dma_start3A_127 : memref<10240x128xf32, #tpu.memory_space<vmem_shared>>) offsets(%dma_start3A_124 : memref<128xi32, #tpu.memory_space<vmem>>) semaphore(%run_scoped3A : memref<!tpu.dma_semaphore, #tpu.memory_space<semaphore_mem>>) {add = true}
        %dma_wait3A_128 = arith.constant 0 : i32
        %dma_wait3A_129 = tpu.memref_slice %arg7[%add3A_121, %dma_wait3A_128] : memref<48x128xi32, #tpu.memory_space<vmem>> -> memref<1x128xi32, #tpu.memory_space<vmem>>
        %dma_wait3A_130 = tpu.memref_squeeze %dma_wait3A_129 : memref<1x128xi32, #tpu.memory_space<vmem>> -> memref<128xi32, #tpu.memory_space<vmem>>
        %dma_wait3A_131 = arith.constant 0 : i32
        %dma_wait3A_132 = arith.constant 0 : i32
        %dma_wait3A_133 = tpu.memref_slice %arg10[%dma_wait3A_131, %dma_wait3A_132] : memref<10240x128xf32, #tpu.memory_space<vmem_shared>> -> memref<10240x128xf32, #tpu.memory_space<vmem_shared>>
        tpu.wait_indirect_dma semaphore(%run_scoped3A : memref<!tpu.dma_semaphore, #tpu.memory_space<semaphore_mem>>) src(%arg9 : memref<128x128xf32, #tpu.memory_space<vmem>>) dst(%dma_wait3A_133 : memref<10240x128xf32, #tpu.memory_space<vmem_shared>>)
        tpu.yield
      }) : () -> ()
    }
    %scan3A_24 = arith.constant 20 : i32
    %dma_wait3A = arith.constant 0 : i32
    %dma_wait3A_25 = arith.constant 0 : i32
    %dma_wait3A_26 = tpu.memref_slice %arg2[%dma_wait3A, %dma_wait3A_25] : memref<30720x128xf32, #tpu.memory_space<hbm>> -> memref<128x128xf32, #tpu.memory_space<hbm>>
    %dma_wait3A_27 = arith.constant 0 : i32
    %dma_wait3A_28 = arith.constant 0 : i32
    %dma_wait3A_29 = tpu.memref_slice %arg2[%dma_wait3A_27, %dma_wait3A_28] : memref<30720x128xf32, #tpu.memory_space<hbm>> -> memref<128x128xf32, #tpu.memory_space<hbm>>
    tpu.wait_dma2 semaphore(%arg11 : memref<!tpu.dma_semaphore, #tpu.memory_space<semaphore_mem>>) src(%dma_wait3A_29 : memref<128x128xf32, #tpu.memory_space<hbm>>) dst(%arg8 : memref<128x128xf32, #tpu.memory_space<vmem>>)
    %barrier3A_30 = arith.constant 0 : index
    tpu.barrier barrier_id(%barrier3A_30)
    %mul3A_31 = arith.constant 2 : i32
    %mul3A_32 = arith.muli %arg0, %mul3A_31 : i32
    %add3A_33 = arith.constant 0 : i32
    %add3A_34 = arith.addi %mul3A_32, %add3A_33 : i32
    %mul3A_35 = arith.constant 10240 : i32
    %mul3A_36 = arith.muli %add3A_34, %mul3A_35 : i32
    %mul3A_37 = arith.constant 640 : i32
    %mul3A_38 = arith.muli %arg1, %mul3A_37 : i32
    %add3A_39 = arith.addi %mul3A_36, %mul3A_38 : i32
    %mul3A_40 = arith.constant 640 : i32
    %mul3A_41 = arith.muli %arg1, %mul3A_40 : i32
    "tpu.region"() ({
      %run_scoped3A = tpu.sem_alloc : memref<!tpu.dma_semaphore, #tpu.memory_space<semaphore_mem>>
      %dma_start3A_89 = arith.constant 0 : i32
      %dma_start3A_90 = tpu.memref_slice %arg5[%add3A_39, %dma_start3A_89] : memref<40960x128xf32, #tpu.memory_space<hbm>> -> memref<640x128xf32, #tpu.memory_space<hbm>>
      %dma_start3A_91 = arith.constant 0 : i32
      %dma_start3A_92 = tpu.memref_slice %arg10[%mul3A_41, %dma_start3A_91] : memref<10240x128xf32, #tpu.memory_space<vmem_shared>> -> memref<640x128xf32, #tpu.memory_space<vmem_shared>>
      tpu.enqueue_dma source(%dma_start3A_92 : memref<640x128xf32, #tpu.memory_space<vmem_shared>>) target(%dma_start3A_90 : memref<640x128xf32, #tpu.memory_space<hbm>>) target_semaphore(%run_scoped3A : memref<!tpu.dma_semaphore, #tpu.memory_space<semaphore_mem>>)
      %dma_wait3A_93 = arith.constant 0 : i32
      %dma_wait3A_94 = tpu.memref_slice %arg5[%add3A_39, %dma_wait3A_93] : memref<40960x128xf32, #tpu.memory_space<hbm>> -> memref<640x128xf32, #tpu.memory_space<hbm>>
      %dma_wait3A_95 = arith.constant 0 : i32
      %dma_wait3A_96 = tpu.memref_slice %arg10[%mul3A_41, %dma_wait3A_95] : memref<10240x128xf32, #tpu.memory_space<vmem_shared>> -> memref<640x128xf32, #tpu.memory_space<vmem_shared>>
      tpu.wait_dma2 semaphore(%run_scoped3A : memref<!tpu.dma_semaphore, #tpu.memory_space<semaphore_mem>>) src(%dma_wait3A_96 : memref<640x128xf32, #tpu.memory_space<vmem_shared>>) dst(%dma_wait3A_94 : memref<640x128xf32, #tpu.memory_space<hbm>>)
      tpu.yield
    }) : () -> ()
    %barrier3A_42 = arith.constant 0 : index
    tpu.barrier barrier_id(%barrier3A_42)
    %add3A_43 = arith.constant 32 : i32
    %add3A_44 = arith.addi %add3A_43, %add3A : i32
    %mul3A_45 = arith.constant 48 : i32
    %mul3A_46 = arith.muli %add3A_44, %mul3A_45 : i32
    "tpu.region"() ({
      %run_scoped3A = tpu.sem_alloc : memref<!tpu.dma_semaphore, #tpu.memory_space<semaphore_mem>>
      %dma_start3A_89 = arith.constant 0 : i32
      %dma_start3A_90 = tpu.memref_slice %arg3[%mul3A_46, %dma_start3A_89] : memref<3072x128xi32, #tpu.memory_space<hbm>> -> memref<48x128xi32, #tpu.memory_space<hbm>>
      %dma_start3A_91 = arith.constant 0 : i32
      %dma_start3A_92 = tpu.memref_slice %arg3[%mul3A_46, %dma_start3A_91] : memref<3072x128xi32, #tpu.memory_space<hbm>> -> memref<48x128xi32, #tpu.memory_space<hbm>>
      tpu.enqueue_dma source(%dma_start3A_92 : memref<48x128xi32, #tpu.memory_space<hbm>>) target(%arg6 : memref<48x128xi32, #tpu.memory_space<vmem>>) target_semaphore(%run_scoped3A : memref<!tpu.dma_semaphore, #tpu.memory_space<semaphore_mem>>)
      %dma_wait3A_93 = arith.constant 0 : i32
      %dma_wait3A_94 = tpu.memref_slice %arg3[%mul3A_46, %dma_wait3A_93] : memref<3072x128xi32, #tpu.memory_space<hbm>> -> memref<48x128xi32, #tpu.memory_space<hbm>>
      %dma_wait3A_95 = arith.constant 0 : i32
      %dma_wait3A_96 = tpu.memref_slice %arg3[%mul3A_46, %dma_wait3A_95] : memref<3072x128xi32, #tpu.memory_space<hbm>> -> memref<48x128xi32, #tpu.memory_space<hbm>>
      tpu.wait_dma2 semaphore(%run_scoped3A : memref<!tpu.dma_semaphore, #tpu.memory_space<semaphore_mem>>) src(%dma_wait3A_96 : memref<48x128xi32, #tpu.memory_space<hbm>>) dst(%arg6 : memref<48x128xi32, #tpu.memory_space<vmem>>)
      tpu.yield
    }) : () -> ()
    %eq3A_47 = arith.constant 0 : i32
    %eq3A_48 = arith.cmpi eq, %arg0, %eq3A_47 : i32
    %jit3A_49 = arith.constant 10240 : i32
    %jit3A_50 = arith.constant 20480 : i32
    %select_n3A_51 = arith.select %eq3A_48, %jit3A_49, %jit3A_50 : i32
    %mul3A_52 = arith.constant 640 : i32
    %mul3A_53 = arith.muli %arg1, %mul3A_52 : i32
    %add3A_54 = arith.addi %select_n3A_51, %mul3A_53 : i32
    %mul3A_55 = arith.constant 640 : i32
    %mul3A_56 = arith.muli %arg1, %mul3A_55 : i32
    "tpu.region"() ({
      %run_scoped3A = tpu.sem_alloc : memref<!tpu.dma_semaphore, #tpu.memory_space<semaphore_mem>>
      %dma_start3A_89 = arith.constant 0 : i32
      %dma_start3A_90 = tpu.memref_slice %arg10[%mul3A_56, %dma_start3A_89] : memref<10240x128xf32, #tpu.memory_space<vmem_shared>> -> memref<640x128xf32, #tpu.memory_space<vmem_shared>>
      %dma_start3A_91 = arith.constant 0 : i32
      %dma_start3A_92 = tpu.memref_slice %arg2[%add3A_54, %dma_start3A_91] : memref<30720x128xf32, #tpu.memory_space<hbm>> -> memref<640x128xf32, #tpu.memory_space<hbm>>
      tpu.enqueue_dma source(%dma_start3A_92 : memref<640x128xf32, #tpu.memory_space<hbm>>) target(%dma_start3A_90 : memref<640x128xf32, #tpu.memory_space<vmem_shared>>) target_semaphore(%run_scoped3A : memref<!tpu.dma_semaphore, #tpu.memory_space<semaphore_mem>>)
      %dma_wait3A_93 = arith.constant 0 : i32
      %dma_wait3A_94 = tpu.memref_slice %arg10[%mul3A_56, %dma_wait3A_93] : memref<10240x128xf32, #tpu.memory_space<vmem_shared>> -> memref<640x128xf32, #tpu.memory_space<vmem_shared>>
      %dma_wait3A_95 = arith.constant 0 : i32
      %dma_wait3A_96 = tpu.memref_slice %arg2[%add3A_54, %dma_wait3A_95] : memref<30720x128xf32, #tpu.memory_space<hbm>> -> memref<640x128xf32, #tpu.memory_space<hbm>>
      tpu.wait_dma2 semaphore(%run_scoped3A : memref<!tpu.dma_semaphore, #tpu.memory_space<semaphore_mem>>) src(%dma_wait3A_96 : memref<640x128xf32, #tpu.memory_space<hbm>>) dst(%dma_wait3A_94 : memref<640x128xf32, #tpu.memory_space<vmem_shared>>)
      tpu.yield
    }) : () -> ()
    %barrier3A_57 = arith.constant 0 : index
    tpu.barrier barrier_id(%barrier3A_57)
    %dma_start3A_58 = arith.constant 0 : i32
    %dma_start3A_59 = arith.constant 0 : i32
    %dma_start3A_60 = tpu.memref_slice %arg6[%dma_start3A_58, %dma_start3A_59] : memref<48x128xi32, #tpu.memory_space<vmem>> -> memref<1x128xi32, #tpu.memory_space<vmem>>
    %dma_start3A_61 = tpu.memref_squeeze %dma_start3A_60 : memref<1x128xi32, #tpu.memory_space<vmem>> -> memref<128xi32, #tpu.memory_space<vmem>>
    %dma_start3A_62 = arith.constant 0 : i32
    %dma_start3A_63 = arith.constant 0 : i32
    %dma_start3A_64 = tpu.memref_slice %arg2[%dma_start3A_62, %dma_start3A_63] : memref<30720x128xf32, #tpu.memory_space<hbm>> -> memref<30720x128xf32, #tpu.memory_space<hbm>>
    tpu.enqueue_indirect_dma source(%dma_start3A_64 : memref<30720x128xf32, #tpu.memory_space<hbm>>) target(%arg8 : memref<128x128xf32, #tpu.memory_space<vmem>>) offsets(%dma_start3A_61 : memref<128xi32, #tpu.memory_space<vmem>>) semaphore(%arg11 : memref<!tpu.dma_semaphore, #tpu.memory_space<semaphore_mem>>)
    %scan3A_65 = arith.constant 0 : i32
    %scan3A_66 = arith.constant 0 : i32
    %scan3A_67 = arith.constant 20 : i32
    %scan3A_68 = arith.addi %scan3A_66, %scan3A_67 : i32
    %scan3A_69 = arith.constant 1 : i32
    scf.for %scan3A_89 = %scan3A_66 to %scan3A_68 step %scan3A_69  : i32 {
      %mul3A_90 = arith.constant 2 : i32
      %mul3A_91 = arith.muli %mul3A_90, %scan3A_89 : i32
      %add3A_92 = arith.constant 1 : i32
      %add3A_93 = arith.addi %mul3A_91, %add3A_92 : i32
      %dma_start3A_94 = arith.constant 0 : i32
      %dma_start3A_95 = tpu.memref_slice %arg6[%add3A_93, %dma_start3A_94] : memref<48x128xi32, #tpu.memory_space<vmem>> -> memref<1x128xi32, #tpu.memory_space<vmem>>
      %dma_start3A_96 = tpu.memref_squeeze %dma_start3A_95 : memref<1x128xi32, #tpu.memory_space<vmem>> -> memref<128xi32, #tpu.memory_space<vmem>>
      %dma_start3A_97 = arith.constant 0 : i32
      %dma_start3A_98 = arith.constant 0 : i32
      %dma_start3A_99 = tpu.memref_slice %arg2[%dma_start3A_97, %dma_start3A_98] : memref<30720x128xf32, #tpu.memory_space<hbm>> -> memref<30720x128xf32, #tpu.memory_space<hbm>>
      tpu.enqueue_indirect_dma source(%dma_start3A_99 : memref<30720x128xf32, #tpu.memory_space<hbm>>) target(%arg9 : memref<128x128xf32, #tpu.memory_space<vmem>>) offsets(%dma_start3A_96 : memref<128xi32, #tpu.memory_space<vmem>>) semaphore(%arg12 : memref<!tpu.dma_semaphore, #tpu.memory_space<semaphore_mem>>)
      %dma_wait3A_100 = arith.constant 0 : i32
      %dma_wait3A_101 = arith.constant 0 : i32
      %dma_wait3A_102 = tpu.memref_slice %arg2[%dma_wait3A_100, %dma_wait3A_101] : memref<30720x128xf32, #tpu.memory_space<hbm>> -> memref<128x128xf32, #tpu.memory_space<hbm>>
      %dma_wait3A_103 = arith.constant 0 : i32
      %dma_wait3A_104 = arith.constant 0 : i32
      %dma_wait3A_105 = tpu.memref_slice %arg2[%dma_wait3A_103, %dma_wait3A_104] : memref<30720x128xf32, #tpu.memory_space<hbm>> -> memref<128x128xf32, #tpu.memory_space<hbm>>
      tpu.wait_dma2 semaphore(%arg11 : memref<!tpu.dma_semaphore, #tpu.memory_space<semaphore_mem>>) src(%dma_wait3A_105 : memref<128x128xf32, #tpu.memory_space<hbm>>) dst(%arg8 : memref<128x128xf32, #tpu.memory_space<vmem>>)
      "tpu.region"() ({
        %run_scoped3A = tpu.sem_alloc : memref<!tpu.dma_semaphore, #tpu.memory_space<semaphore_mem>>
        %dma_start3A_122 = arith.constant 0 : i32
        %dma_start3A_123 = tpu.memref_slice %arg7[%mul3A_91, %dma_start3A_122] : memref<48x128xi32, #tpu.memory_space<vmem>> -> memref<1x128xi32, #tpu.memory_space<vmem>>
        %dma_start3A_124 = tpu.memref_squeeze %dma_start3A_123 : memref<1x128xi32, #tpu.memory_space<vmem>> -> memref<128xi32, #tpu.memory_space<vmem>>
        %dma_start3A_125 = arith.constant 0 : i32
        %dma_start3A_126 = arith.constant 0 : i32
        %dma_start3A_127 = tpu.memref_slice %arg10[%dma_start3A_125, %dma_start3A_126] : memref<10240x128xf32, #tpu.memory_space<vmem_shared>> -> memref<10240x128xf32, #tpu.memory_space<vmem_shared>>
        tpu.enqueue_indirect_dma source(%arg8 : memref<128x128xf32, #tpu.memory_space<vmem>>) target(%dma_start3A_127 : memref<10240x128xf32, #tpu.memory_space<vmem_shared>>) offsets(%dma_start3A_124 : memref<128xi32, #tpu.memory_space<vmem>>) semaphore(%run_scoped3A : memref<!tpu.dma_semaphore, #tpu.memory_space<semaphore_mem>>) {add = true}
        %dma_wait3A_128 = arith.constant 0 : i32
        %dma_wait3A_129 = tpu.memref_slice %arg7[%mul3A_91, %dma_wait3A_128] : memref<48x128xi32, #tpu.memory_space<vmem>> -> memref<1x128xi32, #tpu.memory_space<vmem>>
        %dma_wait3A_130 = tpu.memref_squeeze %dma_wait3A_129 : memref<1x128xi32, #tpu.memory_space<vmem>> -> memref<128xi32, #tpu.memory_space<vmem>>
        %dma_wait3A_131 = arith.constant 0 : i32
        %dma_wait3A_132 = arith.constant 0 : i32
        %dma_wait3A_133 = tpu.memref_slice %arg10[%dma_wait3A_131, %dma_wait3A_132] : memref<10240x128xf32, #tpu.memory_space<vmem_shared>> -> memref<10240x128xf32, #tpu.memory_space<vmem_shared>>
        tpu.wait_indirect_dma semaphore(%run_scoped3A : memref<!tpu.dma_semaphore, #tpu.memory_space<semaphore_mem>>) src(%arg8 : memref<128x128xf32, #tpu.memory_space<vmem>>) dst(%dma_wait3A_133 : memref<10240x128xf32, #tpu.memory_space<vmem_shared>>)
        tpu.yield
      }) : () -> ()
      %add3A_106 = arith.constant 2 : i32
      %add3A_107 = arith.addi %mul3A_91, %add3A_106 : i32
      %dma_start3A_108 = arith.constant 0 : i32
      %dma_start3A_109 = tpu.memref_slice %arg6[%add3A_107, %dma_start3A_108] : memref<48x128xi32, #tpu.memory_space<vmem>> -> memref<1x128xi32, #tpu.memory_space<vmem>>
      %dma_start3A_110 = tpu.memref_squeeze %dma_start3A_109 : memref<1x128xi32, #tpu.memory_space<vmem>> -> memref<128xi32, #tpu.memory_space<vmem>>
      %dma_start3A_111 = arith.constant 0 : i32
      %dma_start3A_112 = arith.constant 0 : i32
      %dma_start3A_113 = tpu.memref_slice %arg2[%dma_start3A_111, %dma_start3A_112] : memref<30720x128xf32, #tpu.memory_space<hbm>> -> memref<30720x128xf32, #tpu.memory_space<hbm>>
      tpu.enqueue_indirect_dma source(%dma_start3A_113 : memref<30720x128xf32, #tpu.memory_space<hbm>>) target(%arg8 : memref<128x128xf32, #tpu.memory_space<vmem>>) offsets(%dma_start3A_110 : memref<128xi32, #tpu.memory_space<vmem>>) semaphore(%arg11 : memref<!tpu.dma_semaphore, #tpu.memory_space<semaphore_mem>>)
      %dma_wait3A_114 = arith.constant 0 : i32
      %dma_wait3A_115 = arith.constant 0 : i32
      %dma_wait3A_116 = tpu.memref_slice %arg2[%dma_wait3A_114, %dma_wait3A_115] : memref<30720x128xf32, #tpu.memory_space<hbm>> -> memref<128x128xf32, #tpu.memory_space<hbm>>
      %dma_wait3A_117 = arith.constant 0 : i32
      %dma_wait3A_118 = arith.constant 0 : i32
      %dma_wait3A_119 = tpu.memref_slice %arg2[%dma_wait3A_117, %dma_wait3A_118] : memref<30720x128xf32, #tpu.memory_space<hbm>> -> memref<128x128xf32, #tpu.memory_space<hbm>>
      tpu.wait_dma2 semaphore(%arg12 : memref<!tpu.dma_semaphore, #tpu.memory_space<semaphore_mem>>) src(%dma_wait3A_119 : memref<128x128xf32, #tpu.memory_space<hbm>>) dst(%arg9 : memref<128x128xf32, #tpu.memory_space<vmem>>)
      %add3A_120 = arith.constant 1 : i32
      %add3A_121 = arith.addi %mul3A_91, %add3A_120 : i32
      "tpu.region"() ({
        %run_scoped3A = tpu.sem_alloc : memref<!tpu.dma_semaphore, #tpu.memory_space<semaphore_mem>>
        %dma_start3A_122 = arith.constant 0 : i32
        %dma_start3A_123 = tpu.memref_slice %arg7[%add3A_121, %dma_start3A_122] : memref<48x128xi32, #tpu.memory_space<vmem>> -> memref<1x128xi32, #tpu.memory_space<vmem>>
        %dma_start3A_124 = tpu.memref_squeeze %dma_start3A_123 : memref<1x128xi32, #tpu.memory_space<vmem>> -> memref<128xi32, #tpu.memory_space<vmem>>
        %dma_start3A_125 = arith.constant 0 : i32
        %dma_start3A_126 = arith.constant 0 : i32
        %dma_start3A_127 = tpu.memref_slice %arg10[%dma_start3A_125, %dma_start3A_126] : memref<10240x128xf32, #tpu.memory_space<vmem_shared>> -> memref<10240x128xf32, #tpu.memory_space<vmem_shared>>
        tpu.enqueue_indirect_dma source(%arg9 : memref<128x128xf32, #tpu.memory_space<vmem>>) target(%dma_start3A_127 : memref<10240x128xf32, #tpu.memory_space<vmem_shared>>) offsets(%dma_start3A_124 : memref<128xi32, #tpu.memory_space<vmem>>) semaphore(%run_scoped3A : memref<!tpu.dma_semaphore, #tpu.memory_space<semaphore_mem>>) {add = true}
        %dma_wait3A_128 = arith.constant 0 : i32
        %dma_wait3A_129 = tpu.memref_slice %arg7[%add3A_121, %dma_wait3A_128] : memref<48x128xi32, #tpu.memory_space<vmem>> -> memref<1x128xi32, #tpu.memory_space<vmem>>
        %dma_wait3A_130 = tpu.memref_squeeze %dma_wait3A_129 : memref<1x128xi32, #tpu.memory_space<vmem>> -> memref<128xi32, #tpu.memory_space<vmem>>
        %dma_wait3A_131 = arith.constant 0 : i32
        %dma_wait3A_132 = arith.constant 0 : i32
        %dma_wait3A_133 = tpu.memref_slice %arg10[%dma_wait3A_131, %dma_wait3A_132] : memref<10240x128xf32, #tpu.memory_space<vmem_shared>> -> memref<10240x128xf32, #tpu.memory_space<vmem_shared>>
        tpu.wait_indirect_dma semaphore(%run_scoped3A : memref<!tpu.dma_semaphore, #tpu.memory_space<semaphore_mem>>) src(%arg9 : memref<128x128xf32, #tpu.memory_space<vmem>>) dst(%dma_wait3A_133 : memref<10240x128xf32, #tpu.memory_space<vmem_shared>>)
        tpu.yield
      }) : () -> ()
    }
    %scan3A_70 = arith.constant 20 : i32
    %dma_wait3A_71 = arith.constant 0 : i32
    %dma_wait3A_72 = arith.constant 0 : i32
    %dma_wait3A_73 = tpu.memref_slice %arg2[%dma_wait3A_71, %dma_wait3A_72] : memref<30720x128xf32, #tpu.memory_space<hbm>> -> memref<128x128xf32, #tpu.memory_space<hbm>>
    %dma_wait3A_74 = arith.constant 0 : i32
    %dma_wait3A_75 = arith.constant 0 : i32
    %dma_wait3A_76 = tpu.memref_slice %arg2[%dma_wait3A_74, %dma_wait3A_75] : memref<30720x128xf32, #tpu.memory_space<hbm>> -> memref<128x128xf32, #tpu.memory_space<hbm>>
    tpu.wait_dma2 semaphore(%arg11 : memref<!tpu.dma_semaphore, #tpu.memory_space<semaphore_mem>>) src(%dma_wait3A_76 : memref<128x128xf32, #tpu.memory_space<hbm>>) dst(%arg8 : memref<128x128xf32, #tpu.memory_space<vmem>>)
    %barrier3A_77 = arith.constant 0 : index
    tpu.barrier barrier_id(%barrier3A_77)
    %mul3A_78 = arith.constant 2 : i32
    %mul3A_79 = arith.muli %arg0, %mul3A_78 : i32
    %add3A_80 = arith.constant 1 : i32
    %add3A_81 = arith.addi %mul3A_79, %add3A_80 : i32
    %mul3A_82 = arith.constant 10240 : i32
    %mul3A_83 = arith.muli %add3A_81, %mul3A_82 : i32
    %mul3A_84 = arith.constant 640 : i32
    %mul3A_85 = arith.muli %arg1, %mul3A_84 : i32
    %add3A_86 = arith.addi %mul3A_83, %mul3A_85 : i32
    %mul3A_87 = arith.constant 640 : i32
    %mul3A_88 = arith.muli %arg1, %mul3A_87 : i32
    "tpu.region"() ({
      %run_scoped3A = tpu.sem_alloc : memref<!tpu.dma_semaphore, #tpu.memory_space<semaphore_mem>>
      %dma_start3A_89 = arith.constant 0 : i32
      %dma_start3A_90 = tpu.memref_slice %arg5[%add3A_86, %dma_start3A_89] : memref<40960x128xf32, #tpu.memory_space<hbm>> -> memref<640x128xf32, #tpu.memory_space<hbm>>
      %dma_start3A_91 = arith.constant 0 : i32
      %dma_start3A_92 = tpu.memref_slice %arg10[%mul3A_88, %dma_start3A_91] : memref<10240x128xf32, #tpu.memory_space<vmem_shared>> -> memref<640x128xf32, #tpu.memory_space<vmem_shared>>
      tpu.enqueue_dma source(%dma_start3A_92 : memref<640x128xf32, #tpu.memory_space<vmem_shared>>) target(%dma_start3A_90 : memref<640x128xf32, #tpu.memory_space<hbm>>) target_semaphore(%run_scoped3A : memref<!tpu.dma_semaphore, #tpu.memory_space<semaphore_mem>>)
      %dma_wait3A_93 = arith.constant 0 : i32
      %dma_wait3A_94 = tpu.memref_slice %arg5[%add3A_86, %dma_wait3A_93] : memref<40960x128xf32, #tpu.memory_space<hbm>> -> memref<640x128xf32, #tpu.memory_space<hbm>>
      %dma_wait3A_95 = arith.constant 0 : i32
      %dma_wait3A_96 = tpu.memref_slice %arg10[%mul3A_88, %dma_wait3A_95] : memref<10240x128xf32, #tpu.memory_space<vmem_shared>> -> memref<640x128xf32, #tpu.memory_space<vmem_shared>>
      tpu.wait_dma2 semaphore(%run_scoped3A : memref<!tpu.dma_semaphore, #tpu.memory_space<semaphore_mem>>) src(%dma_wait3A_96 : memref<640x128xf32, #tpu.memory_space<vmem_shared>>) dst(%dma_wait3A_94 : memref<640x128xf32, #tpu.memory_space<hbm>>)
      tpu.yield
    }) : () -> ()
    return
  }
}

#map = affine_map<(d0, d1) -> (0, 0)>
module attributes {stable_mosaic.version = 14 : i64} {
  func.func @agg(%arg0: i32, %arg1: i32, %arg2: memref<51200x128xf32, #tpu.memory_space<hbm>>, %arg3: memref<6144x128xi32, #tpu.memory_space<hbm>>, %arg4: memref<1536x128xi32, #tpu.memory_space<hbm>>, %arg5: memref<81920x128xf32, #tpu.memory_space<hbm>>, %arg6: memref<48x128xi32, #tpu.memory_space<vmem>>, %arg7: memref<48x128xi32, #tpu.memory_space<vmem>>, %arg8: memref<128x128xf32, #tpu.memory_space<vmem>>, %arg9: memref<128x128xf32, #tpu.memory_space<vmem>>, %arg10: memref<10240x128xf32, #tpu.memory_space<vmem_shared>>, %arg11: memref<!tpu.dma_semaphore, #tpu.memory_space<semaphore_mem>>, %arg12: memref<!tpu.dma_semaphore, #tpu.memory_space<semaphore_mem>>) attributes {dimension_semantics = [#tpu.dimension_semantics<core_parallel>, #tpu.dimension_semantics<subcore_parallel>], iteration_bounds = array<i64: 2, 16>, scalar_prefetch = 0 : i64, scratch_operands = 7 : i64, tpu.core_type = #tpu.core_type<sc_vector_subcore>, window_params = [{transform_indices = #map}, {transform_indices = #map}, {transform_indices = #map}, {transform_indices = #map}]} {
    %mul3A = arith.constant 16 : i32
    %mul3A_0 = arith.muli %arg0, %mul3A : i32
    %add3A = arith.addi %mul3A_0, %arg1 : i32
    %mul3A_1 = arith.constant 48 : i32
    %mul3A_2 = arith.muli %add3A, %mul3A_1 : i32
    "tpu.region"() ({
      %run_scoped3A = tpu.sem_alloc : memref<!tpu.dma_semaphore, #tpu.memory_space<semaphore_mem>>
      %dma_start3A_183 = arith.constant 0 : i32
      %dma_start3A_184 = tpu.memref_slice %arg4[%mul3A_2, %dma_start3A_183] : memref<1536x128xi32, #tpu.memory_space<hbm>> -> memref<48x128xi32, #tpu.memory_space<hbm>>
      %dma_start3A_185 = arith.constant 0 : i32
      %dma_start3A_186 = tpu.memref_slice %arg4[%mul3A_2, %dma_start3A_185] : memref<1536x128xi32, #tpu.memory_space<hbm>> -> memref<48x128xi32, #tpu.memory_space<hbm>>
      tpu.enqueue_dma source(%dma_start3A_186 : memref<48x128xi32, #tpu.memory_space<hbm>>) target(%arg7 : memref<48x128xi32, #tpu.memory_space<vmem>>) target_semaphore(%run_scoped3A : memref<!tpu.dma_semaphore, #tpu.memory_space<semaphore_mem>>)
      %dma_wait3A_187 = arith.constant 0 : i32
      %dma_wait3A_188 = tpu.memref_slice %arg4[%mul3A_2, %dma_wait3A_187] : memref<1536x128xi32, #tpu.memory_space<hbm>> -> memref<48x128xi32, #tpu.memory_space<hbm>>
      %dma_wait3A_189 = arith.constant 0 : i32
      %dma_wait3A_190 = tpu.memref_slice %arg4[%mul3A_2, %dma_wait3A_189] : memref<1536x128xi32, #tpu.memory_space<hbm>> -> memref<48x128xi32, #tpu.memory_space<hbm>>
      tpu.wait_dma2 semaphore(%run_scoped3A : memref<!tpu.dma_semaphore, #tpu.memory_space<semaphore_mem>>) src(%dma_wait3A_190 : memref<48x128xi32, #tpu.memory_space<hbm>>) dst(%arg7 : memref<48x128xi32, #tpu.memory_space<vmem>>)
      tpu.yield
    }) : () -> ()
    %add3A_3 = arith.constant 0 : i32
    %add3A_4 = arith.addi %add3A_3, %add3A : i32
    %mul3A_5 = arith.constant 48 : i32
    %mul3A_6 = arith.muli %add3A_4, %mul3A_5 : i32
    "tpu.region"() ({
      %run_scoped3A = tpu.sem_alloc : memref<!tpu.dma_semaphore, #tpu.memory_space<semaphore_mem>>
      %dma_start3A_183 = arith.constant 0 : i32
      %dma_start3A_184 = tpu.memref_slice %arg3[%mul3A_6, %dma_start3A_183] : memref<6144x128xi32, #tpu.memory_space<hbm>> -> memref<48x128xi32, #tpu.memory_space<hbm>>
      %dma_start3A_185 = arith.constant 0 : i32
      %dma_start3A_186 = tpu.memref_slice %arg3[%mul3A_6, %dma_start3A_185] : memref<6144x128xi32, #tpu.memory_space<hbm>> -> memref<48x128xi32, #tpu.memory_space<hbm>>
      tpu.enqueue_dma source(%dma_start3A_186 : memref<48x128xi32, #tpu.memory_space<hbm>>) target(%arg6 : memref<48x128xi32, #tpu.memory_space<vmem>>) target_semaphore(%run_scoped3A : memref<!tpu.dma_semaphore, #tpu.memory_space<semaphore_mem>>)
      %dma_wait3A_187 = arith.constant 0 : i32
      %dma_wait3A_188 = tpu.memref_slice %arg3[%mul3A_6, %dma_wait3A_187] : memref<6144x128xi32, #tpu.memory_space<hbm>> -> memref<48x128xi32, #tpu.memory_space<hbm>>
      %dma_wait3A_189 = arith.constant 0 : i32
      %dma_wait3A_190 = tpu.memref_slice %arg3[%mul3A_6, %dma_wait3A_189] : memref<6144x128xi32, #tpu.memory_space<hbm>> -> memref<48x128xi32, #tpu.memory_space<hbm>>
      tpu.wait_dma2 semaphore(%run_scoped3A : memref<!tpu.dma_semaphore, #tpu.memory_space<semaphore_mem>>) src(%dma_wait3A_190 : memref<48x128xi32, #tpu.memory_space<hbm>>) dst(%arg6 : memref<48x128xi32, #tpu.memory_space<vmem>>)
      tpu.yield
    }) : () -> ()
    %eq3A = arith.constant 0 : i32
    %eq3A_7 = arith.cmpi eq, %arg0, %eq3A : i32
    %jit3A = arith.constant 0 : i32
    %jit3A_8 = arith.constant 40960 : i32
    %select_n3A = arith.select %eq3A_7, %jit3A, %jit3A_8 : i32
    %mul3A_9 = arith.constant 640 : i32
    %mul3A_10 = arith.muli %arg1, %mul3A_9 : i32
    %add3A_11 = arith.addi %select_n3A, %mul3A_10 : i32
    %mul3A_12 = arith.constant 640 : i32
    %mul3A_13 = arith.muli %arg1, %mul3A_12 : i32
    "tpu.region"() ({
      %run_scoped3A = tpu.sem_alloc : memref<!tpu.dma_semaphore, #tpu.memory_space<semaphore_mem>>
      %dma_start3A_183 = arith.constant 0 : i32
      %dma_start3A_184 = tpu.memref_slice %arg10[%mul3A_13, %dma_start3A_183] : memref<10240x128xf32, #tpu.memory_space<vmem_shared>> -> memref<640x128xf32, #tpu.memory_space<vmem_shared>>
      %dma_start3A_185 = arith.constant 0 : i32
      %dma_start3A_186 = tpu.memref_slice %arg2[%add3A_11, %dma_start3A_185] : memref<51200x128xf32, #tpu.memory_space<hbm>> -> memref<640x128xf32, #tpu.memory_space<hbm>>
      tpu.enqueue_dma source(%dma_start3A_186 : memref<640x128xf32, #tpu.memory_space<hbm>>) target(%dma_start3A_184 : memref<640x128xf32, #tpu.memory_space<vmem_shared>>) target_semaphore(%run_scoped3A : memref<!tpu.dma_semaphore, #tpu.memory_space<semaphore_mem>>)
      %dma_wait3A_187 = arith.constant 0 : i32
      %dma_wait3A_188 = tpu.memref_slice %arg10[%mul3A_13, %dma_wait3A_187] : memref<10240x128xf32, #tpu.memory_space<vmem_shared>> -> memref<640x128xf32, #tpu.memory_space<vmem_shared>>
      %dma_wait3A_189 = arith.constant 0 : i32
      %dma_wait3A_190 = tpu.memref_slice %arg2[%add3A_11, %dma_wait3A_189] : memref<51200x128xf32, #tpu.memory_space<hbm>> -> memref<640x128xf32, #tpu.memory_space<hbm>>
      tpu.wait_dma2 semaphore(%run_scoped3A : memref<!tpu.dma_semaphore, #tpu.memory_space<semaphore_mem>>) src(%dma_wait3A_190 : memref<640x128xf32, #tpu.memory_space<hbm>>) dst(%dma_wait3A_188 : memref<640x128xf32, #tpu.memory_space<vmem_shared>>)
      tpu.yield
    }) : () -> ()
    %barrier3A = arith.constant 0 : index
    tpu.barrier barrier_id(%barrier3A)
    %dma_start3A = arith.constant 0 : i32
    %dma_start3A_14 = arith.constant 0 : i32
    %dma_start3A_15 = tpu.memref_slice %arg6[%dma_start3A, %dma_start3A_14] : memref<48x128xi32, #tpu.memory_space<vmem>> -> memref<1x128xi32, #tpu.memory_space<vmem>>
    %dma_start3A_16 = tpu.memref_squeeze %dma_start3A_15 : memref<1x128xi32, #tpu.memory_space<vmem>> -> memref<128xi32, #tpu.memory_space<vmem>>
    %dma_start3A_17 = arith.constant 0 : i32
    %dma_start3A_18 = arith.constant 0 : i32
    %dma_start3A_19 = tpu.memref_slice %arg2[%dma_start3A_17, %dma_start3A_18] : memref<51200x128xf32, #tpu.memory_space<hbm>> -> memref<51200x128xf32, #tpu.memory_space<hbm>>
    tpu.enqueue_indirect_dma source(%dma_start3A_19 : memref<51200x128xf32, #tpu.memory_space<hbm>>) target(%arg8 : memref<128x128xf32, #tpu.memory_space<vmem>>) offsets(%dma_start3A_16 : memref<128xi32, #tpu.memory_space<vmem>>) semaphore(%arg11 : memref<!tpu.dma_semaphore, #tpu.memory_space<semaphore_mem>>)
    %scan3A = arith.constant 0 : i32
    %scan3A_20 = arith.constant 0 : i32
    %scan3A_21 = arith.constant 20 : i32
    %scan3A_22 = arith.addi %scan3A_20, %scan3A_21 : i32
    %scan3A_23 = arith.constant 1 : i32
    scf.for %scan3A_183 = %scan3A_20 to %scan3A_22 step %scan3A_23  : i32 {
      %mul3A_184 = arith.constant 2 : i32
      %mul3A_185 = arith.muli %mul3A_184, %scan3A_183 : i32
      %add3A_186 = arith.constant 1 : i32
      %add3A_187 = arith.addi %mul3A_185, %add3A_186 : i32
      %dma_start3A_188 = arith.constant 0 : i32
      %dma_start3A_189 = tpu.memref_slice %arg6[%add3A_187, %dma_start3A_188] : memref<48x128xi32, #tpu.memory_space<vmem>> -> memref<1x128xi32, #tpu.memory_space<vmem>>
      %dma_start3A_190 = tpu.memref_squeeze %dma_start3A_189 : memref<1x128xi32, #tpu.memory_space<vmem>> -> memref<128xi32, #tpu.memory_space<vmem>>
      %dma_start3A_191 = arith.constant 0 : i32
      %dma_start3A_192 = arith.constant 0 : i32
      %dma_start3A_193 = tpu.memref_slice %arg2[%dma_start3A_191, %dma_start3A_192] : memref<51200x128xf32, #tpu.memory_space<hbm>> -> memref<51200x128xf32, #tpu.memory_space<hbm>>
      tpu.enqueue_indirect_dma source(%dma_start3A_193 : memref<51200x128xf32, #tpu.memory_space<hbm>>) target(%arg9 : memref<128x128xf32, #tpu.memory_space<vmem>>) offsets(%dma_start3A_190 : memref<128xi32, #tpu.memory_space<vmem>>) semaphore(%arg12 : memref<!tpu.dma_semaphore, #tpu.memory_space<semaphore_mem>>)
      %dma_wait3A_194 = arith.constant 0 : i32
      %dma_wait3A_195 = arith.constant 0 : i32
      %dma_wait3A_196 = tpu.memref_slice %arg2[%dma_wait3A_194, %dma_wait3A_195] : memref<51200x128xf32, #tpu.memory_space<hbm>> -> memref<128x128xf32, #tpu.memory_space<hbm>>
      %dma_wait3A_197 = arith.constant 0 : i32
      %dma_wait3A_198 = arith.constant 0 : i32
      %dma_wait3A_199 = tpu.memref_slice %arg2[%dma_wait3A_197, %dma_wait3A_198] : memref<51200x128xf32, #tpu.memory_space<hbm>> -> memref<128x128xf32, #tpu.memory_space<hbm>>
      tpu.wait_dma2 semaphore(%arg11 : memref<!tpu.dma_semaphore, #tpu.memory_space<semaphore_mem>>) src(%dma_wait3A_199 : memref<128x128xf32, #tpu.memory_space<hbm>>) dst(%arg8 : memref<128x128xf32, #tpu.memory_space<vmem>>)
      "tpu.region"() ({
        %run_scoped3A = tpu.sem_alloc : memref<!tpu.dma_semaphore, #tpu.memory_space<semaphore_mem>>
        %dma_start3A_216 = arith.constant 0 : i32
        %dma_start3A_217 = tpu.memref_slice %arg7[%mul3A_185, %dma_start3A_216] : memref<48x128xi32, #tpu.memory_space<vmem>> -> memref<1x128xi32, #tpu.memory_space<vmem>>
        %dma_start3A_218 = tpu.memref_squeeze %dma_start3A_217 : memref<1x128xi32, #tpu.memory_space<vmem>> -> memref<128xi32, #tpu.memory_space<vmem>>
        %dma_start3A_219 = arith.constant 0 : i32
        %dma_start3A_220 = arith.constant 0 : i32
        %dma_start3A_221 = tpu.memref_slice %arg10[%dma_start3A_219, %dma_start3A_220] : memref<10240x128xf32, #tpu.memory_space<vmem_shared>> -> memref<10240x128xf32, #tpu.memory_space<vmem_shared>>
        tpu.enqueue_indirect_dma source(%arg8 : memref<128x128xf32, #tpu.memory_space<vmem>>) target(%dma_start3A_221 : memref<10240x128xf32, #tpu.memory_space<vmem_shared>>) offsets(%dma_start3A_218 : memref<128xi32, #tpu.memory_space<vmem>>) semaphore(%run_scoped3A : memref<!tpu.dma_semaphore, #tpu.memory_space<semaphore_mem>>) {add = true}
        %dma_wait3A_222 = arith.constant 0 : i32
        %dma_wait3A_223 = tpu.memref_slice %arg7[%mul3A_185, %dma_wait3A_222] : memref<48x128xi32, #tpu.memory_space<vmem>> -> memref<1x128xi32, #tpu.memory_space<vmem>>
        %dma_wait3A_224 = tpu.memref_squeeze %dma_wait3A_223 : memref<1x128xi32, #tpu.memory_space<vmem>> -> memref<128xi32, #tpu.memory_space<vmem>>
        %dma_wait3A_225 = arith.constant 0 : i32
        %dma_wait3A_226 = arith.constant 0 : i32
        %dma_wait3A_227 = tpu.memref_slice %arg10[%dma_wait3A_225, %dma_wait3A_226] : memref<10240x128xf32, #tpu.memory_space<vmem_shared>> -> memref<10240x128xf32, #tpu.memory_space<vmem_shared>>
        tpu.wait_indirect_dma semaphore(%run_scoped3A : memref<!tpu.dma_semaphore, #tpu.memory_space<semaphore_mem>>) src(%arg8 : memref<128x128xf32, #tpu.memory_space<vmem>>) dst(%dma_wait3A_227 : memref<10240x128xf32, #tpu.memory_space<vmem_shared>>)
        tpu.yield
      }) : () -> ()
      %add3A_200 = arith.constant 2 : i32
      %add3A_201 = arith.addi %mul3A_185, %add3A_200 : i32
      %dma_start3A_202 = arith.constant 0 : i32
      %dma_start3A_203 = tpu.memref_slice %arg6[%add3A_201, %dma_start3A_202] : memref<48x128xi32, #tpu.memory_space<vmem>> -> memref<1x128xi32, #tpu.memory_space<vmem>>
      %dma_start3A_204 = tpu.memref_squeeze %dma_start3A_203 : memref<1x128xi32, #tpu.memory_space<vmem>> -> memref<128xi32, #tpu.memory_space<vmem>>
      %dma_start3A_205 = arith.constant 0 : i32
      %dma_start3A_206 = arith.constant 0 : i32
      %dma_start3A_207 = tpu.memref_slice %arg2[%dma_start3A_205, %dma_start3A_206] : memref<51200x128xf32, #tpu.memory_space<hbm>> -> memref<51200x128xf32, #tpu.memory_space<hbm>>
      tpu.enqueue_indirect_dma source(%dma_start3A_207 : memref<51200x128xf32, #tpu.memory_space<hbm>>) target(%arg8 : memref<128x128xf32, #tpu.memory_space<vmem>>) offsets(%dma_start3A_204 : memref<128xi32, #tpu.memory_space<vmem>>) semaphore(%arg11 : memref<!tpu.dma_semaphore, #tpu.memory_space<semaphore_mem>>)
      %dma_wait3A_208 = arith.constant 0 : i32
      %dma_wait3A_209 = arith.constant 0 : i32
      %dma_wait3A_210 = tpu.memref_slice %arg2[%dma_wait3A_208, %dma_wait3A_209] : memref<51200x128xf32, #tpu.memory_space<hbm>> -> memref<128x128xf32, #tpu.memory_space<hbm>>
      %dma_wait3A_211 = arith.constant 0 : i32
      %dma_wait3A_212 = arith.constant 0 : i32
      %dma_wait3A_213 = tpu.memref_slice %arg2[%dma_wait3A_211, %dma_wait3A_212] : memref<51200x128xf32, #tpu.memory_space<hbm>> -> memref<128x128xf32, #tpu.memory_space<hbm>>
      tpu.wait_dma2 semaphore(%arg12 : memref<!tpu.dma_semaphore, #tpu.memory_space<semaphore_mem>>) src(%dma_wait3A_213 : memref<128x128xf32, #tpu.memory_space<hbm>>) dst(%arg9 : memref<128x128xf32, #tpu.memory_space<vmem>>)
      %add3A_214 = arith.constant 1 : i32
      %add3A_215 = arith.addi %mul3A_185, %add3A_214 : i32
      "tpu.region"() ({
        %run_scoped3A = tpu.sem_alloc : memref<!tpu.dma_semaphore, #tpu.memory_space<semaphore_mem>>
        %dma_start3A_216 = arith.constant 0 : i32
        %dma_start3A_217 = tpu.memref_slice %arg7[%add3A_215, %dma_start3A_216] : memref<48x128xi32, #tpu.memory_space<vmem>> -> memref<1x128xi32, #tpu.memory_space<vmem>>
        %dma_start3A_218 = tpu.memref_squeeze %dma_start3A_217 : memref<1x128xi32, #tpu.memory_space<vmem>> -> memref<128xi32, #tpu.memory_space<vmem>>
        %dma_start3A_219 = arith.constant 0 : i32
        %dma_start3A_220 = arith.constant 0 : i32
        %dma_start3A_221 = tpu.memref_slice %arg10[%dma_start3A_219, %dma_start3A_220] : memref<10240x128xf32, #tpu.memory_space<vmem_shared>> -> memref<10240x128xf32, #tpu.memory_space<vmem_shared>>
        tpu.enqueue_indirect_dma source(%arg9 : memref<128x128xf32, #tpu.memory_space<vmem>>) target(%dma_start3A_221 : memref<10240x128xf32, #tpu.memory_space<vmem_shared>>) offsets(%dma_start3A_218 : memref<128xi32, #tpu.memory_space<vmem>>) semaphore(%run_scoped3A : memref<!tpu.dma_semaphore, #tpu.memory_space<semaphore_mem>>) {add = true}
        %dma_wait3A_222 = arith.constant 0 : i32
        %dma_wait3A_223 = tpu.memref_slice %arg7[%add3A_215, %dma_wait3A_222] : memref<48x128xi32, #tpu.memory_space<vmem>> -> memref<1x128xi32, #tpu.memory_space<vmem>>
        %dma_wait3A_224 = tpu.memref_squeeze %dma_wait3A_223 : memref<1x128xi32, #tpu.memory_space<vmem>> -> memref<128xi32, #tpu.memory_space<vmem>>
        %dma_wait3A_225 = arith.constant 0 : i32
        %dma_wait3A_226 = arith.constant 0 : i32
        %dma_wait3A_227 = tpu.memref_slice %arg10[%dma_wait3A_225, %dma_wait3A_226] : memref<10240x128xf32, #tpu.memory_space<vmem_shared>> -> memref<10240x128xf32, #tpu.memory_space<vmem_shared>>
        tpu.wait_indirect_dma semaphore(%run_scoped3A : memref<!tpu.dma_semaphore, #tpu.memory_space<semaphore_mem>>) src(%arg9 : memref<128x128xf32, #tpu.memory_space<vmem>>) dst(%dma_wait3A_227 : memref<10240x128xf32, #tpu.memory_space<vmem_shared>>)
        tpu.yield
      }) : () -> ()
    }
    %scan3A_24 = arith.constant 20 : i32
    %dma_wait3A = arith.constant 0 : i32
    %dma_wait3A_25 = arith.constant 0 : i32
    %dma_wait3A_26 = tpu.memref_slice %arg2[%dma_wait3A, %dma_wait3A_25] : memref<51200x128xf32, #tpu.memory_space<hbm>> -> memref<128x128xf32, #tpu.memory_space<hbm>>
    %dma_wait3A_27 = arith.constant 0 : i32
    %dma_wait3A_28 = arith.constant 0 : i32
    %dma_wait3A_29 = tpu.memref_slice %arg2[%dma_wait3A_27, %dma_wait3A_28] : memref<51200x128xf32, #tpu.memory_space<hbm>> -> memref<128x128xf32, #tpu.memory_space<hbm>>
    tpu.wait_dma2 semaphore(%arg11 : memref<!tpu.dma_semaphore, #tpu.memory_space<semaphore_mem>>) src(%dma_wait3A_29 : memref<128x128xf32, #tpu.memory_space<hbm>>) dst(%arg8 : memref<128x128xf32, #tpu.memory_space<vmem>>)
    %barrier3A_30 = arith.constant 0 : index
    tpu.barrier barrier_id(%barrier3A_30)
    %mul3A_31 = arith.constant 4 : i32
    %mul3A_32 = arith.muli %arg0, %mul3A_31 : i32
    %add3A_33 = arith.constant 0 : i32
    %add3A_34 = arith.addi %mul3A_32, %add3A_33 : i32
    %mul3A_35 = arith.constant 10240 : i32
    %mul3A_36 = arith.muli %add3A_34, %mul3A_35 : i32
    %mul3A_37 = arith.constant 640 : i32
    %mul3A_38 = arith.muli %arg1, %mul3A_37 : i32
    %add3A_39 = arith.addi %mul3A_36, %mul3A_38 : i32
    %mul3A_40 = arith.constant 640 : i32
    %mul3A_41 = arith.muli %arg1, %mul3A_40 : i32
    "tpu.region"() ({
      %run_scoped3A = tpu.sem_alloc : memref<!tpu.dma_semaphore, #tpu.memory_space<semaphore_mem>>
      %dma_start3A_183 = arith.constant 0 : i32
      %dma_start3A_184 = tpu.memref_slice %arg5[%add3A_39, %dma_start3A_183] : memref<81920x128xf32, #tpu.memory_space<hbm>> -> memref<640x128xf32, #tpu.memory_space<hbm>>
      %dma_start3A_185 = arith.constant 0 : i32
      %dma_start3A_186 = tpu.memref_slice %arg10[%mul3A_41, %dma_start3A_185] : memref<10240x128xf32, #tpu.memory_space<vmem_shared>> -> memref<640x128xf32, #tpu.memory_space<vmem_shared>>
      tpu.enqueue_dma source(%dma_start3A_186 : memref<640x128xf32, #tpu.memory_space<vmem_shared>>) target(%dma_start3A_184 : memref<640x128xf32, #tpu.memory_space<hbm>>) target_semaphore(%run_scoped3A : memref<!tpu.dma_semaphore, #tpu.memory_space<semaphore_mem>>)
      %dma_wait3A_187 = arith.constant 0 : i32
      %dma_wait3A_188 = tpu.memref_slice %arg5[%add3A_39, %dma_wait3A_187] : memref<81920x128xf32, #tpu.memory_space<hbm>> -> memref<640x128xf32, #tpu.memory_space<hbm>>
      %dma_wait3A_189 = arith.constant 0 : i32
      %dma_wait3A_190 = tpu.memref_slice %arg10[%mul3A_41, %dma_wait3A_189] : memref<10240x128xf32, #tpu.memory_space<vmem_shared>> -> memref<640x128xf32, #tpu.memory_space<vmem_shared>>
      tpu.wait_dma2 semaphore(%run_scoped3A : memref<!tpu.dma_semaphore, #tpu.memory_space<semaphore_mem>>) src(%dma_wait3A_190 : memref<640x128xf32, #tpu.memory_space<vmem_shared>>) dst(%dma_wait3A_188 : memref<640x128xf32, #tpu.memory_space<hbm>>)
      tpu.yield
    }) : () -> ()
    %barrier3A_42 = arith.constant 0 : index
    tpu.barrier barrier_id(%barrier3A_42)
    %add3A_43 = arith.constant 32 : i32
    %add3A_44 = arith.addi %add3A_43, %add3A : i32
    %mul3A_45 = arith.constant 48 : i32
    %mul3A_46 = arith.muli %add3A_44, %mul3A_45 : i32
    "tpu.region"() ({
      %run_scoped3A = tpu.sem_alloc : memref<!tpu.dma_semaphore, #tpu.memory_space<semaphore_mem>>
      %dma_start3A_183 = arith.constant 0 : i32
      %dma_start3A_184 = tpu.memref_slice %arg3[%mul3A_46, %dma_start3A_183] : memref<6144x128xi32, #tpu.memory_space<hbm>> -> memref<48x128xi32, #tpu.memory_space<hbm>>
      %dma_start3A_185 = arith.constant 0 : i32
      %dma_start3A_186 = tpu.memref_slice %arg3[%mul3A_46, %dma_start3A_185] : memref<6144x128xi32, #tpu.memory_space<hbm>> -> memref<48x128xi32, #tpu.memory_space<hbm>>
      tpu.enqueue_dma source(%dma_start3A_186 : memref<48x128xi32, #tpu.memory_space<hbm>>) target(%arg6 : memref<48x128xi32, #tpu.memory_space<vmem>>) target_semaphore(%run_scoped3A : memref<!tpu.dma_semaphore, #tpu.memory_space<semaphore_mem>>)
      %dma_wait3A_187 = arith.constant 0 : i32
      %dma_wait3A_188 = tpu.memref_slice %arg3[%mul3A_46, %dma_wait3A_187] : memref<6144x128xi32, #tpu.memory_space<hbm>> -> memref<48x128xi32, #tpu.memory_space<hbm>>
      %dma_wait3A_189 = arith.constant 0 : i32
      %dma_wait3A_190 = tpu.memref_slice %arg3[%mul3A_46, %dma_wait3A_189] : memref<6144x128xi32, #tpu.memory_space<hbm>> -> memref<48x128xi32, #tpu.memory_space<hbm>>
      tpu.wait_dma2 semaphore(%run_scoped3A : memref<!tpu.dma_semaphore, #tpu.memory_space<semaphore_mem>>) src(%dma_wait3A_190 : memref<48x128xi32, #tpu.memory_space<hbm>>) dst(%arg6 : memref<48x128xi32, #tpu.memory_space<vmem>>)
      tpu.yield
    }) : () -> ()
    %eq3A_47 = arith.constant 0 : i32
    %eq3A_48 = arith.cmpi eq, %arg0, %eq3A_47 : i32
    %jit3A_49 = arith.constant 10240 : i32
    %jit3A_50 = arith.constant 40960 : i32
    %select_n3A_51 = arith.select %eq3A_48, %jit3A_49, %jit3A_50 : i32
    %mul3A_52 = arith.constant 640 : i32
    %mul3A_53 = arith.muli %arg1, %mul3A_52 : i32
    %add3A_54 = arith.addi %select_n3A_51, %mul3A_53 : i32
    %mul3A_55 = arith.constant 640 : i32
    %mul3A_56 = arith.muli %arg1, %mul3A_55 : i32
    "tpu.region"() ({
      %run_scoped3A = tpu.sem_alloc : memref<!tpu.dma_semaphore, #tpu.memory_space<semaphore_mem>>
      %dma_start3A_183 = arith.constant 0 : i32
      %dma_start3A_184 = tpu.memref_slice %arg10[%mul3A_56, %dma_start3A_183] : memref<10240x128xf32, #tpu.memory_space<vmem_shared>> -> memref<640x128xf32, #tpu.memory_space<vmem_shared>>
      %dma_start3A_185 = arith.constant 0 : i32
      %dma_start3A_186 = tpu.memref_slice %arg2[%add3A_54, %dma_start3A_185] : memref<51200x128xf32, #tpu.memory_space<hbm>> -> memref<640x128xf32, #tpu.memory_space<hbm>>
      tpu.enqueue_dma source(%dma_start3A_186 : memref<640x128xf32, #tpu.memory_space<hbm>>) target(%dma_start3A_184 : memref<640x128xf32, #tpu.memory_space<vmem_shared>>) target_semaphore(%run_scoped3A : memref<!tpu.dma_semaphore, #tpu.memory_space<semaphore_mem>>)
      %dma_wait3A_187 = arith.constant 0 : i32
      %dma_wait3A_188 = tpu.memref_slice %arg10[%mul3A_56, %dma_wait3A_187] : memref<10240x128xf32, #tpu.memory_space<vmem_shared>> -> memref<640x128xf32, #tpu.memory_space<vmem_shared>>
      %dma_wait3A_189 = arith.constant 0 : i32
      %dma_wait3A_190 = tpu.memref_slice %arg2[%add3A_54, %dma_wait3A_189] : memref<51200x128xf32, #tpu.memory_space<hbm>> -> memref<640x128xf32, #tpu.memory_space<hbm>>
      tpu.wait_dma2 semaphore(%run_scoped3A : memref<!tpu.dma_semaphore, #tpu.memory_space<semaphore_mem>>) src(%dma_wait3A_190 : memref<640x128xf32, #tpu.memory_space<hbm>>) dst(%dma_wait3A_188 : memref<640x128xf32, #tpu.memory_space<vmem_shared>>)
      tpu.yield
    }) : () -> ()
    %barrier3A_57 = arith.constant 0 : index
    tpu.barrier barrier_id(%barrier3A_57)
    %dma_start3A_58 = arith.constant 0 : i32
    %dma_start3A_59 = arith.constant 0 : i32
    %dma_start3A_60 = tpu.memref_slice %arg6[%dma_start3A_58, %dma_start3A_59] : memref<48x128xi32, #tpu.memory_space<vmem>> -> memref<1x128xi32, #tpu.memory_space<vmem>>
    %dma_start3A_61 = tpu.memref_squeeze %dma_start3A_60 : memref<1x128xi32, #tpu.memory_space<vmem>> -> memref<128xi32, #tpu.memory_space<vmem>>
    %dma_start3A_62 = arith.constant 0 : i32
    %dma_start3A_63 = arith.constant 0 : i32
    %dma_start3A_64 = tpu.memref_slice %arg2[%dma_start3A_62, %dma_start3A_63] : memref<51200x128xf32, #tpu.memory_space<hbm>> -> memref<51200x128xf32, #tpu.memory_space<hbm>>
    tpu.enqueue_indirect_dma source(%dma_start3A_64 : memref<51200x128xf32, #tpu.memory_space<hbm>>) target(%arg8 : memref<128x128xf32, #tpu.memory_space<vmem>>) offsets(%dma_start3A_61 : memref<128xi32, #tpu.memory_space<vmem>>) semaphore(%arg11 : memref<!tpu.dma_semaphore, #tpu.memory_space<semaphore_mem>>)
    %scan3A_65 = arith.constant 0 : i32
    %scan3A_66 = arith.constant 0 : i32
    %scan3A_67 = arith.constant 20 : i32
    %scan3A_68 = arith.addi %scan3A_66, %scan3A_67 : i32
    %scan3A_69 = arith.constant 1 : i32
    scf.for %scan3A_183 = %scan3A_66 to %scan3A_68 step %scan3A_69  : i32 {
      %mul3A_184 = arith.constant 2 : i32
      %mul3A_185 = arith.muli %mul3A_184, %scan3A_183 : i32
      %add3A_186 = arith.constant 1 : i32
      %add3A_187 = arith.addi %mul3A_185, %add3A_186 : i32
      %dma_start3A_188 = arith.constant 0 : i32
      %dma_start3A_189 = tpu.memref_slice %arg6[%add3A_187, %dma_start3A_188] : memref<48x128xi32, #tpu.memory_space<vmem>> -> memref<1x128xi32, #tpu.memory_space<vmem>>
      %dma_start3A_190 = tpu.memref_squeeze %dma_start3A_189 : memref<1x128xi32, #tpu.memory_space<vmem>> -> memref<128xi32, #tpu.memory_space<vmem>>
      %dma_start3A_191 = arith.constant 0 : i32
      %dma_start3A_192 = arith.constant 0 : i32
      %dma_start3A_193 = tpu.memref_slice %arg2[%dma_start3A_191, %dma_start3A_192] : memref<51200x128xf32, #tpu.memory_space<hbm>> -> memref<51200x128xf32, #tpu.memory_space<hbm>>
      tpu.enqueue_indirect_dma source(%dma_start3A_193 : memref<51200x128xf32, #tpu.memory_space<hbm>>) target(%arg9 : memref<128x128xf32, #tpu.memory_space<vmem>>) offsets(%dma_start3A_190 : memref<128xi32, #tpu.memory_space<vmem>>) semaphore(%arg12 : memref<!tpu.dma_semaphore, #tpu.memory_space<semaphore_mem>>)
      %dma_wait3A_194 = arith.constant 0 : i32
      %dma_wait3A_195 = arith.constant 0 : i32
      %dma_wait3A_196 = tpu.memref_slice %arg2[%dma_wait3A_194, %dma_wait3A_195] : memref<51200x128xf32, #tpu.memory_space<hbm>> -> memref<128x128xf32, #tpu.memory_space<hbm>>
      %dma_wait3A_197 = arith.constant 0 : i32
      %dma_wait3A_198 = arith.constant 0 : i32
      %dma_wait3A_199 = tpu.memref_slice %arg2[%dma_wait3A_197, %dma_wait3A_198] : memref<51200x128xf32, #tpu.memory_space<hbm>> -> memref<128x128xf32, #tpu.memory_space<hbm>>
      tpu.wait_dma2 semaphore(%arg11 : memref<!tpu.dma_semaphore, #tpu.memory_space<semaphore_mem>>) src(%dma_wait3A_199 : memref<128x128xf32, #tpu.memory_space<hbm>>) dst(%arg8 : memref<128x128xf32, #tpu.memory_space<vmem>>)
      "tpu.region"() ({
        %run_scoped3A = tpu.sem_alloc : memref<!tpu.dma_semaphore, #tpu.memory_space<semaphore_mem>>
        %dma_start3A_216 = arith.constant 0 : i32
        %dma_start3A_217 = tpu.memref_slice %arg7[%mul3A_185, %dma_start3A_216] : memref<48x128xi32, #tpu.memory_space<vmem>> -> memref<1x128xi32, #tpu.memory_space<vmem>>
        %dma_start3A_218 = tpu.memref_squeeze %dma_start3A_217 : memref<1x128xi32, #tpu.memory_space<vmem>> -> memref<128xi32, #tpu.memory_space<vmem>>
        %dma_start3A_219 = arith.constant 0 : i32
        %dma_start3A_220 = arith.constant 0 : i32
        %dma_start3A_221 = tpu.memref_slice %arg10[%dma_start3A_219, %dma_start3A_220] : memref<10240x128xf32, #tpu.memory_space<vmem_shared>> -> memref<10240x128xf32, #tpu.memory_space<vmem_shared>>
        tpu.enqueue_indirect_dma source(%arg8 : memref<128x128xf32, #tpu.memory_space<vmem>>) target(%dma_start3A_221 : memref<10240x128xf32, #tpu.memory_space<vmem_shared>>) offsets(%dma_start3A_218 : memref<128xi32, #tpu.memory_space<vmem>>) semaphore(%run_scoped3A : memref<!tpu.dma_semaphore, #tpu.memory_space<semaphore_mem>>) {add = true}
        %dma_wait3A_222 = arith.constant 0 : i32
        %dma_wait3A_223 = tpu.memref_slice %arg7[%mul3A_185, %dma_wait3A_222] : memref<48x128xi32, #tpu.memory_space<vmem>> -> memref<1x128xi32, #tpu.memory_space<vmem>>
        %dma_wait3A_224 = tpu.memref_squeeze %dma_wait3A_223 : memref<1x128xi32, #tpu.memory_space<vmem>> -> memref<128xi32, #tpu.memory_space<vmem>>
        %dma_wait3A_225 = arith.constant 0 : i32
        %dma_wait3A_226 = arith.constant 0 : i32
        %dma_wait3A_227 = tpu.memref_slice %arg10[%dma_wait3A_225, %dma_wait3A_226] : memref<10240x128xf32, #tpu.memory_space<vmem_shared>> -> memref<10240x128xf32, #tpu.memory_space<vmem_shared>>
        tpu.wait_indirect_dma semaphore(%run_scoped3A : memref<!tpu.dma_semaphore, #tpu.memory_space<semaphore_mem>>) src(%arg8 : memref<128x128xf32, #tpu.memory_space<vmem>>) dst(%dma_wait3A_227 : memref<10240x128xf32, #tpu.memory_space<vmem_shared>>)
        tpu.yield
      }) : () -> ()
      %add3A_200 = arith.constant 2 : i32
      %add3A_201 = arith.addi %mul3A_185, %add3A_200 : i32
      %dma_start3A_202 = arith.constant 0 : i32
      %dma_start3A_203 = tpu.memref_slice %arg6[%add3A_201, %dma_start3A_202] : memref<48x128xi32, #tpu.memory_space<vmem>> -> memref<1x128xi32, #tpu.memory_space<vmem>>
      %dma_start3A_204 = tpu.memref_squeeze %dma_start3A_203 : memref<1x128xi32, #tpu.memory_space<vmem>> -> memref<128xi32, #tpu.memory_space<vmem>>
      %dma_start3A_205 = arith.constant 0 : i32
      %dma_start3A_206 = arith.constant 0 : i32
      %dma_start3A_207 = tpu.memref_slice %arg2[%dma_start3A_205, %dma_start3A_206] : memref<51200x128xf32, #tpu.memory_space<hbm>> -> memref<51200x128xf32, #tpu.memory_space<hbm>>
      tpu.enqueue_indirect_dma source(%dma_start3A_207 : memref<51200x128xf32, #tpu.memory_space<hbm>>) target(%arg8 : memref<128x128xf32, #tpu.memory_space<vmem>>) offsets(%dma_start3A_204 : memref<128xi32, #tpu.memory_space<vmem>>) semaphore(%arg11 : memref<!tpu.dma_semaphore, #tpu.memory_space<semaphore_mem>>)
      %dma_wait3A_208 = arith.constant 0 : i32
      %dma_wait3A_209 = arith.constant 0 : i32
      %dma_wait3A_210 = tpu.memref_slice %arg2[%dma_wait3A_208, %dma_wait3A_209] : memref<51200x128xf32, #tpu.memory_space<hbm>> -> memref<128x128xf32, #tpu.memory_space<hbm>>
      %dma_wait3A_211 = arith.constant 0 : i32
      %dma_wait3A_212 = arith.constant 0 : i32
      %dma_wait3A_213 = tpu.memref_slice %arg2[%dma_wait3A_211, %dma_wait3A_212] : memref<51200x128xf32, #tpu.memory_space<hbm>> -> memref<128x128xf32, #tpu.memory_space<hbm>>
      tpu.wait_dma2 semaphore(%arg12 : memref<!tpu.dma_semaphore, #tpu.memory_space<semaphore_mem>>) src(%dma_wait3A_213 : memref<128x128xf32, #tpu.memory_space<hbm>>) dst(%arg9 : memref<128x128xf32, #tpu.memory_space<vmem>>)
      %add3A_214 = arith.constant 1 : i32
      %add3A_215 = arith.addi %mul3A_185, %add3A_214 : i32
      "tpu.region"() ({
        %run_scoped3A = tpu.sem_alloc : memref<!tpu.dma_semaphore, #tpu.memory_space<semaphore_mem>>
        %dma_start3A_216 = arith.constant 0 : i32
        %dma_start3A_217 = tpu.memref_slice %arg7[%add3A_215, %dma_start3A_216] : memref<48x128xi32, #tpu.memory_space<vmem>> -> memref<1x128xi32, #tpu.memory_space<vmem>>
        %dma_start3A_218 = tpu.memref_squeeze %dma_start3A_217 : memref<1x128xi32, #tpu.memory_space<vmem>> -> memref<128xi32, #tpu.memory_space<vmem>>
        %dma_start3A_219 = arith.constant 0 : i32
        %dma_start3A_220 = arith.constant 0 : i32
        %dma_start3A_221 = tpu.memref_slice %arg10[%dma_start3A_219, %dma_start3A_220] : memref<10240x128xf32, #tpu.memory_space<vmem_shared>> -> memref<10240x128xf32, #tpu.memory_space<vmem_shared>>
        tpu.enqueue_indirect_dma source(%arg9 : memref<128x128xf32, #tpu.memory_space<vmem>>) target(%dma_start3A_221 : memref<10240x128xf32, #tpu.memory_space<vmem_shared>>) offsets(%dma_start3A_218 : memref<128xi32, #tpu.memory_space<vmem>>) semaphore(%run_scoped3A : memref<!tpu.dma_semaphore, #tpu.memory_space<semaphore_mem>>) {add = true}
        %dma_wait3A_222 = arith.constant 0 : i32
        %dma_wait3A_223 = tpu.memref_slice %arg7[%add3A_215, %dma_wait3A_222] : memref<48x128xi32, #tpu.memory_space<vmem>> -> memref<1x128xi32, #tpu.memory_space<vmem>>
        %dma_wait3A_224 = tpu.memref_squeeze %dma_wait3A_223 : memref<1x128xi32, #tpu.memory_space<vmem>> -> memref<128xi32, #tpu.memory_space<vmem>>
        %dma_wait3A_225 = arith.constant 0 : i32
        %dma_wait3A_226 = arith.constant 0 : i32
        %dma_wait3A_227 = tpu.memref_slice %arg10[%dma_wait3A_225, %dma_wait3A_226] : memref<10240x128xf32, #tpu.memory_space<vmem_shared>> -> memref<10240x128xf32, #tpu.memory_space<vmem_shared>>
        tpu.wait_indirect_dma semaphore(%run_scoped3A : memref<!tpu.dma_semaphore, #tpu.memory_space<semaphore_mem>>) src(%arg9 : memref<128x128xf32, #tpu.memory_space<vmem>>) dst(%dma_wait3A_227 : memref<10240x128xf32, #tpu.memory_space<vmem_shared>>)
        tpu.yield
      }) : () -> ()
    }
    %scan3A_70 = arith.constant 20 : i32
    %dma_wait3A_71 = arith.constant 0 : i32
    %dma_wait3A_72 = arith.constant 0 : i32
    %dma_wait3A_73 = tpu.memref_slice %arg2[%dma_wait3A_71, %dma_wait3A_72] : memref<51200x128xf32, #tpu.memory_space<hbm>> -> memref<128x128xf32, #tpu.memory_space<hbm>>
    %dma_wait3A_74 = arith.constant 0 : i32
    %dma_wait3A_75 = arith.constant 0 : i32
    %dma_wait3A_76 = tpu.memref_slice %arg2[%dma_wait3A_74, %dma_wait3A_75] : memref<51200x128xf32, #tpu.memory_space<hbm>> -> memref<128x128xf32, #tpu.memory_space<hbm>>
    tpu.wait_dma2 semaphore(%arg11 : memref<!tpu.dma_semaphore, #tpu.memory_space<semaphore_mem>>) src(%dma_wait3A_76 : memref<128x128xf32, #tpu.memory_space<hbm>>) dst(%arg8 : memref<128x128xf32, #tpu.memory_space<vmem>>)
    %barrier3A_77 = arith.constant 0 : index
    tpu.barrier barrier_id(%barrier3A_77)
    %mul3A_78 = arith.constant 4 : i32
    %mul3A_79 = arith.muli %arg0, %mul3A_78 : i32
    %add3A_80 = arith.constant 1 : i32
    %add3A_81 = arith.addi %mul3A_79, %add3A_80 : i32
    %mul3A_82 = arith.constant 10240 : i32
    %mul3A_83 = arith.muli %add3A_81, %mul3A_82 : i32
    %mul3A_84 = arith.constant 640 : i32
    %mul3A_85 = arith.muli %arg1, %mul3A_84 : i32
    %add3A_86 = arith.addi %mul3A_83, %mul3A_85 : i32
    %mul3A_87 = arith.constant 640 : i32
    %mul3A_88 = arith.muli %arg1, %mul3A_87 : i32
    "tpu.region"() ({
      %run_scoped3A = tpu.sem_alloc : memref<!tpu.dma_semaphore, #tpu.memory_space<semaphore_mem>>
      %dma_start3A_183 = arith.constant 0 : i32
      %dma_start3A_184 = tpu.memref_slice %arg5[%add3A_86, %dma_start3A_183] : memref<81920x128xf32, #tpu.memory_space<hbm>> -> memref<640x128xf32, #tpu.memory_space<hbm>>
      %dma_start3A_185 = arith.constant 0 : i32
      %dma_start3A_186 = tpu.memref_slice %arg10[%mul3A_88, %dma_start3A_185] : memref<10240x128xf32, #tpu.memory_space<vmem_shared>> -> memref<640x128xf32, #tpu.memory_space<vmem_shared>>
      tpu.enqueue_dma source(%dma_start3A_186 : memref<640x128xf32, #tpu.memory_space<vmem_shared>>) target(%dma_start3A_184 : memref<640x128xf32, #tpu.memory_space<hbm>>) target_semaphore(%run_scoped3A : memref<!tpu.dma_semaphore, #tpu.memory_space<semaphore_mem>>)
      %dma_wait3A_187 = arith.constant 0 : i32
      %dma_wait3A_188 = tpu.memref_slice %arg5[%add3A_86, %dma_wait3A_187] : memref<81920x128xf32, #tpu.memory_space<hbm>> -> memref<640x128xf32, #tpu.memory_space<hbm>>
      %dma_wait3A_189 = arith.constant 0 : i32
      %dma_wait3A_190 = tpu.memref_slice %arg10[%mul3A_88, %dma_wait3A_189] : memref<10240x128xf32, #tpu.memory_space<vmem_shared>> -> memref<640x128xf32, #tpu.memory_space<vmem_shared>>
      tpu.wait_dma2 semaphore(%run_scoped3A : memref<!tpu.dma_semaphore, #tpu.memory_space<semaphore_mem>>) src(%dma_wait3A_190 : memref<640x128xf32, #tpu.memory_space<vmem_shared>>) dst(%dma_wait3A_188 : memref<640x128xf32, #tpu.memory_space<hbm>>)
      tpu.yield
    }) : () -> ()
    %barrier3A_89 = arith.constant 0 : index
    tpu.barrier barrier_id(%barrier3A_89)
    %add3A_90 = arith.constant 64 : i32
    %add3A_91 = arith.addi %add3A_90, %add3A : i32
    %mul3A_92 = arith.constant 48 : i32
    %mul3A_93 = arith.muli %add3A_91, %mul3A_92 : i32
    "tpu.region"() ({
      %run_scoped3A = tpu.sem_alloc : memref<!tpu.dma_semaphore, #tpu.memory_space<semaphore_mem>>
      %dma_start3A_183 = arith.constant 0 : i32
      %dma_start3A_184 = tpu.memref_slice %arg3[%mul3A_93, %dma_start3A_183] : memref<6144x128xi32, #tpu.memory_space<hbm>> -> memref<48x128xi32, #tpu.memory_space<hbm>>
      %dma_start3A_185 = arith.constant 0 : i32
      %dma_start3A_186 = tpu.memref_slice %arg3[%mul3A_93, %dma_start3A_185] : memref<6144x128xi32, #tpu.memory_space<hbm>> -> memref<48x128xi32, #tpu.memory_space<hbm>>
      tpu.enqueue_dma source(%dma_start3A_186 : memref<48x128xi32, #tpu.memory_space<hbm>>) target(%arg6 : memref<48x128xi32, #tpu.memory_space<vmem>>) target_semaphore(%run_scoped3A : memref<!tpu.dma_semaphore, #tpu.memory_space<semaphore_mem>>)
      %dma_wait3A_187 = arith.constant 0 : i32
      %dma_wait3A_188 = tpu.memref_slice %arg3[%mul3A_93, %dma_wait3A_187] : memref<6144x128xi32, #tpu.memory_space<hbm>> -> memref<48x128xi32, #tpu.memory_space<hbm>>
      %dma_wait3A_189 = arith.constant 0 : i32
      %dma_wait3A_190 = tpu.memref_slice %arg3[%mul3A_93, %dma_wait3A_189] : memref<6144x128xi32, #tpu.memory_space<hbm>> -> memref<48x128xi32, #tpu.memory_space<hbm>>
      tpu.wait_dma2 semaphore(%run_scoped3A : memref<!tpu.dma_semaphore, #tpu.memory_space<semaphore_mem>>) src(%dma_wait3A_190 : memref<48x128xi32, #tpu.memory_space<hbm>>) dst(%arg6 : memref<48x128xi32, #tpu.memory_space<vmem>>)
      tpu.yield
    }) : () -> ()
    %eq3A_94 = arith.constant 0 : i32
    %eq3A_95 = arith.cmpi eq, %arg0, %eq3A_94 : i32
    %jit3A_96 = arith.constant 20480 : i32
    %jit3A_97 = arith.constant 40960 : i32
    %select_n3A_98 = arith.select %eq3A_95, %jit3A_96, %jit3A_97 : i32
    %mul3A_99 = arith.constant 640 : i32
    %mul3A_100 = arith.muli %arg1, %mul3A_99 : i32
    %add3A_101 = arith.addi %select_n3A_98, %mul3A_100 : i32
    %mul3A_102 = arith.constant 640 : i32
    %mul3A_103 = arith.muli %arg1, %mul3A_102 : i32
    "tpu.region"() ({
      %run_scoped3A = tpu.sem_alloc : memref<!tpu.dma_semaphore, #tpu.memory_space<semaphore_mem>>
      %dma_start3A_183 = arith.constant 0 : i32
      %dma_start3A_184 = tpu.memref_slice %arg10[%mul3A_103, %dma_start3A_183] : memref<10240x128xf32, #tpu.memory_space<vmem_shared>> -> memref<640x128xf32, #tpu.memory_space<vmem_shared>>
      %dma_start3A_185 = arith.constant 0 : i32
      %dma_start3A_186 = tpu.memref_slice %arg2[%add3A_101, %dma_start3A_185] : memref<51200x128xf32, #tpu.memory_space<hbm>> -> memref<640x128xf32, #tpu.memory_space<hbm>>
      tpu.enqueue_dma source(%dma_start3A_186 : memref<640x128xf32, #tpu.memory_space<hbm>>) target(%dma_start3A_184 : memref<640x128xf32, #tpu.memory_space<vmem_shared>>) target_semaphore(%run_scoped3A : memref<!tpu.dma_semaphore, #tpu.memory_space<semaphore_mem>>)
      %dma_wait3A_187 = arith.constant 0 : i32
      %dma_wait3A_188 = tpu.memref_slice %arg10[%mul3A_103, %dma_wait3A_187] : memref<10240x128xf32, #tpu.memory_space<vmem_shared>> -> memref<640x128xf32, #tpu.memory_space<vmem_shared>>
      %dma_wait3A_189 = arith.constant 0 : i32
      %dma_wait3A_190 = tpu.memref_slice %arg2[%add3A_101, %dma_wait3A_189] : memref<51200x128xf32, #tpu.memory_space<hbm>> -> memref<640x128xf32, #tpu.memory_space<hbm>>
      tpu.wait_dma2 semaphore(%run_scoped3A : memref<!tpu.dma_semaphore, #tpu.memory_space<semaphore_mem>>) src(%dma_wait3A_190 : memref<640x128xf32, #tpu.memory_space<hbm>>) dst(%dma_wait3A_188 : memref<640x128xf32, #tpu.memory_space<vmem_shared>>)
      tpu.yield
    }) : () -> ()
    %barrier3A_104 = arith.constant 0 : index
    tpu.barrier barrier_id(%barrier3A_104)
    %dma_start3A_105 = arith.constant 0 : i32
    %dma_start3A_106 = arith.constant 0 : i32
    %dma_start3A_107 = tpu.memref_slice %arg6[%dma_start3A_105, %dma_start3A_106] : memref<48x128xi32, #tpu.memory_space<vmem>> -> memref<1x128xi32, #tpu.memory_space<vmem>>
    %dma_start3A_108 = tpu.memref_squeeze %dma_start3A_107 : memref<1x128xi32, #tpu.memory_space<vmem>> -> memref<128xi32, #tpu.memory_space<vmem>>
    %dma_start3A_109 = arith.constant 0 : i32
    %dma_start3A_110 = arith.constant 0 : i32
    %dma_start3A_111 = tpu.memref_slice %arg2[%dma_start3A_109, %dma_start3A_110] : memref<51200x128xf32, #tpu.memory_space<hbm>> -> memref<51200x128xf32, #tpu.memory_space<hbm>>
    tpu.enqueue_indirect_dma source(%dma_start3A_111 : memref<51200x128xf32, #tpu.memory_space<hbm>>) target(%arg8 : memref<128x128xf32, #tpu.memory_space<vmem>>) offsets(%dma_start3A_108 : memref<128xi32, #tpu.memory_space<vmem>>) semaphore(%arg11 : memref<!tpu.dma_semaphore, #tpu.memory_space<semaphore_mem>>)
    %scan3A_112 = arith.constant 0 : i32
    %scan3A_113 = arith.constant 0 : i32
    %scan3A_114 = arith.constant 20 : i32
    %scan3A_115 = arith.addi %scan3A_113, %scan3A_114 : i32
    %scan3A_116 = arith.constant 1 : i32
    scf.for %scan3A_183 = %scan3A_113 to %scan3A_115 step %scan3A_116  : i32 {
      %mul3A_184 = arith.constant 2 : i32
      %mul3A_185 = arith.muli %mul3A_184, %scan3A_183 : i32
      %add3A_186 = arith.constant 1 : i32
      %add3A_187 = arith.addi %mul3A_185, %add3A_186 : i32
      %dma_start3A_188 = arith.constant 0 : i32
      %dma_start3A_189 = tpu.memref_slice %arg6[%add3A_187, %dma_start3A_188] : memref<48x128xi32, #tpu.memory_space<vmem>> -> memref<1x128xi32, #tpu.memory_space<vmem>>
      %dma_start3A_190 = tpu.memref_squeeze %dma_start3A_189 : memref<1x128xi32, #tpu.memory_space<vmem>> -> memref<128xi32, #tpu.memory_space<vmem>>
      %dma_start3A_191 = arith.constant 0 : i32
      %dma_start3A_192 = arith.constant 0 : i32
      %dma_start3A_193 = tpu.memref_slice %arg2[%dma_start3A_191, %dma_start3A_192] : memref<51200x128xf32, #tpu.memory_space<hbm>> -> memref<51200x128xf32, #tpu.memory_space<hbm>>
      tpu.enqueue_indirect_dma source(%dma_start3A_193 : memref<51200x128xf32, #tpu.memory_space<hbm>>) target(%arg9 : memref<128x128xf32, #tpu.memory_space<vmem>>) offsets(%dma_start3A_190 : memref<128xi32, #tpu.memory_space<vmem>>) semaphore(%arg12 : memref<!tpu.dma_semaphore, #tpu.memory_space<semaphore_mem>>)
      %dma_wait3A_194 = arith.constant 0 : i32
      %dma_wait3A_195 = arith.constant 0 : i32
      %dma_wait3A_196 = tpu.memref_slice %arg2[%dma_wait3A_194, %dma_wait3A_195] : memref<51200x128xf32, #tpu.memory_space<hbm>> -> memref<128x128xf32, #tpu.memory_space<hbm>>
      %dma_wait3A_197 = arith.constant 0 : i32
      %dma_wait3A_198 = arith.constant 0 : i32
      %dma_wait3A_199 = tpu.memref_slice %arg2[%dma_wait3A_197, %dma_wait3A_198] : memref<51200x128xf32, #tpu.memory_space<hbm>> -> memref<128x128xf32, #tpu.memory_space<hbm>>
      tpu.wait_dma2 semaphore(%arg11 : memref<!tpu.dma_semaphore, #tpu.memory_space<semaphore_mem>>) src(%dma_wait3A_199 : memref<128x128xf32, #tpu.memory_space<hbm>>) dst(%arg8 : memref<128x128xf32, #tpu.memory_space<vmem>>)
      "tpu.region"() ({
        %run_scoped3A = tpu.sem_alloc : memref<!tpu.dma_semaphore, #tpu.memory_space<semaphore_mem>>
        %dma_start3A_216 = arith.constant 0 : i32
        %dma_start3A_217 = tpu.memref_slice %arg7[%mul3A_185, %dma_start3A_216] : memref<48x128xi32, #tpu.memory_space<vmem>> -> memref<1x128xi32, #tpu.memory_space<vmem>>
        %dma_start3A_218 = tpu.memref_squeeze %dma_start3A_217 : memref<1x128xi32, #tpu.memory_space<vmem>> -> memref<128xi32, #tpu.memory_space<vmem>>
        %dma_start3A_219 = arith.constant 0 : i32
        %dma_start3A_220 = arith.constant 0 : i32
        %dma_start3A_221 = tpu.memref_slice %arg10[%dma_start3A_219, %dma_start3A_220] : memref<10240x128xf32, #tpu.memory_space<vmem_shared>> -> memref<10240x128xf32, #tpu.memory_space<vmem_shared>>
        tpu.enqueue_indirect_dma source(%arg8 : memref<128x128xf32, #tpu.memory_space<vmem>>) target(%dma_start3A_221 : memref<10240x128xf32, #tpu.memory_space<vmem_shared>>) offsets(%dma_start3A_218 : memref<128xi32, #tpu.memory_space<vmem>>) semaphore(%run_scoped3A : memref<!tpu.dma_semaphore, #tpu.memory_space<semaphore_mem>>) {add = true}
        %dma_wait3A_222 = arith.constant 0 : i32
        %dma_wait3A_223 = tpu.memref_slice %arg7[%mul3A_185, %dma_wait3A_222] : memref<48x128xi32, #tpu.memory_space<vmem>> -> memref<1x128xi32, #tpu.memory_space<vmem>>
        %dma_wait3A_224 = tpu.memref_squeeze %dma_wait3A_223 : memref<1x128xi32, #tpu.memory_space<vmem>> -> memref<128xi32, #tpu.memory_space<vmem>>
        %dma_wait3A_225 = arith.constant 0 : i32
        %dma_wait3A_226 = arith.constant 0 : i32
        %dma_wait3A_227 = tpu.memref_slice %arg10[%dma_wait3A_225, %dma_wait3A_226] : memref<10240x128xf32, #tpu.memory_space<vmem_shared>> -> memref<10240x128xf32, #tpu.memory_space<vmem_shared>>
        tpu.wait_indirect_dma semaphore(%run_scoped3A : memref<!tpu.dma_semaphore, #tpu.memory_space<semaphore_mem>>) src(%arg8 : memref<128x128xf32, #tpu.memory_space<vmem>>) dst(%dma_wait3A_227 : memref<10240x128xf32, #tpu.memory_space<vmem_shared>>)
        tpu.yield
      }) : () -> ()
      %add3A_200 = arith.constant 2 : i32
      %add3A_201 = arith.addi %mul3A_185, %add3A_200 : i32
      %dma_start3A_202 = arith.constant 0 : i32
      %dma_start3A_203 = tpu.memref_slice %arg6[%add3A_201, %dma_start3A_202] : memref<48x128xi32, #tpu.memory_space<vmem>> -> memref<1x128xi32, #tpu.memory_space<vmem>>
      %dma_start3A_204 = tpu.memref_squeeze %dma_start3A_203 : memref<1x128xi32, #tpu.memory_space<vmem>> -> memref<128xi32, #tpu.memory_space<vmem>>
      %dma_start3A_205 = arith.constant 0 : i32
      %dma_start3A_206 = arith.constant 0 : i32
      %dma_start3A_207 = tpu.memref_slice %arg2[%dma_start3A_205, %dma_start3A_206] : memref<51200x128xf32, #tpu.memory_space<hbm>> -> memref<51200x128xf32, #tpu.memory_space<hbm>>
      tpu.enqueue_indirect_dma source(%dma_start3A_207 : memref<51200x128xf32, #tpu.memory_space<hbm>>) target(%arg8 : memref<128x128xf32, #tpu.memory_space<vmem>>) offsets(%dma_start3A_204 : memref<128xi32, #tpu.memory_space<vmem>>) semaphore(%arg11 : memref<!tpu.dma_semaphore, #tpu.memory_space<semaphore_mem>>)
      %dma_wait3A_208 = arith.constant 0 : i32
      %dma_wait3A_209 = arith.constant 0 : i32
      %dma_wait3A_210 = tpu.memref_slice %arg2[%dma_wait3A_208, %dma_wait3A_209] : memref<51200x128xf32, #tpu.memory_space<hbm>> -> memref<128x128xf32, #tpu.memory_space<hbm>>
      %dma_wait3A_211 = arith.constant 0 : i32
      %dma_wait3A_212 = arith.constant 0 : i32
      %dma_wait3A_213 = tpu.memref_slice %arg2[%dma_wait3A_211, %dma_wait3A_212] : memref<51200x128xf32, #tpu.memory_space<hbm>> -> memref<128x128xf32, #tpu.memory_space<hbm>>
      tpu.wait_dma2 semaphore(%arg12 : memref<!tpu.dma_semaphore, #tpu.memory_space<semaphore_mem>>) src(%dma_wait3A_213 : memref<128x128xf32, #tpu.memory_space<hbm>>) dst(%arg9 : memref<128x128xf32, #tpu.memory_space<vmem>>)
      %add3A_214 = arith.constant 1 : i32
      %add3A_215 = arith.addi %mul3A_185, %add3A_214 : i32
      "tpu.region"() ({
        %run_scoped3A = tpu.sem_alloc : memref<!tpu.dma_semaphore, #tpu.memory_space<semaphore_mem>>
        %dma_start3A_216 = arith.constant 0 : i32
        %dma_start3A_217 = tpu.memref_slice %arg7[%add3A_215, %dma_start3A_216] : memref<48x128xi32, #tpu.memory_space<vmem>> -> memref<1x128xi32, #tpu.memory_space<vmem>>
        %dma_start3A_218 = tpu.memref_squeeze %dma_start3A_217 : memref<1x128xi32, #tpu.memory_space<vmem>> -> memref<128xi32, #tpu.memory_space<vmem>>
        %dma_start3A_219 = arith.constant 0 : i32
        %dma_start3A_220 = arith.constant 0 : i32
        %dma_start3A_221 = tpu.memref_slice %arg10[%dma_start3A_219, %dma_start3A_220] : memref<10240x128xf32, #tpu.memory_space<vmem_shared>> -> memref<10240x128xf32, #tpu.memory_space<vmem_shared>>
        tpu.enqueue_indirect_dma source(%arg9 : memref<128x128xf32, #tpu.memory_space<vmem>>) target(%dma_start3A_221 : memref<10240x128xf32, #tpu.memory_space<vmem_shared>>) offsets(%dma_start3A_218 : memref<128xi32, #tpu.memory_space<vmem>>) semaphore(%run_scoped3A : memref<!tpu.dma_semaphore, #tpu.memory_space<semaphore_mem>>) {add = true}
        %dma_wait3A_222 = arith.constant 0 : i32
        %dma_wait3A_223 = tpu.memref_slice %arg7[%add3A_215, %dma_wait3A_222] : memref<48x128xi32, #tpu.memory_space<vmem>> -> memref<1x128xi32, #tpu.memory_space<vmem>>
        %dma_wait3A_224 = tpu.memref_squeeze %dma_wait3A_223 : memref<1x128xi32, #tpu.memory_space<vmem>> -> memref<128xi32, #tpu.memory_space<vmem>>
        %dma_wait3A_225 = arith.constant 0 : i32
        %dma_wait3A_226 = arith.constant 0 : i32
        %dma_wait3A_227 = tpu.memref_slice %arg10[%dma_wait3A_225, %dma_wait3A_226] : memref<10240x128xf32, #tpu.memory_space<vmem_shared>> -> memref<10240x128xf32, #tpu.memory_space<vmem_shared>>
        tpu.wait_indirect_dma semaphore(%run_scoped3A : memref<!tpu.dma_semaphore, #tpu.memory_space<semaphore_mem>>) src(%arg9 : memref<128x128xf32, #tpu.memory_space<vmem>>) dst(%dma_wait3A_227 : memref<10240x128xf32, #tpu.memory_space<vmem_shared>>)
        tpu.yield
      }) : () -> ()
    }
    %scan3A_117 = arith.constant 20 : i32
    %dma_wait3A_118 = arith.constant 0 : i32
    %dma_wait3A_119 = arith.constant 0 : i32
    %dma_wait3A_120 = tpu.memref_slice %arg2[%dma_wait3A_118, %dma_wait3A_119] : memref<51200x128xf32, #tpu.memory_space<hbm>> -> memref<128x128xf32, #tpu.memory_space<hbm>>
    %dma_wait3A_121 = arith.constant 0 : i32
    %dma_wait3A_122 = arith.constant 0 : i32
    %dma_wait3A_123 = tpu.memref_slice %arg2[%dma_wait3A_121, %dma_wait3A_122] : memref<51200x128xf32, #tpu.memory_space<hbm>> -> memref<128x128xf32, #tpu.memory_space<hbm>>
    tpu.wait_dma2 semaphore(%arg11 : memref<!tpu.dma_semaphore, #tpu.memory_space<semaphore_mem>>) src(%dma_wait3A_123 : memref<128x128xf32, #tpu.memory_space<hbm>>) dst(%arg8 : memref<128x128xf32, #tpu.memory_space<vmem>>)
    %barrier3A_124 = arith.constant 0 : index
    tpu.barrier barrier_id(%barrier3A_124)
    %mul3A_125 = arith.constant 4 : i32
    %mul3A_126 = arith.muli %arg0, %mul3A_125 : i32
    %add3A_127 = arith.constant 2 : i32
    %add3A_128 = arith.addi %mul3A_126, %add3A_127 : i32
    %mul3A_129 = arith.constant 10240 : i32
    %mul3A_130 = arith.muli %add3A_128, %mul3A_129 : i32
    %mul3A_131 = arith.constant 640 : i32
    %mul3A_132 = arith.muli %arg1, %mul3A_131 : i32
    %add3A_133 = arith.addi %mul3A_130, %mul3A_132 : i32
    %mul3A_134 = arith.constant 640 : i32
    %mul3A_135 = arith.muli %arg1, %mul3A_134 : i32
    "tpu.region"() ({
      %run_scoped3A = tpu.sem_alloc : memref<!tpu.dma_semaphore, #tpu.memory_space<semaphore_mem>>
      %dma_start3A_183 = arith.constant 0 : i32
      %dma_start3A_184 = tpu.memref_slice %arg5[%add3A_133, %dma_start3A_183] : memref<81920x128xf32, #tpu.memory_space<hbm>> -> memref<640x128xf32, #tpu.memory_space<hbm>>
      %dma_start3A_185 = arith.constant 0 : i32
      %dma_start3A_186 = tpu.memref_slice %arg10[%mul3A_135, %dma_start3A_185] : memref<10240x128xf32, #tpu.memory_space<vmem_shared>> -> memref<640x128xf32, #tpu.memory_space<vmem_shared>>
      tpu.enqueue_dma source(%dma_start3A_186 : memref<640x128xf32, #tpu.memory_space<vmem_shared>>) target(%dma_start3A_184 : memref<640x128xf32, #tpu.memory_space<hbm>>) target_semaphore(%run_scoped3A : memref<!tpu.dma_semaphore, #tpu.memory_space<semaphore_mem>>)
      %dma_wait3A_187 = arith.constant 0 : i32
      %dma_wait3A_188 = tpu.memref_slice %arg5[%add3A_133, %dma_wait3A_187] : memref<81920x128xf32, #tpu.memory_space<hbm>> -> memref<640x128xf32, #tpu.memory_space<hbm>>
      %dma_wait3A_189 = arith.constant 0 : i32
      %dma_wait3A_190 = tpu.memref_slice %arg10[%mul3A_135, %dma_wait3A_189] : memref<10240x128xf32, #tpu.memory_space<vmem_shared>> -> memref<640x128xf32, #tpu.memory_space<vmem_shared>>
      tpu.wait_dma2 semaphore(%run_scoped3A : memref<!tpu.dma_semaphore, #tpu.memory_space<semaphore_mem>>) src(%dma_wait3A_190 : memref<640x128xf32, #tpu.memory_space<vmem_shared>>) dst(%dma_wait3A_188 : memref<640x128xf32, #tpu.memory_space<hbm>>)
      tpu.yield
    }) : () -> ()
    %barrier3A_136 = arith.constant 0 : index
    tpu.barrier barrier_id(%barrier3A_136)
    %add3A_137 = arith.constant 96 : i32
    %add3A_138 = arith.addi %add3A_137, %add3A : i32
    %mul3A_139 = arith.constant 48 : i32
    %mul3A_140 = arith.muli %add3A_138, %mul3A_139 : i32
    "tpu.region"() ({
      %run_scoped3A = tpu.sem_alloc : memref<!tpu.dma_semaphore, #tpu.memory_space<semaphore_mem>>
      %dma_start3A_183 = arith.constant 0 : i32
      %dma_start3A_184 = tpu.memref_slice %arg3[%mul3A_140, %dma_start3A_183] : memref<6144x128xi32, #tpu.memory_space<hbm>> -> memref<48x128xi32, #tpu.memory_space<hbm>>
      %dma_start3A_185 = arith.constant 0 : i32
      %dma_start3A_186 = tpu.memref_slice %arg3[%mul3A_140, %dma_start3A_185] : memref<6144x128xi32, #tpu.memory_space<hbm>> -> memref<48x128xi32, #tpu.memory_space<hbm>>
      tpu.enqueue_dma source(%dma_start3A_186 : memref<48x128xi32, #tpu.memory_space<hbm>>) target(%arg6 : memref<48x128xi32, #tpu.memory_space<vmem>>) target_semaphore(%run_scoped3A : memref<!tpu.dma_semaphore, #tpu.memory_space<semaphore_mem>>)
      %dma_wait3A_187 = arith.constant 0 : i32
      %dma_wait3A_188 = tpu.memref_slice %arg3[%mul3A_140, %dma_wait3A_187] : memref<6144x128xi32, #tpu.memory_space<hbm>> -> memref<48x128xi32, #tpu.memory_space<hbm>>
      %dma_wait3A_189 = arith.constant 0 : i32
      %dma_wait3A_190 = tpu.memref_slice %arg3[%mul3A_140, %dma_wait3A_189] : memref<6144x128xi32, #tpu.memory_space<hbm>> -> memref<48x128xi32, #tpu.memory_space<hbm>>
      tpu.wait_dma2 semaphore(%run_scoped3A : memref<!tpu.dma_semaphore, #tpu.memory_space<semaphore_mem>>) src(%dma_wait3A_190 : memref<48x128xi32, #tpu.memory_space<hbm>>) dst(%arg6 : memref<48x128xi32, #tpu.memory_space<vmem>>)
      tpu.yield
    }) : () -> ()
    %eq3A_141 = arith.constant 0 : i32
    %eq3A_142 = arith.cmpi eq, %arg0, %eq3A_141 : i32
    %jit3A_143 = arith.constant 30720 : i32
    %jit3A_144 = arith.constant 40960 : i32
    %select_n3A_145 = arith.select %eq3A_142, %jit3A_143, %jit3A_144 : i32
    %mul3A_146 = arith.constant 640 : i32
    %mul3A_147 = arith.muli %arg1, %mul3A_146 : i32
    %add3A_148 = arith.addi %select_n3A_145, %mul3A_147 : i32
    %mul3A_149 = arith.constant 640 : i32
    %mul3A_150 = arith.muli %arg1, %mul3A_149 : i32
    "tpu.region"() ({
      %run_scoped3A = tpu.sem_alloc : memref<!tpu.dma_semaphore, #tpu.memory_space<semaphore_mem>>
      %dma_start3A_183 = arith.constant 0 : i32
      %dma_start3A_184 = tpu.memref_slice %arg10[%mul3A_150, %dma_start3A_183] : memref<10240x128xf32, #tpu.memory_space<vmem_shared>> -> memref<640x128xf32, #tpu.memory_space<vmem_shared>>
      %dma_start3A_185 = arith.constant 0 : i32
      %dma_start3A_186 = tpu.memref_slice %arg2[%add3A_148, %dma_start3A_185] : memref<51200x128xf32, #tpu.memory_space<hbm>> -> memref<640x128xf32, #tpu.memory_space<hbm>>
      tpu.enqueue_dma source(%dma_start3A_186 : memref<640x128xf32, #tpu.memory_space<hbm>>) target(%dma_start3A_184 : memref<640x128xf32, #tpu.memory_space<vmem_shared>>) target_semaphore(%run_scoped3A : memref<!tpu.dma_semaphore, #tpu.memory_space<semaphore_mem>>)
      %dma_wait3A_187 = arith.constant 0 : i32
      %dma_wait3A_188 = tpu.memref_slice %arg10[%mul3A_150, %dma_wait3A_187] : memref<10240x128xf32, #tpu.memory_space<vmem_shared>> -> memref<640x128xf32, #tpu.memory_space<vmem_shared>>
      %dma_wait3A_189 = arith.constant 0 : i32
      %dma_wait3A_190 = tpu.memref_slice %arg2[%add3A_148, %dma_wait3A_189] : memref<51200x128xf32, #tpu.memory_space<hbm>> -> memref<640x128xf32, #tpu.memory_space<hbm>>
      tpu.wait_dma2 semaphore(%run_scoped3A : memref<!tpu.dma_semaphore, #tpu.memory_space<semaphore_mem>>) src(%dma_wait3A_190 : memref<640x128xf32, #tpu.memory_space<hbm>>) dst(%dma_wait3A_188 : memref<640x128xf32, #tpu.memory_space<vmem_shared>>)
      tpu.yield
    }) : () -> ()
    %barrier3A_151 = arith.constant 0 : index
    tpu.barrier barrier_id(%barrier3A_151)
    %dma_start3A_152 = arith.constant 0 : i32
    %dma_start3A_153 = arith.constant 0 : i32
    %dma_start3A_154 = tpu.memref_slice %arg6[%dma_start3A_152, %dma_start3A_153] : memref<48x128xi32, #tpu.memory_space<vmem>> -> memref<1x128xi32, #tpu.memory_space<vmem>>
    %dma_start3A_155 = tpu.memref_squeeze %dma_start3A_154 : memref<1x128xi32, #tpu.memory_space<vmem>> -> memref<128xi32, #tpu.memory_space<vmem>>
    %dma_start3A_156 = arith.constant 0 : i32
    %dma_start3A_157 = arith.constant 0 : i32
    %dma_start3A_158 = tpu.memref_slice %arg2[%dma_start3A_156, %dma_start3A_157] : memref<51200x128xf32, #tpu.memory_space<hbm>> -> memref<51200x128xf32, #tpu.memory_space<hbm>>
    tpu.enqueue_indirect_dma source(%dma_start3A_158 : memref<51200x128xf32, #tpu.memory_space<hbm>>) target(%arg8 : memref<128x128xf32, #tpu.memory_space<vmem>>) offsets(%dma_start3A_155 : memref<128xi32, #tpu.memory_space<vmem>>) semaphore(%arg11 : memref<!tpu.dma_semaphore, #tpu.memory_space<semaphore_mem>>)
    %scan3A_159 = arith.constant 0 : i32
    %scan3A_160 = arith.constant 0 : i32
    %scan3A_161 = arith.constant 20 : i32
    %scan3A_162 = arith.addi %scan3A_160, %scan3A_161 : i32
    %scan3A_163 = arith.constant 1 : i32
    scf.for %scan3A_183 = %scan3A_160 to %scan3A_162 step %scan3A_163  : i32 {
      %mul3A_184 = arith.constant 2 : i32
      %mul3A_185 = arith.muli %mul3A_184, %scan3A_183 : i32
      %add3A_186 = arith.constant 1 : i32
      %add3A_187 = arith.addi %mul3A_185, %add3A_186 : i32
      %dma_start3A_188 = arith.constant 0 : i32
      %dma_start3A_189 = tpu.memref_slice %arg6[%add3A_187, %dma_start3A_188] : memref<48x128xi32, #tpu.memory_space<vmem>> -> memref<1x128xi32, #tpu.memory_space<vmem>>
      %dma_start3A_190 = tpu.memref_squeeze %dma_start3A_189 : memref<1x128xi32, #tpu.memory_space<vmem>> -> memref<128xi32, #tpu.memory_space<vmem>>
      %dma_start3A_191 = arith.constant 0 : i32
      %dma_start3A_192 = arith.constant 0 : i32
      %dma_start3A_193 = tpu.memref_slice %arg2[%dma_start3A_191, %dma_start3A_192] : memref<51200x128xf32, #tpu.memory_space<hbm>> -> memref<51200x128xf32, #tpu.memory_space<hbm>>
      tpu.enqueue_indirect_dma source(%dma_start3A_193 : memref<51200x128xf32, #tpu.memory_space<hbm>>) target(%arg9 : memref<128x128xf32, #tpu.memory_space<vmem>>) offsets(%dma_start3A_190 : memref<128xi32, #tpu.memory_space<vmem>>) semaphore(%arg12 : memref<!tpu.dma_semaphore, #tpu.memory_space<semaphore_mem>>)
      %dma_wait3A_194 = arith.constant 0 : i32
      %dma_wait3A_195 = arith.constant 0 : i32
      %dma_wait3A_196 = tpu.memref_slice %arg2[%dma_wait3A_194, %dma_wait3A_195] : memref<51200x128xf32, #tpu.memory_space<hbm>> -> memref<128x128xf32, #tpu.memory_space<hbm>>
      %dma_wait3A_197 = arith.constant 0 : i32
      %dma_wait3A_198 = arith.constant 0 : i32
      %dma_wait3A_199 = tpu.memref_slice %arg2[%dma_wait3A_197, %dma_wait3A_198] : memref<51200x128xf32, #tpu.memory_space<hbm>> -> memref<128x128xf32, #tpu.memory_space<hbm>>
      tpu.wait_dma2 semaphore(%arg11 : memref<!tpu.dma_semaphore, #tpu.memory_space<semaphore_mem>>) src(%dma_wait3A_199 : memref<128x128xf32, #tpu.memory_space<hbm>>) dst(%arg8 : memref<128x128xf32, #tpu.memory_space<vmem>>)
      "tpu.region"() ({
        %run_scoped3A = tpu.sem_alloc : memref<!tpu.dma_semaphore, #tpu.memory_space<semaphore_mem>>
        %dma_start3A_216 = arith.constant 0 : i32
        %dma_start3A_217 = tpu.memref_slice %arg7[%mul3A_185, %dma_start3A_216] : memref<48x128xi32, #tpu.memory_space<vmem>> -> memref<1x128xi32, #tpu.memory_space<vmem>>
        %dma_start3A_218 = tpu.memref_squeeze %dma_start3A_217 : memref<1x128xi32, #tpu.memory_space<vmem>> -> memref<128xi32, #tpu.memory_space<vmem>>
        %dma_start3A_219 = arith.constant 0 : i32
        %dma_start3A_220 = arith.constant 0 : i32
        %dma_start3A_221 = tpu.memref_slice %arg10[%dma_start3A_219, %dma_start3A_220] : memref<10240x128xf32, #tpu.memory_space<vmem_shared>> -> memref<10240x128xf32, #tpu.memory_space<vmem_shared>>
        tpu.enqueue_indirect_dma source(%arg8 : memref<128x128xf32, #tpu.memory_space<vmem>>) target(%dma_start3A_221 : memref<10240x128xf32, #tpu.memory_space<vmem_shared>>) offsets(%dma_start3A_218 : memref<128xi32, #tpu.memory_space<vmem>>) semaphore(%run_scoped3A : memref<!tpu.dma_semaphore, #tpu.memory_space<semaphore_mem>>) {add = true}
        %dma_wait3A_222 = arith.constant 0 : i32
        %dma_wait3A_223 = tpu.memref_slice %arg7[%mul3A_185, %dma_wait3A_222] : memref<48x128xi32, #tpu.memory_space<vmem>> -> memref<1x128xi32, #tpu.memory_space<vmem>>
        %dma_wait3A_224 = tpu.memref_squeeze %dma_wait3A_223 : memref<1x128xi32, #tpu.memory_space<vmem>> -> memref<128xi32, #tpu.memory_space<vmem>>
        %dma_wait3A_225 = arith.constant 0 : i32
        %dma_wait3A_226 = arith.constant 0 : i32
        %dma_wait3A_227 = tpu.memref_slice %arg10[%dma_wait3A_225, %dma_wait3A_226] : memref<10240x128xf32, #tpu.memory_space<vmem_shared>> -> memref<10240x128xf32, #tpu.memory_space<vmem_shared>>
        tpu.wait_indirect_dma semaphore(%run_scoped3A : memref<!tpu.dma_semaphore, #tpu.memory_space<semaphore_mem>>) src(%arg8 : memref<128x128xf32, #tpu.memory_space<vmem>>) dst(%dma_wait3A_227 : memref<10240x128xf32, #tpu.memory_space<vmem_shared>>)
        tpu.yield
      }) : () -> ()
      %add3A_200 = arith.constant 2 : i32
      %add3A_201 = arith.addi %mul3A_185, %add3A_200 : i32
      %dma_start3A_202 = arith.constant 0 : i32
      %dma_start3A_203 = tpu.memref_slice %arg6[%add3A_201, %dma_start3A_202] : memref<48x128xi32, #tpu.memory_space<vmem>> -> memref<1x128xi32, #tpu.memory_space<vmem>>
      %dma_start3A_204 = tpu.memref_squeeze %dma_start3A_203 : memref<1x128xi32, #tpu.memory_space<vmem>> -> memref<128xi32, #tpu.memory_space<vmem>>
      %dma_start3A_205 = arith.constant 0 : i32
      %dma_start3A_206 = arith.constant 0 : i32
      %dma_start3A_207 = tpu.memref_slice %arg2[%dma_start3A_205, %dma_start3A_206] : memref<51200x128xf32, #tpu.memory_space<hbm>> -> memref<51200x128xf32, #tpu.memory_space<hbm>>
      tpu.enqueue_indirect_dma source(%dma_start3A_207 : memref<51200x128xf32, #tpu.memory_space<hbm>>) target(%arg8 : memref<128x128xf32, #tpu.memory_space<vmem>>) offsets(%dma_start3A_204 : memref<128xi32, #tpu.memory_space<vmem>>) semaphore(%arg11 : memref<!tpu.dma_semaphore, #tpu.memory_space<semaphore_mem>>)
      %dma_wait3A_208 = arith.constant 0 : i32
      %dma_wait3A_209 = arith.constant 0 : i32
      %dma_wait3A_210 = tpu.memref_slice %arg2[%dma_wait3A_208, %dma_wait3A_209] : memref<51200x128xf32, #tpu.memory_space<hbm>> -> memref<128x128xf32, #tpu.memory_space<hbm>>
      %dma_wait3A_211 = arith.constant 0 : i32
      %dma_wait3A_212 = arith.constant 0 : i32
      %dma_wait3A_213 = tpu.memref_slice %arg2[%dma_wait3A_211, %dma_wait3A_212] : memref<51200x128xf32, #tpu.memory_space<hbm>> -> memref<128x128xf32, #tpu.memory_space<hbm>>
      tpu.wait_dma2 semaphore(%arg12 : memref<!tpu.dma_semaphore, #tpu.memory_space<semaphore_mem>>) src(%dma_wait3A_213 : memref<128x128xf32, #tpu.memory_space<hbm>>) dst(%arg9 : memref<128x128xf32, #tpu.memory_space<vmem>>)
      %add3A_214 = arith.constant 1 : i32
      %add3A_215 = arith.addi %mul3A_185, %add3A_214 : i32
      "tpu.region"() ({
        %run_scoped3A = tpu.sem_alloc : memref<!tpu.dma_semaphore, #tpu.memory_space<semaphore_mem>>
        %dma_start3A_216 = arith.constant 0 : i32
        %dma_start3A_217 = tpu.memref_slice %arg7[%add3A_215, %dma_start3A_216] : memref<48x128xi32, #tpu.memory_space<vmem>> -> memref<1x128xi32, #tpu.memory_space<vmem>>
        %dma_start3A_218 = tpu.memref_squeeze %dma_start3A_217 : memref<1x128xi32, #tpu.memory_space<vmem>> -> memref<128xi32, #tpu.memory_space<vmem>>
        %dma_start3A_219 = arith.constant 0 : i32
        %dma_start3A_220 = arith.constant 0 : i32
        %dma_start3A_221 = tpu.memref_slice %arg10[%dma_start3A_219, %dma_start3A_220] : memref<10240x128xf32, #tpu.memory_space<vmem_shared>> -> memref<10240x128xf32, #tpu.memory_space<vmem_shared>>
        tpu.enqueue_indirect_dma source(%arg9 : memref<128x128xf32, #tpu.memory_space<vmem>>) target(%dma_start3A_221 : memref<10240x128xf32, #tpu.memory_space<vmem_shared>>) offsets(%dma_start3A_218 : memref<128xi32, #tpu.memory_space<vmem>>) semaphore(%run_scoped3A : memref<!tpu.dma_semaphore, #tpu.memory_space<semaphore_mem>>) {add = true}
        %dma_wait3A_222 = arith.constant 0 : i32
        %dma_wait3A_223 = tpu.memref_slice %arg7[%add3A_215, %dma_wait3A_222] : memref<48x128xi32, #tpu.memory_space<vmem>> -> memref<1x128xi32, #tpu.memory_space<vmem>>
        %dma_wait3A_224 = tpu.memref_squeeze %dma_wait3A_223 : memref<1x128xi32, #tpu.memory_space<vmem>> -> memref<128xi32, #tpu.memory_space<vmem>>
        %dma_wait3A_225 = arith.constant 0 : i32
        %dma_wait3A_226 = arith.constant 0 : i32
        %dma_wait3A_227 = tpu.memref_slice %arg10[%dma_wait3A_225, %dma_wait3A_226] : memref<10240x128xf32, #tpu.memory_space<vmem_shared>> -> memref<10240x128xf32, #tpu.memory_space<vmem_shared>>
        tpu.wait_indirect_dma semaphore(%run_scoped3A : memref<!tpu.dma_semaphore, #tpu.memory_space<semaphore_mem>>) src(%arg9 : memref<128x128xf32, #tpu.memory_space<vmem>>) dst(%dma_wait3A_227 : memref<10240x128xf32, #tpu.memory_space<vmem_shared>>)
        tpu.yield
      }) : () -> ()
    }
    %scan3A_164 = arith.constant 20 : i32
    %dma_wait3A_165 = arith.constant 0 : i32
    %dma_wait3A_166 = arith.constant 0 : i32
    %dma_wait3A_167 = tpu.memref_slice %arg2[%dma_wait3A_165, %dma_wait3A_166] : memref<51200x128xf32, #tpu.memory_space<hbm>> -> memref<128x128xf32, #tpu.memory_space<hbm>>
    %dma_wait3A_168 = arith.constant 0 : i32
    %dma_wait3A_169 = arith.constant 0 : i32
    %dma_wait3A_170 = tpu.memref_slice %arg2[%dma_wait3A_168, %dma_wait3A_169] : memref<51200x128xf32, #tpu.memory_space<hbm>> -> memref<128x128xf32, #tpu.memory_space<hbm>>
    tpu.wait_dma2 semaphore(%arg11 : memref<!tpu.dma_semaphore, #tpu.memory_space<semaphore_mem>>) src(%dma_wait3A_170 : memref<128x128xf32, #tpu.memory_space<hbm>>) dst(%arg8 : memref<128x128xf32, #tpu.memory_space<vmem>>)
    %barrier3A_171 = arith.constant 0 : index
    tpu.barrier barrier_id(%barrier3A_171)
    %mul3A_172 = arith.constant 4 : i32
    %mul3A_173 = arith.muli %arg0, %mul3A_172 : i32
    %add3A_174 = arith.constant 3 : i32
    %add3A_175 = arith.addi %mul3A_173, %add3A_174 : i32
    %mul3A_176 = arith.constant 10240 : i32
    %mul3A_177 = arith.muli %add3A_175, %mul3A_176 : i32
    %mul3A_178 = arith.constant 640 : i32
    %mul3A_179 = arith.muli %arg1, %mul3A_178 : i32
    %add3A_180 = arith.addi %mul3A_177, %mul3A_179 : i32
    %mul3A_181 = arith.constant 640 : i32
    %mul3A_182 = arith.muli %arg1, %mul3A_181 : i32
    "tpu.region"() ({
      %run_scoped3A = tpu.sem_alloc : memref<!tpu.dma_semaphore, #tpu.memory_space<semaphore_mem>>
      %dma_start3A_183 = arith.constant 0 : i32
      %dma_start3A_184 = tpu.memref_slice %arg5[%add3A_180, %dma_start3A_183] : memref<81920x128xf32, #tpu.memory_space<hbm>> -> memref<640x128xf32, #tpu.memory_space<hbm>>
      %dma_start3A_185 = arith.constant 0 : i32
      %dma_start3A_186 = tpu.memref_slice %arg10[%mul3A_182, %dma_start3A_185] : memref<10240x128xf32, #tpu.memory_space<vmem_shared>> -> memref<640x128xf32, #tpu.memory_space<vmem_shared>>
      tpu.enqueue_dma source(%dma_start3A_186 : memref<640x128xf32, #tpu.memory_space<vmem_shared>>) target(%dma_start3A_184 : memref<640x128xf32, #tpu.memory_space<hbm>>) target_semaphore(%run_scoped3A : memref<!tpu.dma_semaphore, #tpu.memory_space<semaphore_mem>>)
      %dma_wait3A_187 = arith.constant 0 : i32
      %dma_wait3A_188 = tpu.memref_slice %arg5[%add3A_180, %dma_wait3A_187] : memref<81920x128xf32, #tpu.memory_space<hbm>> -> memref<640x128xf32, #tpu.memory_space<hbm>>
      %dma_wait3A_189 = arith.constant 0 : i32
      %dma_wait3A_190 = tpu.memref_slice %arg10[%mul3A_182, %dma_wait3A_189] : memref<10240x128xf32, #tpu.memory_space<vmem_shared>> -> memref<640x128xf32, #tpu.memory_space<vmem_shared>>
      tpu.wait_dma2 semaphore(%run_scoped3A : memref<!tpu.dma_semaphore, #tpu.memory_space<semaphore_mem>>) src(%dma_wait3A_190 : memref<640x128xf32, #tpu.memory_space<vmem_shared>>) dst(%dma_wait3A_188 : memref<640x128xf32, #tpu.memory_space<hbm>>)
      tpu.yield
    }) : () -> ()
    return
  }
}

module attributes {stable_mosaic.version = 14 : i64} {
  func.func @_prescale_body(%arg0: i32, %arg1: memref<1280x256xf32, #tpu.memory_space<vmem>>, %arg2: memref<2x1280x128xf32, #tpu.memory_space<vmem>>, %arg3: memref<2x1280x128xf32, #tpu.memory_space<vmem>>) attributes {dimension_semantics = [#tpu.dimension_semantics<arbitrary>], iteration_bounds = array<i64: 8>, scalar_prefetch = 0 : i64, scratch_operands = 0 : i64, tpu.core_type = #tpu.core_type<tc>, window_params = [{transform_indices = @transform_0, window_bounds = array<i64: 1280, 256>}, {transform_indices = @transform_1, window_bounds = array<i64: 2, 1280, 128>}, {transform_indices = @transform_2, window_bounds = array<i64: 2, 1280, 128>}]} {
    %get3A = arith.constant 0 : index
    %get3A_0 = arith.constant 0 : index
    %get3A_1 = arith.constant 0 : index
    %get3A_2 = vector.load %arg2[%get3A, %get3A_0, %get3A_1] : memref<2x1280x128xf32, #tpu.memory_space<vmem>>, vector<1x1280x128xf32>
    %get3A_3 = vector.shape_cast %get3A_2 : vector<1x1280x128xf32> to vector<1280x128xf32>
    %slice3A = vector.extract_strided_slice %get3A_3 {offsets = [0, 0], sizes = [1280, 1], strides = [1, 1]} : vector<1280x128xf32> to vector<1280x1xf32>
    %get3A_4 = arith.constant 1 : index
    %get3A_5 = arith.constant 0 : index
    %get3A_6 = arith.constant 0 : index
    %get3A_7 = vector.load %arg2[%get3A_4, %get3A_5, %get3A_6] : memref<2x1280x128xf32, #tpu.memory_space<vmem>>, vector<1x1280x128xf32>
    %get3A_8 = vector.shape_cast %get3A_7 : vector<1x1280x128xf32> to vector<1280x128xf32>
    %slice3A_9 = vector.extract_strided_slice %get3A_8 {offsets = [0, 0], sizes = [1280, 1], strides = [1, 1]} : vector<1280x128xf32> to vector<1280x1xf32>
    %add3A = arith.addf %slice3A, %slice3A_9 : vector<1280x1xf32>
    %rsqrt3A = math.rsqrt %add3A : vector<1280x1xf32>
    %get3A_10 = arith.constant 0 : index
    %get3A_11 = arith.constant 0 : index
    %get3A_12 = vector.load %arg1[%get3A_10, %get3A_11] : memref<1280x256xf32, #tpu.memory_space<vmem>>, vector<1280x256xf32>
    %mul3A = vector.broadcast %rsqrt3A : vector<1280x1xf32> to vector<1280x256xf32>
    %mul3A_13 = arith.mulf %get3A_12, %mul3A : vector<1280x256xf32>
    %slice3A_14 = vector.extract_strided_slice %mul3A_13 {offsets = [0, 0], sizes = [1280, 128], strides = [1, 1]} : vector<1280x256xf32> to vector<1280x128xf32>
    %swap3A = arith.constant 0 : index
    %swap3A_15 = arith.constant 0 : index
    %swap3A_16 = arith.constant 0 : index
    %swap3A_17 = vector.load %arg3[%swap3A, %swap3A_15, %swap3A_16] : memref<2x1280x128xf32, #tpu.memory_space<vmem>>, vector<1x1280x128xf32>
    %swap3A_18 = vector.shape_cast %swap3A_17 : vector<1x1280x128xf32> to vector<1280x128xf32>
    %swap3A_19 = vector.shape_cast %slice3A_14 : vector<1280x128xf32> to vector<1x1280x128xf32>
    tpu.vector_store %arg3[%swap3A, %swap3A_15, %swap3A_16], %swap3A_19 {strides = array<i32>} : memref<2x1280x128xf32, #tpu.memory_space<vmem>>, vector<1x1280x128xf32>,
    %slice3A_20 = vector.extract_strided_slice %mul3A_13 {offsets = [0, 128], sizes = [1280, 128], strides = [1, 1]} : vector<1280x256xf32> to vector<1280x128xf32>
    %swap3A_21 = arith.constant 1 : index
    %swap3A_22 = arith.constant 0 : index
    %swap3A_23 = arith.constant 0 : index
    %swap3A_24 = vector.load %arg3[%swap3A_21, %swap3A_22, %swap3A_23] : memref<2x1280x128xf32, #tpu.memory_space<vmem>>, vector<1x1280x128xf32>
    %swap3A_25 = vector.shape_cast %swap3A_24 : vector<1x1280x128xf32> to vector<1280x128xf32>
    %swap3A_26 = vector.shape_cast %slice3A_20 : vector<1280x128xf32> to vector<1x1280x128xf32>
    tpu.vector_store %arg3[%swap3A_21, %swap3A_22, %swap3A_23], %swap3A_26 {strides = array<i32>} : memref<2x1280x128xf32, #tpu.memory_space<vmem>>, vector<1x1280x128xf32>,
    return
  }
  func.func @transform_0(%arg0: i32) -> (i32, i32) {
    %c0_i32 = arith.constant 0 : i32
    %c0_i32_0 = arith.constant 0 : i32
    return %arg0, %c0_i32 : i32, i32
  }
  func.func @transform_1(%arg0: i32) -> (i32, i32, i32) {
    %c0_i32 = arith.constant 0 : i32
    %c0_i32_0 = arith.constant 0 : i32
    %c0_i32_1 = arith.constant 0 : i32
    return %c0_i32, %arg0, %c0_i32_0 : i32, i32, i32
  }
  func.func @transform_2(%arg0: i32) -> (i32, i32, i32) {
    %c0_i32 = arith.constant 0 : i32
    %c0_i32_0 = arith.constant 0 : i32
    %c0_i32_1 = arith.constant 0 : i32
    return %c0_i32, %arg0, %c0_i32_0 : i32, i32, i32
  }
}

module attributes {stable_mosaic.version = 14 : i64} {
  func.func @body(%arg0: i32, %arg1: memref<4x1280x128xf32, #tpu.memory_space<vmem>>, %arg2: memref<2x1280x128xf32, #tpu.memory_space<vmem>>, %arg3: memref<256x256xf32, #tpu.memory_space<vmem>>, %arg4: memref<1x256xf32, #tpu.memory_space<vmem>>, %arg5: memref<2x1280x128xf32, #tpu.memory_space<vmem>>) attributes {dimension_semantics = [#tpu.dimension_semantics<arbitrary>], iteration_bounds = array<i64: 8>, scalar_prefetch = 0 : i64, scratch_operands = 0 : i64, tpu.core_type = #tpu.core_type<tc>, window_params = [{transform_indices = @transform_0, window_bounds = array<i64: 4, 1280, 128>}, {transform_indices = @transform_1, window_bounds = array<i64: 2, 1280, 128>}, {pipeline_mode = #tpu.pipeline_mode<synchronous>, transform_indices = @transform_2, window_bounds = array<i64: 256, 256>}, {pipeline_mode = #tpu.pipeline_mode<synchronous>, transform_indices = @transform_3, window_bounds = array<i64: 1, 256>}, {transform_indices = @transform_4, window_bounds = array<i64: 2, 1280, 128>}]} {
    %get3A = arith.constant 0 : index
    %get3A_0 = arith.constant 0 : index
    %get3A_1 = arith.constant 0 : index
    %get3A_2 = vector.load %arg2[%get3A, %get3A_0, %get3A_1] : memref<2x1280x128xf32, #tpu.memory_space<vmem>>, vector<1x1280x128xf32>
    %get3A_3 = vector.shape_cast %get3A_2 : vector<1x1280x128xf32> to vector<1280x128xf32>
    %slice3A = vector.extract_strided_slice %get3A_3 {offsets = [0, 0], sizes = [1280, 1], strides = [1, 1]} : vector<1280x128xf32> to vector<1280x1xf32>
    %get3A_4 = arith.constant 1 : index
    %get3A_5 = arith.constant 0 : index
    %get3A_6 = arith.constant 0 : index
    %get3A_7 = vector.load %arg2[%get3A_4, %get3A_5, %get3A_6] : memref<2x1280x128xf32, #tpu.memory_space<vmem>>, vector<1x1280x128xf32>
    %get3A_8 = vector.shape_cast %get3A_7 : vector<1x1280x128xf32> to vector<1280x128xf32>
    %slice3A_9 = vector.extract_strided_slice %get3A_8 {offsets = [0, 0], sizes = [1280, 1], strides = [1, 1]} : vector<1280x128xf32> to vector<1280x1xf32>
    %add3A = arith.addf %slice3A, %slice3A_9 : vector<1280x1xf32>
    %rsqrt3A = math.rsqrt %add3A : vector<1280x1xf32>
    %get3A_10 = arith.constant 0 : index
    %get3A_11 = arith.constant 0 : index
    %get3A_12 = arith.constant 0 : index
    %get3A_13 = vector.load %arg1[%get3A_10, %get3A_11, %get3A_12] : memref<4x1280x128xf32, #tpu.memory_space<vmem>>, vector<1x1280x128xf32>
    %get3A_14 = vector.shape_cast %get3A_13 : vector<1x1280x128xf32> to vector<1280x128xf32>
    %get3A_15 = arith.constant 2 : index
    %get3A_16 = arith.constant 0 : index
    %get3A_17 = arith.constant 0 : index
    %get3A_18 = vector.load %arg1[%get3A_15, %get3A_16, %get3A_17] : memref<4x1280x128xf32, #tpu.memory_space<vmem>>, vector<1x1280x128xf32>
    %get3A_19 = vector.shape_cast %get3A_18 : vector<1x1280x128xf32> to vector<1280x128xf32>
    %add3A_20 = arith.addf %get3A_14, %get3A_19 : vector<1280x128xf32>
    %mul3A = vector.broadcast %rsqrt3A : vector<1280x1xf32> to vector<1280x128xf32>
    %mul3A_21 = arith.mulf %add3A_20, %mul3A : vector<1280x128xf32>
    %get3A_22 = arith.constant 0 : index
    %get3A_23 = arith.constant 0 : index
    %get3A_24 = vector.load %arg3[%get3A_22, %get3A_23] : memref<256x256xf32, #tpu.memory_space<vmem>>, vector<128x256xf32>
    %dot_general3A = arith.constant dense<0.000000e+00> : vector<1280x256xf32>
    %dot_general3A_25 = tpu.matmul %mul3A_21, %get3A_24, %dot_general3A {dimension_numbers = #tpu.dot_dimension_numbers<[1], [0], [0], [1], [0, 0, 1, 1], [], []>, transpose_lhs_hint = false} : vector<1280x128xf32>, vector<128x256xf32>, vector<1280x256xf32> -> vector<1280x256xf32>
    %get3A_26 = arith.constant 1 : index
    %get3A_27 = arith.constant 0 : index
    %get3A_28 = arith.constant 0 : index
    %get3A_29 = vector.load %arg1[%get3A_26, %get3A_27, %get3A_28] : memref<4x1280x128xf32, #tpu.memory_space<vmem>>, vector<1x1280x128xf32>
    %get3A_30 = vector.shape_cast %get3A_29 : vector<1x1280x128xf32> to vector<1280x128xf32>
    %get3A_31 = arith.constant 3 : index
    %get3A_32 = arith.constant 0 : index
    %get3A_33 = arith.constant 0 : index
    %get3A_34 = vector.load %arg1[%get3A_31, %get3A_32, %get3A_33] : memref<4x1280x128xf32, #tpu.memory_space<vmem>>, vector<1x1280x128xf32>
    %get3A_35 = vector.shape_cast %get3A_34 : vector<1x1280x128xf32> to vector<1280x128xf32>
    %add3A_36 = arith.addf %get3A_30, %get3A_35 : vector<1280x128xf32>
    %mul3A_37 = vector.broadcast %rsqrt3A : vector<1280x1xf32> to vector<1280x128xf32>
    %mul3A_38 = arith.mulf %add3A_36, %mul3A_37 : vector<1280x128xf32>
    %get3A_39 = arith.constant 128 : index
    %get3A_40 = arith.constant 0 : index
    %get3A_41 = vector.load %arg3[%get3A_39, %get3A_40] : memref<256x256xf32, #tpu.memory_space<vmem>>, vector<128x256xf32>
    %dot_general3A_42 = arith.constant dense<0.000000e+00> : vector<1280x256xf32>
    %dot_general3A_43 = tpu.matmul %mul3A_38, %get3A_41, %dot_general3A_42 {dimension_numbers = #tpu.dot_dimension_numbers<[1], [0], [0], [1], [0, 0, 1, 1], [], []>, transpose_lhs_hint = false} : vector<1280x128xf32>, vector<128x256xf32>, vector<1280x256xf32> -> vector<1280x256xf32>
    %add3A_44 = arith.addf %dot_general3A_25, %dot_general3A_43 : vector<1280x256xf32>
    %get3A_45 = arith.constant 0 : index
    %get3A_46 = arith.constant 0 : index
    %get3A_47 = vector.load %arg4[%get3A_45, %get3A_46] : memref<1x256xf32, #tpu.memory_space<vmem>>, vector<1x256xf32>
    %get3A_48 = vector.shape_cast %get3A_47 : vector<1x256xf32> to vector<256xf32>
    %broadcast_in_dim3A = vector.shape_cast %get3A_48 : vector<256xf32> to vector<1x256xf32>
    %add3A_49 = vector.broadcast %broadcast_in_dim3A : vector<1x256xf32> to vector<1280x256xf32>
    %add3A_50 = arith.addf %add3A_44, %add3A_49 : vector<1280x256xf32>
    %max3A = arith.constant 0.000000e+00 : f32
    %max3A_51 = vector.broadcast %max3A : f32 to vector<1280x256xf32>
    %max3A_52 = arith.maximumf %add3A_50, %max3A_51 : vector<1280x256xf32>
    %mul3A_53 = vector.broadcast %rsqrt3A : vector<1280x1xf32> to vector<1280x256xf32>
    %mul3A_54 = arith.mulf %max3A_52, %mul3A_53 : vector<1280x256xf32>
    %slice3A_55 = vector.extract_strided_slice %mul3A_54 {offsets = [0, 0], sizes = [1280, 128], strides = [1, 1]} : vector<1280x256xf32> to vector<1280x128xf32>
    %swap3A = arith.constant 0 : index
    %swap3A_56 = arith.constant 0 : index
    %swap3A_57 = arith.constant 0 : index
    %swap3A_58 = vector.load %arg5[%swap3A, %swap3A_56, %swap3A_57] : memref<2x1280x128xf32, #tpu.memory_space<vmem>>, vector<1x1280x128xf32>
    %swap3A_59 = vector.shape_cast %swap3A_58 : vector<1x1280x128xf32> to vector<1280x128xf32>
    %swap3A_60 = vector.shape_cast %slice3A_55 : vector<1280x128xf32> to vector<1x1280x128xf32>
    tpu.vector_store %arg5[%swap3A, %swap3A_56, %swap3A_57], %swap3A_60 {strides = array<i32>} : memref<2x1280x128xf32, #tpu.memory_space<vmem>>, vector<1x1280x128xf32>,
    %slice3A_61 = vector.extract_strided_slice %mul3A_54 {offsets = [0, 128], sizes = [1280, 128], strides = [1, 1]} : vector<1280x256xf32> to vector<1280x128xf32>
    %swap3A_62 = arith.constant 1 : index
    %swap3A_63 = arith.constant 0 : index
    %swap3A_64 = arith.constant 0 : index
    %swap3A_65 = vector.load %arg5[%swap3A_62, %swap3A_63, %swap3A_64] : memref<2x1280x128xf32, #tpu.memory_space<vmem>>, vector<1x1280x128xf32>
    %swap3A_66 = vector.shape_cast %swap3A_65 : vector<1x1280x128xf32> to vector<1280x128xf32>
    %swap3A_67 = vector.shape_cast %slice3A_61 : vector<1280x128xf32> to vector<1x1280x128xf32>
    tpu.vector_store %arg5[%swap3A_62, %swap3A_63, %swap3A_64], %swap3A_67 {strides = array<i32>} : memref<2x1280x128xf32, #tpu.memory_space<vmem>>, vector<1x1280x128xf32>,
    return
  }
  func.func @transform_0(%arg0: i32) -> (i32, i32, i32) {
    %c0_i32 = arith.constant 0 : i32
    %c0_i32_0 = arith.constant 0 : i32
    %c0_i32_1 = arith.constant 0 : i32
    return %c0_i32, %arg0, %c0_i32_0 : i32, i32, i32
  }
  func.func @transform_1(%arg0: i32) -> (i32, i32, i32) {
    %c0_i32 = arith.constant 0 : i32
    %c0_i32_0 = arith.constant 0 : i32
    %c0_i32_1 = arith.constant 0 : i32
    return %c0_i32, %arg0, %c0_i32_0 : i32, i32, i32
  }
  func.func @transform_2(%arg0: i32) -> (i32, i32) {
    %c0_i32 = arith.constant 0 : i32
    %c0_i32_0 = arith.constant 0 : i32
    %c0_i32_1 = arith.constant 0 : i32
    return %c0_i32, %c0_i32_0 : i32, i32
  }
  func.func @transform_3(%arg0: i32) -> (i32, i32) {
    %c0_i32 = arith.constant 0 : i32
    %c0_i32_0 = arith.constant 0 : i32
    %c0_i32_1 = arith.constant 0 : i32
    return %c0_i32, %c0_i32_0 : i32, i32
  }
  func.func @transform_4(%arg0: i32) -> (i32, i32, i32) {
    %c0_i32 = arith.constant 0 : i32
    %c0_i32_0 = arith.constant 0 : i32
    %c0_i32_1 = arith.constant 0 : i32
    return %c0_i32, %arg0, %c0_i32_0 : i32, i32, i32
  }
}

module attributes {stable_mosaic.version = 14 : i64} {
  func.func @body(%arg0: i32, %arg1: memref<4x1280x128xf32, #tpu.memory_space<vmem>>, %arg2: memref<2x1280x128xf32, #tpu.memory_space<vmem>>, %arg3: memref<256x512xf32, #tpu.memory_space<vmem>>, %arg4: memref<1x512xf32, #tpu.memory_space<vmem>>, %arg5: memref<4x1280x128xf32, #tpu.memory_space<vmem>>) attributes {dimension_semantics = [#tpu.dimension_semantics<arbitrary>], iteration_bounds = array<i64: 8>, scalar_prefetch = 0 : i64, scratch_operands = 0 : i64, tpu.core_type = #tpu.core_type<tc>, window_params = [{transform_indices = @transform_0, window_bounds = array<i64: 4, 1280, 128>}, {transform_indices = @transform_1, window_bounds = array<i64: 2, 1280, 128>}, {pipeline_mode = #tpu.pipeline_mode<synchronous>, transform_indices = @transform_2, window_bounds = array<i64: 256, 512>}, {pipeline_mode = #tpu.pipeline_mode<synchronous>, transform_indices = @transform_3, window_bounds = array<i64: 1, 512>}, {transform_indices = @transform_4, window_bounds = array<i64: 4, 1280, 128>}]} {
    %get3A = arith.constant 0 : index
    %get3A_0 = arith.constant 0 : index
    %get3A_1 = arith.constant 0 : index
    %get3A_2 = vector.load %arg2[%get3A, %get3A_0, %get3A_1] : memref<2x1280x128xf32, #tpu.memory_space<vmem>>, vector<1x1280x128xf32>
    %get3A_3 = vector.shape_cast %get3A_2 : vector<1x1280x128xf32> to vector<1280x128xf32>
    %slice3A = vector.extract_strided_slice %get3A_3 {offsets = [0, 0], sizes = [1280, 1], strides = [1, 1]} : vector<1280x128xf32> to vector<1280x1xf32>
    %get3A_4 = arith.constant 1 : index
    %get3A_5 = arith.constant 0 : index
    %get3A_6 = arith.constant 0 : index
    %get3A_7 = vector.load %arg2[%get3A_4, %get3A_5, %get3A_6] : memref<2x1280x128xf32, #tpu.memory_space<vmem>>, vector<1x1280x128xf32>
    %get3A_8 = vector.shape_cast %get3A_7 : vector<1x1280x128xf32> to vector<1280x128xf32>
    %slice3A_9 = vector.extract_strided_slice %get3A_8 {offsets = [0, 0], sizes = [1280, 1], strides = [1, 1]} : vector<1280x128xf32> to vector<1280x1xf32>
    %add3A = arith.addf %slice3A, %slice3A_9 : vector<1280x1xf32>
    %rsqrt3A = math.rsqrt %add3A : vector<1280x1xf32>
    %get3A_10 = arith.constant 0 : index
    %get3A_11 = arith.constant 0 : index
    %get3A_12 = arith.constant 0 : index
    %get3A_13 = vector.load %arg1[%get3A_10, %get3A_11, %get3A_12] : memref<4x1280x128xf32, #tpu.memory_space<vmem>>, vector<1x1280x128xf32>
    %get3A_14 = vector.shape_cast %get3A_13 : vector<1x1280x128xf32> to vector<1280x128xf32>
    %get3A_15 = arith.constant 2 : index
    %get3A_16 = arith.constant 0 : index
    %get3A_17 = arith.constant 0 : index
    %get3A_18 = vector.load %arg1[%get3A_15, %get3A_16, %get3A_17] : memref<4x1280x128xf32, #tpu.memory_space<vmem>>, vector<1x1280x128xf32>
    %get3A_19 = vector.shape_cast %get3A_18 : vector<1x1280x128xf32> to vector<1280x128xf32>
    %add3A_20 = arith.addf %get3A_14, %get3A_19 : vector<1280x128xf32>
    %mul3A = vector.broadcast %rsqrt3A : vector<1280x1xf32> to vector<1280x128xf32>
    %mul3A_21 = arith.mulf %add3A_20, %mul3A : vector<1280x128xf32>
    %get3A_22 = arith.constant 0 : index
    %get3A_23 = arith.constant 0 : index
    %get3A_24 = vector.load %arg3[%get3A_22, %get3A_23] : memref<256x512xf32, #tpu.memory_space<vmem>>, vector<128x512xf32>
    %dot_general3A = arith.constant dense<0.000000e+00> : vector<1280x512xf32>
    %dot_general3A_25 = tpu.matmul %mul3A_21, %get3A_24, %dot_general3A {dimension_numbers = #tpu.dot_dimension_numbers<[1], [0], [0], [1], [0, 0, 1, 1], [], []>, transpose_lhs_hint = false} : vector<1280x128xf32>, vector<128x512xf32>, vector<1280x512xf32> -> vector<1280x512xf32>
    %get3A_26 = arith.constant 1 : index
    %get3A_27 = arith.constant 0 : index
    %get3A_28 = arith.constant 0 : index
    %get3A_29 = vector.load %arg1[%get3A_26, %get3A_27, %get3A_28] : memref<4x1280x128xf32, #tpu.memory_space<vmem>>, vector<1x1280x128xf32>
    %get3A_30 = vector.shape_cast %get3A_29 : vector<1x1280x128xf32> to vector<1280x128xf32>
    %get3A_31 = arith.constant 3 : index
    %get3A_32 = arith.constant 0 : index
    %get3A_33 = arith.constant 0 : index
    %get3A_34 = vector.load %arg1[%get3A_31, %get3A_32, %get3A_33] : memref<4x1280x128xf32, #tpu.memory_space<vmem>>, vector<1x1280x128xf32>
    %get3A_35 = vector.shape_cast %get3A_34 : vector<1x1280x128xf32> to vector<1280x128xf32>
    %add3A_36 = arith.addf %get3A_30, %get3A_35 : vector<1280x128xf32>
    %mul3A_37 = vector.broadcast %rsqrt3A : vector<1280x1xf32> to vector<1280x128xf32>
    %mul3A_38 = arith.mulf %add3A_36, %mul3A_37 : vector<1280x128xf32>
    %get3A_39 = arith.constant 128 : index
    %get3A_40 = arith.constant 0 : index
    %get3A_41 = vector.load %arg3[%get3A_39, %get3A_40] : memref<256x512xf32, #tpu.memory_space<vmem>>, vector<128x512xf32>
    %dot_general3A_42 = arith.constant dense<0.000000e+00> : vector<1280x512xf32>
    %dot_general3A_43 = tpu.matmul %mul3A_38, %get3A_41, %dot_general3A_42 {dimension_numbers = #tpu.dot_dimension_numbers<[1], [0], [0], [1], [0, 0, 1, 1], [], []>, transpose_lhs_hint = false} : vector<1280x128xf32>, vector<128x512xf32>, vector<1280x512xf32> -> vector<1280x512xf32>
    %add3A_44 = arith.addf %dot_general3A_25, %dot_general3A_43 : vector<1280x512xf32>
    %get3A_45 = arith.constant 0 : index
    %get3A_46 = arith.constant 0 : index
    %get3A_47 = vector.load %arg4[%get3A_45, %get3A_46] : memref<1x512xf32, #tpu.memory_space<vmem>>, vector<1x512xf32>
    %get3A_48 = vector.shape_cast %get3A_47 : vector<1x512xf32> to vector<512xf32>
    %broadcast_in_dim3A = vector.shape_cast %get3A_48 : vector<512xf32> to vector<1x512xf32>
    %add3A_49 = vector.broadcast %broadcast_in_dim3A : vector<1x512xf32> to vector<1280x512xf32>
    %add3A_50 = arith.addf %add3A_44, %add3A_49 : vector<1280x512xf32>
    %max3A = arith.constant 0.000000e+00 : f32
    %max3A_51 = vector.broadcast %max3A : f32 to vector<1280x512xf32>
    %max3A_52 = arith.maximumf %add3A_50, %max3A_51 : vector<1280x512xf32>
    %mul3A_53 = vector.broadcast %rsqrt3A : vector<1280x1xf32> to vector<1280x512xf32>
    %mul3A_54 = arith.mulf %max3A_52, %mul3A_53 : vector<1280x512xf32>
    %slice3A_55 = vector.extract_strided_slice %mul3A_54 {offsets = [0, 0], sizes = [1280, 128], strides = [1, 1]} : vector<1280x512xf32> to vector<1280x128xf32>
    %swap3A = arith.constant 0 : index
    %swap3A_56 = arith.constant 0 : index
    %swap3A_57 = arith.constant 0 : index
    %swap3A_58 = vector.load %arg5[%swap3A, %swap3A_56, %swap3A_57] : memref<4x1280x128xf32, #tpu.memory_space<vmem>>, vector<1x1280x128xf32>
    %swap3A_59 = vector.shape_cast %swap3A_58 : vector<1x1280x128xf32> to vector<1280x128xf32>
    %swap3A_60 = vector.shape_cast %slice3A_55 : vector<1280x128xf32> to vector<1x1280x128xf32>
    tpu.vector_store %arg5[%swap3A, %swap3A_56, %swap3A_57], %swap3A_60 {strides = array<i32>} : memref<4x1280x128xf32, #tpu.memory_space<vmem>>, vector<1x1280x128xf32>,
    %slice3A_61 = vector.extract_strided_slice %mul3A_54 {offsets = [0, 128], sizes = [1280, 128], strides = [1, 1]} : vector<1280x512xf32> to vector<1280x128xf32>
    %swap3A_62 = arith.constant 1 : index
    %swap3A_63 = arith.constant 0 : index
    %swap3A_64 = arith.constant 0 : index
    %swap3A_65 = vector.load %arg5[%swap3A_62, %swap3A_63, %swap3A_64] : memref<4x1280x128xf32, #tpu.memory_space<vmem>>, vector<1x1280x128xf32>
    %swap3A_66 = vector.shape_cast %swap3A_65 : vector<1x1280x128xf32> to vector<1280x128xf32>
    %swap3A_67 = vector.shape_cast %slice3A_61 : vector<1280x128xf32> to vector<1x1280x128xf32>
    tpu.vector_store %arg5[%swap3A_62, %swap3A_63, %swap3A_64], %swap3A_67 {strides = array<i32>} : memref<4x1280x128xf32, #tpu.memory_space<vmem>>, vector<1x1280x128xf32>,
    %slice3A_68 = vector.extract_strided_slice %mul3A_54 {offsets = [0, 256], sizes = [1280, 128], strides = [1, 1]} : vector<1280x512xf32> to vector<1280x128xf32>
    %swap3A_69 = arith.constant 2 : index
    %swap3A_70 = arith.constant 0 : index
    %swap3A_71 = arith.constant 0 : index
    %swap3A_72 = vector.load %arg5[%swap3A_69, %swap3A_70, %swap3A_71] : memref<4x1280x128xf32, #tpu.memory_space<vmem>>, vector<1x1280x128xf32>
    %swap3A_73 = vector.shape_cast %swap3A_72 : vector<1x1280x128xf32> to vector<1280x128xf32>
    %swap3A_74 = vector.shape_cast %slice3A_68 : vector<1280x128xf32> to vector<1x1280x128xf32>
    tpu.vector_store %arg5[%swap3A_69, %swap3A_70, %swap3A_71], %swap3A_74 {strides = array<i32>} : memref<4x1280x128xf32, #tpu.memory_space<vmem>>, vector<1x1280x128xf32>,
    %slice3A_75 = vector.extract_strided_slice %mul3A_54 {offsets = [0, 384], sizes = [1280, 128], strides = [1, 1]} : vector<1280x512xf32> to vector<1280x128xf32>
    %swap3A_76 = arith.constant 3 : index
    %swap3A_77 = arith.constant 0 : index
    %swap3A_78 = arith.constant 0 : index
    %swap3A_79 = vector.load %arg5[%swap3A_76, %swap3A_77, %swap3A_78] : memref<4x1280x128xf32, #tpu.memory_space<vmem>>, vector<1x1280x128xf32>
    %swap3A_80 = vector.shape_cast %swap3A_79 : vector<1x1280x128xf32> to vector<1280x128xf32>
    %swap3A_81 = vector.shape_cast %slice3A_75 : vector<1280x128xf32> to vector<1x1280x128xf32>
    tpu.vector_store %arg5[%swap3A_76, %swap3A_77, %swap3A_78], %swap3A_81 {strides = array<i32>} : memref<4x1280x128xf32, #tpu.memory_space<vmem>>, vector<1x1280x128xf32>,
    return
  }
  func.func @transform_0(%arg0: i32) -> (i32, i32, i32) {
    %c0_i32 = arith.constant 0 : i32
    %c0_i32_0 = arith.constant 0 : i32
    %c0_i32_1 = arith.constant 0 : i32
    return %c0_i32, %arg0, %c0_i32_0 : i32, i32, i32
  }
  func.func @transform_1(%arg0: i32) -> (i32, i32, i32) {
    %c0_i32 = arith.constant 0 : i32
    %c0_i32_0 = arith.constant 0 : i32
    %c0_i32_1 = arith.constant 0 : i32
    return %c0_i32, %arg0, %c0_i32_0 : i32, i32, i32
  }
  func.func @transform_2(%arg0: i32) -> (i32, i32) {
    %c0_i32 = arith.constant 0 : i32
    %c0_i32_0 = arith.constant 0 : i32
    %c0_i32_1 = arith.constant 0 : i32
    return %c0_i32, %c0_i32_0 : i32, i32
  }
  func.func @transform_3(%arg0: i32) -> (i32, i32) {
    %c0_i32 = arith.constant 0 : i32
    %c0_i32_0 = arith.constant 0 : i32
    %c0_i32_1 = arith.constant 0 : i32
    return %c0_i32, %c0_i32_0 : i32, i32
  }
  func.func @transform_4(%arg0: i32) -> (i32, i32, i32) {
    %c0_i32 = arith.constant 0 : i32
    %c0_i32_0 = arith.constant 0 : i32
    %c0_i32_1 = arith.constant 0 : i32
    return %c0_i32, %arg0, %c0_i32_0 : i32, i32, i32
  }
}

module attributes {stable_mosaic.version = 14 : i64} {
  func.func @body(%arg0: i32, %arg1: memref<8x1280x128xf32, #tpu.memory_space<vmem>>, %arg2: memref<2x1280x128xf32, #tpu.memory_space<vmem>>, %arg3: memref<512x1024xf32, #tpu.memory_space<vmem>>, %arg4: memref<1x1024xf32, #tpu.memory_space<vmem>>, %arg5: memref<1280x1024xf32, #tpu.memory_space<vmem>>) attributes {dimension_semantics = [#tpu.dimension_semantics<arbitrary>], iteration_bounds = array<i64: 8>, scalar_prefetch = 0 : i64, scratch_operands = 0 : i64, tpu.core_type = #tpu.core_type<tc>, window_params = [{transform_indices = @transform_0, window_bounds = array<i64: 8, 1280, 128>}, {transform_indices = @transform_1, window_bounds = array<i64: 2, 1280, 128>}, {pipeline_mode = #tpu.pipeline_mode<synchronous>, transform_indices = @transform_2, window_bounds = array<i64: 512, 1024>}, {pipeline_mode = #tpu.pipeline_mode<synchronous>, transform_indices = @transform_3, window_bounds = array<i64: 1, 1024>}, {transform_indices = @transform_4, window_bounds = array<i64: 1280, 1024>}]} {
    %get3A = arith.constant 0 : index
    %get3A_0 = arith.constant 0 : index
    %get3A_1 = arith.constant 0 : index
    %get3A_2 = vector.load %arg2[%get3A, %get3A_0, %get3A_1] : memref<2x1280x128xf32, #tpu.memory_space<vmem>>, vector<1x1280x128xf32>
    %get3A_3 = vector.shape_cast %get3A_2 : vector<1x1280x128xf32> to vector<1280x128xf32>
    %slice3A = vector.extract_strided_slice %get3A_3 {offsets = [0, 0], sizes = [1280, 1], strides = [1, 1]} : vector<1280x128xf32> to vector<1280x1xf32>
    %get3A_4 = arith.constant 1 : index
    %get3A_5 = arith.constant 0 : index
    %get3A_6 = arith.constant 0 : index
    %get3A_7 = vector.load %arg2[%get3A_4, %get3A_5, %get3A_6] : memref<2x1280x128xf32, #tpu.memory_space<vmem>>, vector<1x1280x128xf32>
    %get3A_8 = vector.shape_cast %get3A_7 : vector<1x1280x128xf32> to vector<1280x128xf32>
    %slice3A_9 = vector.extract_strided_slice %get3A_8 {offsets = [0, 0], sizes = [1280, 1], strides = [1, 1]} : vector<1280x128xf32> to vector<1280x1xf32>
    %add3A = arith.addf %slice3A, %slice3A_9 : vector<1280x1xf32>
    %rsqrt3A = math.rsqrt %add3A : vector<1280x1xf32>
    %get3A_10 = arith.constant 0 : index
    %get3A_11 = arith.constant 0 : index
    %get3A_12 = arith.constant 0 : index
    %get3A_13 = vector.load %arg1[%get3A_10, %get3A_11, %get3A_12] : memref<8x1280x128xf32, #tpu.memory_space<vmem>>, vector<1x1280x128xf32>
    %get3A_14 = vector.shape_cast %get3A_13 : vector<1x1280x128xf32> to vector<1280x128xf32>
    %get3A_15 = arith.constant 4 : index
    %get3A_16 = arith.constant 0 : index
    %get3A_17 = arith.constant 0 : index
    %get3A_18 = vector.load %arg1[%get3A_15, %get3A_16, %get3A_17] : memref<8x1280x128xf32, #tpu.memory_space<vmem>>, vector<1x1280x128xf32>
    %get3A_19 = vector.shape_cast %get3A_18 : vector<1x1280x128xf32> to vector<1280x128xf32>
    %add3A_20 = arith.addf %get3A_14, %get3A_19 : vector<1280x128xf32>
    %mul3A = vector.broadcast %rsqrt3A : vector<1280x1xf32> to vector<1280x128xf32>
    %mul3A_21 = arith.mulf %add3A_20, %mul3A : vector<1280x128xf32>
    %get3A_22 = arith.constant 0 : index
    %get3A_23 = arith.constant 0 : index
    %get3A_24 = vector.load %arg3[%get3A_22, %get3A_23] : memref<512x1024xf32, #tpu.memory_space<vmem>>, vector<128x1024xf32>
    %dot_general3A = arith.constant dense<0.000000e+00> : vector<1280x1024xf32>
    %dot_general3A_25 = tpu.matmul %mul3A_21, %get3A_24, %dot_general3A {dimension_numbers = #tpu.dot_dimension_numbers<[1], [0], [0], [1], [0, 0, 1, 1], [], []>, transpose_lhs_hint = false} : vector<1280x128xf32>, vector<128x1024xf32>, vector<1280x1024xf32> -> vector<1280x1024xf32>
    %get3A_26 = arith.constant 1 : index
    %get3A_27 = arith.constant 0 : index
    %get3A_28 = arith.constant 0 : index
    %get3A_29 = vector.load %arg1[%get3A_26, %get3A_27, %get3A_28] : memref<8x1280x128xf32, #tpu.memory_space<vmem>>, vector<1x1280x128xf32>
    %get3A_30 = vector.shape_cast %get3A_29 : vector<1x1280x128xf32> to vector<1280x128xf32>
    %get3A_31 = arith.constant 5 : index
    %get3A_32 = arith.constant 0 : index
    %get3A_33 = arith.constant 0 : index
    %get3A_34 = vector.load %arg1[%get3A_31, %get3A_32, %get3A_33] : memref<8x1280x128xf32, #tpu.memory_space<vmem>>, vector<1x1280x128xf32>
    %get3A_35 = vector.shape_cast %get3A_34 : vector<1x1280x128xf32> to vector<1280x128xf32>
    %add3A_36 = arith.addf %get3A_30, %get3A_35 : vector<1280x128xf32>
    %mul3A_37 = vector.broadcast %rsqrt3A : vector<1280x1xf32> to vector<1280x128xf32>
    %mul3A_38 = arith.mulf %add3A_36, %mul3A_37 : vector<1280x128xf32>
    %get3A_39 = arith.constant 128 : index
    %get3A_40 = arith.constant 0 : index
    %get3A_41 = vector.load %arg3[%get3A_39, %get3A_40] : memref<512x1024xf32, #tpu.memory_space<vmem>>, vector<128x1024xf32>
    %dot_general3A_42 = arith.constant dense<0.000000e+00> : vector<1280x1024xf32>
    %dot_general3A_43 = tpu.matmul %mul3A_38, %get3A_41, %dot_general3A_42 {dimension_numbers = #tpu.dot_dimension_numbers<[1], [0], [0], [1], [0, 0, 1, 1], [], []>, transpose_lhs_hint = false} : vector<1280x128xf32>, vector<128x1024xf32>, vector<1280x1024xf32> -> vector<1280x1024xf32>
    %add3A_44 = arith.addf %dot_general3A_25, %dot_general3A_43 : vector<1280x1024xf32>
    %get3A_45 = arith.constant 2 : index
    %get3A_46 = arith.constant 0 : index
    %get3A_47 = arith.constant 0 : index
    %get3A_48 = vector.load %arg1[%get3A_45, %get3A_46, %get3A_47] : memref<8x1280x128xf32, #tpu.memory_space<vmem>>, vector<1x1280x128xf32>
    %get3A_49 = vector.shape_cast %get3A_48 : vector<1x1280x128xf32> to vector<1280x128xf32>
    %get3A_50 = arith.constant 6 : index
    %get3A_51 = arith.constant 0 : index
    %get3A_52 = arith.constant 0 : index
    %get3A_53 = vector.load %arg1[%get3A_50, %get3A_51, %get3A_52] : memref<8x1280x128xf32, #tpu.memory_space<vmem>>, vector<1x1280x128xf32>
    %get3A_54 = vector.shape_cast %get3A_53 : vector<1x1280x128xf32> to vector<1280x128xf32>
    %add3A_55 = arith.addf %get3A_49, %get3A_54 : vector<1280x128xf32>
    %mul3A_56 = vector.broadcast %rsqrt3A : vector<1280x1xf32> to vector<1280x128xf32>
    %mul3A_57 = arith.mulf %add3A_55, %mul3A_56 : vector<1280x128xf32>
    %get3A_58 = arith.constant 256 : index
    %get3A_59 = arith.constant 0 : index
    %get3A_60 = vector.load %arg3[%get3A_58, %get3A_59] : memref<512x1024xf32, #tpu.memory_space<vmem>>, vector<128x1024xf32>
    %dot_general3A_61 = arith.constant dense<0.000000e+00> : vector<1280x1024xf32>
    %dot_general3A_62 = tpu.matmul %mul3A_57, %get3A_60, %dot_general3A_61 {dimension_numbers = #tpu.dot_dimension_numbers<[1], [0], [0], [1], [0, 0, 1, 1], [], []>, transpose_lhs_hint = false} : vector<1280x128xf32>, vector<128x1024xf32>, vector<1280x1024xf32> -> vector<1280x1024xf32>
    %add3A_63 = arith.addf %add3A_44, %dot_general3A_62 : vector<1280x1024xf32>
    %get3A_64 = arith.constant 3 : index
    %get3A_65 = arith.constant 0 : index
    %get3A_66 = arith.constant 0 : index
    %get3A_67 = vector.load %arg1[%get3A_64, %get3A_65, %get3A_66] : memref<8x1280x128xf32, #tpu.memory_space<vmem>>, vector<1x1280x128xf32>
    %get3A_68 = vector.shape_cast %get3A_67 : vector<1x1280x128xf32> to vector<1280x128xf32>
    %get3A_69 = arith.constant 7 : index
    %get3A_70 = arith.constant 0 : index
    %get3A_71 = arith.constant 0 : index
    %get3A_72 = vector.load %arg1[%get3A_69, %get3A_70, %get3A_71] : memref<8x1280x128xf32, #tpu.memory_space<vmem>>, vector<1x1280x128xf32>
    %get3A_73 = vector.shape_cast %get3A_72 : vector<1x1280x128xf32> to vector<1280x128xf32>
    %add3A_74 = arith.addf %get3A_68, %get3A_73 : vector<1280x128xf32>
    %mul3A_75 = vector.broadcast %rsqrt3A : vector<1280x1xf32> to vector<1280x128xf32>
    %mul3A_76 = arith.mulf %add3A_74, %mul3A_75 : vector<1280x128xf32>
    %get3A_77 = arith.constant 384 : index
    %get3A_78 = arith.constant 0 : index
    %get3A_79 = vector.load %arg3[%get3A_77, %get3A_78] : memref<512x1024xf32, #tpu.memory_space<vmem>>, vector<128x1024xf32>
    %dot_general3A_80 = arith.constant dense<0.000000e+00> : vector<1280x1024xf32>
    %dot_general3A_81 = tpu.matmul %mul3A_76, %get3A_79, %dot_general3A_80 {dimension_numbers = #tpu.dot_dimension_numbers<[1], [0], [0], [1], [0, 0, 1, 1], [], []>, transpose_lhs_hint = false} : vector<1280x128xf32>, vector<128x1024xf32>, vector<1280x1024xf32> -> vector<1280x1024xf32>
    %add3A_82 = arith.addf %add3A_63, %dot_general3A_81 : vector<1280x1024xf32>
    %get3A_83 = arith.constant 0 : index
    %get3A_84 = arith.constant 0 : index
    %get3A_85 = vector.load %arg4[%get3A_83, %get3A_84] : memref<1x1024xf32, #tpu.memory_space<vmem>>, vector<1x1024xf32>
    %get3A_86 = vector.shape_cast %get3A_85 : vector<1x1024xf32> to vector<1024xf32>
    %broadcast_in_dim3A = vector.shape_cast %get3A_86 : vector<1024xf32> to vector<1x1024xf32>
    %add3A_87 = vector.broadcast %broadcast_in_dim3A : vector<1x1024xf32> to vector<1280x1024xf32>
    %add3A_88 = arith.addf %add3A_82, %add3A_87 : vector<1280x1024xf32>
    %max3A = arith.constant 0.000000e+00 : f32
    %max3A_89 = vector.broadcast %max3A : f32 to vector<1280x1024xf32>
    %max3A_90 = arith.maximumf %add3A_88, %max3A_89 : vector<1280x1024xf32>
    %swap3A = arith.constant 0 : index
    %swap3A_91 = arith.constant 0 : index
    %swap3A_92 = vector.load %arg5[%swap3A, %swap3A_91] : memref<1280x1024xf32, #tpu.memory_space<vmem>>, vector<1280x1024xf32>
    tpu.vector_store %arg5[%swap3A, %swap3A_91], %max3A_90 {strides = array<i32>} : memref<1280x1024xf32, #tpu.memory_space<vmem>>, vector<1280x1024xf32>,
    return
  }
  func.func @transform_0(%arg0: i32) -> (i32, i32, i32) {
    %c0_i32 = arith.constant 0 : i32
    %c0_i32_0 = arith.constant 0 : i32
    %c0_i32_1 = arith.constant 0 : i32
    return %c0_i32, %arg0, %c0_i32_0 : i32, i32, i32
  }
  func.func @transform_1(%arg0: i32) -> (i32, i32, i32) {
    %c0_i32 = arith.constant 0 : i32
    %c0_i32_0 = arith.constant 0 : i32
    %c0_i32_1 = arith.constant 0 : i32
    return %c0_i32, %arg0, %c0_i32_0 : i32, i32, i32
  }
  func.func @transform_2(%arg0: i32) -> (i32, i32) {
    %c0_i32 = arith.constant 0 : i32
    %c0_i32_0 = arith.constant 0 : i32
    %c0_i32_1 = arith.constant 0 : i32
    return %c0_i32, %c0_i32_0 : i32, i32
  }
  func.func @transform_3(%arg0: i32) -> (i32, i32) {
    %c0_i32 = arith.constant 0 : i32
    %c0_i32_0 = arith.constant 0 : i32
    %c0_i32_1 = arith.constant 0 : i32
    return %c0_i32, %c0_i32_0 : i32, i32
  }
  func.func @transform_4(%arg0: i32) -> (i32, i32) {
    %c0_i32 = arith.constant 0 : i32
    %c0_i32_0 = arith.constant 0 : i32
    return %arg0, %c0_i32 : i32, i32
  }
}

module attributes {stable_mosaic.version = 14 : i64} {
  func.func @_pool_body(%arg0: i32, %arg1: memref<640x1024xf32, #tpu.memory_space<vmem>>, %arg2: memref<640x128xi32, #tpu.memory_space<vmem>>, %arg3: memref<64x1024xf32, #tpu.memory_space<vmem>>) attributes {dimension_semantics = [#tpu.dimension_semantics<arbitrary>], iteration_bounds = array<i64: 16>, scalar_prefetch = 0 : i64, scratch_operands = 0 : i64, tpu.core_type = #tpu.core_type<tc>, window_params = [{transform_indices = @transform_0, window_bounds = array<i64: 640, 1024>}, {transform_indices = @transform_1, window_bounds = array<i64: 640, 128>}, {pipeline_mode = #tpu.pipeline_mode<synchronous>, transform_indices = @transform_2, window_bounds = array<i64: 64, 1024>}]} {
    %eq3A = arith.constant 0 : i32
    %eq3A_0 = arith.cmpi eq, %arg0, %eq3A : i32
    %convert_element_type3A = arith.extui %eq3A_0 : i1 to i32
    %cond3A = arith.constant 0 : i32
    %cond3A_1 = arith.cmpi ne, %convert_element_type3A, %cond3A : i32
    scf.if %cond3A_1 {
      %broadcast_in_dim3A_839 = arith.constant 0xFF800000 : f32
      %broadcast_in_dim3A_840 = vector.broadcast %broadcast_in_dim3A_839 : f32 to vector<64x1024xf32>
      %swap3A_841 = arith.constant 0 : index
      %swap3A_842 = arith.constant 0 : index
      %swap3A_843 = vector.load %arg3[%swap3A_841, %swap3A_842] : memref<64x1024xf32, #tpu.memory_space<vmem>>, vector<64x1024xf32>
      tpu.vector_store %arg3[%swap3A_841, %swap3A_842], %broadcast_in_dim3A_840 {strides = array<i32>} : memref<64x1024xf32, #tpu.memory_space<vmem>>, vector<64x1024xf32>,
    } else {
    }
    %get3A = arith.constant 0 : index
    %get3A_2 = arith.constant 0 : index
    %get3A_3 = vector.load %arg1[%get3A, %get3A_2] : memref<640x1024xf32, #tpu.memory_space<vmem>>, vector<640x1024xf32>
    %get3A_4 = arith.constant 0 : index
    %get3A_5 = arith.constant 0 : index
    %get3A_6 = vector.load %arg2[%get3A_4, %get3A_5] : memref<640x128xi32, #tpu.memory_space<vmem>>, vector<640x1xi32>
    %eq3A_7 = arith.constant 0 : i32
    %eq3A_8 = vector.broadcast %eq3A_7 : i32 to vector<640x1xi32>
    %eq3A_9 = arith.cmpi eq, %get3A_6, %eq3A_8 : vector<640x1xi32>
    %jit3A = arith.constant 0.000000e+00 : f32
    %jit3A_10 = arith.constant 0xFF800000 : f32
    %broadcast_in_dim3A = vector.broadcast %jit3A : f32 to vector<640x1xf32>
    %broadcast_in_dim3A_11 = vector.broadcast %jit3A_10 : f32 to vector<640x1xf32>
    %select_n3A = arith.select %eq3A_9, %broadcast_in_dim3A, %broadcast_in_dim3A_11 : vector<640x1xi1>, vector<640x1xf32>
    %add3A = vector.broadcast %select_n3A : vector<640x1xf32> to vector<640x1024xf32>
    %add3A_12 = arith.addf %get3A_3, %add3A : vector<640x1024xf32>
    %reduce_max3A = arith.constant dense<0xFF800000> : vector<1024xf32>
    %reduce_max3A_13 = vector.multi_reduction <maximumf>, %add3A_12, %reduce_max3A [0] : vector<640x1024xf32> to vector<1024xf32>
    %broadcast_in_dim3A_14 = vector.shape_cast %reduce_max3A_13 : vector<1024xf32> to vector<1x1024xf32>
    %eq3A_15 = arith.constant 1 : i32
    %eq3A_16 = vector.broadcast %eq3A_15 : i32 to vector<640x1xi32>
    %eq3A_17 = arith.cmpi eq, %get3A_6, %eq3A_16 : vector<640x1xi32>
    %jit3A_18 = arith.constant 0.000000e+00 : f32
    %jit3A_19 = arith.constant 0xFF800000 : f32
    %broadcast_in_dim3A_20 = vector.broadcast %jit3A_18 : f32 to vector<640x1xf32>
    %broadcast_in_dim3A_21 = vector.broadcast %jit3A_19 : f32 to vector<640x1xf32>
    %select_n3A_22 = arith.select %eq3A_17, %broadcast_in_dim3A_20, %broadcast_in_dim3A_21 : vector<640x1xi1>, vector<640x1xf32>
    %add3A_23 = vector.broadcast %select_n3A_22 : vector<640x1xf32> to vector<640x1024xf32>
    %add3A_24 = arith.addf %get3A_3, %add3A_23 : vector<640x1024xf32>
    %reduce_max3A_25 = arith.constant dense<0xFF800000> : vector<1024xf32>
    %reduce_max3A_26 = vector.multi_reduction <maximumf>, %add3A_24, %reduce_max3A_25 [0] : vector<640x1024xf32> to vector<1024xf32>
    %broadcast_in_dim3A_27 = vector.shape_cast %reduce_max3A_26 : vector<1024xf32> to vector<1x1024xf32>
    %eq3A_28 = arith.constant 2 : i32
    %eq3A_29 = vector.broadcast %eq3A_28 : i32 to vector<640x1xi32>
    %eq3A_30 = arith.cmpi eq, %get3A_6, %eq3A_29 : vector<640x1xi32>
    %jit3A_31 = arith.constant 0.000000e+00 : f32
    %jit3A_32 = arith.constant 0xFF800000 : f32
    %broadcast_in_dim3A_33 = vector.broadcast %jit3A_31 : f32 to vector<640x1xf32>
    %broadcast_in_dim3A_34 = vector.broadcast %jit3A_32 : f32 to vector<640x1xf32>
    %select_n3A_35 = arith.select %eq3A_30, %broadcast_in_dim3A_33, %broadcast_in_dim3A_34 : vector<640x1xi1>, vector<640x1xf32>
    %add3A_36 = vector.broadcast %select_n3A_35 : vector<640x1xf32> to vector<640x1024xf32>
    %add3A_37 = arith.addf %get3A_3, %add3A_36 : vector<640x1024xf32>
    %reduce_max3A_38 = arith.constant dense<0xFF800000> : vector<1024xf32>
    %reduce_max3A_39 = vector.multi_reduction <maximumf>, %add3A_37, %reduce_max3A_38 [0] : vector<640x1024xf32> to vector<1024xf32>
    %broadcast_in_dim3A_40 = vector.shape_cast %reduce_max3A_39 : vector<1024xf32> to vector<1x1024xf32>
    %eq3A_41 = arith.constant 3 : i32
    %eq3A_42 = vector.broadcast %eq3A_41 : i32 to vector<640x1xi32>
    %eq3A_43 = arith.cmpi eq, %get3A_6, %eq3A_42 : vector<640x1xi32>
    %jit3A_44 = arith.constant 0.000000e+00 : f32
    %jit3A_45 = arith.constant 0xFF800000 : f32
    %broadcast_in_dim3A_46 = vector.broadcast %jit3A_44 : f32 to vector<640x1xf32>
    %broadcast_in_dim3A_47 = vector.broadcast %jit3A_45 : f32 to vector<640x1xf32>
    %select_n3A_48 = arith.select %eq3A_43, %broadcast_in_dim3A_46, %broadcast_in_dim3A_47 : vector<640x1xi1>, vector<640x1xf32>
    %add3A_49 = vector.broadcast %select_n3A_48 : vector<640x1xf32> to vector<640x1024xf32>
    %add3A_50 = arith.addf %get3A_3, %add3A_49 : vector<640x1024xf32>
    %reduce_max3A_51 = arith.constant dense<0xFF800000> : vector<1024xf32>
    %reduce_max3A_52 = vector.multi_reduction <maximumf>, %add3A_50, %reduce_max3A_51 [0] : vector<640x1024xf32> to vector<1024xf32>
    %broadcast_in_dim3A_53 = vector.shape_cast %reduce_max3A_52 : vector<1024xf32> to vector<1x1024xf32>
    %eq3A_54 = arith.constant 4 : i32
    %eq3A_55 = vector.broadcast %eq3A_54 : i32 to vector<640x1xi32>
    %eq3A_56 = arith.cmpi eq, %get3A_6, %eq3A_55 : vector<640x1xi32>
    %jit3A_57 = arith.constant 0.000000e+00 : f32
    %jit3A_58 = arith.constant 0xFF800000 : f32
    %broadcast_in_dim3A_59 = vector.broadcast %jit3A_57 : f32 to vector<640x1xf32>
    %broadcast_in_dim3A_60 = vector.broadcast %jit3A_58 : f32 to vector<640x1xf32>
    %select_n3A_61 = arith.select %eq3A_56, %broadcast_in_dim3A_59, %broadcast_in_dim3A_60 : vector<640x1xi1>, vector<640x1xf32>
    %add3A_62 = vector.broadcast %select_n3A_61 : vector<640x1xf32> to vector<640x1024xf32>
    %add3A_63 = arith.addf %get3A_3, %add3A_62 : vector<640x1024xf32>
    %reduce_max3A_64 = arith.constant dense<0xFF800000> : vector<1024xf32>
    %reduce_max3A_65 = vector.multi_reduction <maximumf>, %add3A_63, %reduce_max3A_64 [0] : vector<640x1024xf32> to vector<1024xf32>
    %broadcast_in_dim3A_66 = vector.shape_cast %reduce_max3A_65 : vector<1024xf32> to vector<1x1024xf32>
    %eq3A_67 = arith.constant 5 : i32
    %eq3A_68 = vector.broadcast %eq3A_67 : i32 to vector<640x1xi32>
    %eq3A_69 = arith.cmpi eq, %get3A_6, %eq3A_68 : vector<640x1xi32>
    %jit3A_70 = arith.constant 0.000000e+00 : f32
    %jit3A_71 = arith.constant 0xFF800000 : f32
    %broadcast_in_dim3A_72 = vector.broadcast %jit3A_70 : f32 to vector<640x1xf32>
    %broadcast_in_dim3A_73 = vector.broadcast %jit3A_71 : f32 to vector<640x1xf32>
    %select_n3A_74 = arith.select %eq3A_69, %broadcast_in_dim3A_72, %broadcast_in_dim3A_73 : vector<640x1xi1>, vector<640x1xf32>
    %add3A_75 = vector.broadcast %select_n3A_74 : vector<640x1xf32> to vector<640x1024xf32>
    %add3A_76 = arith.addf %get3A_3, %add3A_75 : vector<640x1024xf32>
    %reduce_max3A_77 = arith.constant dense<0xFF800000> : vector<1024xf32>
    %reduce_max3A_78 = vector.multi_reduction <maximumf>, %add3A_76, %reduce_max3A_77 [0] : vector<640x1024xf32> to vector<1024xf32>
    %broadcast_in_dim3A_79 = vector.shape_cast %reduce_max3A_78 : vector<1024xf32> to vector<1x1024xf32>
    %eq3A_80 = arith.constant 6 : i32
    %eq3A_81 = vector.broadcast %eq3A_80 : i32 to vector<640x1xi32>
    %eq3A_82 = arith.cmpi eq, %get3A_6, %eq3A_81 : vector<640x1xi32>
    %jit3A_83 = arith.constant 0.000000e+00 : f32
    %jit3A_84 = arith.constant 0xFF800000 : f32
    %broadcast_in_dim3A_85 = vector.broadcast %jit3A_83 : f32 to vector<640x1xf32>
    %broadcast_in_dim3A_86 = vector.broadcast %jit3A_84 : f32 to vector<640x1xf32>
    %select_n3A_87 = arith.select %eq3A_82, %broadcast_in_dim3A_85, %broadcast_in_dim3A_86 : vector<640x1xi1>, vector<640x1xf32>
    %add3A_88 = vector.broadcast %select_n3A_87 : vector<640x1xf32> to vector<640x1024xf32>
    %add3A_89 = arith.addf %get3A_3, %add3A_88 : vector<640x1024xf32>
    %reduce_max3A_90 = arith.constant dense<0xFF800000> : vector<1024xf32>
    %reduce_max3A_91 = vector.multi_reduction <maximumf>, %add3A_89, %reduce_max3A_90 [0] : vector<640x1024xf32> to vector<1024xf32>
    %broadcast_in_dim3A_92 = vector.shape_cast %reduce_max3A_91 : vector<1024xf32> to vector<1x1024xf32>
    %eq3A_93 = arith.constant 7 : i32
    %eq3A_94 = vector.broadcast %eq3A_93 : i32 to vector<640x1xi32>
    %eq3A_95 = arith.cmpi eq, %get3A_6, %eq3A_94 : vector<640x1xi32>
    %jit3A_96 = arith.constant 0.000000e+00 : f32
    %jit3A_97 = arith.constant 0xFF800000 : f32
    %broadcast_in_dim3A_98 = vector.broadcast %jit3A_96 : f32 to vector<640x1xf32>
    %broadcast_in_dim3A_99 = vector.broadcast %jit3A_97 : f32 to vector<640x1xf32>
    %select_n3A_100 = arith.select %eq3A_95, %broadcast_in_dim3A_98, %broadcast_in_dim3A_99 : vector<640x1xi1>, vector<640x1xf32>
    %add3A_101 = vector.broadcast %select_n3A_100 : vector<640x1xf32> to vector<640x1024xf32>
    %add3A_102 = arith.addf %get3A_3, %add3A_101 : vector<640x1024xf32>
    %reduce_max3A_103 = arith.constant dense<0xFF800000> : vector<1024xf32>
    %reduce_max3A_104 = vector.multi_reduction <maximumf>, %add3A_102, %reduce_max3A_103 [0] : vector<640x1024xf32> to vector<1024xf32>
    %broadcast_in_dim3A_105 = vector.shape_cast %reduce_max3A_104 : vector<1024xf32> to vector<1x1024xf32>
    %eq3A_106 = arith.constant 8 : i32
    %eq3A_107 = vector.broadcast %eq3A_106 : i32 to vector<640x1xi32>
    %eq3A_108 = arith.cmpi eq, %get3A_6, %eq3A_107 : vector<640x1xi32>
    %jit3A_109 = arith.constant 0.000000e+00 : f32
    %jit3A_110 = arith.constant 0xFF800000 : f32
    %broadcast_in_dim3A_111 = vector.broadcast %jit3A_109 : f32 to vector<640x1xf32>
    %broadcast_in_dim3A_112 = vector.broadcast %jit3A_110 : f32 to vector<640x1xf32>
    %select_n3A_113 = arith.select %eq3A_108, %broadcast_in_dim3A_111, %broadcast_in_dim3A_112 : vector<640x1xi1>, vector<640x1xf32>
    %add3A_114 = vector.broadcast %select_n3A_113 : vector<640x1xf32> to vector<640x1024xf32>
    %add3A_115 = arith.addf %get3A_3, %add3A_114 : vector<640x1024xf32>
    %reduce_max3A_116 = arith.constant dense<0xFF800000> : vector<1024xf32>
    %reduce_max3A_117 = vector.multi_reduction <maximumf>, %add3A_115, %reduce_max3A_116 [0] : vector<640x1024xf32> to vector<1024xf32>
    %broadcast_in_dim3A_118 = vector.shape_cast %reduce_max3A_117 : vector<1024xf32> to vector<1x1024xf32>
    %eq3A_119 = arith.constant 9 : i32
    %eq3A_120 = vector.broadcast %eq3A_119 : i32 to vector<640x1xi32>
    %eq3A_121 = arith.cmpi eq, %get3A_6, %eq3A_120 : vector<640x1xi32>
    %jit3A_122 = arith.constant 0.000000e+00 : f32
    %jit3A_123 = arith.constant 0xFF800000 : f32
    %broadcast_in_dim3A_124 = vector.broadcast %jit3A_122 : f32 to vector<640x1xf32>
    %broadcast_in_dim3A_125 = vector.broadcast %jit3A_123 : f32 to vector<640x1xf32>
    %select_n3A_126 = arith.select %eq3A_121, %broadcast_in_dim3A_124, %broadcast_in_dim3A_125 : vector<640x1xi1>, vector<640x1xf32>
    %add3A_127 = vector.broadcast %select_n3A_126 : vector<640x1xf32> to vector<640x1024xf32>
    %add3A_128 = arith.addf %get3A_3, %add3A_127 : vector<640x1024xf32>
    %reduce_max3A_129 = arith.constant dense<0xFF800000> : vector<1024xf32>
    %reduce_max3A_130 = vector.multi_reduction <maximumf>, %add3A_128, %reduce_max3A_129 [0] : vector<640x1024xf32> to vector<1024xf32>
    %broadcast_in_dim3A_131 = vector.shape_cast %reduce_max3A_130 : vector<1024xf32> to vector<1x1024xf32>
    %eq3A_132 = arith.constant 10 : i32
    %eq3A_133 = vector.broadcast %eq3A_132 : i32 to vector<640x1xi32>
    %eq3A_134 = arith.cmpi eq, %get3A_6, %eq3A_133 : vector<640x1xi32>
    %jit3A_135 = arith.constant 0.000000e+00 : f32
    %jit3A_136 = arith.constant 0xFF800000 : f32
    %broadcast_in_dim3A_137 = vector.broadcast %jit3A_135 : f32 to vector<640x1xf32>
    %broadcast_in_dim3A_138 = vector.broadcast %jit3A_136 : f32 to vector<640x1xf32>
    %select_n3A_139 = arith.select %eq3A_134, %broadcast_in_dim3A_137, %broadcast_in_dim3A_138 : vector<640x1xi1>, vector<640x1xf32>
    %add3A_140 = vector.broadcast %select_n3A_139 : vector<640x1xf32> to vector<640x1024xf32>
    %add3A_141 = arith.addf %get3A_3, %add3A_140 : vector<640x1024xf32>
    %reduce_max3A_142 = arith.constant dense<0xFF800000> : vector<1024xf32>
    %reduce_max3A_143 = vector.multi_reduction <maximumf>, %add3A_141, %reduce_max3A_142 [0] : vector<640x1024xf32> to vector<1024xf32>
    %broadcast_in_dim3A_144 = vector.shape_cast %reduce_max3A_143 : vector<1024xf32> to vector<1x1024xf32>
    %eq3A_145 = arith.constant 11 : i32
    %eq3A_146 = vector.broadcast %eq3A_145 : i32 to vector<640x1xi32>
    %eq3A_147 = arith.cmpi eq, %get3A_6, %eq3A_146 : vector<640x1xi32>
    %jit3A_148 = arith.constant 0.000000e+00 : f32
    %jit3A_149 = arith.constant 0xFF800000 : f32
    %broadcast_in_dim3A_150 = vector.broadcast %jit3A_148 : f32 to vector<640x1xf32>
    %broadcast_in_dim3A_151 = vector.broadcast %jit3A_149 : f32 to vector<640x1xf32>
    %select_n3A_152 = arith.select %eq3A_147, %broadcast_in_dim3A_150, %broadcast_in_dim3A_151 : vector<640x1xi1>, vector<640x1xf32>
    %add3A_153 = vector.broadcast %select_n3A_152 : vector<640x1xf32> to vector<640x1024xf32>
    %add3A_154 = arith.addf %get3A_3, %add3A_153 : vector<640x1024xf32>
    %reduce_max3A_155 = arith.constant dense<0xFF800000> : vector<1024xf32>
    %reduce_max3A_156 = vector.multi_reduction <maximumf>, %add3A_154, %reduce_max3A_155 [0] : vector<640x1024xf32> to vector<1024xf32>
    %broadcast_in_dim3A_157 = vector.shape_cast %reduce_max3A_156 : vector<1024xf32> to vector<1x1024xf32>
    %eq3A_158 = arith.constant 12 : i32
    %eq3A_159 = vector.broadcast %eq3A_158 : i32 to vector<640x1xi32>
    %eq3A_160 = arith.cmpi eq, %get3A_6, %eq3A_159 : vector<640x1xi32>
    %jit3A_161 = arith.constant 0.000000e+00 : f32
    %jit3A_162 = arith.constant 0xFF800000 : f32
    %broadcast_in_dim3A_163 = vector.broadcast %jit3A_161 : f32 to vector<640x1xf32>
    %broadcast_in_dim3A_164 = vector.broadcast %jit3A_162 : f32 to vector<640x1xf32>
    %select_n3A_165 = arith.select %eq3A_160, %broadcast_in_dim3A_163, %broadcast_in_dim3A_164 : vector<640x1xi1>, vector<640x1xf32>
    %add3A_166 = vector.broadcast %select_n3A_165 : vector<640x1xf32> to vector<640x1024xf32>
    %add3A_167 = arith.addf %get3A_3, %add3A_166 : vector<640x1024xf32>
    %reduce_max3A_168 = arith.constant dense<0xFF800000> : vector<1024xf32>
    %reduce_max3A_169 = vector.multi_reduction <maximumf>, %add3A_167, %reduce_max3A_168 [0] : vector<640x1024xf32> to vector<1024xf32>
    %broadcast_in_dim3A_170 = vector.shape_cast %reduce_max3A_169 : vector<1024xf32> to vector<1x1024xf32>
    %eq3A_171 = arith.constant 13 : i32
    %eq3A_172 = vector.broadcast %eq3A_171 : i32 to vector<640x1xi32>
    %eq3A_173 = arith.cmpi eq, %get3A_6, %eq3A_172 : vector<640x1xi32>
    %jit3A_174 = arith.constant 0.000000e+00 : f32
    %jit3A_175 = arith.constant 0xFF800000 : f32
    %broadcast_in_dim3A_176 = vector.broadcast %jit3A_174 : f32 to vector<640x1xf32>
    %broadcast_in_dim3A_177 = vector.broadcast %jit3A_175 : f32 to vector<640x1xf32>
    %select_n3A_178 = arith.select %eq3A_173, %broadcast_in_dim3A_176, %broadcast_in_dim3A_177 : vector<640x1xi1>, vector<640x1xf32>
    %add3A_179 = vector.broadcast %select_n3A_178 : vector<640x1xf32> to vector<640x1024xf32>
    %add3A_180 = arith.addf %get3A_3, %add3A_179 : vector<640x1024xf32>
    %reduce_max3A_181 = arith.constant dense<0xFF800000> : vector<1024xf32>
    %reduce_max3A_182 = vector.multi_reduction <maximumf>, %add3A_180, %reduce_max3A_181 [0] : vector<640x1024xf32> to vector<1024xf32>
    %broadcast_in_dim3A_183 = vector.shape_cast %reduce_max3A_182 : vector<1024xf32> to vector<1x1024xf32>
    %eq3A_184 = arith.constant 14 : i32
    %eq3A_185 = vector.broadcast %eq3A_184 : i32 to vector<640x1xi32>
    %eq3A_186 = arith.cmpi eq, %get3A_6, %eq3A_185 : vector<640x1xi32>
    %jit3A_187 = arith.constant 0.000000e+00 : f32
    %jit3A_188 = arith.constant 0xFF800000 : f32
    %broadcast_in_dim3A_189 = vector.broadcast %jit3A_187 : f32 to vector<640x1xf32>
    %broadcast_in_dim3A_190 = vector.broadcast %jit3A_188 : f32 to vector<640x1xf32>
    %select_n3A_191 = arith.select %eq3A_186, %broadcast_in_dim3A_189, %broadcast_in_dim3A_190 : vector<640x1xi1>, vector<640x1xf32>
    %add3A_192 = vector.broadcast %select_n3A_191 : vector<640x1xf32> to vector<640x1024xf32>
    %add3A_193 = arith.addf %get3A_3, %add3A_192 : vector<640x1024xf32>
    %reduce_max3A_194 = arith.constant dense<0xFF800000> : vector<1024xf32>
    %reduce_max3A_195 = vector.multi_reduction <maximumf>, %add3A_193, %reduce_max3A_194 [0] : vector<640x1024xf32> to vector<1024xf32>
    %broadcast_in_dim3A_196 = vector.shape_cast %reduce_max3A_195 : vector<1024xf32> to vector<1x1024xf32>
    %eq3A_197 = arith.constant 15 : i32
    %eq3A_198 = vector.broadcast %eq3A_197 : i32 to vector<640x1xi32>
    %eq3A_199 = arith.cmpi eq, %get3A_6, %eq3A_198 : vector<640x1xi32>
    %jit3A_200 = arith.constant 0.000000e+00 : f32
    %jit3A_201 = arith.constant 0xFF800000 : f32
    %broadcast_in_dim3A_202 = vector.broadcast %jit3A_200 : f32 to vector<640x1xf32>
    %broadcast_in_dim3A_203 = vector.broadcast %jit3A_201 : f32 to vector<640x1xf32>
    %select_n3A_204 = arith.select %eq3A_199, %broadcast_in_dim3A_202, %broadcast_in_dim3A_203 : vector<640x1xi1>, vector<640x1xf32>
    %add3A_205 = vector.broadcast %select_n3A_204 : vector<640x1xf32> to vector<640x1024xf32>
    %add3A_206 = arith.addf %get3A_3, %add3A_205 : vector<640x1024xf32>
    %reduce_max3A_207 = arith.constant dense<0xFF800000> : vector<1024xf32>
    %reduce_max3A_208 = vector.multi_reduction <maximumf>, %add3A_206, %reduce_max3A_207 [0] : vector<640x1024xf32> to vector<1024xf32>
    %broadcast_in_dim3A_209 = vector.shape_cast %reduce_max3A_208 : vector<1024xf32> to vector<1x1024xf32>
    %eq3A_210 = arith.constant 16 : i32
    %eq3A_211 = vector.broadcast %eq3A_210 : i32 to vector<640x1xi32>
    %eq3A_212 = arith.cmpi eq, %get3A_6, %eq3A_211 : vector<640x1xi32>
    %jit3A_213 = arith.constant 0.000000e+00 : f32
    %jit3A_214 = arith.constant 0xFF800000 : f32
    %broadcast_in_dim3A_215 = vector.broadcast %jit3A_213 : f32 to vector<640x1xf32>
    %broadcast_in_dim3A_216 = vector.broadcast %jit3A_214 : f32 to vector<640x1xf32>
    %select_n3A_217 = arith.select %eq3A_212, %broadcast_in_dim3A_215, %broadcast_in_dim3A_216 : vector<640x1xi1>, vector<640x1xf32>
    %add3A_218 = vector.broadcast %select_n3A_217 : vector<640x1xf32> to vector<640x1024xf32>
    %add3A_219 = arith.addf %get3A_3, %add3A_218 : vector<640x1024xf32>
    %reduce_max3A_220 = arith.constant dense<0xFF800000> : vector<1024xf32>
    %reduce_max3A_221 = vector.multi_reduction <maximumf>, %add3A_219, %reduce_max3A_220 [0] : vector<640x1024xf32> to vector<1024xf32>
    %broadcast_in_dim3A_222 = vector.shape_cast %reduce_max3A_221 : vector<1024xf32> to vector<1x1024xf32>
    %eq3A_223 = arith.constant 17 : i32
    %eq3A_224 = vector.broadcast %eq3A_223 : i32 to vector<640x1xi32>
    %eq3A_225 = arith.cmpi eq, %get3A_6, %eq3A_224 : vector<640x1xi32>
    %jit3A_226 = arith.constant 0.000000e+00 : f32
    %jit3A_227 = arith.constant 0xFF800000 : f32
    %broadcast_in_dim3A_228 = vector.broadcast %jit3A_226 : f32 to vector<640x1xf32>
    %broadcast_in_dim3A_229 = vector.broadcast %jit3A_227 : f32 to vector<640x1xf32>
    %select_n3A_230 = arith.select %eq3A_225, %broadcast_in_dim3A_228, %broadcast_in_dim3A_229 : vector<640x1xi1>, vector<640x1xf32>
    %add3A_231 = vector.broadcast %select_n3A_230 : vector<640x1xf32> to vector<640x1024xf32>
    %add3A_232 = arith.addf %get3A_3, %add3A_231 : vector<640x1024xf32>
    %reduce_max3A_233 = arith.constant dense<0xFF800000> : vector<1024xf32>
    %reduce_max3A_234 = vector.multi_reduction <maximumf>, %add3A_232, %reduce_max3A_233 [0] : vector<640x1024xf32> to vector<1024xf32>
    %broadcast_in_dim3A_235 = vector.shape_cast %reduce_max3A_234 : vector<1024xf32> to vector<1x1024xf32>
    %eq3A_236 = arith.constant 18 : i32
    %eq3A_237 = vector.broadcast %eq3A_236 : i32 to vector<640x1xi32>
    %eq3A_238 = arith.cmpi eq, %get3A_6, %eq3A_237 : vector<640x1xi32>
    %jit3A_239 = arith.constant 0.000000e+00 : f32
    %jit3A_240 = arith.constant 0xFF800000 : f32
    %broadcast_in_dim3A_241 = vector.broadcast %jit3A_239 : f32 to vector<640x1xf32>
    %broadcast_in_dim3A_242 = vector.broadcast %jit3A_240 : f32 to vector<640x1xf32>
    %select_n3A_243 = arith.select %eq3A_238, %broadcast_in_dim3A_241, %broadcast_in_dim3A_242 : vector<640x1xi1>, vector<640x1xf32>
    %add3A_244 = vector.broadcast %select_n3A_243 : vector<640x1xf32> to vector<640x1024xf32>
    %add3A_245 = arith.addf %get3A_3, %add3A_244 : vector<640x1024xf32>
    %reduce_max3A_246 = arith.constant dense<0xFF800000> : vector<1024xf32>
    %reduce_max3A_247 = vector.multi_reduction <maximumf>, %add3A_245, %reduce_max3A_246 [0] : vector<640x1024xf32> to vector<1024xf32>
    %broadcast_in_dim3A_248 = vector.shape_cast %reduce_max3A_247 : vector<1024xf32> to vector<1x1024xf32>
    %eq3A_249 = arith.constant 19 : i32
    %eq3A_250 = vector.broadcast %eq3A_249 : i32 to vector<640x1xi32>
    %eq3A_251 = arith.cmpi eq, %get3A_6, %eq3A_250 : vector<640x1xi32>
    %jit3A_252 = arith.constant 0.000000e+00 : f32
    %jit3A_253 = arith.constant 0xFF800000 : f32
    %broadcast_in_dim3A_254 = vector.broadcast %jit3A_252 : f32 to vector<640x1xf32>
    %broadcast_in_dim3A_255 = vector.broadcast %jit3A_253 : f32 to vector<640x1xf32>
    %select_n3A_256 = arith.select %eq3A_251, %broadcast_in_dim3A_254, %broadcast_in_dim3A_255 : vector<640x1xi1>, vector<640x1xf32>
    %add3A_257 = vector.broadcast %select_n3A_256 : vector<640x1xf32> to vector<640x1024xf32>
    %add3A_258 = arith.addf %get3A_3, %add3A_257 : vector<640x1024xf32>
    %reduce_max3A_259 = arith.constant dense<0xFF800000> : vector<1024xf32>
    %reduce_max3A_260 = vector.multi_reduction <maximumf>, %add3A_258, %reduce_max3A_259 [0] : vector<640x1024xf32> to vector<1024xf32>
    %broadcast_in_dim3A_261 = vector.shape_cast %reduce_max3A_260 : vector<1024xf32> to vector<1x1024xf32>
    %eq3A_262 = arith.constant 20 : i32
    %eq3A_263 = vector.broadcast %eq3A_262 : i32 to vector<640x1xi32>
    %eq3A_264 = arith.cmpi eq, %get3A_6, %eq3A_263 : vector<640x1xi32>
    %jit3A_265 = arith.constant 0.000000e+00 : f32
    %jit3A_266 = arith.constant 0xFF800000 : f32
    %broadcast_in_dim3A_267 = vector.broadcast %jit3A_265 : f32 to vector<640x1xf32>
    %broadcast_in_dim3A_268 = vector.broadcast %jit3A_266 : f32 to vector<640x1xf32>
    %select_n3A_269 = arith.select %eq3A_264, %broadcast_in_dim3A_267, %broadcast_in_dim3A_268 : vector<640x1xi1>, vector<640x1xf32>
    %add3A_270 = vector.broadcast %select_n3A_269 : vector<640x1xf32> to vector<640x1024xf32>
    %add3A_271 = arith.addf %get3A_3, %add3A_270 : vector<640x1024xf32>
    %reduce_max3A_272 = arith.constant dense<0xFF800000> : vector<1024xf32>
    %reduce_max3A_273 = vector.multi_reduction <maximumf>, %add3A_271, %reduce_max3A_272 [0] : vector<640x1024xf32> to vector<1024xf32>
    %broadcast_in_dim3A_274 = vector.shape_cast %reduce_max3A_273 : vector<1024xf32> to vector<1x1024xf32>
    %eq3A_275 = arith.constant 21 : i32
    %eq3A_276 = vector.broadcast %eq3A_275 : i32 to vector<640x1xi32>
    %eq3A_277 = arith.cmpi eq, %get3A_6, %eq3A_276 : vector<640x1xi32>
    %jit3A_278 = arith.constant 0.000000e+00 : f32
    %jit3A_279 = arith.constant 0xFF800000 : f32
    %broadcast_in_dim3A_280 = vector.broadcast %jit3A_278 : f32 to vector<640x1xf32>
    %broadcast_in_dim3A_281 = vector.broadcast %jit3A_279 : f32 to vector<640x1xf32>
    %select_n3A_282 = arith.select %eq3A_277, %broadcast_in_dim3A_280, %broadcast_in_dim3A_281 : vector<640x1xi1>, vector<640x1xf32>
    %add3A_283 = vector.broadcast %select_n3A_282 : vector<640x1xf32> to vector<640x1024xf32>
    %add3A_284 = arith.addf %get3A_3, %add3A_283 : vector<640x1024xf32>
    %reduce_max3A_285 = arith.constant dense<0xFF800000> : vector<1024xf32>
    %reduce_max3A_286 = vector.multi_reduction <maximumf>, %add3A_284, %reduce_max3A_285 [0] : vector<640x1024xf32> to vector<1024xf32>
    %broadcast_in_dim3A_287 = vector.shape_cast %reduce_max3A_286 : vector<1024xf32> to vector<1x1024xf32>
    %eq3A_288 = arith.constant 22 : i32
    %eq3A_289 = vector.broadcast %eq3A_288 : i32 to vector<640x1xi32>
    %eq3A_290 = arith.cmpi eq, %get3A_6, %eq3A_289 : vector<640x1xi32>
    %jit3A_291 = arith.constant 0.000000e+00 : f32
    %jit3A_292 = arith.constant 0xFF800000 : f32
    %broadcast_in_dim3A_293 = vector.broadcast %jit3A_291 : f32 to vector<640x1xf32>
    %broadcast_in_dim3A_294 = vector.broadcast %jit3A_292 : f32 to vector<640x1xf32>
    %select_n3A_295 = arith.select %eq3A_290, %broadcast_in_dim3A_293, %broadcast_in_dim3A_294 : vector<640x1xi1>, vector<640x1xf32>
    %add3A_296 = vector.broadcast %select_n3A_295 : vector<640x1xf32> to vector<640x1024xf32>
    %add3A_297 = arith.addf %get3A_3, %add3A_296 : vector<640x1024xf32>
    %reduce_max3A_298 = arith.constant dense<0xFF800000> : vector<1024xf32>
    %reduce_max3A_299 = vector.multi_reduction <maximumf>, %add3A_297, %reduce_max3A_298 [0] : vector<640x1024xf32> to vector<1024xf32>
    %broadcast_in_dim3A_300 = vector.shape_cast %reduce_max3A_299 : vector<1024xf32> to vector<1x1024xf32>
    %eq3A_301 = arith.constant 23 : i32
    %eq3A_302 = vector.broadcast %eq3A_301 : i32 to vector<640x1xi32>
    %eq3A_303 = arith.cmpi eq, %get3A_6, %eq3A_302 : vector<640x1xi32>
    %jit3A_304 = arith.constant 0.000000e+00 : f32
    %jit3A_305 = arith.constant 0xFF800000 : f32
    %broadcast_in_dim3A_306 = vector.broadcast %jit3A_304 : f32 to vector<640x1xf32>
    %broadcast_in_dim3A_307 = vector.broadcast %jit3A_305 : f32 to vector<640x1xf32>
    %select_n3A_308 = arith.select %eq3A_303, %broadcast_in_dim3A_306, %broadcast_in_dim3A_307 : vector<640x1xi1>, vector<640x1xf32>
    %add3A_309 = vector.broadcast %select_n3A_308 : vector<640x1xf32> to vector<640x1024xf32>
    %add3A_310 = arith.addf %get3A_3, %add3A_309 : vector<640x1024xf32>
    %reduce_max3A_311 = arith.constant dense<0xFF800000> : vector<1024xf32>
    %reduce_max3A_312 = vector.multi_reduction <maximumf>, %add3A_310, %reduce_max3A_311 [0] : vector<640x1024xf32> to vector<1024xf32>
    %broadcast_in_dim3A_313 = vector.shape_cast %reduce_max3A_312 : vector<1024xf32> to vector<1x1024xf32>
    %eq3A_314 = arith.constant 24 : i32
    %eq3A_315 = vector.broadcast %eq3A_314 : i32 to vector<640x1xi32>
    %eq3A_316 = arith.cmpi eq, %get3A_6, %eq3A_315 : vector<640x1xi32>
    %jit3A_317 = arith.constant 0.000000e+00 : f32
    %jit3A_318 = arith.constant 0xFF800000 : f32
    %broadcast_in_dim3A_319 = vector.broadcast %jit3A_317 : f32 to vector<640x1xf32>
    %broadcast_in_dim3A_320 = vector.broadcast %jit3A_318 : f32 to vector<640x1xf32>
    %select_n3A_321 = arith.select %eq3A_316, %broadcast_in_dim3A_319, %broadcast_in_dim3A_320 : vector<640x1xi1>, vector<640x1xf32>
    %add3A_322 = vector.broadcast %select_n3A_321 : vector<640x1xf32> to vector<640x1024xf32>
    %add3A_323 = arith.addf %get3A_3, %add3A_322 : vector<640x1024xf32>
    %reduce_max3A_324 = arith.constant dense<0xFF800000> : vector<1024xf32>
    %reduce_max3A_325 = vector.multi_reduction <maximumf>, %add3A_323, %reduce_max3A_324 [0] : vector<640x1024xf32> to vector<1024xf32>
    %broadcast_in_dim3A_326 = vector.shape_cast %reduce_max3A_325 : vector<1024xf32> to vector<1x1024xf32>
    %eq3A_327 = arith.constant 25 : i32
    %eq3A_328 = vector.broadcast %eq3A_327 : i32 to vector<640x1xi32>
    %eq3A_329 = arith.cmpi eq, %get3A_6, %eq3A_328 : vector<640x1xi32>
    %jit3A_330 = arith.constant 0.000000e+00 : f32
    %jit3A_331 = arith.constant 0xFF800000 : f32
    %broadcast_in_dim3A_332 = vector.broadcast %jit3A_330 : f32 to vector<640x1xf32>
    %broadcast_in_dim3A_333 = vector.broadcast %jit3A_331 : f32 to vector<640x1xf32>
    %select_n3A_334 = arith.select %eq3A_329, %broadcast_in_dim3A_332, %broadcast_in_dim3A_333 : vector<640x1xi1>, vector<640x1xf32>
    %add3A_335 = vector.broadcast %select_n3A_334 : vector<640x1xf32> to vector<640x1024xf32>
    %add3A_336 = arith.addf %get3A_3, %add3A_335 : vector<640x1024xf32>
    %reduce_max3A_337 = arith.constant dense<0xFF800000> : vector<1024xf32>
    %reduce_max3A_338 = vector.multi_reduction <maximumf>, %add3A_336, %reduce_max3A_337 [0] : vector<640x1024xf32> to vector<1024xf32>
    %broadcast_in_dim3A_339 = vector.shape_cast %reduce_max3A_338 : vector<1024xf32> to vector<1x1024xf32>
    %eq3A_340 = arith.constant 26 : i32
    %eq3A_341 = vector.broadcast %eq3A_340 : i32 to vector<640x1xi32>
    %eq3A_342 = arith.cmpi eq, %get3A_6, %eq3A_341 : vector<640x1xi32>
    %jit3A_343 = arith.constant 0.000000e+00 : f32
    %jit3A_344 = arith.constant 0xFF800000 : f32
    %broadcast_in_dim3A_345 = vector.broadcast %jit3A_343 : f32 to vector<640x1xf32>
    %broadcast_in_dim3A_346 = vector.broadcast %jit3A_344 : f32 to vector<640x1xf32>
    %select_n3A_347 = arith.select %eq3A_342, %broadcast_in_dim3A_345, %broadcast_in_dim3A_346 : vector<640x1xi1>, vector<640x1xf32>
    %add3A_348 = vector.broadcast %select_n3A_347 : vector<640x1xf32> to vector<640x1024xf32>
    %add3A_349 = arith.addf %get3A_3, %add3A_348 : vector<640x1024xf32>
    %reduce_max3A_350 = arith.constant dense<0xFF800000> : vector<1024xf32>
    %reduce_max3A_351 = vector.multi_reduction <maximumf>, %add3A_349, %reduce_max3A_350 [0] : vector<640x1024xf32> to vector<1024xf32>
    %broadcast_in_dim3A_352 = vector.shape_cast %reduce_max3A_351 : vector<1024xf32> to vector<1x1024xf32>
    %eq3A_353 = arith.constant 27 : i32
    %eq3A_354 = vector.broadcast %eq3A_353 : i32 to vector<640x1xi32>
    %eq3A_355 = arith.cmpi eq, %get3A_6, %eq3A_354 : vector<640x1xi32>
    %jit3A_356 = arith.constant 0.000000e+00 : f32
    %jit3A_357 = arith.constant 0xFF800000 : f32
    %broadcast_in_dim3A_358 = vector.broadcast %jit3A_356 : f32 to vector<640x1xf32>
    %broadcast_in_dim3A_359 = vector.broadcast %jit3A_357 : f32 to vector<640x1xf32>
    %select_n3A_360 = arith.select %eq3A_355, %broadcast_in_dim3A_358, %broadcast_in_dim3A_359 : vector<640x1xi1>, vector<640x1xf32>
    %add3A_361 = vector.broadcast %select_n3A_360 : vector<640x1xf32> to vector<640x1024xf32>
    %add3A_362 = arith.addf %get3A_3, %add3A_361 : vector<640x1024xf32>
    %reduce_max3A_363 = arith.constant dense<0xFF800000> : vector<1024xf32>
    %reduce_max3A_364 = vector.multi_reduction <maximumf>, %add3A_362, %reduce_max3A_363 [0] : vector<640x1024xf32> to vector<1024xf32>
    %broadcast_in_dim3A_365 = vector.shape_cast %reduce_max3A_364 : vector<1024xf32> to vector<1x1024xf32>
    %eq3A_366 = arith.constant 28 : i32
    %eq3A_367 = vector.broadcast %eq3A_366 : i32 to vector<640x1xi32>
    %eq3A_368 = arith.cmpi eq, %get3A_6, %eq3A_367 : vector<640x1xi32>
    %jit3A_369 = arith.constant 0.000000e+00 : f32
    %jit3A_370 = arith.constant 0xFF800000 : f32
    %broadcast_in_dim3A_371 = vector.broadcast %jit3A_369 : f32 to vector<640x1xf32>
    %broadcast_in_dim3A_372 = vector.broadcast %jit3A_370 : f32 to vector<640x1xf32>
    %select_n3A_373 = arith.select %eq3A_368, %broadcast_in_dim3A_371, %broadcast_in_dim3A_372 : vector<640x1xi1>, vector<640x1xf32>
    %add3A_374 = vector.broadcast %select_n3A_373 : vector<640x1xf32> to vector<640x1024xf32>
    %add3A_375 = arith.addf %get3A_3, %add3A_374 : vector<640x1024xf32>
    %reduce_max3A_376 = arith.constant dense<0xFF800000> : vector<1024xf32>
    %reduce_max3A_377 = vector.multi_reduction <maximumf>, %add3A_375, %reduce_max3A_376 [0] : vector<640x1024xf32> to vector<1024xf32>
    %broadcast_in_dim3A_378 = vector.shape_cast %reduce_max3A_377 : vector<1024xf32> to vector<1x1024xf32>
    %eq3A_379 = arith.constant 29 : i32
    %eq3A_380 = vector.broadcast %eq3A_379 : i32 to vector<640x1xi32>
    %eq3A_381 = arith.cmpi eq, %get3A_6, %eq3A_380 : vector<640x1xi32>
    %jit3A_382 = arith.constant 0.000000e+00 : f32
    %jit3A_383 = arith.constant 0xFF800000 : f32
    %broadcast_in_dim3A_384 = vector.broadcast %jit3A_382 : f32 to vector<640x1xf32>
    %broadcast_in_dim3A_385 = vector.broadcast %jit3A_383 : f32 to vector<640x1xf32>
    %select_n3A_386 = arith.select %eq3A_381, %broadcast_in_dim3A_384, %broadcast_in_dim3A_385 : vector<640x1xi1>, vector<640x1xf32>
    %add3A_387 = vector.broadcast %select_n3A_386 : vector<640x1xf32> to vector<640x1024xf32>
    %add3A_388 = arith.addf %get3A_3, %add3A_387 : vector<640x1024xf32>
    %reduce_max3A_389 = arith.constant dense<0xFF800000> : vector<1024xf32>
    %reduce_max3A_390 = vector.multi_reduction <maximumf>, %add3A_388, %reduce_max3A_389 [0] : vector<640x1024xf32> to vector<1024xf32>
    %broadcast_in_dim3A_391 = vector.shape_cast %reduce_max3A_390 : vector<1024xf32> to vector<1x1024xf32>
    %eq3A_392 = arith.constant 30 : i32
    %eq3A_393 = vector.broadcast %eq3A_392 : i32 to vector<640x1xi32>
    %eq3A_394 = arith.cmpi eq, %get3A_6, %eq3A_393 : vector<640x1xi32>
    %jit3A_395 = arith.constant 0.000000e+00 : f32
    %jit3A_396 = arith.constant 0xFF800000 : f32
    %broadcast_in_dim3A_397 = vector.broadcast %jit3A_395 : f32 to vector<640x1xf32>
    %broadcast_in_dim3A_398 = vector.broadcast %jit3A_396 : f32 to vector<640x1xf32>
    %select_n3A_399 = arith.select %eq3A_394, %broadcast_in_dim3A_397, %broadcast_in_dim3A_398 : vector<640x1xi1>, vector<640x1xf32>
    %add3A_400 = vector.broadcast %select_n3A_399 : vector<640x1xf32> to vector<640x1024xf32>
    %add3A_401 = arith.addf %get3A_3, %add3A_400 : vector<640x1024xf32>
    %reduce_max3A_402 = arith.constant dense<0xFF800000> : vector<1024xf32>
    %reduce_max3A_403 = vector.multi_reduction <maximumf>, %add3A_401, %reduce_max3A_402 [0] : vector<640x1024xf32> to vector<1024xf32>
    %broadcast_in_dim3A_404 = vector.shape_cast %reduce_max3A_403 : vector<1024xf32> to vector<1x1024xf32>
    %eq3A_405 = arith.constant 31 : i32
    %eq3A_406 = vector.broadcast %eq3A_405 : i32 to vector<640x1xi32>
    %eq3A_407 = arith.cmpi eq, %get3A_6, %eq3A_406 : vector<640x1xi32>
    %jit3A_408 = arith.constant 0.000000e+00 : f32
    %jit3A_409 = arith.constant 0xFF800000 : f32
    %broadcast_in_dim3A_410 = vector.broadcast %jit3A_408 : f32 to vector<640x1xf32>
    %broadcast_in_dim3A_411 = vector.broadcast %jit3A_409 : f32 to vector<640x1xf32>
    %select_n3A_412 = arith.select %eq3A_407, %broadcast_in_dim3A_410, %broadcast_in_dim3A_411 : vector<640x1xi1>, vector<640x1xf32>
    %add3A_413 = vector.broadcast %select_n3A_412 : vector<640x1xf32> to vector<640x1024xf32>
    %add3A_414 = arith.addf %get3A_3, %add3A_413 : vector<640x1024xf32>
    %reduce_max3A_415 = arith.constant dense<0xFF800000> : vector<1024xf32>
    %reduce_max3A_416 = vector.multi_reduction <maximumf>, %add3A_414, %reduce_max3A_415 [0] : vector<640x1024xf32> to vector<1024xf32>
    %broadcast_in_dim3A_417 = vector.shape_cast %reduce_max3A_416 : vector<1024xf32> to vector<1x1024xf32>
    %eq3A_418 = arith.constant 32 : i32
    %eq3A_419 = vector.broadcast %eq3A_418 : i32 to vector<640x1xi32>
    %eq3A_420 = arith.cmpi eq, %get3A_6, %eq3A_419 : vector<640x1xi32>
    %jit3A_421 = arith.constant 0.000000e+00 : f32
    %jit3A_422 = arith.constant 0xFF800000 : f32
    %broadcast_in_dim3A_423 = vector.broadcast %jit3A_421 : f32 to vector<640x1xf32>
    %broadcast_in_dim3A_424 = vector.broadcast %jit3A_422 : f32 to vector<640x1xf32>
    %select_n3A_425 = arith.select %eq3A_420, %broadcast_in_dim3A_423, %broadcast_in_dim3A_424 : vector<640x1xi1>, vector<640x1xf32>
    %add3A_426 = vector.broadcast %select_n3A_425 : vector<640x1xf32> to vector<640x1024xf32>
    %add3A_427 = arith.addf %get3A_3, %add3A_426 : vector<640x1024xf32>
    %reduce_max3A_428 = arith.constant dense<0xFF800000> : vector<1024xf32>
    %reduce_max3A_429 = vector.multi_reduction <maximumf>, %add3A_427, %reduce_max3A_428 [0] : vector<640x1024xf32> to vector<1024xf32>
    %broadcast_in_dim3A_430 = vector.shape_cast %reduce_max3A_429 : vector<1024xf32> to vector<1x1024xf32>
    %eq3A_431 = arith.constant 33 : i32
    %eq3A_432 = vector.broadcast %eq3A_431 : i32 to vector<640x1xi32>
    %eq3A_433 = arith.cmpi eq, %get3A_6, %eq3A_432 : vector<640x1xi32>
    %jit3A_434 = arith.constant 0.000000e+00 : f32
    %jit3A_435 = arith.constant 0xFF800000 : f32
    %broadcast_in_dim3A_436 = vector.broadcast %jit3A_434 : f32 to vector<640x1xf32>
    %broadcast_in_dim3A_437 = vector.broadcast %jit3A_435 : f32 to vector<640x1xf32>
    %select_n3A_438 = arith.select %eq3A_433, %broadcast_in_dim3A_436, %broadcast_in_dim3A_437 : vector<640x1xi1>, vector<640x1xf32>
    %add3A_439 = vector.broadcast %select_n3A_438 : vector<640x1xf32> to vector<640x1024xf32>
    %add3A_440 = arith.addf %get3A_3, %add3A_439 : vector<640x1024xf32>
    %reduce_max3A_441 = arith.constant dense<0xFF800000> : vector<1024xf32>
    %reduce_max3A_442 = vector.multi_reduction <maximumf>, %add3A_440, %reduce_max3A_441 [0] : vector<640x1024xf32> to vector<1024xf32>
    %broadcast_in_dim3A_443 = vector.shape_cast %reduce_max3A_442 : vector<1024xf32> to vector<1x1024xf32>
    %eq3A_444 = arith.constant 34 : i32
    %eq3A_445 = vector.broadcast %eq3A_444 : i32 to vector<640x1xi32>
    %eq3A_446 = arith.cmpi eq, %get3A_6, %eq3A_445 : vector<640x1xi32>
    %jit3A_447 = arith.constant 0.000000e+00 : f32
    %jit3A_448 = arith.constant 0xFF800000 : f32
    %broadcast_in_dim3A_449 = vector.broadcast %jit3A_447 : f32 to vector<640x1xf32>
    %broadcast_in_dim3A_450 = vector.broadcast %jit3A_448 : f32 to vector<640x1xf32>
    %select_n3A_451 = arith.select %eq3A_446, %broadcast_in_dim3A_449, %broadcast_in_dim3A_450 : vector<640x1xi1>, vector<640x1xf32>
    %add3A_452 = vector.broadcast %select_n3A_451 : vector<640x1xf32> to vector<640x1024xf32>
    %add3A_453 = arith.addf %get3A_3, %add3A_452 : vector<640x1024xf32>
    %reduce_max3A_454 = arith.constant dense<0xFF800000> : vector<1024xf32>
    %reduce_max3A_455 = vector.multi_reduction <maximumf>, %add3A_453, %reduce_max3A_454 [0] : vector<640x1024xf32> to vector<1024xf32>
    %broadcast_in_dim3A_456 = vector.shape_cast %reduce_max3A_455 : vector<1024xf32> to vector<1x1024xf32>
    %eq3A_457 = arith.constant 35 : i32
    %eq3A_458 = vector.broadcast %eq3A_457 : i32 to vector<640x1xi32>
    %eq3A_459 = arith.cmpi eq, %get3A_6, %eq3A_458 : vector<640x1xi32>
    %jit3A_460 = arith.constant 0.000000e+00 : f32
    %jit3A_461 = arith.constant 0xFF800000 : f32
    %broadcast_in_dim3A_462 = vector.broadcast %jit3A_460 : f32 to vector<640x1xf32>
    %broadcast_in_dim3A_463 = vector.broadcast %jit3A_461 : f32 to vector<640x1xf32>
    %select_n3A_464 = arith.select %eq3A_459, %broadcast_in_dim3A_462, %broadcast_in_dim3A_463 : vector<640x1xi1>, vector<640x1xf32>
    %add3A_465 = vector.broadcast %select_n3A_464 : vector<640x1xf32> to vector<640x1024xf32>
    %add3A_466 = arith.addf %get3A_3, %add3A_465 : vector<640x1024xf32>
    %reduce_max3A_467 = arith.constant dense<0xFF800000> : vector<1024xf32>
    %reduce_max3A_468 = vector.multi_reduction <maximumf>, %add3A_466, %reduce_max3A_467 [0] : vector<640x1024xf32> to vector<1024xf32>
    %broadcast_in_dim3A_469 = vector.shape_cast %reduce_max3A_468 : vector<1024xf32> to vector<1x1024xf32>
    %eq3A_470 = arith.constant 36 : i32
    %eq3A_471 = vector.broadcast %eq3A_470 : i32 to vector<640x1xi32>
    %eq3A_472 = arith.cmpi eq, %get3A_6, %eq3A_471 : vector<640x1xi32>
    %jit3A_473 = arith.constant 0.000000e+00 : f32
    %jit3A_474 = arith.constant 0xFF800000 : f32
    %broadcast_in_dim3A_475 = vector.broadcast %jit3A_473 : f32 to vector<640x1xf32>
    %broadcast_in_dim3A_476 = vector.broadcast %jit3A_474 : f32 to vector<640x1xf32>
    %select_n3A_477 = arith.select %eq3A_472, %broadcast_in_dim3A_475, %broadcast_in_dim3A_476 : vector<640x1xi1>, vector<640x1xf32>
    %add3A_478 = vector.broadcast %select_n3A_477 : vector<640x1xf32> to vector<640x1024xf32>
    %add3A_479 = arith.addf %get3A_3, %add3A_478 : vector<640x1024xf32>
    %reduce_max3A_480 = arith.constant dense<0xFF800000> : vector<1024xf32>
    %reduce_max3A_481 = vector.multi_reduction <maximumf>, %add3A_479, %reduce_max3A_480 [0] : vector<640x1024xf32> to vector<1024xf32>
    %broadcast_in_dim3A_482 = vector.shape_cast %reduce_max3A_481 : vector<1024xf32> to vector<1x1024xf32>
    %eq3A_483 = arith.constant 37 : i32
    %eq3A_484 = vector.broadcast %eq3A_483 : i32 to vector<640x1xi32>
    %eq3A_485 = arith.cmpi eq, %get3A_6, %eq3A_484 : vector<640x1xi32>
    %jit3A_486 = arith.constant 0.000000e+00 : f32
    %jit3A_487 = arith.constant 0xFF800000 : f32
    %broadcast_in_dim3A_488 = vector.broadcast %jit3A_486 : f32 to vector<640x1xf32>
    %broadcast_in_dim3A_489 = vector.broadcast %jit3A_487 : f32 to vector<640x1xf32>
    %select_n3A_490 = arith.select %eq3A_485, %broadcast_in_dim3A_488, %broadcast_in_dim3A_489 : vector<640x1xi1>, vector<640x1xf32>
    %add3A_491 = vector.broadcast %select_n3A_490 : vector<640x1xf32> to vector<640x1024xf32>
    %add3A_492 = arith.addf %get3A_3, %add3A_491 : vector<640x1024xf32>
    %reduce_max3A_493 = arith.constant dense<0xFF800000> : vector<1024xf32>
    %reduce_max3A_494 = vector.multi_reduction <maximumf>, %add3A_492, %reduce_max3A_493 [0] : vector<640x1024xf32> to vector<1024xf32>
    %broadcast_in_dim3A_495 = vector.shape_cast %reduce_max3A_494 : vector<1024xf32> to vector<1x1024xf32>
    %eq3A_496 = arith.constant 38 : i32
    %eq3A_497 = vector.broadcast %eq3A_496 : i32 to vector<640x1xi32>
    %eq3A_498 = arith.cmpi eq, %get3A_6, %eq3A_497 : vector<640x1xi32>
    %jit3A_499 = arith.constant 0.000000e+00 : f32
    %jit3A_500 = arith.constant 0xFF800000 : f32
    %broadcast_in_dim3A_501 = vector.broadcast %jit3A_499 : f32 to vector<640x1xf32>
    %broadcast_in_dim3A_502 = vector.broadcast %jit3A_500 : f32 to vector<640x1xf32>
    %select_n3A_503 = arith.select %eq3A_498, %broadcast_in_dim3A_501, %broadcast_in_dim3A_502 : vector<640x1xi1>, vector<640x1xf32>
    %add3A_504 = vector.broadcast %select_n3A_503 : vector<640x1xf32> to vector<640x1024xf32>
    %add3A_505 = arith.addf %get3A_3, %add3A_504 : vector<640x1024xf32>
    %reduce_max3A_506 = arith.constant dense<0xFF800000> : vector<1024xf32>
    %reduce_max3A_507 = vector.multi_reduction <maximumf>, %add3A_505, %reduce_max3A_506 [0] : vector<640x1024xf32> to vector<1024xf32>
    %broadcast_in_dim3A_508 = vector.shape_cast %reduce_max3A_507 : vector<1024xf32> to vector<1x1024xf32>
    %eq3A_509 = arith.constant 39 : i32
    %eq3A_510 = vector.broadcast %eq3A_509 : i32 to vector<640x1xi32>
    %eq3A_511 = arith.cmpi eq, %get3A_6, %eq3A_510 : vector<640x1xi32>
    %jit3A_512 = arith.constant 0.000000e+00 : f32
    %jit3A_513 = arith.constant 0xFF800000 : f32
    %broadcast_in_dim3A_514 = vector.broadcast %jit3A_512 : f32 to vector<640x1xf32>
    %broadcast_in_dim3A_515 = vector.broadcast %jit3A_513 : f32 to vector<640x1xf32>
    %select_n3A_516 = arith.select %eq3A_511, %broadcast_in_dim3A_514, %broadcast_in_dim3A_515 : vector<640x1xi1>, vector<640x1xf32>
    %add3A_517 = vector.broadcast %select_n3A_516 : vector<640x1xf32> to vector<640x1024xf32>
    %add3A_518 = arith.addf %get3A_3, %add3A_517 : vector<640x1024xf32>
    %reduce_max3A_519 = arith.constant dense<0xFF800000> : vector<1024xf32>
    %reduce_max3A_520 = vector.multi_reduction <maximumf>, %add3A_518, %reduce_max3A_519 [0] : vector<640x1024xf32> to vector<1024xf32>
    %broadcast_in_dim3A_521 = vector.shape_cast %reduce_max3A_520 : vector<1024xf32> to vector<1x1024xf32>
    %eq3A_522 = arith.constant 40 : i32
    %eq3A_523 = vector.broadcast %eq3A_522 : i32 to vector<640x1xi32>
    %eq3A_524 = arith.cmpi eq, %get3A_6, %eq3A_523 : vector<640x1xi32>
    %jit3A_525 = arith.constant 0.000000e+00 : f32
    %jit3A_526 = arith.constant 0xFF800000 : f32
    %broadcast_in_dim3A_527 = vector.broadcast %jit3A_525 : f32 to vector<640x1xf32>
    %broadcast_in_dim3A_528 = vector.broadcast %jit3A_526 : f32 to vector<640x1xf32>
    %select_n3A_529 = arith.select %eq3A_524, %broadcast_in_dim3A_527, %broadcast_in_dim3A_528 : vector<640x1xi1>, vector<640x1xf32>
    %add3A_530 = vector.broadcast %select_n3A_529 : vector<640x1xf32> to vector<640x1024xf32>
    %add3A_531 = arith.addf %get3A_3, %add3A_530 : vector<640x1024xf32>
    %reduce_max3A_532 = arith.constant dense<0xFF800000> : vector<1024xf32>
    %reduce_max3A_533 = vector.multi_reduction <maximumf>, %add3A_531, %reduce_max3A_532 [0] : vector<640x1024xf32> to vector<1024xf32>
    %broadcast_in_dim3A_534 = vector.shape_cast %reduce_max3A_533 : vector<1024xf32> to vector<1x1024xf32>
    %eq3A_535 = arith.constant 41 : i32
    %eq3A_536 = vector.broadcast %eq3A_535 : i32 to vector<640x1xi32>
    %eq3A_537 = arith.cmpi eq, %get3A_6, %eq3A_536 : vector<640x1xi32>
    %jit3A_538 = arith.constant 0.000000e+00 : f32
    %jit3A_539 = arith.constant 0xFF800000 : f32
    %broadcast_in_dim3A_540 = vector.broadcast %jit3A_538 : f32 to vector<640x1xf32>
    %broadcast_in_dim3A_541 = vector.broadcast %jit3A_539 : f32 to vector<640x1xf32>
    %select_n3A_542 = arith.select %eq3A_537, %broadcast_in_dim3A_540, %broadcast_in_dim3A_541 : vector<640x1xi1>, vector<640x1xf32>
    %add3A_543 = vector.broadcast %select_n3A_542 : vector<640x1xf32> to vector<640x1024xf32>
    %add3A_544 = arith.addf %get3A_3, %add3A_543 : vector<640x1024xf32>
    %reduce_max3A_545 = arith.constant dense<0xFF800000> : vector<1024xf32>
    %reduce_max3A_546 = vector.multi_reduction <maximumf>, %add3A_544, %reduce_max3A_545 [0] : vector<640x1024xf32> to vector<1024xf32>
    %broadcast_in_dim3A_547 = vector.shape_cast %reduce_max3A_546 : vector<1024xf32> to vector<1x1024xf32>
    %eq3A_548 = arith.constant 42 : i32
    %eq3A_549 = vector.broadcast %eq3A_548 : i32 to vector<640x1xi32>
    %eq3A_550 = arith.cmpi eq, %get3A_6, %eq3A_549 : vector<640x1xi32>
    %jit3A_551 = arith.constant 0.000000e+00 : f32
    %jit3A_552 = arith.constant 0xFF800000 : f32
    %broadcast_in_dim3A_553 = vector.broadcast %jit3A_551 : f32 to vector<640x1xf32>
    %broadcast_in_dim3A_554 = vector.broadcast %jit3A_552 : f32 to vector<640x1xf32>
    %select_n3A_555 = arith.select %eq3A_550, %broadcast_in_dim3A_553, %broadcast_in_dim3A_554 : vector<640x1xi1>, vector<640x1xf32>
    %add3A_556 = vector.broadcast %select_n3A_555 : vector<640x1xf32> to vector<640x1024xf32>
    %add3A_557 = arith.addf %get3A_3, %add3A_556 : vector<640x1024xf32>
    %reduce_max3A_558 = arith.constant dense<0xFF800000> : vector<1024xf32>
    %reduce_max3A_559 = vector.multi_reduction <maximumf>, %add3A_557, %reduce_max3A_558 [0] : vector<640x1024xf32> to vector<1024xf32>
    %broadcast_in_dim3A_560 = vector.shape_cast %reduce_max3A_559 : vector<1024xf32> to vector<1x1024xf32>
    %eq3A_561 = arith.constant 43 : i32
    %eq3A_562 = vector.broadcast %eq3A_561 : i32 to vector<640x1xi32>
    %eq3A_563 = arith.cmpi eq, %get3A_6, %eq3A_562 : vector<640x1xi32>
    %jit3A_564 = arith.constant 0.000000e+00 : f32
    %jit3A_565 = arith.constant 0xFF800000 : f32
    %broadcast_in_dim3A_566 = vector.broadcast %jit3A_564 : f32 to vector<640x1xf32>
    %broadcast_in_dim3A_567 = vector.broadcast %jit3A_565 : f32 to vector<640x1xf32>
    %select_n3A_568 = arith.select %eq3A_563, %broadcast_in_dim3A_566, %broadcast_in_dim3A_567 : vector<640x1xi1>, vector<640x1xf32>
    %add3A_569 = vector.broadcast %select_n3A_568 : vector<640x1xf32> to vector<640x1024xf32>
    %add3A_570 = arith.addf %get3A_3, %add3A_569 : vector<640x1024xf32>
    %reduce_max3A_571 = arith.constant dense<0xFF800000> : vector<1024xf32>
    %reduce_max3A_572 = vector.multi_reduction <maximumf>, %add3A_570, %reduce_max3A_571 [0] : vector<640x1024xf32> to vector<1024xf32>
    %broadcast_in_dim3A_573 = vector.shape_cast %reduce_max3A_572 : vector<1024xf32> to vector<1x1024xf32>
    %eq3A_574 = arith.constant 44 : i32
    %eq3A_575 = vector.broadcast %eq3A_574 : i32 to vector<640x1xi32>
    %eq3A_576 = arith.cmpi eq, %get3A_6, %eq3A_575 : vector<640x1xi32>
    %jit3A_577 = arith.constant 0.000000e+00 : f32
    %jit3A_578 = arith.constant 0xFF800000 : f32
    %broadcast_in_dim3A_579 = vector.broadcast %jit3A_577 : f32 to vector<640x1xf32>
    %broadcast_in_dim3A_580 = vector.broadcast %jit3A_578 : f32 to vector<640x1xf32>
    %select_n3A_581 = arith.select %eq3A_576, %broadcast_in_dim3A_579, %broadcast_in_dim3A_580 : vector<640x1xi1>, vector<640x1xf32>
    %add3A_582 = vector.broadcast %select_n3A_581 : vector<640x1xf32> to vector<640x1024xf32>
    %add3A_583 = arith.addf %get3A_3, %add3A_582 : vector<640x1024xf32>
    %reduce_max3A_584 = arith.constant dense<0xFF800000> : vector<1024xf32>
    %reduce_max3A_585 = vector.multi_reduction <maximumf>, %add3A_583, %reduce_max3A_584 [0] : vector<640x1024xf32> to vector<1024xf32>
    %broadcast_in_dim3A_586 = vector.shape_cast %reduce_max3A_585 : vector<1024xf32> to vector<1x1024xf32>
    %eq3A_587 = arith.constant 45 : i32
    %eq3A_588 = vector.broadcast %eq3A_587 : i32 to vector<640x1xi32>
    %eq3A_589 = arith.cmpi eq, %get3A_6, %eq3A_588 : vector<640x1xi32>
    %jit3A_590 = arith.constant 0.000000e+00 : f32
    %jit3A_591 = arith.constant 0xFF800000 : f32
    %broadcast_in_dim3A_592 = vector.broadcast %jit3A_590 : f32 to vector<640x1xf32>
    %broadcast_in_dim3A_593 = vector.broadcast %jit3A_591 : f32 to vector<640x1xf32>
    %select_n3A_594 = arith.select %eq3A_589, %broadcast_in_dim3A_592, %broadcast_in_dim3A_593 : vector<640x1xi1>, vector<640x1xf32>
    %add3A_595 = vector.broadcast %select_n3A_594 : vector<640x1xf32> to vector<640x1024xf32>
    %add3A_596 = arith.addf %get3A_3, %add3A_595 : vector<640x1024xf32>
    %reduce_max3A_597 = arith.constant dense<0xFF800000> : vector<1024xf32>
    %reduce_max3A_598 = vector.multi_reduction <maximumf>, %add3A_596, %reduce_max3A_597 [0] : vector<640x1024xf32> to vector<1024xf32>
    %broadcast_in_dim3A_599 = vector.shape_cast %reduce_max3A_598 : vector<1024xf32> to vector<1x1024xf32>
    %eq3A_600 = arith.constant 46 : i32
    %eq3A_601 = vector.broadcast %eq3A_600 : i32 to vector<640x1xi32>
    %eq3A_602 = arith.cmpi eq, %get3A_6, %eq3A_601 : vector<640x1xi32>
    %jit3A_603 = arith.constant 0.000000e+00 : f32
    %jit3A_604 = arith.constant 0xFF800000 : f32
    %broadcast_in_dim3A_605 = vector.broadcast %jit3A_603 : f32 to vector<640x1xf32>
    %broadcast_in_dim3A_606 = vector.broadcast %jit3A_604 : f32 to vector<640x1xf32>
    %select_n3A_607 = arith.select %eq3A_602, %broadcast_in_dim3A_605, %broadcast_in_dim3A_606 : vector<640x1xi1>, vector<640x1xf32>
    %add3A_608 = vector.broadcast %select_n3A_607 : vector<640x1xf32> to vector<640x1024xf32>
    %add3A_609 = arith.addf %get3A_3, %add3A_608 : vector<640x1024xf32>
    %reduce_max3A_610 = arith.constant dense<0xFF800000> : vector<1024xf32>
    %reduce_max3A_611 = vector.multi_reduction <maximumf>, %add3A_609, %reduce_max3A_610 [0] : vector<640x1024xf32> to vector<1024xf32>
    %broadcast_in_dim3A_612 = vector.shape_cast %reduce_max3A_611 : vector<1024xf32> to vector<1x1024xf32>
    %eq3A_613 = arith.constant 47 : i32
    %eq3A_614 = vector.broadcast %eq3A_613 : i32 to vector<640x1xi32>
    %eq3A_615 = arith.cmpi eq, %get3A_6, %eq3A_614 : vector<640x1xi32>
    %jit3A_616 = arith.constant 0.000000e+00 : f32
    %jit3A_617 = arith.constant 0xFF800000 : f32
    %broadcast_in_dim3A_618 = vector.broadcast %jit3A_616 : f32 to vector<640x1xf32>
    %broadcast_in_dim3A_619 = vector.broadcast %jit3A_617 : f32 to vector<640x1xf32>
    %select_n3A_620 = arith.select %eq3A_615, %broadcast_in_dim3A_618, %broadcast_in_dim3A_619 : vector<640x1xi1>, vector<640x1xf32>
    %add3A_621 = vector.broadcast %select_n3A_620 : vector<640x1xf32> to vector<640x1024xf32>
    %add3A_622 = arith.addf %get3A_3, %add3A_621 : vector<640x1024xf32>
    %reduce_max3A_623 = arith.constant dense<0xFF800000> : vector<1024xf32>
    %reduce_max3A_624 = vector.multi_reduction <maximumf>, %add3A_622, %reduce_max3A_623 [0] : vector<640x1024xf32> to vector<1024xf32>
    %broadcast_in_dim3A_625 = vector.shape_cast %reduce_max3A_624 : vector<1024xf32> to vector<1x1024xf32>
    %eq3A_626 = arith.constant 48 : i32
    %eq3A_627 = vector.broadcast %eq3A_626 : i32 to vector<640x1xi32>
    %eq3A_628 = arith.cmpi eq, %get3A_6, %eq3A_627 : vector<640x1xi32>
    %jit3A_629 = arith.constant 0.000000e+00 : f32
    %jit3A_630 = arith.constant 0xFF800000 : f32
    %broadcast_in_dim3A_631 = vector.broadcast %jit3A_629 : f32 to vector<640x1xf32>
    %broadcast_in_dim3A_632 = vector.broadcast %jit3A_630 : f32 to vector<640x1xf32>
    %select_n3A_633 = arith.select %eq3A_628, %broadcast_in_dim3A_631, %broadcast_in_dim3A_632 : vector<640x1xi1>, vector<640x1xf32>
    %add3A_634 = vector.broadcast %select_n3A_633 : vector<640x1xf32> to vector<640x1024xf32>
    %add3A_635 = arith.addf %get3A_3, %add3A_634 : vector<640x1024xf32>
    %reduce_max3A_636 = arith.constant dense<0xFF800000> : vector<1024xf32>
    %reduce_max3A_637 = vector.multi_reduction <maximumf>, %add3A_635, %reduce_max3A_636 [0] : vector<640x1024xf32> to vector<1024xf32>
    %broadcast_in_dim3A_638 = vector.shape_cast %reduce_max3A_637 : vector<1024xf32> to vector<1x1024xf32>
    %eq3A_639 = arith.constant 49 : i32
    %eq3A_640 = vector.broadcast %eq3A_639 : i32 to vector<640x1xi32>
    %eq3A_641 = arith.cmpi eq, %get3A_6, %eq3A_640 : vector<640x1xi32>
    %jit3A_642 = arith.constant 0.000000e+00 : f32
    %jit3A_643 = arith.constant 0xFF800000 : f32
    %broadcast_in_dim3A_644 = vector.broadcast %jit3A_642 : f32 to vector<640x1xf32>
    %broadcast_in_dim3A_645 = vector.broadcast %jit3A_643 : f32 to vector<640x1xf32>
    %select_n3A_646 = arith.select %eq3A_641, %broadcast_in_dim3A_644, %broadcast_in_dim3A_645 : vector<640x1xi1>, vector<640x1xf32>
    %add3A_647 = vector.broadcast %select_n3A_646 : vector<640x1xf32> to vector<640x1024xf32>
    %add3A_648 = arith.addf %get3A_3, %add3A_647 : vector<640x1024xf32>
    %reduce_max3A_649 = arith.constant dense<0xFF800000> : vector<1024xf32>
    %reduce_max3A_650 = vector.multi_reduction <maximumf>, %add3A_648, %reduce_max3A_649 [0] : vector<640x1024xf32> to vector<1024xf32>
    %broadcast_in_dim3A_651 = vector.shape_cast %reduce_max3A_650 : vector<1024xf32> to vector<1x1024xf32>
    %eq3A_652 = arith.constant 50 : i32
    %eq3A_653 = vector.broadcast %eq3A_652 : i32 to vector<640x1xi32>
    %eq3A_654 = arith.cmpi eq, %get3A_6, %eq3A_653 : vector<640x1xi32>
    %jit3A_655 = arith.constant 0.000000e+00 : f32
    %jit3A_656 = arith.constant 0xFF800000 : f32
    %broadcast_in_dim3A_657 = vector.broadcast %jit3A_655 : f32 to vector<640x1xf32>
    %broadcast_in_dim3A_658 = vector.broadcast %jit3A_656 : f32 to vector<640x1xf32>
    %select_n3A_659 = arith.select %eq3A_654, %broadcast_in_dim3A_657, %broadcast_in_dim3A_658 : vector<640x1xi1>, vector<640x1xf32>
    %add3A_660 = vector.broadcast %select_n3A_659 : vector<640x1xf32> to vector<640x1024xf32>
    %add3A_661 = arith.addf %get3A_3, %add3A_660 : vector<640x1024xf32>
    %reduce_max3A_662 = arith.constant dense<0xFF800000> : vector<1024xf32>
    %reduce_max3A_663 = vector.multi_reduction <maximumf>, %add3A_661, %reduce_max3A_662 [0] : vector<640x1024xf32> to vector<1024xf32>
    %broadcast_in_dim3A_664 = vector.shape_cast %reduce_max3A_663 : vector<1024xf32> to vector<1x1024xf32>
    %eq3A_665 = arith.constant 51 : i32
    %eq3A_666 = vector.broadcast %eq3A_665 : i32 to vector<640x1xi32>
    %eq3A_667 = arith.cmpi eq, %get3A_6, %eq3A_666 : vector<640x1xi32>
    %jit3A_668 = arith.constant 0.000000e+00 : f32
    %jit3A_669 = arith.constant 0xFF800000 : f32
    %broadcast_in_dim3A_670 = vector.broadcast %jit3A_668 : f32 to vector<640x1xf32>
    %broadcast_in_dim3A_671 = vector.broadcast %jit3A_669 : f32 to vector<640x1xf32>
    %select_n3A_672 = arith.select %eq3A_667, %broadcast_in_dim3A_670, %broadcast_in_dim3A_671 : vector<640x1xi1>, vector<640x1xf32>
    %add3A_673 = vector.broadcast %select_n3A_672 : vector<640x1xf32> to vector<640x1024xf32>
    %add3A_674 = arith.addf %get3A_3, %add3A_673 : vector<640x1024xf32>
    %reduce_max3A_675 = arith.constant dense<0xFF800000> : vector<1024xf32>
    %reduce_max3A_676 = vector.multi_reduction <maximumf>, %add3A_674, %reduce_max3A_675 [0] : vector<640x1024xf32> to vector<1024xf32>
    %broadcast_in_dim3A_677 = vector.shape_cast %reduce_max3A_676 : vector<1024xf32> to vector<1x1024xf32>
    %eq3A_678 = arith.constant 52 : i32
    %eq3A_679 = vector.broadcast %eq3A_678 : i32 to vector<640x1xi32>
    %eq3A_680 = arith.cmpi eq, %get3A_6, %eq3A_679 : vector<640x1xi32>
    %jit3A_681 = arith.constant 0.000000e+00 : f32
    %jit3A_682 = arith.constant 0xFF800000 : f32
    %broadcast_in_dim3A_683 = vector.broadcast %jit3A_681 : f32 to vector<640x1xf32>
    %broadcast_in_dim3A_684 = vector.broadcast %jit3A_682 : f32 to vector<640x1xf32>
    %select_n3A_685 = arith.select %eq3A_680, %broadcast_in_dim3A_683, %broadcast_in_dim3A_684 : vector<640x1xi1>, vector<640x1xf32>
    %add3A_686 = vector.broadcast %select_n3A_685 : vector<640x1xf32> to vector<640x1024xf32>
    %add3A_687 = arith.addf %get3A_3, %add3A_686 : vector<640x1024xf32>
    %reduce_max3A_688 = arith.constant dense<0xFF800000> : vector<1024xf32>
    %reduce_max3A_689 = vector.multi_reduction <maximumf>, %add3A_687, %reduce_max3A_688 [0] : vector<640x1024xf32> to vector<1024xf32>
    %broadcast_in_dim3A_690 = vector.shape_cast %reduce_max3A_689 : vector<1024xf32> to vector<1x1024xf32>
    %eq3A_691 = arith.constant 53 : i32
    %eq3A_692 = vector.broadcast %eq3A_691 : i32 to vector<640x1xi32>
    %eq3A_693 = arith.cmpi eq, %get3A_6, %eq3A_692 : vector<640x1xi32>
    %jit3A_694 = arith.constant 0.000000e+00 : f32
    %jit3A_695 = arith.constant 0xFF800000 : f32
    %broadcast_in_dim3A_696 = vector.broadcast %jit3A_694 : f32 to vector<640x1xf32>
    %broadcast_in_dim3A_697 = vector.broadcast %jit3A_695 : f32 to vector<640x1xf32>
    %select_n3A_698 = arith.select %eq3A_693, %broadcast_in_dim3A_696, %broadcast_in_dim3A_697 : vector<640x1xi1>, vector<640x1xf32>
    %add3A_699 = vector.broadcast %select_n3A_698 : vector<640x1xf32> to vector<640x1024xf32>
    %add3A_700 = arith.addf %get3A_3, %add3A_699 : vector<640x1024xf32>
    %reduce_max3A_701 = arith.constant dense<0xFF800000> : vector<1024xf32>
    %reduce_max3A_702 = vector.multi_reduction <maximumf>, %add3A_700, %reduce_max3A_701 [0] : vector<640x1024xf32> to vector<1024xf32>
    %broadcast_in_dim3A_703 = vector.shape_cast %reduce_max3A_702 : vector<1024xf32> to vector<1x1024xf32>
    %eq3A_704 = arith.constant 54 : i32
    %eq3A_705 = vector.broadcast %eq3A_704 : i32 to vector<640x1xi32>
    %eq3A_706 = arith.cmpi eq, %get3A_6, %eq3A_705 : vector<640x1xi32>
    %jit3A_707 = arith.constant 0.000000e+00 : f32
    %jit3A_708 = arith.constant 0xFF800000 : f32
    %broadcast_in_dim3A_709 = vector.broadcast %jit3A_707 : f32 to vector<640x1xf32>
    %broadcast_in_dim3A_710 = vector.broadcast %jit3A_708 : f32 to vector<640x1xf32>
    %select_n3A_711 = arith.select %eq3A_706, %broadcast_in_dim3A_709, %broadcast_in_dim3A_710 : vector<640x1xi1>, vector<640x1xf32>
    %add3A_712 = vector.broadcast %select_n3A_711 : vector<640x1xf32> to vector<640x1024xf32>
    %add3A_713 = arith.addf %get3A_3, %add3A_712 : vector<640x1024xf32>
    %reduce_max3A_714 = arith.constant dense<0xFF800000> : vector<1024xf32>
    %reduce_max3A_715 = vector.multi_reduction <maximumf>, %add3A_713, %reduce_max3A_714 [0] : vector<640x1024xf32> to vector<1024xf32>
    %broadcast_in_dim3A_716 = vector.shape_cast %reduce_max3A_715 : vector<1024xf32> to vector<1x1024xf32>
    %eq3A_717 = arith.constant 55 : i32
    %eq3A_718 = vector.broadcast %eq3A_717 : i32 to vector<640x1xi32>
    %eq3A_719 = arith.cmpi eq, %get3A_6, %eq3A_718 : vector<640x1xi32>
    %jit3A_720 = arith.constant 0.000000e+00 : f32
    %jit3A_721 = arith.constant 0xFF800000 : f32
    %broadcast_in_dim3A_722 = vector.broadcast %jit3A_720 : f32 to vector<640x1xf32>
    %broadcast_in_dim3A_723 = vector.broadcast %jit3A_721 : f32 to vector<640x1xf32>
    %select_n3A_724 = arith.select %eq3A_719, %broadcast_in_dim3A_722, %broadcast_in_dim3A_723 : vector<640x1xi1>, vector<640x1xf32>
    %add3A_725 = vector.broadcast %select_n3A_724 : vector<640x1xf32> to vector<640x1024xf32>
    %add3A_726 = arith.addf %get3A_3, %add3A_725 : vector<640x1024xf32>
    %reduce_max3A_727 = arith.constant dense<0xFF800000> : vector<1024xf32>
    %reduce_max3A_728 = vector.multi_reduction <maximumf>, %add3A_726, %reduce_max3A_727 [0] : vector<640x1024xf32> to vector<1024xf32>
    %broadcast_in_dim3A_729 = vector.shape_cast %reduce_max3A_728 : vector<1024xf32> to vector<1x1024xf32>
    %eq3A_730 = arith.constant 56 : i32
    %eq3A_731 = vector.broadcast %eq3A_730 : i32 to vector<640x1xi32>
    %eq3A_732 = arith.cmpi eq, %get3A_6, %eq3A_731 : vector<640x1xi32>
    %jit3A_733 = arith.constant 0.000000e+00 : f32
    %jit3A_734 = arith.constant 0xFF800000 : f32
    %broadcast_in_dim3A_735 = vector.broadcast %jit3A_733 : f32 to vector<640x1xf32>
    %broadcast_in_dim3A_736 = vector.broadcast %jit3A_734 : f32 to vector<640x1xf32>
    %select_n3A_737 = arith.select %eq3A_732, %broadcast_in_dim3A_735, %broadcast_in_dim3A_736 : vector<640x1xi1>, vector<640x1xf32>
    %add3A_738 = vector.broadcast %select_n3A_737 : vector<640x1xf32> to vector<640x1024xf32>
    %add3A_739 = arith.addf %get3A_3, %add3A_738 : vector<640x1024xf32>
    %reduce_max3A_740 = arith.constant dense<0xFF800000> : vector<1024xf32>
    %reduce_max3A_741 = vector.multi_reduction <maximumf>, %add3A_739, %reduce_max3A_740 [0] : vector<640x1024xf32> to vector<1024xf32>
    %broadcast_in_dim3A_742 = vector.shape_cast %reduce_max3A_741 : vector<1024xf32> to vector<1x1024xf32>
    %eq3A_743 = arith.constant 57 : i32
    %eq3A_744 = vector.broadcast %eq3A_743 : i32 to vector<640x1xi32>
    %eq3A_745 = arith.cmpi eq, %get3A_6, %eq3A_744 : vector<640x1xi32>
    %jit3A_746 = arith.constant 0.000000e+00 : f32
    %jit3A_747 = arith.constant 0xFF800000 : f32
    %broadcast_in_dim3A_748 = vector.broadcast %jit3A_746 : f32 to vector<640x1xf32>
    %broadcast_in_dim3A_749 = vector.broadcast %jit3A_747 : f32 to vector<640x1xf32>
    %select_n3A_750 = arith.select %eq3A_745, %broadcast_in_dim3A_748, %broadcast_in_dim3A_749 : vector<640x1xi1>, vector<640x1xf32>
    %add3A_751 = vector.broadcast %select_n3A_750 : vector<640x1xf32> to vector<640x1024xf32>
    %add3A_752 = arith.addf %get3A_3, %add3A_751 : vector<640x1024xf32>
    %reduce_max3A_753 = arith.constant dense<0xFF800000> : vector<1024xf32>
    %reduce_max3A_754 = vector.multi_reduction <maximumf>, %add3A_752, %reduce_max3A_753 [0] : vector<640x1024xf32> to vector<1024xf32>
    %broadcast_in_dim3A_755 = vector.shape_cast %reduce_max3A_754 : vector<1024xf32> to vector<1x1024xf32>
    %eq3A_756 = arith.constant 58 : i32
    %eq3A_757 = vector.broadcast %eq3A_756 : i32 to vector<640x1xi32>
    %eq3A_758 = arith.cmpi eq, %get3A_6, %eq3A_757 : vector<640x1xi32>
    %jit3A_759 = arith.constant 0.000000e+00 : f32
    %jit3A_760 = arith.constant 0xFF800000 : f32
    %broadcast_in_dim3A_761 = vector.broadcast %jit3A_759 : f32 to vector<640x1xf32>
    %broadcast_in_dim3A_762 = vector.broadcast %jit3A_760 : f32 to vector<640x1xf32>
    %select_n3A_763 = arith.select %eq3A_758, %broadcast_in_dim3A_761, %broadcast_in_dim3A_762 : vector<640x1xi1>, vector<640x1xf32>
    %add3A_764 = vector.broadcast %select_n3A_763 : vector<640x1xf32> to vector<640x1024xf32>
    %add3A_765 = arith.addf %get3A_3, %add3A_764 : vector<640x1024xf32>
    %reduce_max3A_766 = arith.constant dense<0xFF800000> : vector<1024xf32>
    %reduce_max3A_767 = vector.multi_reduction <maximumf>, %add3A_765, %reduce_max3A_766 [0] : vector<640x1024xf32> to vector<1024xf32>
    %broadcast_in_dim3A_768 = vector.shape_cast %reduce_max3A_767 : vector<1024xf32> to vector<1x1024xf32>
    %eq3A_769 = arith.constant 59 : i32
    %eq3A_770 = vector.broadcast %eq3A_769 : i32 to vector<640x1xi32>
    %eq3A_771 = arith.cmpi eq, %get3A_6, %eq3A_770 : vector<640x1xi32>
    %jit3A_772 = arith.constant 0.000000e+00 : f32
    %jit3A_773 = arith.constant 0xFF800000 : f32
    %broadcast_in_dim3A_774 = vector.broadcast %jit3A_772 : f32 to vector<640x1xf32>
    %broadcast_in_dim3A_775 = vector.broadcast %jit3A_773 : f32 to vector<640x1xf32>
    %select_n3A_776 = arith.select %eq3A_771, %broadcast_in_dim3A_774, %broadcast_in_dim3A_775 : vector<640x1xi1>, vector<640x1xf32>
    %add3A_777 = vector.broadcast %select_n3A_776 : vector<640x1xf32> to vector<640x1024xf32>
    %add3A_778 = arith.addf %get3A_3, %add3A_777 : vector<640x1024xf32>
    %reduce_max3A_779 = arith.constant dense<0xFF800000> : vector<1024xf32>
    %reduce_max3A_780 = vector.multi_reduction <maximumf>, %add3A_778, %reduce_max3A_779 [0] : vector<640x1024xf32> to vector<1024xf32>
    %broadcast_in_dim3A_781 = vector.shape_cast %reduce_max3A_780 : vector<1024xf32> to vector<1x1024xf32>
    %eq3A_782 = arith.constant 60 : i32
    %eq3A_783 = vector.broadcast %eq3A_782 : i32 to vector<640x1xi32>
    %eq3A_784 = arith.cmpi eq, %get3A_6, %eq3A_783 : vector<640x1xi32>
    %jit3A_785 = arith.constant 0.000000e+00 : f32
    %jit3A_786 = arith.constant 0xFF800000 : f32
    %broadcast_in_dim3A_787 = vector.broadcast %jit3A_785 : f32 to vector<640x1xf32>
    %broadcast_in_dim3A_788 = vector.broadcast %jit3A_786 : f32 to vector<640x1xf32>
    %select_n3A_789 = arith.select %eq3A_784, %broadcast_in_dim3A_787, %broadcast_in_dim3A_788 : vector<640x1xi1>, vector<640x1xf32>
    %add3A_790 = vector.broadcast %select_n3A_789 : vector<640x1xf32> to vector<640x1024xf32>
    %add3A_791 = arith.addf %get3A_3, %add3A_790 : vector<640x1024xf32>
    %reduce_max3A_792 = arith.constant dense<0xFF800000> : vector<1024xf32>
    %reduce_max3A_793 = vector.multi_reduction <maximumf>, %add3A_791, %reduce_max3A_792 [0] : vector<640x1024xf32> to vector<1024xf32>
    %broadcast_in_dim3A_794 = vector.shape_cast %reduce_max3A_793 : vector<1024xf32> to vector<1x1024xf32>
    %eq3A_795 = arith.constant 61 : i32
    %eq3A_796 = vector.broadcast %eq3A_795 : i32 to vector<640x1xi32>
    %eq3A_797 = arith.cmpi eq, %get3A_6, %eq3A_796 : vector<640x1xi32>
    %jit3A_798 = arith.constant 0.000000e+00 : f32
    %jit3A_799 = arith.constant 0xFF800000 : f32
    %broadcast_in_dim3A_800 = vector.broadcast %jit3A_798 : f32 to vector<640x1xf32>
    %broadcast_in_dim3A_801 = vector.broadcast %jit3A_799 : f32 to vector<640x1xf32>
    %select_n3A_802 = arith.select %eq3A_797, %broadcast_in_dim3A_800, %broadcast_in_dim3A_801 : vector<640x1xi1>, vector<640x1xf32>
    %add3A_803 = vector.broadcast %select_n3A_802 : vector<640x1xf32> to vector<640x1024xf32>
    %add3A_804 = arith.addf %get3A_3, %add3A_803 : vector<640x1024xf32>
    %reduce_max3A_805 = arith.constant dense<0xFF800000> : vector<1024xf32>
    %reduce_max3A_806 = vector.multi_reduction <maximumf>, %add3A_804, %reduce_max3A_805 [0] : vector<640x1024xf32> to vector<1024xf32>
    %broadcast_in_dim3A_807 = vector.shape_cast %reduce_max3A_806 : vector<1024xf32> to vector<1x1024xf32>
    %eq3A_808 = arith.constant 62 : i32
    %eq3A_809 = vector.broadcast %eq3A_808 : i32 to vector<640x1xi32>
    %eq3A_810 = arith.cmpi eq, %get3A_6, %eq3A_809 : vector<640x1xi32>
    %jit3A_811 = arith.constant 0.000000e+00 : f32
    %jit3A_812 = arith.constant 0xFF800000 : f32
    %broadcast_in_dim3A_813 = vector.broadcast %jit3A_811 : f32 to vector<640x1xf32>
    %broadcast_in_dim3A_814 = vector.broadcast %jit3A_812 : f32 to vector<640x1xf32>
    %select_n3A_815 = arith.select %eq3A_810, %broadcast_in_dim3A_813, %broadcast_in_dim3A_814 : vector<640x1xi1>, vector<640x1xf32>
    %add3A_816 = vector.broadcast %select_n3A_815 : vector<640x1xf32> to vector<640x1024xf32>
    %add3A_817 = arith.addf %get3A_3, %add3A_816 : vector<640x1024xf32>
    %reduce_max3A_818 = arith.constant dense<0xFF800000> : vector<1024xf32>
    %reduce_max3A_819 = vector.multi_reduction <maximumf>, %add3A_817, %reduce_max3A_818 [0] : vector<640x1024xf32> to vector<1024xf32>
    %broadcast_in_dim3A_820 = vector.shape_cast %reduce_max3A_819 : vector<1024xf32> to vector<1x1024xf32>
    %eq3A_821 = arith.constant 63 : i32
    %eq3A_822 = vector.broadcast %eq3A_821 : i32 to vector<640x1xi32>
    %eq3A_823 = arith.cmpi eq, %get3A_6, %eq3A_822 : vector<640x1xi32>
    %jit3A_824 = arith.constant 0.000000e+00 : f32
    %jit3A_825 = arith.constant 0xFF800000 : f32
    %broadcast_in_dim3A_826 = vector.broadcast %jit3A_824 : f32 to vector<640x1xf32>
    %broadcast_in_dim3A_827 = vector.broadcast %jit3A_825 : f32 to vector<640x1xf32>
    %select_n3A_828 = arith.select %eq3A_823, %broadcast_in_dim3A_826, %broadcast_in_dim3A_827 : vector<640x1xi1>, vector<640x1xf32>
    %add3A_829 = vector.broadcast %select_n3A_828 : vector<640x1xf32> to vector<640x1024xf32>
    %add3A_830 = arith.addf %get3A_3, %add3A_829 : vector<640x1024xf32>
    %reduce_max3A_831 = arith.constant dense<0xFF800000> : vector<1024xf32>
    %reduce_max3A_832 = vector.multi_reduction <maximumf>, %add3A_830, %reduce_max3A_831 [0] : vector<640x1024xf32> to vector<1024xf32>
    %broadcast_in_dim3A_833 = vector.shape_cast %reduce_max3A_832 : vector<1024xf32> to vector<1x1024xf32>
    %get3A_834 = arith.constant 0 : index
    %get3A_835 = arith.constant 0 : index
    %get3A_836 = vector.load %arg3[%get3A_834, %get3A_835] : memref<64x1024xf32, #tpu.memory_space<vmem>>, vector<64x1024xf32>
    %concatenate3A = tpu.concatenate %broadcast_in_dim3A_14, %broadcast_in_dim3A_27, %broadcast_in_dim3A_40, %broadcast_in_dim3A_53, %broadcast_in_dim3A_66, %broadcast_in_dim3A_79, %broadcast_in_dim3A_92, %broadcast_in_dim3A_105, %broadcast_in_dim3A_118, %broadcast_in_dim3A_131, %broadcast_in_dim3A_144, %broadcast_in_dim3A_157, %broadcast_in_dim3A_170, %broadcast_in_dim3A_183, %broadcast_in_dim3A_196, %broadcast_in_dim3A_209, %broadcast_in_dim3A_222, %broadcast_in_dim3A_235, %broadcast_in_dim3A_248, %broadcast_in_dim3A_261, %broadcast_in_dim3A_274, %broadcast_in_dim3A_287, %broadcast_in_dim3A_300, %broadcast_in_dim3A_313, %broadcast_in_dim3A_326, %broadcast_in_dim3A_339, %broadcast_in_dim3A_352, %broadcast_in_dim3A_365, %broadcast_in_dim3A_378, %broadcast_in_dim3A_391, %broadcast_in_dim3A_404, %broadcast_in_dim3A_417, %broadcast_in_dim3A_430, %broadcast_in_dim3A_443, %broadcast_in_dim3A_456, %broadcast_in_dim3A_469, %broadcast_in_dim3A_482, %broadcast_in_dim3A_495, %broadcast_in_dim3A_508, %broadcast_in_dim3A_521, %broadcast_in_dim3A_534, %broadcast_in_dim3A_547, %broadcast_in_dim3A_560, %broadcast_in_dim3A_573, %broadcast_in_dim3A_586, %broadcast_in_dim3A_599, %broadcast_in_dim3A_612, %broadcast_in_dim3A_625, %broadcast_in_dim3A_638, %broadcast_in_dim3A_651, %broadcast_in_dim3A_664, %broadcast_in_dim3A_677, %broadcast_in_dim3A_690, %broadcast_in_dim3A_703, %broadcast_in_dim3A_716, %broadcast_in_dim3A_729, %broadcast_in_dim3A_742, %broadcast_in_dim3A_755, %broadcast_in_dim3A_768, %broadcast_in_dim3A_781, %broadcast_in_dim3A_794, %broadcast_in_dim3A_807, %broadcast_in_dim3A_820, %broadcast_in_dim3A_833 in 0 : vector<1x1024xf32>, vector<1x1024xf32>, vector<1x1024xf32>, vector<1x1024xf32>, vector<1x1024xf32>, vector<1x1024xf32>, vector<1x1024xf32>, vector<1x1024xf32>, vector<1x1024xf32>, vector<1x1024xf32>, vector<1x1024xf32>, vector<1x1024xf32>, vector<1x1024xf32>, vector<1x1024xf32>, vector<1x1024xf32>, vector<1x1024xf32>, vector<1x1024xf32>, vector<1x1024xf32>, vector<1x1024xf32>, vector<1x1024xf32>, vector<1x1024xf32>, vector<1x1024xf32>, vector<1x1024xf32>, vector<1x1024xf32>, vector<1x1024xf32>, vector<1x1024xf32>, vector<1x1024xf32>, vector<1x1024xf32>, vector<1x1024xf32>, vector<1x1024xf32>, vector<1x1024xf32>, vector<1x1024xf32>, vector<1x1024xf32>, vector<1x1024xf32>, vector<1x1024xf32>, vector<1x1024xf32>, vector<1x1024xf32>, vector<1x1024xf32>, vector<1x1024xf32>, vector<1x1024xf32>, vector<1x1024xf32>, vector<1x1024xf32>, vector<1x1024xf32>, vector<1x1024xf32>, vector<1x1024xf32>, vector<1x1024xf32>, vector<1x1024xf32>, vector<1x1024xf32>, vector<1x1024xf32>, vector<1x1024xf32>, vector<1x1024xf32>, vector<1x1024xf32>, vector<1x1024xf32>, vector<1x1024xf32>, vector<1x1024xf32>, vector<1x1024xf32>, vector<1x1024xf32>, vector<1x1024xf32>, vector<1x1024xf32>, vector<1x1024xf32>, vector<1x1024xf32>, vector<1x1024xf32>, vector<1x1024xf32>, vector<1x1024xf32> -> vector<64x1024xf32>
    %max3A = arith.maximumf %get3A_836, %concatenate3A : vector<64x1024xf32>
    %swap3A = arith.constant 0 : index
    %swap3A_837 = arith.constant 0 : index
    %swap3A_838 = vector.load %arg3[%swap3A, %swap3A_837] : memref<64x1024xf32, #tpu.memory_space<vmem>>, vector<64x1024xf32>
    tpu.vector_store %arg3[%swap3A, %swap3A_837], %max3A {strides = array<i32>} : memref<64x1024xf32, #tpu.memory_space<vmem>>, vector<64x1024xf32>,
    return
  }
  func.func @transform_0(%arg0: i32) -> (i32, i32) {
    %c0_i32 = arith.constant 0 : i32
    %c0_i32_0 = arith.constant 0 : i32
    return %arg0, %c0_i32 : i32, i32
  }
  func.func @transform_1(%arg0: i32) -> (i32, i32) {
    %c0_i32 = arith.constant 0 : i32
    %c0_i32_0 = arith.constant 0 : i32
    return %arg0, %c0_i32 : i32, i32
  }
  func.func @transform_2(%arg0: i32) -> (i32, i32) {
    %c0_i32 = arith.constant 0 : i32
    %c0_i32_0 = arith.constant 0 : i32
    %c0_i32_1 = arith.constant 0 : i32
    return %c0_i32, %c0_i32_0 : i32, i32
  }
}

module attributes {stable_mosaic.version = 14 : i64} {
  func.func @_fc_body(%arg0: memref<64x1024xf32, #tpu.memory_space<vmem>>, %arg1: memref<1024x1024xf32, #tpu.memory_space<vmem>>, %arg2: memref<1x1024xf32, #tpu.memory_space<vmem>>, %arg3: memref<1024x128xf32, #tpu.memory_space<vmem>>, %arg4: memref<1x128xf32, #tpu.memory_space<vmem>>, %arg5: memref<64x128xf32, #tpu.memory_space<vmem>>) attributes {dimension_semantics = [], scalar_prefetch = 0 : i64, scratch_operands = 0 : i64, tpu.core_type = #tpu.core_type<tc>} {
    %get3A = arith.constant 0 : index
    %get3A_0 = arith.constant 0 : index
    %get3A_1 = vector.load %arg0[%get3A, %get3A_0] : memref<64x1024xf32, #tpu.memory_space<vmem>>, vector<64x1024xf32>
    %get3A_2 = arith.constant 0 : index
    %get3A_3 = arith.constant 0 : index
    %get3A_4 = vector.load %arg1[%get3A_2, %get3A_3] : memref<1024x1024xf32, #tpu.memory_space<vmem>>, vector<1024x1024xf32>
    %dot_general3A = arith.constant dense<0.000000e+00> : vector<64x1024xf32>
    %dot_general3A_5 = tpu.matmul %get3A_1, %get3A_4, %dot_general3A {dimension_numbers = #tpu.dot_dimension_numbers<[1], [0], [0], [1], [0, 0, 1, 1], [], []>, transpose_lhs_hint = false} : vector<64x1024xf32>, vector<1024x1024xf32>, vector<64x1024xf32> -> vector<64x1024xf32>
    %get3A_6 = arith.constant 0 : index
    %get3A_7 = arith.constant 0 : index
    %get3A_8 = vector.load %arg2[%get3A_6, %get3A_7] : memref<1x1024xf32, #tpu.memory_space<vmem>>, vector<1x1024xf32>
    %get3A_9 = vector.shape_cast %get3A_8 : vector<1x1024xf32> to vector<1024xf32>
    %broadcast_in_dim3A = vector.shape_cast %get3A_9 : vector<1024xf32> to vector<1x1024xf32>
    %add3A = vector.broadcast %broadcast_in_dim3A : vector<1x1024xf32> to vector<64x1024xf32>
    %add3A_10 = arith.addf %dot_general3A_5, %add3A : vector<64x1024xf32>
    %max3A = arith.constant 0.000000e+00 : f32
    %max3A_11 = vector.broadcast %max3A : f32 to vector<64x1024xf32>
    %max3A_12 = arith.maximumf %add3A_10, %max3A_11 : vector<64x1024xf32>
    %get3A_13 = arith.constant 0 : index
    %get3A_14 = arith.constant 0 : index
    %get3A_15 = vector.load %arg3[%get3A_13, %get3A_14] : memref<1024x128xf32, #tpu.memory_space<vmem>>, vector<1024x128xf32>
    %dot_general3A_16 = arith.constant dense<0.000000e+00> : vector<64x128xf32>
    %dot_general3A_17 = tpu.matmul %max3A_12, %get3A_15, %dot_general3A_16 {dimension_numbers = #tpu.dot_dimension_numbers<[1], [0], [0], [1], [0, 0, 1, 1], [], []>, transpose_lhs_hint = false} : vector<64x1024xf32>, vector<1024x128xf32>, vector<64x128xf32> -> vector<64x128xf32>
    %get3A_18 = arith.constant 0 : index
    %get3A_19 = arith.constant 0 : index
    %get3A_20 = vector.load %arg4[%get3A_18, %get3A_19] : memref<1x128xf32, #tpu.memory_space<vmem>>, vector<1x128xf32>
    %get3A_21 = vector.shape_cast %get3A_20 : vector<1x128xf32> to vector<128xf32>
    %broadcast_in_dim3A_22 = vector.shape_cast %get3A_21 : vector<128xf32> to vector<1x128xf32>
    %add3A_23 = vector.broadcast %broadcast_in_dim3A_22 : vector<1x128xf32> to vector<64x128xf32>
    %add3A_24 = arith.addf %dot_general3A_17, %add3A_23 : vector<64x128xf32>
    %swap3A = arith.constant 0 : index
    %swap3A_25 = arith.constant 0 : index
    %swap3A_26 = vector.load %arg5[%swap3A, %swap3A_25] : memref<64x128xf32, #tpu.memory_space<vmem>>, vector<64x128xf32>
    tpu.vector_store %arg5[%swap3A, %swap3A_25], %add3A_24 {strides = array<i32>} : memref<64x128xf32, #tpu.memory_space<vmem>>, vector<64x128xf32>,
    return
  }
}

</mosaic_0001>

<sc_bundles>
// kernel: kernel.12.cloned.1.call-start
scs
__scs_entry_jumppad:
0x0: {  	(pc) =	sbr.rel $0x88, $3  }
0x1: {  	(tag) =	ssettag $0x0;
	lr =	simm.s32 $0x1  }
0x2: {  	[smem:$0x3F94] =	sst lr;
	_ =	strace $0xD0000000  }
0x3: {  	_ = 	snop  }
0x4: {  	_ = 	snop  }
0x5: {  	_ = 	snop  }
0x6: {  	_ = 	snop  }
0x7: {  	_ = 	snop  }
__scs_overlays_trampoline_lowered:
0x8: {  	[smem:$0x3FA3] =	sst s0  }
0x9: {  	[smem:$0x3FA4] =	sst s1  }
0xa: {  	[smem:$0x3FA5] =	sst s2  }
0xb: {  	[smem:$0x3FA6] =	sst s3  }
0xc: {  	[smem:$0x3FA7] =	sst s4  }
0xd: {  	[smem:$0x3FA8] =	sst s5  }
0xe: {  	[smem:$0x3FA9] =	sst s6  }
0xf: {  	[smem:$0x3FAA] =	sst s7  }
0x10: {  	[smem:$0x3FAB] =	sst s8  }
0x11: {  	[smem:$0x3FAC] =	sst s9;
	s0 =	simm.s32 @!p0 $0x0  }
0x12: {  	s1 =	sld [smem:$0x3F92];
	s0 =	simm.s32 @p0 $0x1  }
0x13: {  	[smem:$0x3FAD] =	sst s0;
	s0 =	simm.s32 @!p1 $0x0  }
0x14: {  	s2 =	sld [smem:$0x3F91];
	s0 =	simm.s32 @p1 $0x1  }
0x15: {  	[smem:$0x3FAE] =	sst s0;
	s0 =	simm.s32 @!p2 $0x0  }
0x16: {  	s3 =	sld [smem:$0x3FDB];
	s0 =	simm.s32 @p2 $0x1  }
0x17: {  	s4 =	simm.s32 $0x1BF5;
	[smem:$0x3FB0] =	sst s0  }
0x18: {  	s0 =	sld [smem:$0x3F93];
	_ =	swait.ge [sflag:s4], $0x0  }
0x19: {  	s7 =	sld [smem:$0x3F94]  }
0x1a: {  	s8 =	sadd.s32 $0xFFFFE003, lr  }
0x1b: {  	s9 =	sadd.s32 $0xFFFFFEF7, lr;
	s5 =	simm.s32 $0xFFFFFFFF;
	p2 =	slt.u32 s8, $0xFFFFF086  }
0x1c: {  	p1 =	slt.u32 s9, $0xF7A;
	s5 =	simm.s32 @!p2 $0x0  }
0x1d: {  	s5 =	simm.s32 @p1 $0x1;
	p0 =	seq.s32 s7, s2  }
0x1e: {  	s7 =	smul.u32 @!p0 $0xF7A, s2;
	p2 =	seq.s32 @!p0 s5, $0x0  }
0x1f: {  	s9 =	smul.u32 $0xF7A, s1;
	s8 =	simm.s32 @!p0 $0x1BF5;
	p2 =	por !p2, p0  }
0x20: {  	[sflag:s8] =	ssyncset.s32 @!p0 $0xFFFFF086;
	s6 =	sadd.s32 @!p0 s3, s7;
	s7 =	simm.s32 @!p0 $0x108  }
0x21: {  	s3 =	sadd.s32 s3, s9;
	s6 =	sadd.s32 @!p0 $0x88, s6;
	s7 =	simm.s32 @p2 $0x1082  }
0x22: {  	[simem:s7], [sflag:s8] =	dma.local @!p0 [hbm:s6], $0xF7A  }
0x23: {  	s9 =	sor.u32 $0xD0000000, s2;
	s6 =	simm.s32 $0x108;
	_ =	swait.ge @!p0 [sflag:s8], $0x0  }
0x24: {  	s3 =	sadd.s32 $0x88, s3;
	s6 =	simm.s32 @!p1 $0x1082;
	[sflag:s4] =	ssyncset.s32 $0xFFFFF086  }
0x25: {  	[simem:s6], [sflag:s4] =	dma.local [hbm:s3], $0xF7A  }
0x26: {  	[smem:$0x3F94] =	sst s1;
	(tag) =	ssettag s2;
	_ =	strace s9  }
0x27: {  	s1 =	sld [smem:$0x3FA4]  }
0x28: {  	s2 =	sld [smem:$0x3FA5]  }
0x29: {  	s4 =	sld [smem:$0x3FA7]  }
0x2a: {  	p0 =	seq.s32 s5, $0x0;
	s5 =	sld [smem:$0x3FA8]  }
0x2b: {  	s6 =	sld [smem:$0x3FA9]  }
0x2c: {  	s7 =	sld [smem:$0x3FAA]  }
0x2d: {  	s3 =	simm.s32 $0x108;
	s8 =	sld [smem:$0x3FAB]  }
0x2e: {  	s3 =	simm.s32 @!p0 $0x1082;
	s9 =	sld [smem:$0x3FAC]  }
0x2f: {  	lr =	sadd.s32 s0, s3;
	s0 =	sld [smem:$0x3FA3]  }
0x30: {  	s3 =	sld [smem:$0x3FA6]  }
0x31: {  	[smem:$0x3FAF] =	sst s10  }
0x32: {  	s10 =	sld [smem:$0x3FAD];
	_ =	sdelay $0x3  }
0x33: {  	p0 =	seq.s32 s10, $0x1;
	s10 =	sld [smem:$0x3FAF];
	_ =	sdelay $0x3  }
0x34: {  	[smem:$0x3FAF] =	sst s10  }
0x35: {  	s10 =	sld [smem:$0x3FAE];
	_ =	sdelay $0x3  }
0x36: {  	p1 =	seq.s32 s10, $0x1;
	s10 =	sld [smem:$0x3FAF];
	_ =	sdelay $0x3  }
0x37: {  	[smem:$0x3FAF] =	sst s10  }
0x38: {  	s10 =	sld [smem:$0x3FB0]  }
0x39: {  	_ = 	snop;
	(pc) =	sbr.ind lr, $3  }
0x3a: {  	_ = 	snop  }
0x3b: {  	_ = 	snop  }
0x3c: {  	p2 =	seq.s32 s10, $0x1;
	s10 =	sld [smem:$0x3FAF]  }
0x3d: {  	_ =	shalt  }
0x3e: {  	_ =	shalt  }
0x3f: {  	_ =	shalt  }
0x40: {  	_ =	shalt  }
0x41: {  	_ =	shalt  }
0x42: {  	_ =	shalt  }
0x43: {  	_ =	shalt  }
0x44: {  	_ =	shalt  }
0x45: {  	_ =	shalt  }
0x46: {  	_ =	shalt  }
0x47: {  	_ =	shalt  }
0x48: {  	_ =	shalt  }
0x49: {  	_ =	shalt  }
0x4a: {  	_ =	shalt  }
0x4b: {  	_ =	shalt  }
0x4c: {  	_ =	shalt  }
0x4d: {  	_ =	shalt  }
0x4e: {  	_ =	shalt  }
0x4f: {  	_ =	shalt  }
0x50: {  	_ =	shalt  }
0x51: {  	_ =	shalt  }
0x52: {  	_ =	shalt  }
0x53: {  	_ =	shalt  }
0x54: {  	_ =	shalt  }
0x55: {  	_ =	shalt  }
0x56: {  	_ =	shalt  }
0x57: {  	_ =	shalt  }
0x58: {  	_ =	shalt  }
0x59: {  	_ =	shalt  }
0x5a: {  	_ =	shalt  }
0x5b: {  	_ =	shalt  }
0x5c: {  	_ =	shalt  }
0x5d: {  	_ =	shalt  }
0x5e: {  	_ =	shalt  }
0x5f: {  	_ =	shalt  }
0x60: {  	_ =	shalt  }
0x61: {  	_ =	shalt  }
0x62: {  	_ =	shalt  }
0x63: {  	_ =	shalt  }
0x64: {  	_ =	shalt  }
0x65: {  	_ =	shalt  }
0x66: {  	_ =	shalt  }
0x67: {  	_ =	shalt  }
0x68: {  	_ =	shalt  }
0x69: {  	_ =	shalt  }
0x6a: {  	_ =	shalt  }
0x6b: {  	_ =	shalt  }
0x6c: {  	_ =	shalt  }
0x6d: {  	_ =	shalt  }
0x6e: {  	_ =	shalt  }
0x6f: {  	_ =	shalt  }
0x70: {  	_ =	shalt  }
0x71: {  	_ =	shalt  }
0x72: {  	_ =	shalt  }
0x73: {  	_ =	shalt  }
0x74: {  	_ =	shalt  }
0x75: {  	_ =	shalt  }
0x76: {  	_ =	shalt  }
0x77: {  	_ =	shalt  }
0x78: {  	_ =	shalt  }
0x79: {  	_ =	shalt  }
0x7a: {  	_ =	shalt  }
0x7b: {  	_ =	shalt  }
0x7c: {  	_ =	shalt  }
0x7d: {  	_ =	shalt  }
0x7e: {  	_ =	shalt  }
0x7f: {  	_ =	shalt  }
0x80: {  	_ =	shalt  }
0x81: {  	_ =	shalt  }
0x82: {  	_ =	shalt  }
0x83: {  	_ =	shalt  }
0x84: {  	_ =	shalt  }
0x85: {  	_ =	shalt  }
0x86: {  	_ =	shalt  }
0x87: {  	_ =	shalt  }
.Lfunc_end0:
.L_simem_size_0:
called_computation_lowered:
.L_overlay_start_0:
0x88: {  	s2 =	sld [smem:$0x3FD9]  }
0x89: {  	s3 =	sld [smem:$0x3FFE];
	_ =	sdelay $0x1  }
0x8a: {  	s1 =	srdreg.scid  }
0x8b: {  	s0 =	sand.u32 $0x1, s1  }
0x8c: {  	s16 =	sshll.u32 s0, $0xA;
	s2 =	sadd.s32 s3, s2  }
0x8d: {  	s2 =	sadd.s32 s2, s16  }
0x8e: {  	[smem:$0x3FBB] =	sst s2  }
0x8f: {  	_ = 	snop  }
0x90: {  	(tm) =	ssettm $0x1  }
0x91: {  	s17 =	sld [smem:$0x3FFB];
	_ =	sdelay $0x3  }
0x92: {  	_ =	strace s17  }
0x93: {  	s2 =	sld [smem:$0x3FFC];
	_ =	sdelay $0x3  }
0x94: {  	_ =	strace s2  }
0x95: {  	s2 =	sld [smem:$0x3FFD];
	_ =	sdelay $0x3  }
0x96: {  	_ =	strace s2  }
0x97: {  	_ =	strace $0x8FFFFFFF  }
0x98: {  	s18 =	sld [smem:$0x3FDB];
	_ =	sdelay $0x1  }
0x99: {  	s19 =	simm.s32 $_scs_section_size  }
0x9a: {  	s4 =	simm.s32 $_size__tile_overlayer_lowered;
	s5 =	simm.s32 $_tile_overlayer_lowered  }
0x9b: {  	s22 =	simm.s32 $0x1BFF;
	s21 =	sshll.u32 s5, $0x1;
	s2 =	sadd.s32 s19, s18  }
0x9c: {  	s6 =	simm.s32 $0x0;
	s20 =	sshll.u32 s4, $0x1;
	s4 =	sadd.s32 s21, s2  }
0x9d: {  	[timem:s6], [sflag:s22] =	dma.local [hbm:s4], s20  }
0x9e: {  	_ =	swait.ge [sflag:s22], s20  }
0x9f: {  	s3 =	ssub.s32 $0x0, s20;
	[sflag:s22] =	ssyncset.done $0x0  }
0xa0: {  	[sflag:s22] =	ssyncadd.s32 s3;
	_ =	sdelay $0x1  }
0xa1: {  	s23 =	simm.s32 $0x1B8B  }
0xa2: {  	_ =	swait.ge [sflag:s23], $0x1  }
0xa3: {  	[sflag:s23] =	ssyncset.done $0x0  }
0xa4: {  	s25 =	simm.s32 $0x1B8E;
	s24 =	sld [smem:$0x3FFE];
	[sflag:s23] =	ssyncadd.s32 $0xFFFFFFFF  }
0xa5: {  	s26 =	simm.s32 $execute0_lowered;
	[smem:$0x3FD2] =	sst s25  }
0xa6: {  	s4 =	sshll.u32 s26, $0x1;
	_ =	strace $0x80000046;
	[dreg:$0x1] =	wrdreg $0xFFFFFFFF  }
0xa7: {  	s28 =	simm.s32 $_size_execute0_lowered;
	s2 =	sadd.s32 s2, s4;
	[dreg:$0x0] =	wrdreg $0x0  }
0xa8: {  	s4 =	sshll.u32 s28, $0x1;
	[dreg:$0x2] =	wrdreg s2  }
0xa9: {  	[dreg:$0x3] =	wrdreg s4  }
0xaa: {  	[dreg:$0x4] =	wrdreg $0xC0  }
0xab: {  	_ =	task [dreg:s6], $0x5FFFF  }
0xac: {  	[dreg:$0x1] =	wrdreg $0xFFFFFFFF  }
0xad: {  	[dreg:$0x0] =	wrdreg $0x60  }
0xae: {  	[dreg:$0x2] =	wrdreg s24  }
0xaf: {  	[dreg:$0x3] =	wrdreg $0xB0000  }
0xb0: {  	[dreg:$0x4] =	wrdreg $0x9  }
0xb1: {  	_ =	task.clear_ibuf [dreg:s6], $0x5FFFF;
	_ =	strace $0x90000046  }
0xb2: {  	s29 =	simm.s32 $0x9;
	_ =	strace $0x80000048  }
0xb3: {  	_ =	swait.ge [sflag:s29], $0x1  }
0xb4: {  	[sflag:s29] =	ssyncadd.s32 $0xFFFFFFFF  }
0xb5: {  	_ =	strace $0x90000048  }
0xb6: {  	_ =	sfence  }
0xb7: {  	s30 =	sld [smem:$0x0];
	_ =	sdelay $0x2  }
0xb8: {  	s31 =	sshll.u32 s1, $0xD;
	s1 =	sshrl.u32 s1, $0x2  }
0xb9: {  	s3 =	sand.u32 $0x4000, s31;
	s1 =	sadd.s32 s1, s30  }
0xba: {  	s0 =	sor.u32 s3, s0;
	s1 =	sshll.u32 s1, $0x11  }
0xbb: {  	s0 =	sor.u32 s1, s0  }
0xbc: {  	s0 =	sadd.s32 $0x8F2B, s0  }
0xbd: {  	[sflag:s0] =	ssyncadd.remote.s32 $0x1  }
0xbe: {  	_ =	sfence.sel $0xFFFF  }
0xbf: {  	[dreg:$0x0] =	wrdreg $0xFFFFFFFF;
	(pc) =	sbr.abs _section_cstart, $3  }
0xc0: {  	[dreg:$0x1] =	wrdreg $0xFFFFFFFF  }
0xc1: {  	_ =	task.clear_ibuf [dreg:s6], $0x2FFFF;
	_ =	strace $0x9FFFFFFF  }
0xc2: {  	(tm) =	ssettm $0x7FFFFFFF  }
0xc3: {  	_ =	shalt  }
tec
execute0_lowered:
.L_overlay_start_1:
0x0: {  	(tag) =	ssettag $0x1  }
0x1: {  	s5 =	rddreg [dreg:$0x0]  }
0x2: {  	s0 =	srdreg.scid;
	s2 =	rddreg [dreg:$0x1]  }
0x3: {  	s1 =	stileid.u32;
	s3 =	simm.s32 $0x0;
	s14 =	simm.s32 $0x80  }
0x4: {  	s15 =	simm.s32 $0x3000;
	s16 =	simm.s32 $0x7000;
	s17 =	simm.s32 $0x1  }
0x5: {  	s18 =	simm.s32 $0x2;
	s6 =	sand.u32 $0x1, s0;
	s0 =	rddreg [dreg:$0x2]  }
0x6: {  	s19 =	simm.s32 $0x0;
	s7 =	smul.u32 $0x280, s1;
	[smem:$0x7FF] =	sst s3  }
0x7: {  	s11 =	smul.u32 $0x50000, s1;
	s31 =	sshll.u32 s1, $0x6;
	s4 =	sshll.u32 s6, $0x4  }
0x8: {  	s8 =	smul.u32 $0x2800, s6;
	s29 =	ssub.s32 $0x0, s6;
	s6 =	ssub.s32 $0x2, s6  }
0x9: {  	_ =	strace $0x80000047;
	s4 =	sor.u32 s1, s4;
	s10 =	sshrl.u32 s6, $0x1  }
0xa: {  	s12 =	sand.u32 $0x2800, s29;
	s30 =	sshrl.u32 s11, $0x2;
	s11 =	simm.s32 $0x3  }
0xb: {  	s9 =	smul.u32 $0x300, s4;
	s8 =	sadd.s32 s7, s8;
	s4 =	sadd.s32 $0xF800, s5  }
0xc: {  	s10 =	ssub.s32 s6, s10;
	s7 =	sadd.s32 s7, s12;
	s13 =	sadd.s32 s30, s2  }
0xd: {  	s12 =	sor.u32 $0x1C03, s31;
	s8 =	sshll.u32 s8, $0x4;
	s7 =	sshll.u32 s7, $0x4  }
0xe: {  	s13 =	sshrl.u32 s13, $0x3;
	s9 =	sadd.s32 s9, s5;
	s8 =	sadd.s32 s8, s5  }
0xf: {  	s7 =	sadd.s32 s4, s7;
	s5 =	sadd.s32 $0x3800, s9;
	s6 =	sadd.s32 $0x9800, s9  }
0x10: {  	s8 =	sadd.s32 $0x5F800, s8;
	s9 =	smax.u32 s10, $0x1;
	s10 =	simm.s32 $0x1800  }
.LBB2_1:
0x11: {  	[tilespmem:s10], [sflag:$0x3] =	stream.linear.gather [hbm4b:s5+s3], $0x1800, $0x38;
	[tilespmem:$0x1F000] =	vst v63  }
0x12: {  	_ =	swait.ge [sflag:s11], $0x1800  }
0x13: {  	[sflag:s11] =	ssyncset.done $0x0  }
0x14: {  	[sflag:s11] =	ssyncadd.s32 $0xFFFFE800  }
0x15: {  	[tilespmem:s3], [sflag:$0x3] =	stream.linear.gather [hbm4b:s6+s3], $0x1800, $0x38;
	[tilespmem:$0x1F000] =	vst v63  }
0x16: {  	_ =	swait.ge [sflag:s11], $0x1800  }
0x17: {  	[sflag:s11] =	ssyncset.done $0x0  }
0x18: {  	[sflag:s11] =	ssyncadd.s32 $0xFFFFE800  }
0x19: {  	[spmem:s13], [sflag:s12] =	dma.local [hbm:s7], $0x2800  }
0x1a: {  	_ =	swait.ge [sflag:s11], $0x2800  }
0x1b: {  	[sflag:s11] =	ssyncset.done $0x0  }
0x1c: {  	[sflag:s11] =	ssyncadd.s32 $0xFFFFD800  }
0x1d: {  	[bflag:$0x0] =	sbarrier.arrive $0xFFFF  }
0x1e: {  	[tilespmem:s15], [sflag:$0x1] =	stream.indirect.gather [hbm4b:s4+s14], $0x80, s3, s14, $0xb8;
	[tilespmem:$0x1F000] =	vst v63  }
0x1f: {  	s20 =	simm.s32 $0x80  }
0x20: {  	[tilespmem:s16], [sflag:$0x2] =	stream.indirect.gather [hbm4b:s4+s14], $0x80, s20, s14, $0xb8;
	[tilespmem:$0x1F000] =	vst v63  }
0x21: {  	_ =	swait.ge [sflag:s17], $0x4000  }
0x22: {  	[sflag:s17] =	ssyncset.done $0x0  }
0x23: {  	s29 =	simm.s32 $0x1800;
	[sflag:s17] =	ssyncadd.s32 $0xFFFFC000  }
0x24: {  	[spmem:s2] =	stream.indirect.scatter.add.f32 [tilespmem:s15], [sflag:$0x3], $0x80, s29, s14, $0xb8;
	[tilespmem:$0x1F000] =	vst v63  }
0x25: {  	_ =	swait.ge [sflag:s11], $0x4000  }
0x26: {  	[sflag:s11] =	ssyncset.done $0x0  }
0x27: {  	s30 =	simm.s32 $0x100;
	[sflag:s11] =	ssyncadd.s32 $0xFFFFC000  }
0x28: {  	[tilespmem:s15], [sflag:$0x1] =	stream.indirect.gather [hbm4b:s4+s14], $0x80, s30, s14, $0xb8;
	[tilespmem:$0x1F000] =	vst v63  }
0x29: {  	_ =	swait.ge [sflag:s18], $0x4000  }
0x2a: {  	[sflag:s18] =	ssyncset.done $0x0  }
0x2b: {  	s31 =	simm.s32 $0x1880;
	[sflag:s18] =	ssyncadd.s32 $0xFFFFC000  }
0x2c: {  	[spmem:s2] =	stream.indirect.scatter.add.f32 [tilespmem:s16], [sflag:$0x3], $0x80, s31, s14, $0xb8;
	[tilespmem:$0x1F000] =	vst v63  }
0x2d: {  	_ =	swait.ge [sflag:s11], $0x4000  }
0x2e: {  	s21 =	simm.s32 $0x800;
	s20 =	simm.s32 $0x100;
	[sflag:s11] =	ssyncset.done $0x0  }
.LBB2_2:
0x2f: {  	s22 =	sadd.s32 $0x80, s20  }
0x30: {  	[sflag:s11] =	ssyncadd.s32 $0xFFFFC000;
	s23 =	smov.u32 s21;
	s24 =	sadd.s32 $0x400, s21  }
0x31: {  	[tilespmem:s16], [sflag:$0x2] =	stream.indirect.gather [hbm4b:s4+s14], $0x80, s22, s14, $0xb8;
	[tilespmem:$0x1F000] =	vst v63  }
0x32: {  	p0 =	sne.s32 s21, $0x4C00;
	_ =	swait.ge [sflag:s17], $0x4000  }
0x33: {  	[sflag:s17] =	ssyncset.done $0x0  }
0x34: {  	s21 =	sadd.s32 $0x1800, s20;
	[sflag:s17] =	ssyncadd.s32 $0xFFFFC000  }
0x35: {  	[spmem:s2] =	stream.indirect.scatter.add.f32 [tilespmem:s15], [sflag:$0x3], $0x80, s21, s14, $0xb8;
	[tilespmem:$0x1F000] =	vst v63  }
0x36: {  	_ =	swait.ge [sflag:s11], $0x4000  }
0x37: {  	[sflag:s11] =	ssyncset.done $0x0  }
0x38: {  	s21 =	sadd.s32 $0x100, s20;
	[sflag:s11] =	ssyncadd.s32 $0xFFFFC000  }
0x39: {  	[tilespmem:s15], [sflag:$0x1] =	stream.indirect.gather [hbm4b:s4+s14], $0x80, s21, s14, $0xb8;
	[tilespmem:$0x1F000] =	vst v63  }
0x3a: {  	_ =	swait.ge [sflag:s18], $0x4000  }
.Ltmp0:
0x3b: {  	[sflag:s18] =	ssyncset.done $0x0;
	(pc) =	sbr.rel @p0 .LBB2_2-.Ltmp0, $4  }
0x3c: {  	s20 =	sadd.s32 $0x1880, s20;
	[sflag:s18] =	ssyncadd.s32 $0xFFFFC000  }
0x3d: {  	[spmem:s2] =	stream.indirect.scatter.add.f32 [tilespmem:s16], [sflag:$0x3], $0x80, s20, s14, $0xb8;
	[tilespmem:$0x1F000] =	vst v63  }
0x3e: {  	_ =	swait.ge [sflag:s11], $0x4000  }
0x3f: {  	s21 =	smov.u32 s24;
	s20 =	sshra.s32 s23, $0x2;
	[sflag:s11] =	ssyncset.done $0x0  }
0x40: {  	s21 =	sadd.s32 $0x80, s20;
	[sflag:s11] =	ssyncadd.s32 $0xFFFFC000  }
0x41: {  	[tilespmem:s16], [sflag:$0x2] =	stream.indirect.gather [hbm4b:s4+s14], $0x80, s21, s14, $0xb8;
	[tilespmem:$0x1F000] =	vst v63  }
0x42: {  	_ =	swait.ge [sflag:s17], $0x4000  }
0x43: {  	[sflag:s17] =	ssyncset.done $0x0  }
0x44: {  	s29 =	sadd.s32 $0x1800, s20;
	[sflag:s17] =	ssyncadd.s32 $0xFFFFC000  }
0x45: {  	[spmem:s2] =	stream.indirect.scatter.add.f32 [tilespmem:s15], [sflag:$0x3], $0x80, s29, s14, $0xb8;
	[tilespmem:$0x1F000] =	vst v63  }
0x46: {  	_ =	swait.ge [sflag:s11], $0x4000  }
0x47: {  	[sflag:s11] =	ssyncset.done $0x0  }
0x48: {  	s30 =	sadd.s32 $0x100, s20;
	[sflag:s11] =	ssyncadd.s32 $0xFFFFC000  }
0x49: {  	[tilespmem:s15], [sflag:$0x1] =	stream.indirect.gather [hbm4b:s4+s14], $0x80, s30, s14, $0xb8;
	[tilespmem:$0x1F000] =	vst v63  }
0x4a: {  	_ =	swait.ge [sflag:s18], $0x4000  }
0x4b: {  	[sflag:s18] =	ssyncset.done $0x0  }
0x4c: {  	s31 =	sadd.s32 $0x1880, s20;
	[sflag:s18] =	ssyncadd.s32 $0xFFFFC000  }
0x4d: {  	[spmem:s2] =	stream.indirect.scatter.add.f32 [tilespmem:s16], [sflag:$0x3], $0x80, s31, s14, $0xb8;
	[tilespmem:$0x1F000] =	vst v63  }
0x4e: {  	_ =	swait.ge [sflag:s11], $0x4000  }
0x4f: {  	[sflag:s11] =	ssyncset.done $0x0  }
0x50: {  	[sflag:s11] =	ssyncadd.s32 $0xFFFFC000  }
0x51: {  	_ =	swait.ge [sflag:s17], $0x4000  }
0x52: {  	s19 =	sadd.s32 $0x1, s19;
	[sflag:s17] =	ssyncset.done $0x0  }
0x53: {  	p0 =	sne.s32 s19, s9;
	[sflag:s17] =	ssyncadd.s32 $0xFFFFC000  }
.Ltmp1:
0x54: {  	[bflag:$0x0] =	sbarrier.arrive $0xFFFF;
	(pc) =	sbr.rel @p0 .LBB2_1-.Ltmp1, $4  }
0x55: {  	[hbm:s8], [sflag:s12] =	dma.local [spmem:s13], $0x2800  }
0x56: {  	_ =	swait.ge [sflag:s11], $0x2800  }
0x57: {  	[sflag:s11] =	ssyncset.done $0x0  }
0x58: {  	[sflag:s11] =	ssyncadd.s32 $0xFFFFD800  }
0x59: {  	_ =	sfence.sel $0x180000  }
0x5a: {  	[bflag:$0x0] =	sbarrier.arrive $0xFFFF  }
0x5b: {  	p0 =	sne.s32 s1, $0x0;
	_ =	strace $0x90000047  }
0x5c: {  	s0 =	sadd.s32 @!p0 $0x100000, s0;
	[bflag:$0x2] =	sbarrier.arrive $0xFFFF  }
0x5d: {  	[sflag:s0] =	ssyncadd.tile.s32 @!p0 $0x1;
	_ =	shalt  }
.Lfunc_end2:
_tile_overlayer_lowered:
.L_overlay_start_2:
0x5e: {  	(tag) =	ssettag $0x2  }
0x5f: {  	s0 =	rddreg [dreg:$0x0];
	s2 =	stileid.u32  }
0x60: {  	s1 =	rddreg [dreg:$0x1];
	p0 =	sne.s32 s2, $0x0  }
0x61: {  	s3 =	rddreg [dreg:$0x2];
	[bflag:$0x3] =	sbarrier.arrive $0xFFFF;
	s2 =	simm.s32 @!p0 $0x1C03  }
0x62: {  	[timem:s3], [sflag:s2] =	dma.local @!p0 [hbm:s0], s1  }
0x63: {  	s0 =	simm.s32 @!p0 $0x3  }
0x64: {  	_ =	swait.ge @!p0 [sflag:s0], s1  }
0x65: {  	s1 =	ssub.s32 @!p0 $0x0, s1;
	[sflag:s0] =	ssyncset.done @!p0 $0x0  }
0x66: {  	[sflag:s0] =	ssyncadd.s32 @!p0 s1  }
0x67: {  	[bflag:$0x3] =	sbarrier.arrive $0xFFFF  }
0x68: {  	_ =	shalt  }

// kernel: kernel.15.cloned.1.call-start
scs
__scs_entry_jumppad:
0x0: {  	(pc) =	sbr.rel $0x88, $3  }
0x1: {  	(tag) =	ssettag $0x0;
	lr =	simm.s32 $0x1  }
0x2: {  	[smem:$0x3F94] =	sst lr;
	_ =	strace $0xD0000000  }
0x3: {  	_ = 	snop  }
0x4: {  	_ = 	snop  }
0x5: {  	_ = 	snop  }
0x6: {  	_ = 	snop  }
0x7: {  	_ = 	snop  }
__scs_overlays_trampoline_lowered:
0x8: {  	[smem:$0x3FA3] =	sst s0  }
0x9: {  	[smem:$0x3FA4] =	sst s1  }
0xa: {  	[smem:$0x3FA5] =	sst s2  }
0xb: {  	[smem:$0x3FA6] =	sst s3  }
0xc: {  	[smem:$0x3FA7] =	sst s4  }
0xd: {  	[smem:$0x3FA8] =	sst s5  }
0xe: {  	[smem:$0x3FA9] =	sst s6  }
0xf: {  	[smem:$0x3FAA] =	sst s7  }
0x10: {  	[smem:$0x3FAB] =	sst s8  }
0x11: {  	[smem:$0x3FAC] =	sst s9;
	s0 =	simm.s32 @!p0 $0x0  }
0x12: {  	s1 =	sld [smem:$0x3F92];
	s0 =	simm.s32 @p0 $0x1  }
0x13: {  	[smem:$0x3FAD] =	sst s0;
	s0 =	simm.s32 @!p1 $0x0  }
0x14: {  	s2 =	sld [smem:$0x3F91];
	s0 =	simm.s32 @p1 $0x1  }
0x15: {  	[smem:$0x3FAE] =	sst s0;
	s0 =	simm.s32 @!p2 $0x0  }
0x16: {  	s3 =	sld [smem:$0x3FDB];
	s0 =	simm.s32 @p2 $0x1  }
0x17: {  	s4 =	simm.s32 $0x1BF5;
	[smem:$0x3FB0] =	sst s0  }
0x18: {  	s0 =	sld [smem:$0x3F93];
	_ =	swait.ge [sflag:s4], $0x0  }
0x19: {  	s7 =	sld [smem:$0x3F94]  }
0x1a: {  	s8 =	sadd.s32 $0xFFFFE003, lr  }
0x1b: {  	s9 =	sadd.s32 $0xFFFFFEF7, lr;
	s5 =	simm.s32 $0xFFFFFFFF;
	p2 =	slt.u32 s8, $0xFFFFF086  }
0x1c: {  	p1 =	slt.u32 s9, $0xF7A;
	s5 =	simm.s32 @!p2 $0x0  }
0x1d: {  	s5 =	simm.s32 @p1 $0x1;
	p0 =	seq.s32 s7, s2  }
0x1e: {  	s7 =	smul.u32 @!p0 $0xF7A, s2;
	p2 =	seq.s32 @!p0 s5, $0x0  }
0x1f: {  	s9 =	smul.u32 $0xF7A, s1;
	s8 =	simm.s32 @!p0 $0x1BF5;
	p2 =	por !p2, p0  }
0x20: {  	[sflag:s8] =	ssyncset.s32 @!p0 $0xFFFFF086;
	s6 =	sadd.s32 @!p0 s3, s7;
	s7 =	simm.s32 @!p0 $0x108  }
0x21: {  	s3 =	sadd.s32 s3, s9;
	s6 =	sadd.s32 @!p0 $0x88, s6;
	s7 =	simm.s32 @p2 $0x1082  }
0x22: {  	[simem:s7], [sflag:s8] =	dma.local @!p0 [hbm:s6], $0xF7A  }
0x23: {  	s9 =	sor.u32 $0xD0000000, s2;
	s6 =	simm.s32 $0x108;
	_ =	swait.ge @!p0 [sflag:s8], $0x0  }
0x24: {  	s3 =	sadd.s32 $0x88, s3;
	s6 =	simm.s32 @!p1 $0x1082;
	[sflag:s4] =	ssyncset.s32 $0xFFFFF086  }
0x25: {  	[simem:s6], [sflag:s4] =	dma.local [hbm:s3], $0xF7A  }
0x26: {  	[smem:$0x3F94] =	sst s1;
	(tag) =	ssettag s2;
	_ =	strace s9  }
0x27: {  	s1 =	sld [smem:$0x3FA4]  }
0x28: {  	s2 =	sld [smem:$0x3FA5]  }
0x29: {  	s4 =	sld [smem:$0x3FA7]  }
0x2a: {  	p0 =	seq.s32 s5, $0x0;
	s5 =	sld [smem:$0x3FA8]  }
0x2b: {  	s6 =	sld [smem:$0x3FA9]  }
0x2c: {  	s7 =	sld [smem:$0x3FAA]  }
0x2d: {  	s3 =	simm.s32 $0x108;
	s8 =	sld [smem:$0x3FAB]  }
0x2e: {  	s3 =	simm.s32 @!p0 $0x1082;
	s9 =	sld [smem:$0x3FAC]  }
0x2f: {  	lr =	sadd.s32 s0, s3;
	s0 =	sld [smem:$0x3FA3]  }
0x30: {  	s3 =	sld [smem:$0x3FA6]  }
0x31: {  	[smem:$0x3FAF] =	sst s10  }
0x32: {  	s10 =	sld [smem:$0x3FAD];
	_ =	sdelay $0x3  }
0x33: {  	p0 =	seq.s32 s10, $0x1;
	s10 =	sld [smem:$0x3FAF];
	_ =	sdelay $0x3  }
0x34: {  	[smem:$0x3FAF] =	sst s10  }
0x35: {  	s10 =	sld [smem:$0x3FAE];
	_ =	sdelay $0x3  }
0x36: {  	p1 =	seq.s32 s10, $0x1;
	s10 =	sld [smem:$0x3FAF];
	_ =	sdelay $0x3  }
0x37: {  	[smem:$0x3FAF] =	sst s10  }
0x38: {  	s10 =	sld [smem:$0x3FB0]  }
0x39: {  	_ = 	snop;
	(pc) =	sbr.ind lr, $3  }
0x3a: {  	_ = 	snop  }
0x3b: {  	_ = 	snop  }
0x3c: {  	p2 =	seq.s32 s10, $0x1;
	s10 =	sld [smem:$0x3FAF]  }
0x3d: {  	_ =	shalt  }
0x3e: {  	_ =	shalt  }
0x3f: {  	_ =	shalt  }
0x40: {  	_ =	shalt  }
0x41: {  	_ =	shalt  }
0x42: {  	_ =	shalt  }
0x43: {  	_ =	shalt  }
0x44: {  	_ =	shalt  }
0x45: {  	_ =	shalt  }
0x46: {  	_ =	shalt  }
0x47: {  	_ =	shalt  }
0x48: {  	_ =	shalt  }
0x49: {  	_ =	shalt  }
0x4a: {  	_ =	shalt  }
0x4b: {  	_ =	shalt  }
0x4c: {  	_ =	shalt  }
0x4d: {  	_ =	shalt  }
0x4e: {  	_ =	shalt  }
0x4f: {  	_ =	shalt  }
0x50: {  	_ =	shalt  }
0x51: {  	_ =	shalt  }
0x52: {  	_ =	shalt  }
0x53: {  	_ =	shalt  }
0x54: {  	_ =	shalt  }
0x55: {  	_ =	shalt  }
0x56: {  	_ =	shalt  }
0x57: {  	_ =	shalt  }
0x58: {  	_ =	shalt  }
0x59: {  	_ =	shalt  }
0x5a: {  	_ =	shalt  }
0x5b: {  	_ =	shalt  }
0x5c: {  	_ =	shalt  }
0x5d: {  	_ =	shalt  }
0x5e: {  	_ =	shalt  }
0x5f: {  	_ =	shalt  }
0x60: {  	_ =	shalt  }
0x61: {  	_ =	shalt  }
0x62: {  	_ =	shalt  }
0x63: {  	_ =	shalt  }
0x64: {  	_ =	shalt  }
0x65: {  	_ =	shalt  }
0x66: {  	_ =	shalt  }
0x67: {  	_ =	shalt  }
0x68: {  	_ =	shalt  }
0x69: {  	_ =	shalt  }
0x6a: {  	_ =	shalt  }
0x6b: {  	_ =	shalt  }
0x6c: {  	_ =	shalt  }
0x6d: {  	_ =	shalt  }
0x6e: {  	_ =	shalt  }
0x6f: {  	_ =	shalt  }
0x70: {  	_ =	shalt  }
0x71: {  	_ =	shalt  }
0x72: {  	_ =	shalt  }
0x73: {  	_ =	shalt  }
0x74: {  	_ =	shalt  }
0x75: {  	_ =	shalt  }
0x76: {  	_ =	shalt  }
0x77: {  	_ =	shalt  }
0x78: {  	_ =	shalt  }
0x79: {  	_ =	shalt  }
0x7a: {  	_ =	shalt  }
0x7b: {  	_ =	shalt  }
0x7c: {  	_ =	shalt  }
0x7d: {  	_ =	shalt  }
0x7e: {  	_ =	shalt  }
0x7f: {  	_ =	shalt  }
0x80: {  	_ =	shalt  }
0x81: {  	_ =	shalt  }
0x82: {  	_ =	shalt  }
0x83: {  	_ =	shalt  }
0x84: {  	_ =	shalt  }
0x85: {  	_ =	shalt  }
0x86: {  	_ =	shalt  }
0x87: {  	_ =	shalt  }
.Lfunc_end0:
.L_simem_size_0:
called_computation.1_lowered:
.L_overlay_start_0:
0x88: {  	s2 =	sld [smem:$0x3FD9]  }
0x89: {  	s3 =	sld [smem:$0x3FFE];
	_ =	sdelay $0x1  }
0x8a: {  	s1 =	srdreg.scid  }
0x8b: {  	s0 =	sand.u32 $0x1, s1  }
0x8c: {  	s16 =	sshll.u32 s0, $0xA;
	s2 =	sadd.s32 s3, s2  }
0x8d: {  	s2 =	sadd.s32 s2, s16  }
0x8e: {  	[smem:$0x3FBB] =	sst s2  }
0x8f: {  	_ = 	snop  }
0x90: {  	(tm) =	ssettm $0x1  }
0x91: {  	s17 =	sld [smem:$0x3FFB];
	_ =	sdelay $0x3  }
0x92: {  	_ =	strace s17  }
0x93: {  	s2 =	sld [smem:$0x3FFC];
	_ =	sdelay $0x3  }
0x94: {  	_ =	strace s2  }
0x95: {  	s2 =	sld [smem:$0x3FFD];
	_ =	sdelay $0x3  }
0x96: {  	_ =	strace s2  }
0x97: {  	_ =	strace $0x8FFFFFFF  }
0x98: {  	s18 =	sld [smem:$0x3FDB];
	_ =	sdelay $0x1  }
0x99: {  	s19 =	simm.s32 $_scs_section_size  }
0x9a: {  	s4 =	simm.s32 $_size__tile_overlayer_lowered;
	s5 =	simm.s32 $_tile_overlayer_lowered  }
0x9b: {  	s22 =	simm.s32 $0x1BFF;
	s21 =	sshll.u32 s5, $0x1;
	s2 =	sadd.s32 s19, s18  }
0x9c: {  	s6 =	simm.s32 $0x0;
	s20 =	sshll.u32 s4, $0x1;
	s4 =	sadd.s32 s21, s2  }
0x9d: {  	[timem:s6], [sflag:s22] =	dma.local [hbm:s4], s20  }
0x9e: {  	_ =	swait.ge [sflag:s22], s20  }
0x9f: {  	s3 =	ssub.s32 $0x0, s20;
	[sflag:s22] =	ssyncset.done $0x0  }
0xa0: {  	[sflag:s22] =	ssyncadd.s32 s3;
	_ =	sdelay $0x1  }
0xa1: {  	s23 =	simm.s32 $0x1B8B  }
0xa2: {  	_ =	swait.ge [sflag:s23], $0x1  }
0xa3: {  	[sflag:s23] =	ssyncset.done $0x0  }
0xa4: {  	s25 =	simm.s32 $0x1B8E;
	s24 =	sld [smem:$0x3FFE];
	[sflag:s23] =	ssyncadd.s32 $0xFFFFFFFF  }
0xa5: {  	s26 =	simm.s32 $execute0_lowered;
	[smem:$0x3FD2] =	sst s25  }
0xa6: {  	s4 =	sshll.u32 s26, $0x1;
	_ =	strace $0x80000049;
	[dreg:$0x1] =	wrdreg $0xFFFFFFFF  }
0xa7: {  	s28 =	simm.s32 $_size_execute0_lowered;
	s2 =	sadd.s32 s2, s4;
	[dreg:$0x0] =	wrdreg $0x0  }
0xa8: {  	s4 =	sshll.u32 s28, $0x1;
	[dreg:$0x2] =	wrdreg s2  }
0xa9: {  	[dreg:$0x3] =	wrdreg s4  }
0xaa: {  	[dreg:$0x4] =	wrdreg $0xC0  }
0xab: {  	_ =	task [dreg:s6], $0x5FFFF  }
0xac: {  	[dreg:$0x1] =	wrdreg $0xFFFFFFFF  }
0xad: {  	[dreg:$0x0] =	wrdreg $0x60  }
0xae: {  	[dreg:$0x2] =	wrdreg s24  }
0xaf: {  	[dreg:$0x3] =	wrdreg $0xB0000  }
0xb0: {  	[dreg:$0x4] =	wrdreg $0x9  }
0xb1: {  	_ =	task.clear_ibuf [dreg:s6], $0x5FFFF;
	_ =	strace $0x90000049  }
0xb2: {  	s29 =	simm.s32 $0x9;
	_ =	strace $0x8000004B  }
0xb3: {  	_ =	swait.ge [sflag:s29], $0x1  }
0xb4: {  	[sflag:s29] =	ssyncadd.s32 $0xFFFFFFFF  }
0xb5: {  	_ =	strace $0x9000004B  }
0xb6: {  	_ =	sfence  }
0xb7: {  	s30 =	sld [smem:$0x0];
	_ =	sdelay $0x2  }
0xb8: {  	s31 =	sshll.u32 s1, $0xD;
	s1 =	sshrl.u32 s1, $0x2  }
0xb9: {  	s3 =	sand.u32 $0x4000, s31;
	s1 =	sadd.s32 s1, s30  }
0xba: {  	s0 =	sor.u32 s3, s0;
	s1 =	sshll.u32 s1, $0x11  }
0xbb: {  	s0 =	sor.u32 s1, s0  }
0xbc: {  	s0 =	sadd.s32 $0x8F2B, s0  }
0xbd: {  	[sflag:s0] =	ssyncadd.remote.s32 $0x1  }
0xbe: {  	_ =	sfence.sel $0xFFFF  }
0xbf: {  	[dreg:$0x0] =	wrdreg $0xFFFFFFFF;
	(pc) =	sbr.abs _section_cstart, $3  }
0xc0: {  	[dreg:$0x1] =	wrdreg $0xFFFFFFFF  }
0xc1: {  	_ =	task.clear_ibuf [dreg:s6], $0x2FFFF;
	_ =	strace $0x9FFFFFFF  }
0xc2: {  	(tm) =	ssettm $0x7FFFFFFF  }
0xc3: {  	_ =	shalt  }
tec
execute0_lowered:
.L_overlay_start_1:
0x0: {  	(tag) =	ssettag $0x1  }
0x1: {  	s5 =	rddreg [dreg:$0x0]  }
0x2: {  	s2 =	rddreg [dreg:$0x1];
	s3 =	srdreg.scid  }
0x3: {  	s1 =	stileid.u32;
	s0 =	rddreg [dreg:$0x2];
	s18 =	simm.s32 $0x3000  }
0x4: {  	s19 =	simm.s32 $0x7000;
	s20 =	simm.s32 $0x1;
	s21 =	simm.s32 $0x2  }
0x5: {  	s22 =	simm.s32 $0x0;
	s7 =	sand.u32 $0x1, s3;
	s8 =	smul.u32 $0x280, s1  }
0x6: {  	s3 =	simm.s32 $0x0;
	s11 =	sadd.s32 $0xAF800, s5;
	s15 =	smul.u32 $0x50000, s1  }
0x7: {  	s31 =	sshll.u32 s1, $0x6;
	s4 =	sshll.u32 s7, $0x4;
	s6 =	smul.u32 $0x5000, s7  }
0x8: {  	[smem:$0x7FF] =	sst s3;
	s24 =	ssub.s32 $0x2, s7;
	s14 =	ssub.s32 $0x0, s7  }
0x9: {  	p0 =	seq.s32 s7, $0x0;
	s9 =	sor.u32 s1, s4;
	_ =	strace $0x8000004A  }
0xa: {  	s4 =	sadd.s32 $0xBB800, s5;
	s25 =	sshrl.u32 s24, $0x1;
	s26 =	sshrl.u32 s15, $0x2  }
0xb: {  	s28 =	sand.u32 $0x5000, s14;
	s14 =	simm.s32 $0x3;
	s15 =	sor.u32 $0x1C03, s31  }
0xc: {  	s10 =	smul.u32 $0x300, s9;
	s6 =	sadd.s32 s8, s6;
	s16 =	ssub.s32 s24, s25  }
0xd: {  	s9 =	smul.u32 $0x1800, s9;
	s17 =	sadd.s32 s26, s2;
	s6 =	sshll.u32 s6, $0x4  }
0xe: {  	s12 =	sadd.s32 s10, s5;
	s13 =	sadd.s32 s6, s5;
	s6 =	sadd.s32 s11, s10  }
0xf: {  	s10 =	sadd.s32 s8, s28;
	s9 =	sshrl.u32 s9, $0x3;
	s5 =	sadd.s32 $0x3800, s12  }
0x10: {  	s12 =	simm.s32 $0x2800;
	s29 =	sshll.u32 s10, $0x4;
	s9 =	sadd.s32 s11, s9  }
0x11: {  	s11 =	sadd.s32 $0x15B800, s13;
	s12 =	simm.s32 @!p0 $0x5000;
	s7 =	sadd.s32 s4, s29  }
0x12: {  	s9 =	sadd.s32 $0x6000, s9;
	s30 =	sadd.s32 s8, s12;
	s8 =	sadd.s32 $0x133800, s13  }
0x13: {  	s12 =	smax.u32 s16, $0x1;
	s13 =	simm.s32 $0x1800;
	s10 =	sshll.u32 s30, $0x4  }
0x14: {  	s16 =	sshrl.u32 s17, $0x3;
	s17 =	simm.s32 $0x80;
	s10 =	sadd.s32 s4, s10  }
.LBB2_1:
0x15: {  	[tilespmem:s13], [sflag:$0x3] =	stream.linear.gather [hbm4b:s5+s3], $0x1800, $0x38;
	[tilespmem:$0x1F000] =	vst v63  }
0x16: {  	_ =	swait.ge [sflag:s14], $0x1800  }
0x17: {  	[sflag:s14] =	ssyncset.done $0x0  }
0x18: {  	[sflag:s14] =	ssyncadd.s32 $0xFFFFE800  }
0x19: {  	[tilespmem:s3], [sflag:$0x3] =	stream.linear.gather [hbm4b:s6+s3], $0x1800, $0x38;
	[tilespmem:$0x1F000] =	vst v63  }
0x1a: {  	_ =	swait.ge [sflag:s14], $0x1800  }
0x1b: {  	[sflag:s14] =	ssyncset.done $0x0  }
0x1c: {  	[sflag:s14] =	ssyncadd.s32 $0xFFFFE800  }
0x1d: {  	[spmem:s16], [sflag:s15] =	dma.local [hbm:s7], $0x2800  }
0x1e: {  	_ =	swait.ge [sflag:s14], $0x2800  }
0x1f: {  	[sflag:s14] =	ssyncset.done $0x0  }
0x20: {  	[sflag:s14] =	ssyncadd.s32 $0xFFFFD800  }
0x21: {  	[bflag:$0x0] =	sbarrier.arrive $0xFFFF  }
0x22: {  	[tilespmem:s18], [sflag:$0x1] =	stream.indirect.gather [hbm4b:s4+s17], $0x80, s3, s17, $0xb8;
	[tilespmem:$0x1F000] =	vst v63  }
0x23: {  	s23 =	simm.s32 $0x80  }
0x24: {  	[tilespmem:s19], [sflag:$0x2] =	stream.indirect.gather [hbm4b:s4+s17], $0x80, s23, s17, $0xb8;
	[tilespmem:$0x1F000] =	vst v63  }
0x25: {  	_ =	swait.ge [sflag:s20], $0x4000  }
0x26: {  	[sflag:s20] =	ssyncset.done $0x0  }
0x27: {  	s29 =	simm.s32 $0x1800;
	[sflag:s20] =	ssyncadd.s32 $0xFFFFC000  }
0x28: {  	[spmem:s2] =	stream.indirect.scatter.add.f32 [tilespmem:s18], [sflag:$0x3], $0x80, s29, s17, $0xb8;
	[tilespmem:$0x1F000] =	vst v63  }
0x29: {  	_ =	swait.ge [sflag:s14], $0x4000  }
0x2a: {  	[sflag:s14] =	ssyncset.done $0x0  }
0x2b: {  	s30 =	simm.s32 $0x100;
	[sflag:s14] =	ssyncadd.s32 $0xFFFFC000  }
0x2c: {  	[tilespmem:s18], [sflag:$0x1] =	stream.indirect.gather [hbm4b:s4+s17], $0x80, s30, s17, $0xb8;
	[tilespmem:$0x1F000] =	vst v63  }
0x2d: {  	_ =	swait.ge [sflag:s21], $0x4000  }
0x2e: {  	[sflag:s21] =	ssyncset.done $0x0  }
0x2f: {  	s31 =	simm.s32 $0x1880;
	[sflag:s21] =	ssyncadd.s32 $0xFFFFC000  }
0x30: {  	[spmem:s2] =	stream.indirect.scatter.add.f32 [tilespmem:s19], [sflag:$0x3], $0x80, s31, s17, $0xb8;
	[tilespmem:$0x1F000] =	vst v63  }
0x31: {  	_ =	swait.ge [sflag:s14], $0x4000  }
0x32: {  	s24 =	simm.s32 $0x800;
	s23 =	simm.s32 $0x100;
	[sflag:s14] =	ssyncset.done $0x0  }
.LBB2_2:
0x33: {  	s25 =	sadd.s32 $0x80, s23  }
0x34: {  	[sflag:s14] =	ssyncadd.s32 $0xFFFFC000;
	s26 =	smov.u32 s24;
	s28 =	sadd.s32 $0x400, s24  }
0x35: {  	[tilespmem:s19], [sflag:$0x2] =	stream.indirect.gather [hbm4b:s4+s17], $0x80, s25, s17, $0xb8;
	[tilespmem:$0x1F000] =	vst v63  }
0x36: {  	p0 =	sne.s32 s24, $0x4C00;
	_ =	swait.ge [sflag:s20], $0x4000  }
0x37: {  	[sflag:s20] =	ssyncset.done $0x0  }
0x38: {  	s24 =	sadd.s32 $0x1800, s23;
	[sflag:s20] =	ssyncadd.s32 $0xFFFFC000  }
0x39: {  	[spmem:s2] =	stream.indirect.scatter.add.f32 [tilespmem:s18], [sflag:$0x3], $0x80, s24, s17, $0xb8;
	[tilespmem:$0x1F000] =	vst v63  }
0x3a: {  	_ =	swait.ge [sflag:s14], $0x4000  }
0x3b: {  	[sflag:s14] =	ssyncset.done $0x0  }
0x3c: {  	s24 =	sadd.s32 $0x100, s23;
	[sflag:s14] =	ssyncadd.s32 $0xFFFFC000  }
0x3d: {  	[tilespmem:s18], [sflag:$0x1] =	stream.indirect.gather [hbm4b:s4+s17], $0x80, s24, s17, $0xb8;
	[tilespmem:$0x1F000] =	vst v63  }
0x3e: {  	_ =	swait.ge [sflag:s21], $0x4000  }
.Ltmp0:
0x3f: {  	[sflag:s21] =	ssyncset.done $0x0;
	(pc) =	sbr.rel @p0 .LBB2_2-.Ltmp0, $4  }
0x40: {  	s23 =	sadd.s32 $0x1880, s23;
	[sflag:s21] =	ssyncadd.s32 $0xFFFFC000  }
0x41: {  	[spmem:s2] =	stream.indirect.scatter.add.f32 [tilespmem:s19], [sflag:$0x3], $0x80, s23, s17, $0xb8;
	[tilespmem:$0x1F000] =	vst v63  }
0x42: {  	_ =	swait.ge [sflag:s14], $0x4000  }
0x43: {  	s24 =	smov.u32 s28;
	s23 =	sshra.s32 s26, $0x2;
	[sflag:s14] =	ssyncset.done $0x0  }
0x44: {  	s24 =	sadd.s32 $0x80, s23;
	[sflag:s14] =	ssyncadd.s32 $0xFFFFC000  }
0x45: {  	[tilespmem:s19], [sflag:$0x2] =	stream.indirect.gather [hbm4b:s4+s17], $0x80, s24, s17, $0xb8;
	[tilespmem:$0x1F000] =	vst v63  }
0x46: {  	_ =	swait.ge [sflag:s20], $0x4000  }
0x47: {  	[sflag:s20] =	ssyncset.done $0x0  }
0x48: {  	s30 =	sadd.s32 $0x1800, s23;
	[sflag:s20] =	ssyncadd.s32 $0xFFFFC000  }
0x49: {  	[spmem:s2] =	stream.indirect.scatter.add.f32 [tilespmem:s18], [sflag:$0x3], $0x80, s30, s17, $0xb8;
	[tilespmem:$0x1F000] =	vst v63  }
0x4a: {  	_ =	swait.ge [sflag:s14], $0x4000  }
0x4b: {  	[sflag:s14] =	ssyncset.done $0x0  }
0x4c: {  	s31 =	sadd.s32 $0x100, s23;
	[sflag:s14] =	ssyncadd.s32 $0xFFFFC000  }
0x4d: {  	[tilespmem:s18], [sflag:$0x1] =	stream.indirect.gather [hbm4b:s4+s17], $0x80, s31, s17, $0xb8;
	[tilespmem:$0x1F000] =	vst v63  }
0x4e: {  	_ =	swait.ge [sflag:s21], $0x4000  }
0x4f: {  	[sflag:s21] =	ssyncset.done $0x0  }
0x50: {  	s25 =	sadd.s32 $0x1880, s23;
	[sflag:s21] =	ssyncadd.s32 $0xFFFFC000  }
0x51: {  	[spmem:s2] =	stream.indirect.scatter.add.f32 [tilespmem:s19], [sflag:$0x3], $0x80, s25, s17, $0xb8;
	[tilespmem:$0x1F000] =	vst v63  }
0x52: {  	_ =	swait.ge [sflag:s14], $0x4000  }
0x53: {  	[sflag:s14] =	ssyncset.done $0x0  }
0x54: {  	[sflag:s14] =	ssyncadd.s32 $0xFFFFC000  }
0x55: {  	_ =	swait.ge [sflag:s20], $0x4000  }
0x56: {  	[sflag:s20] =	ssyncset.done $0x0  }
0x57: {  	[sflag:s20] =	ssyncadd.s32 $0xFFFFC000  }
0x58: {  	[bflag:$0x0] =	sbarrier.arrive $0xFFFF  }
0x59: {  	[hbm:s8], [sflag:s15] =	dma.local [spmem:s16], $0x2800  }
0x5a: {  	_ =	swait.ge [sflag:s14], $0x2800  }
0x5b: {  	[sflag:s14] =	ssyncset.done $0x0  }
0x5c: {  	[sflag:s14] =	ssyncadd.s32 $0xFFFFD800  }
0x5d: {  	s26 =	simm.s32 $0x0;
	[bflag:$0x0] =	sbarrier.arrive $0xFFFF  }
0x5e: {  	[tilespmem:s26], [sflag:$0x3] =	stream.linear.gather [hbm4b:s9+s26], $0x1800, $0x38;
	[tilespmem:$0x1F000] =	vst v63  }
0x5f: {  	_ =	swait.ge [sflag:s14], $0x1800  }
0x60: {  	[sflag:s14] =	ssyncset.done $0x0  }
0x61: {  	[sflag:s14] =	ssyncadd.s32 $0xFFFFE800  }
0x62: {  	[spmem:s16], [sflag:s15] =	dma.local [hbm:s10], $0x2800  }
0x63: {  	_ =	swait.ge [sflag:s14], $0x2800  }
0x64: {  	[sflag:s14] =	ssyncset.done $0x0  }
0x65: {  	[sflag:s14] =	ssyncadd.s32 $0xFFFFD800  }
0x66: {  	[bflag:$0x0] =	sbarrier.arrive $0xFFFF  }
0x67: {  	[tilespmem:s18], [sflag:$0x1] =	stream.indirect.gather [hbm4b:s4+s17], $0x80, s26, s17, $0xb8;
	[tilespmem:$0x1F000] =	vst v63  }
0x68: {  	s28 =	simm.s32 $0x80  }
0x69: {  	[tilespmem:s19], [sflag:$0x2] =	stream.indirect.gather [hbm4b:s4+s17], $0x80, s28, s17, $0xb8;
	[tilespmem:$0x1F000] =	vst v63  }
0x6a: {  	_ =	swait.ge [sflag:s20], $0x4000  }
0x6b: {  	[sflag:s20] =	ssyncset.done $0x0  }
0x6c: {  	s29 =	simm.s32 $0x1800;
	[sflag:s20] =	ssyncadd.s32 $0xFFFFC000  }
0x6d: {  	[spmem:s2] =	stream.indirect.scatter.add.f32 [tilespmem:s18], [sflag:$0x3], $0x80, s29, s17, $0xb8;
	[tilespmem:$0x1F000] =	vst v63  }
0x6e: {  	_ =	swait.ge [sflag:s14], $0x4000  }
0x6f: {  	[sflag:s14] =	ssyncset.done $0x0  }
0x70: {  	s30 =	simm.s32 $0x100;
	[sflag:s14] =	ssyncadd.s32 $0xFFFFC000  }
0x71: {  	[tilespmem:s18], [sflag:$0x1] =	stream.indirect.gather [hbm4b:s4+s17], $0x80, s30, s17, $0xb8;
	[tilespmem:$0x1F000] =	vst v63  }
0x72: {  	_ =	swait.ge [sflag:s21], $0x4000  }
0x73: {  	[sflag:s21] =	ssyncset.done $0x0  }
0x74: {  	s31 =	simm.s32 $0x1880;
	[sflag:s21] =	ssyncadd.s32 $0xFFFFC000  }
0x75: {  	[spmem:s2] =	stream.indirect.scatter.add.f32 [tilespmem:s19], [sflag:$0x3], $0x80, s31, s17, $0xb8;
	[tilespmem:$0x1F000] =	vst v63  }
0x76: {  	_ =	swait.ge [sflag:s14], $0x4000  }
0x77: {  	s23 =	simm.s32 $0x100;
	s24 =	simm.s32 $0x800;
	[sflag:s14] =	ssyncset.done $0x0  }
.LBB2_4:
0x78: {  	s25 =	sadd.s32 $0x80, s23  }
0x79: {  	[sflag:s14] =	ssyncadd.s32 $0xFFFFC000;
	s26 =	smov.u32 s24;
	s28 =	sadd.s32 $0x400, s24  }
0x7a: {  	[tilespmem:s19], [sflag:$0x2] =	stream.indirect.gather [hbm4b:s4+s17], $0x80, s25, s17, $0xb8;
	[tilespmem:$0x1F000] =	vst v63  }
0x7b: {  	p0 =	sne.s32 s24, $0x4C00;
	_ =	swait.ge [sflag:s20], $0x4000  }
0x7c: {  	[sflag:s20] =	ssyncset.done $0x0  }
0x7d: {  	s24 =	sadd.s32 $0x1800, s23;
	[sflag:s20] =	ssyncadd.s32 $0xFFFFC000  }
0x7e: {  	[spmem:s2] =	stream.indirect.scatter.add.f32 [tilespmem:s18], [sflag:$0x3], $0x80, s24, s17, $0xb8;
	[tilespmem:$0x1F000] =	vst v63  }
0x7f: {  	_ =	swait.ge [sflag:s14], $0x4000  }
0x80: {  	[sflag:s14] =	ssyncset.done $0x0  }
0x81: {  	s24 =	sadd.s32 $0x100, s23;
	[sflag:s14] =	ssyncadd.s32 $0xFFFFC000  }
0x82: {  	[tilespmem:s18], [sflag:$0x1] =	stream.indirect.gather [hbm4b:s4+s17], $0x80, s24, s17, $0xb8;
	[tilespmem:$0x1F000] =	vst v63  }
0x83: {  	_ =	swait.ge [sflag:s21], $0x4000  }
.Ltmp1:
0x84: {  	[sflag:s21] =	ssyncset.done $0x0;
	(pc) =	sbr.rel @p0 .LBB2_4-.Ltmp1, $4  }
0x85: {  	s23 =	sadd.s32 $0x1880, s23;
	[sflag:s21] =	ssyncadd.s32 $0xFFFFC000  }
0x86: {  	[spmem:s2] =	stream.indirect.scatter.add.f32 [tilespmem:s19], [sflag:$0x3], $0x80, s23, s17, $0xb8;
	[tilespmem:$0x1F000] =	vst v63  }
0x87: {  	_ =	swait.ge [sflag:s14], $0x4000  }
0x88: {  	s24 =	smov.u32 s28;
	s23 =	sshra.s32 s26, $0x2;
	[sflag:s14] =	ssyncset.done $0x0  }
0x89: {  	s24 =	sadd.s32 $0x80, s23;
	[sflag:s14] =	ssyncadd.s32 $0xFFFFC000  }
0x8a: {  	[tilespmem:s19], [sflag:$0x2] =	stream.indirect.gather [hbm4b:s4+s17], $0x80, s24, s17, $0xb8;
	[tilespmem:$0x1F000] =	vst v63  }
0x8b: {  	_ =	swait.ge [sflag:s20], $0x4000  }
0x8c: {  	[sflag:s20] =	ssyncset.done $0x0  }
0x8d: {  	s29 =	sadd.s32 $0x1800, s23;
	[sflag:s20] =	ssyncadd.s32 $0xFFFFC000  }
0x8e: {  	[spmem:s2] =	stream.indirect.scatter.add.f32 [tilespmem:s18], [sflag:$0x3], $0x80, s29, s17, $0xb8;
	[tilespmem:$0x1F000] =	vst v63  }
0x8f: {  	_ =	swait.ge [sflag:s14], $0x4000  }
0x90: {  	[sflag:s14] =	ssyncset.done $0x0  }
0x91: {  	s30 =	sadd.s32 $0x100, s23;
	[sflag:s14] =	ssyncadd.s32 $0xFFFFC000  }
0x92: {  	[tilespmem:s18], [sflag:$0x1] =	stream.indirect.gather [hbm4b:s4+s17], $0x80, s30, s17, $0xb8;
	[tilespmem:$0x1F000] =	vst v63  }
0x93: {  	_ =	swait.ge [sflag:s21], $0x4000  }
0x94: {  	[sflag:s21] =	ssyncset.done $0x0  }
0x95: {  	s31 =	sadd.s32 $0x1880, s23;
	[sflag:s21] =	ssyncadd.s32 $0xFFFFC000  }
0x96: {  	[spmem:s2] =	stream.indirect.scatter.add.f32 [tilespmem:s19], [sflag:$0x3], $0x80, s31, s17, $0xb8;
	[tilespmem:$0x1F000] =	vst v63  }
0x97: {  	_ =	swait.ge [sflag:s14], $0x4000  }
0x98: {  	[sflag:s14] =	ssyncset.done $0x0  }
0x99: {  	[sflag:s14] =	ssyncadd.s32 $0xFFFFC000  }
0x9a: {  	_ =	swait.ge [sflag:s20], $0x4000  }
0x9b: {  	s22 =	sadd.s32 $0x1, s22;
	[sflag:s20] =	ssyncset.done $0x0  }
0x9c: {  	p0 =	sne.s32 s22, s12;
	[sflag:s20] =	ssyncadd.s32 $0xFFFFC000  }
.Ltmp2:
0x9d: {  	[bflag:$0x0] =	sbarrier.arrive $0xFFFF;
	(pc) =	sbr.rel @p0 .LBB2_1-.Ltmp2, $4  }
0x9e: {  	[hbm:s11], [sflag:s15] =	dma.local [spmem:s16], $0x2800  }
0x9f: {  	_ =	swait.ge [sflag:s14], $0x2800  }
0xa0: {  	[sflag:s14] =	ssyncset.done $0x0  }
0xa1: {  	[sflag:s14] =	ssyncadd.s32 $0xFFFFD800  }
0xa2: {  	_ =	sfence.sel $0x180000  }
0xa3: {  	[bflag:$0x0] =	sbarrier.arrive $0xFFFF  }
0xa4: {  	p0 =	sne.s32 s1, $0x0;
	_ =	strace $0x9000004A  }
0xa5: {  	s0 =	sadd.s32 @!p0 $0x100000, s0;
	[bflag:$0x2] =	sbarrier.arrive $0xFFFF  }
0xa6: {  	[sflag:s0] =	ssyncadd.tile.s32 @!p0 $0x1;
	_ =	shalt  }
.Lfunc_end2:
_tile_overlayer_lowered:
.L_overlay_start_2:
0xa7: {  	(tag) =	ssettag $0x2  }
0xa8: {  	s0 =	rddreg [dreg:$0x0];
	s2 =	stileid.u32  }
0xa9: {  	s1 =	rddreg [dreg:$0x1];
	p0 =	sne.s32 s2, $0x0  }
0xaa: {  	s3 =	rddreg [dreg:$0x2];
	[bflag:$0x3] =	sbarrier.arrive $0xFFFF;
	s2 =	simm.s32 @!p0 $0x1C03  }
0xab: {  	[timem:s3], [sflag:s2] =	dma.local @!p0 [hbm:s0], s1  }
0xac: {  	s0 =	simm.s32 @!p0 $0x3  }
0xad: {  	_ =	swait.ge @!p0 [sflag:s0], s1  }
0xae: {  	s1 =	ssub.s32 @!p0 $0x0, s1;
	[sflag:s0] =	ssyncset.done @!p0 $0x0  }
0xaf: {  	[sflag:s0] =	ssyncadd.s32 @!p0 s1  }
0xb0: {  	[bflag:$0x3] =	sbarrier.arrive $0xFFFF  }
0xb1: {  	_ =	shalt  }

// kernel: kernel.18.cloned.1.call-start
scs
__scs_entry_jumppad:
0x0: {  	(pc) =	sbr.rel $0x88, $3  }
0x1: {  	(tag) =	ssettag $0x0;
	lr =	simm.s32 $0x1  }
0x2: {  	[smem:$0x3F94] =	sst lr;
	_ =	strace $0xD0000000  }
0x3: {  	_ = 	snop  }
0x4: {  	_ = 	snop  }
0x5: {  	_ = 	snop  }
0x6: {  	_ = 	snop  }
0x7: {  	_ = 	snop  }
__scs_overlays_trampoline_lowered:
0x8: {  	[smem:$0x3FA3] =	sst s0  }
0x9: {  	[smem:$0x3FA4] =	sst s1  }
0xa: {  	[smem:$0x3FA5] =	sst s2  }
0xb: {  	[smem:$0x3FA6] =	sst s3  }
0xc: {  	[smem:$0x3FA7] =	sst s4  }
0xd: {  	[smem:$0x3FA8] =	sst s5  }
0xe: {  	[smem:$0x3FA9] =	sst s6  }
0xf: {  	[smem:$0x3FAA] =	sst s7  }
0x10: {  	[smem:$0x3FAB] =	sst s8  }
0x11: {  	[smem:$0x3FAC] =	sst s9;
	s0 =	simm.s32 @!p0 $0x0  }
0x12: {  	s1 =	sld [smem:$0x3F92];
	s0 =	simm.s32 @p0 $0x1  }
0x13: {  	[smem:$0x3FAD] =	sst s0;
	s0 =	simm.s32 @!p1 $0x0  }
0x14: {  	s2 =	sld [smem:$0x3F91];
	s0 =	simm.s32 @p1 $0x1  }
0x15: {  	[smem:$0x3FAE] =	sst s0;
	s0 =	simm.s32 @!p2 $0x0  }
0x16: {  	s3 =	sld [smem:$0x3FDB];
	s0 =	simm.s32 @p2 $0x1  }
0x17: {  	s4 =	simm.s32 $0x1BF5;
	[smem:$0x3FB0] =	sst s0  }
0x18: {  	s0 =	sld [smem:$0x3F93];
	_ =	swait.ge [sflag:s4], $0x0  }
0x19: {  	s7 =	sld [smem:$0x3F94]  }
0x1a: {  	s8 =	sadd.s32 $0xFFFFE003, lr  }
0x1b: {  	s9 =	sadd.s32 $0xFFFFFEF7, lr;
	s5 =	simm.s32 $0xFFFFFFFF;
	p2 =	slt.u32 s8, $0xFFFFF086  }
0x1c: {  	p1 =	slt.u32 s9, $0xF7A;
	s5 =	simm.s32 @!p2 $0x0  }
0x1d: {  	s5 =	simm.s32 @p1 $0x1;
	p0 =	seq.s32 s7, s2  }
0x1e: {  	s7 =	smul.u32 @!p0 $0xF7A, s2;
	p2 =	seq.s32 @!p0 s5, $0x0  }
0x1f: {  	s9 =	smul.u32 $0xF7A, s1;
	s8 =	simm.s32 @!p0 $0x1BF5;
	p2 =	por !p2, p0  }
0x20: {  	[sflag:s8] =	ssyncset.s32 @!p0 $0xFFFFF086;
	s6 =	sadd.s32 @!p0 s3, s7;
	s7 =	simm.s32 @!p0 $0x108  }
0x21: {  	s3 =	sadd.s32 s3, s9;
	s6 =	sadd.s32 @!p0 $0x88, s6;
	s7 =	simm.s32 @p2 $0x1082  }
0x22: {  	[simem:s7], [sflag:s8] =	dma.local @!p0 [hbm:s6], $0xF7A  }
0x23: {  	s9 =	sor.u32 $0xD0000000, s2;
	s6 =	simm.s32 $0x108;
	_ =	swait.ge @!p0 [sflag:s8], $0x0  }
0x24: {  	s3 =	sadd.s32 $0x88, s3;
	s6 =	simm.s32 @!p1 $0x1082;
	[sflag:s4] =	ssyncset.s32 $0xFFFFF086  }
0x25: {  	[simem:s6], [sflag:s4] =	dma.local [hbm:s3], $0xF7A  }
0x26: {  	[smem:$0x3F94] =	sst s1;
	(tag) =	ssettag s2;
	_ =	strace s9  }
0x27: {  	s1 =	sld [smem:$0x3FA4]  }
0x28: {  	s2 =	sld [smem:$0x3FA5]  }
0x29: {  	s4 =	sld [smem:$0x3FA7]  }
0x2a: {  	p0 =	seq.s32 s5, $0x0;
	s5 =	sld [smem:$0x3FA8]  }
0x2b: {  	s6 =	sld [smem:$0x3FA9]  }
0x2c: {  	s7 =	sld [smem:$0x3FAA]  }
0x2d: {  	s3 =	simm.s32 $0x108;
	s8 =	sld [smem:$0x3FAB]  }
0x2e: {  	s3 =	simm.s32 @!p0 $0x1082;
	s9 =	sld [smem:$0x3FAC]  }
0x2f: {  	lr =	sadd.s32 s0, s3;
	s0 =	sld [smem:$0x3FA3]  }
0x30: {  	s3 =	sld [smem:$0x3FA6]  }
0x31: {  	[smem:$0x3FAF] =	sst s10  }
0x32: {  	s10 =	sld [smem:$0x3FAD];
	_ =	sdelay $0x3  }
0x33: {  	p0 =	seq.s32 s10, $0x1;
	s10 =	sld [smem:$0x3FAF];
	_ =	sdelay $0x3  }
0x34: {  	[smem:$0x3FAF] =	sst s10  }
0x35: {  	s10 =	sld [smem:$0x3FAE];
	_ =	sdelay $0x3  }
0x36: {  	p1 =	seq.s32 s10, $0x1;
	s10 =	sld [smem:$0x3FAF];
	_ =	sdelay $0x3  }
0x37: {  	[smem:$0x3FAF] =	sst s10  }
0x38: {  	s10 =	sld [smem:$0x3FB0]  }
0x39: {  	_ = 	snop;
	(pc) =	sbr.ind lr, $3  }
0x3a: {  	_ = 	snop  }
0x3b: {  	_ = 	snop  }
0x3c: {  	p2 =	seq.s32 s10, $0x1;
	s10 =	sld [smem:$0x3FAF]  }
0x3d: {  	_ =	shalt  }
0x3e: {  	_ =	shalt  }
0x3f: {  	_ =	shalt  }
0x40: {  	_ =	shalt  }
0x41: {  	_ =	shalt  }
0x42: {  	_ =	shalt  }
0x43: {  	_ =	shalt  }
0x44: {  	_ =	shalt  }
0x45: {  	_ =	shalt  }
0x46: {  	_ =	shalt  }
0x47: {  	_ =	shalt  }
0x48: {  	_ =	shalt  }
0x49: {  	_ =	shalt  }
0x4a: {  	_ =	shalt  }
0x4b: {  	_ =	shalt  }
0x4c: {  	_ =	shalt  }
0x4d: {  	_ =	shalt  }
0x4e: {  	_ =	shalt  }
0x4f: {  	_ =	shalt  }
0x50: {  	_ =	shalt  }
0x51: {  	_ =	shalt  }
0x52: {  	_ =	shalt  }
0x53: {  	_ =	shalt  }
0x54: {  	_ =	shalt  }
0x55: {  	_ =	shalt  }
0x56: {  	_ =	shalt  }
0x57: {  	_ =	shalt  }
0x58: {  	_ =	shalt  }
0x59: {  	_ =	shalt  }
0x5a: {  	_ =	shalt  }
0x5b: {  	_ =	shalt  }
0x5c: {  	_ =	shalt  }
0x5d: {  	_ =	shalt  }
0x5e: {  	_ =	shalt  }
0x5f: {  	_ =	shalt  }
0x60: {  	_ =	shalt  }
0x61: {  	_ =	shalt  }
0x62: {  	_ =	shalt  }
0x63: {  	_ =	shalt  }
0x64: {  	_ =	shalt  }
0x65: {  	_ =	shalt  }
0x66: {  	_ =	shalt  }
0x67: {  	_ =	shalt  }
0x68: {  	_ =	shalt  }
0x69: {  	_ =	shalt  }
0x6a: {  	_ =	shalt  }
0x6b: {  	_ =	shalt  }
0x6c: {  	_ =	shalt  }
0x6d: {  	_ =	shalt  }
0x6e: {  	_ =	shalt  }
0x6f: {  	_ =	shalt  }
0x70: {  	_ =	shalt  }
0x71: {  	_ =	shalt  }
0x72: {  	_ =	shalt  }
0x73: {  	_ =	shalt  }
0x74: {  	_ =	shalt  }
0x75: {  	_ =	shalt  }
0x76: {  	_ =	shalt  }
0x77: {  	_ =	shalt  }
0x78: {  	_ =	shalt  }
0x79: {  	_ =	shalt  }
0x7a: {  	_ =	shalt  }
0x7b: {  	_ =	shalt  }
0x7c: {  	_ =	shalt  }
0x7d: {  	_ =	shalt  }
0x7e: {  	_ =	shalt  }
0x7f: {  	_ =	shalt  }
0x80: {  	_ =	shalt  }
0x81: {  	_ =	shalt  }
0x82: {  	_ =	shalt  }
0x83: {  	_ =	shalt  }
0x84: {  	_ =	shalt  }
0x85: {  	_ =	shalt  }
0x86: {  	_ =	shalt  }
0x87: {  	_ =	shalt  }
.Lfunc_end0:
.L_simem_size_0:
called_computation.2_lowered:
.L_overlay_start_0:
0x88: {  	s2 =	sld [smem:$0x3FD9]  }
0x89: {  	s3 =	sld [smem:$0x3FFE];
	_ =	sdelay $0x1  }
0x8a: {  	s1 =	srdreg.scid  }
0x8b: {  	s0 =	sand.u32 $0x1, s1  }
0x8c: {  	s16 =	sshll.u32 s0, $0xA;
	s2 =	sadd.s32 s3, s2  }
0x8d: {  	s2 =	sadd.s32 s2, s16  }
0x8e: {  	[smem:$0x3FBB] =	sst s2  }
0x8f: {  	_ = 	snop  }
0x90: {  	(tm) =	ssettm $0x1  }
0x91: {  	s17 =	sld [smem:$0x3FFB];
	_ =	sdelay $0x3  }
0x92: {  	_ =	strace s17  }
0x93: {  	s2 =	sld [smem:$0x3FFC];
	_ =	sdelay $0x3  }
0x94: {  	_ =	strace s2  }
0x95: {  	s2 =	sld [smem:$0x3FFD];
	_ =	sdelay $0x3  }
0x96: {  	_ =	strace s2  }
0x97: {  	_ =	strace $0x8FFFFFFF  }
0x98: {  	s18 =	sld [smem:$0x3FDB];
	_ =	sdelay $0x1  }
0x99: {  	s19 =	simm.s32 $_scs_section_size  }
0x9a: {  	s4 =	simm.s32 $_size__tile_overlayer_lowered;
	s5 =	simm.s32 $_tile_overlayer_lowered  }
0x9b: {  	s22 =	simm.s32 $0x1BFF;
	s21 =	sshll.u32 s5, $0x1;
	s2 =	sadd.s32 s19, s18  }
0x9c: {  	s6 =	simm.s32 $0x0;
	s20 =	sshll.u32 s4, $0x1;
	s4 =	sadd.s32 s21, s2  }
0x9d: {  	[timem:s6], [sflag:s22] =	dma.local [hbm:s4], s20  }
0x9e: {  	_ =	swait.ge [sflag:s22], s20  }
0x9f: {  	s3 =	ssub.s32 $0x0, s20;
	[sflag:s22] =	ssyncset.done $0x0  }
0xa0: {  	[sflag:s22] =	ssyncadd.s32 s3;
	_ =	sdelay $0x1  }
0xa1: {  	s23 =	simm.s32 $0x1B8B  }
0xa2: {  	_ =	swait.ge [sflag:s23], $0x1  }
0xa3: {  	[sflag:s23] =	ssyncset.done $0x0  }
0xa4: {  	s25 =	simm.s32 $0x1B8E;
	s24 =	sld [smem:$0x3FFE];
	[sflag:s23] =	ssyncadd.s32 $0xFFFFFFFF  }
0xa5: {  	s26 =	simm.s32 $execute0_lowered;
	[smem:$0x3FD2] =	sst s25  }
0xa6: {  	s4 =	sshll.u32 s26, $0x1;
	_ =	strace $0x8000004C;
	[dreg:$0x1] =	wrdreg $0xFFFFFFFF  }
0xa7: {  	s28 =	simm.s32 $_size_execute0_lowered;
	s2 =	sadd.s32 s2, s4;
	[dreg:$0x0] =	wrdreg $0x0  }
0xa8: {  	s4 =	sshll.u32 s28, $0x1;
	[dreg:$0x2] =	wrdreg s2  }
0xa9: {  	[dreg:$0x3] =	wrdreg s4  }
0xaa: {  	[dreg:$0x4] =	wrdreg $0xC0  }
0xab: {  	_ =	task [dreg:s6], $0x5FFFF  }
0xac: {  	[dreg:$0x1] =	wrdreg $0xFFFFFFFF  }
0xad: {  	[dreg:$0x0] =	wrdreg $0x60  }
0xae: {  	[dreg:$0x2] =	wrdreg s24  }
0xaf: {  	[dreg:$0x3] =	wrdreg $0xB0000  }
0xb0: {  	[dreg:$0x4] =	wrdreg $0x9  }
0xb1: {  	_ =	task.clear_ibuf [dreg:s6], $0x5FFFF;
	_ =	strace $0x9000004C  }
0xb2: {  	s29 =	simm.s32 $0x9;
	_ =	strace $0x8000004E  }
0xb3: {  	_ =	swait.ge [sflag:s29], $0x1  }
0xb4: {  	[sflag:s29] =	ssyncadd.s32 $0xFFFFFFFF  }
0xb5: {  	_ =	strace $0x9000004E  }
0xb6: {  	_ =	sfence  }
0xb7: {  	s30 =	sld [smem:$0x0];
	_ =	sdelay $0x2  }
0xb8: {  	s31 =	sshll.u32 s1, $0xD;
	s1 =	sshrl.u32 s1, $0x2  }
0xb9: {  	s3 =	sand.u32 $0x4000, s31;
	s1 =	sadd.s32 s1, s30  }
0xba: {  	s0 =	sor.u32 s3, s0;
	s1 =	sshll.u32 s1, $0x11  }
0xbb: {  	s0 =	sor.u32 s1, s0  }
0xbc: {  	s0 =	sadd.s32 $0x8F2B, s0  }
0xbd: {  	[sflag:s0] =	ssyncadd.remote.s32 $0x1  }
0xbe: {  	_ =	sfence.sel $0xFFFF  }
0xbf: {  	[dreg:$0x0] =	wrdreg $0xFFFFFFFF;
	(pc) =	sbr.abs _section_cstart, $3  }
0xc0: {  	[dreg:$0x1] =	wrdreg $0xFFFFFFFF  }
0xc1: {  	_ =	task.clear_ibuf [dreg:s6], $0x2FFFF;
	_ =	strace $0x9FFFFFFF  }
0xc2: {  	(tm) =	ssettm $0x7FFFFFFF  }
0xc3: {  	_ =	shalt  }
tec
execute0_lowered:
.L_overlay_start_1:
0x0: {  	(tag) =	ssettag $0x1  }
0x1: {  	s5 =	rddreg [dreg:$0x0]  }
0x2: {  	s2 =	rddreg [dreg:$0x1];
	s3 =	srdreg.scid  }
0x3: {  	s1 =	stileid.u32;
	s0 =	rddreg [dreg:$0x2];
	s18 =	simm.s32 $0x3000  }
0x4: {  	s19 =	simm.s32 $0x7000;
	s20 =	simm.s32 $0x1;
	s21 =	simm.s32 $0x2  }
0x5: {  	s22 =	simm.s32 $0x0;
	s7 =	sand.u32 $0x1, s3;
	s8 =	smul.u32 $0x280, s1  }
0x6: {  	s3 =	simm.s32 $0x0;
	s11 =	sadd.s32 $0xAF800, s5;
	s15 =	smul.u32 $0x50000, s1  }
0x7: {  	s31 =	sshll.u32 s1, $0x6;
	s4 =	sshll.u32 s7, $0x4;
	s6 =	smul.u32 $0x5000, s7  }
0x8: {  	[smem:$0x7FF] =	sst s3;
	s24 =	ssub.s32 $0x2, s7;
	s14 =	ssub.s32 $0x0, s7  }
0x9: {  	p0 =	seq.s32 s7, $0x0;
	s9 =	sor.u32 s1, s4;
	_ =	strace $0x8000004D  }
0xa: {  	s4 =	sadd.s32 $0x9800, s5;
	s25 =	sshrl.u32 s24, $0x1;
	s26 =	sshrl.u32 s15, $0x2  }
0xb: {  	s28 =	sand.u32 $0x5000, s14;
	s14 =	simm.s32 $0x3;
	s15 =	sor.u32 $0x1C03, s31  }
0xc: {  	s10 =	smul.u32 $0x300, s9;
	s6 =	sadd.s32 s8, s6;
	s16 =	ssub.s32 s24, s25  }
0xd: {  	s9 =	smul.u32 $0x1800, s9;
	s17 =	sadd.s32 s26, s2;
	s6 =	sshll.u32 s6, $0x4  }
0xe: {  	s12 =	sadd.s32 s10, s5;
	s13 =	sadd.s32 s6, s5;
	s6 =	sadd.s32 s11, s10  }
0xf: {  	s10 =	sadd.s32 s8, s28;
	s9 =	sshrl.u32 s9, $0x3;
	s5 =	sadd.s32 $0x3800, s12  }
0x10: {  	s12 =	simm.s32 $0x2800;
	s29 =	sshll.u32 s10, $0x4;
	s9 =	sadd.s32 s11, s9  }
0x11: {  	s11 =	sadd.s32 $0xE3800, s13;
	s12 =	simm.s32 @!p0 $0x5000;
	s7 =	sadd.s32 s4, s29  }
0x12: {  	s9 =	sadd.s32 $0x6000, s9;
	s30 =	sadd.s32 s8, s12;
	s8 =	sadd.s32 $0xBB800, s13  }
0x13: {  	s12 =	smax.u32 s16, $0x1;
	s13 =	simm.s32 $0x1800;
	s10 =	sshll.u32 s30, $0x4  }
0x14: {  	s16 =	sshrl.u32 s17, $0x3;
	s17 =	simm.s32 $0x80;
	s10 =	sadd.s32 s4, s10  }
.LBB2_1:
0x15: {  	[tilespmem:s13], [sflag:$0x3] =	stream.linear.gather [hbm4b:s5+s3], $0x1800, $0x38;
	[tilespmem:$0x1F000] =	vst v63  }
0x16: {  	_ =	swait.ge [sflag:s14], $0x1800  }
0x17: {  	[sflag:s14] =	ssyncset.done $0x0  }
0x18: {  	[sflag:s14] =	ssyncadd.s32 $0xFFFFE800  }
0x19: {  	[tilespmem:s3], [sflag:$0x3] =	stream.linear.gather [hbm4b:s6+s3], $0x1800, $0x38;
	[tilespmem:$0x1F000] =	vst v63  }
0x1a: {  	_ =	swait.ge [sflag:s14], $0x1800  }
0x1b: {  	[sflag:s14] =	ssyncset.done $0x0  }
0x1c: {  	[sflag:s14] =	ssyncadd.s32 $0xFFFFE800  }
0x1d: {  	[spmem:s16], [sflag:s15] =	dma.local [hbm:s7], $0x2800  }
0x1e: {  	_ =	swait.ge [sflag:s14], $0x2800  }
0x1f: {  	[sflag:s14] =	ssyncset.done $0x0  }
0x20: {  	[sflag:s14] =	ssyncadd.s32 $0xFFFFD800  }
0x21: {  	[bflag:$0x0] =	sbarrier.arrive $0xFFFF  }
0x22: {  	[tilespmem:s18], [sflag:$0x1] =	stream.indirect.gather [hbm4b:s4+s17], $0x80, s3, s17, $0xb8;
	[tilespmem:$0x1F000] =	vst v63  }
0x23: {  	s23 =	simm.s32 $0x80  }
0x24: {  	[tilespmem:s19], [sflag:$0x2] =	stream.indirect.gather [hbm4b:s4+s17], $0x80, s23, s17, $0xb8;
	[tilespmem:$0x1F000] =	vst v63  }
0x25: {  	_ =	swait.ge [sflag:s20], $0x4000  }
0x26: {  	[sflag:s20] =	ssyncset.done $0x0  }
0x27: {  	s29 =	simm.s32 $0x1800;
	[sflag:s20] =	ssyncadd.s32 $0xFFFFC000  }
0x28: {  	[spmem:s2] =	stream.indirect.scatter.add.f32 [tilespmem:s18], [sflag:$0x3], $0x80, s29, s17, $0xb8;
	[tilespmem:$0x1F000] =	vst v63  }
0x29: {  	_ =	swait.ge [sflag:s14], $0x4000  }
0x2a: {  	[sflag:s14] =	ssyncset.done $0x0  }
0x2b: {  	s30 =	simm.s32 $0x100;
	[sflag:s14] =	ssyncadd.s32 $0xFFFFC000  }
0x2c: {  	[tilespmem:s18], [sflag:$0x1] =	stream.indirect.gather [hbm4b:s4+s17], $0x80, s30, s17, $0xb8;
	[tilespmem:$0x1F000] =	vst v63  }
0x2d: {  	_ =	swait.ge [sflag:s21], $0x4000  }
0x2e: {  	[sflag:s21] =	ssyncset.done $0x0  }
0x2f: {  	s31 =	simm.s32 $0x1880;
	[sflag:s21] =	ssyncadd.s32 $0xFFFFC000  }
0x30: {  	[spmem:s2] =	stream.indirect.scatter.add.f32 [tilespmem:s19], [sflag:$0x3], $0x80, s31, s17, $0xb8;
	[tilespmem:$0x1F000] =	vst v63  }
0x31: {  	_ =	swait.ge [sflag:s14], $0x4000  }
0x32: {  	s24 =	simm.s32 $0x800;
	s23 =	simm.s32 $0x100;
	[sflag:s14] =	ssyncset.done $0x0  }
.LBB2_2:
0x33: {  	s25 =	sadd.s32 $0x80, s23  }
0x34: {  	[sflag:s14] =	ssyncadd.s32 $0xFFFFC000;
	s26 =	smov.u32 s24;
	s28 =	sadd.s32 $0x400, s24  }
0x35: {  	[tilespmem:s19], [sflag:$0x2] =	stream.indirect.gather [hbm4b:s4+s17], $0x80, s25, s17, $0xb8;
	[tilespmem:$0x1F000] =	vst v63  }
0x36: {  	p0 =	sne.s32 s24, $0x4C00;
	_ =	swait.ge [sflag:s20], $0x4000  }
0x37: {  	[sflag:s20] =	ssyncset.done $0x0  }
0x38: {  	s24 =	sadd.s32 $0x1800, s23;
	[sflag:s20] =	ssyncadd.s32 $0xFFFFC000  }
0x39: {  	[spmem:s2] =	stream.indirect.scatter.add.f32 [tilespmem:s18], [sflag:$0x3], $0x80, s24, s17, $0xb8;
	[tilespmem:$0x1F000] =	vst v63  }
0x3a: {  	_ =	swait.ge [sflag:s14], $0x4000  }
0x3b: {  	[sflag:s14] =	ssyncset.done $0x0  }
0x3c: {  	s24 =	sadd.s32 $0x100, s23;
	[sflag:s14] =	ssyncadd.s32 $0xFFFFC000  }
0x3d: {  	[tilespmem:s18], [sflag:$0x1] =	stream.indirect.gather [hbm4b:s4+s17], $0x80, s24, s17, $0xb8;
	[tilespmem:$0x1F000] =	vst v63  }
0x3e: {  	_ =	swait.ge [sflag:s21], $0x4000  }
.Ltmp0:
0x3f: {  	[sflag:s21] =	ssyncset.done $0x0;
	(pc) =	sbr.rel @p0 .LBB2_2-.Ltmp0, $4  }
0x40: {  	s23 =	sadd.s32 $0x1880, s23;
	[sflag:s21] =	ssyncadd.s32 $0xFFFFC000  }
0x41: {  	[spmem:s2] =	stream.indirect.scatter.add.f32 [tilespmem:s19], [sflag:$0x3], $0x80, s23, s17, $0xb8;
	[tilespmem:$0x1F000] =	vst v63  }
0x42: {  	_ =	swait.ge [sflag:s14], $0x4000  }
0x43: {  	s24 =	smov.u32 s28;
	s23 =	sshra.s32 s26, $0x2;
	[sflag:s14] =	ssyncset.done $0x0  }
0x44: {  	s24 =	sadd.s32 $0x80, s23;
	[sflag:s14] =	ssyncadd.s32 $0xFFFFC000  }
0x45: {  	[tilespmem:s19], [sflag:$0x2] =	stream.indirect.gather [hbm4b:s4+s17], $0x80, s24, s17, $0xb8;
	[tilespmem:$0x1F000] =	vst v63  }
0x46: {  	_ =	swait.ge [sflag:s20], $0x4000  }
0x47: {  	[sflag:s20] =	ssyncset.done $0x0  }
0x48: {  	s30 =	sadd.s32 $0x1800, s23;
	[sflag:s20] =	ssyncadd.s32 $0xFFFFC000  }
0x49: {  	[spmem:s2] =	stream.indirect.scatter.add.f32 [tilespmem:s18], [sflag:$0x3], $0x80, s30, s17, $0xb8;
	[tilespmem:$0x1F000] =	vst v63  }
0x4a: {  	_ =	swait.ge [sflag:s14], $0x4000  }
0x4b: {  	[sflag:s14] =	ssyncset.done $0x0  }
0x4c: {  	s31 =	sadd.s32 $0x100, s23;
	[sflag:s14] =	ssyncadd.s32 $0xFFFFC000  }
0x4d: {  	[tilespmem:s18], [sflag:$0x1] =	stream.indirect.gather [hbm4b:s4+s17], $0x80, s31, s17, $0xb8;
	[tilespmem:$0x1F000] =	vst v63  }
0x4e: {  	_ =	swait.ge [sflag:s21], $0x4000  }
0x4f: {  	[sflag:s21] =	ssyncset.done $0x0  }
0x50: {  	s25 =	sadd.s32 $0x1880, s23;
	[sflag:s21] =	ssyncadd.s32 $0xFFFFC000  }
0x51: {  	[spmem:s2] =	stream.indirect.scatter.add.f32 [tilespmem:s19], [sflag:$0x3], $0x80, s25, s17, $0xb8;
	[tilespmem:$0x1F000] =	vst v63  }
0x52: {  	_ =	swait.ge [sflag:s14], $0x4000  }
0x53: {  	[sflag:s14] =	ssyncset.done $0x0  }
0x54: {  	[sflag:s14] =	ssyncadd.s32 $0xFFFFC000  }
0x55: {  	_ =	swait.ge [sflag:s20], $0x4000  }
0x56: {  	[sflag:s20] =	ssyncset.done $0x0  }
0x57: {  	[sflag:s20] =	ssyncadd.s32 $0xFFFFC000  }
0x58: {  	[bflag:$0x0] =	sbarrier.arrive $0xFFFF  }
0x59: {  	[hbm:s8], [sflag:s15] =	dma.local [spmem:s16], $0x2800  }
0x5a: {  	_ =	swait.ge [sflag:s14], $0x2800  }
0x5b: {  	[sflag:s14] =	ssyncset.done $0x0  }
0x5c: {  	[sflag:s14] =	ssyncadd.s32 $0xFFFFD800  }
0x5d: {  	s26 =	simm.s32 $0x0;
	[bflag:$0x0] =	sbarrier.arrive $0xFFFF  }
0x5e: {  	[tilespmem:s26], [sflag:$0x3] =	stream.linear.gather [hbm4b:s9+s26], $0x1800, $0x38;
	[tilespmem:$0x1F000] =	vst v63  }
0x5f: {  	_ =	swait.ge [sflag:s14], $0x1800  }
0x60: {  	[sflag:s14] =	ssyncset.done $0x0  }
0x61: {  	[sflag:s14] =	ssyncadd.s32 $0xFFFFE800  }
0x62: {  	[spmem:s16], [sflag:s15] =	dma.local [hbm:s10], $0x2800  }
0x63: {  	_ =	swait.ge [sflag:s14], $0x2800  }
0x64: {  	[sflag:s14] =	ssyncset.done $0x0  }
0x65: {  	[sflag:s14] =	ssyncadd.s32 $0xFFFFD800  }
0x66: {  	[bflag:$0x0] =	sbarrier.arrive $0xFFFF  }
0x67: {  	[tilespmem:s18], [sflag:$0x1] =	stream.indirect.gather [hbm4b:s4+s17], $0x80, s26, s17, $0xb8;
	[tilespmem:$0x1F000] =	vst v63  }
0x68: {  	s28 =	simm.s32 $0x80  }
0x69: {  	[tilespmem:s19], [sflag:$0x2] =	stream.indirect.gather [hbm4b:s4+s17], $0x80, s28, s17, $0xb8;
	[tilespmem:$0x1F000] =	vst v63  }
0x6a: {  	_ =	swait.ge [sflag:s20], $0x4000  }
0x6b: {  	[sflag:s20] =	ssyncset.done $0x0  }
0x6c: {  	s29 =	simm.s32 $0x1800;
	[sflag:s20] =	ssyncadd.s32 $0xFFFFC000  }
0x6d: {  	[spmem:s2] =	stream.indirect.scatter.add.f32 [tilespmem:s18], [sflag:$0x3], $0x80, s29, s17, $0xb8;
	[tilespmem:$0x1F000] =	vst v63  }
0x6e: {  	_ =	swait.ge [sflag:s14], $0x4000  }
0x6f: {  	[sflag:s14] =	ssyncset.done $0x0  }
0x70: {  	s30 =	simm.s32 $0x100;
	[sflag:s14] =	ssyncadd.s32 $0xFFFFC000  }
0x71: {  	[tilespmem:s18], [sflag:$0x1] =	stream.indirect.gather [hbm4b:s4+s17], $0x80, s30, s17, $0xb8;
	[tilespmem:$0x1F000] =	vst v63  }
0x72: {  	_ =	swait.ge [sflag:s21], $0x4000  }
0x73: {  	[sflag:s21] =	ssyncset.done $0x0  }
0x74: {  	s31 =	simm.s32 $0x1880;
	[sflag:s21] =	ssyncadd.s32 $0xFFFFC000  }
0x75: {  	[spmem:s2] =	stream.indirect.scatter.add.f32 [tilespmem:s19], [sflag:$0x3], $0x80, s31, s17, $0xb8;
	[tilespmem:$0x1F000] =	vst v63  }
0x76: {  	_ =	swait.ge [sflag:s14], $0x4000  }
0x77: {  	s23 =	simm.s32 $0x100;
	s24 =	simm.s32 $0x800;
	[sflag:s14] =	ssyncset.done $0x0  }
.LBB2_4:
0x78: {  	s25 =	sadd.s32 $0x80, s23  }
0x79: {  	[sflag:s14] =	ssyncadd.s32 $0xFFFFC000;
	s26 =	smov.u32 s24;
	s28 =	sadd.s32 $0x400, s24  }
0x7a: {  	[tilespmem:s19], [sflag:$0x2] =	stream.indirect.gather [hbm4b:s4+s17], $0x80, s25, s17, $0xb8;
	[tilespmem:$0x1F000] =	vst v63  }
0x7b: {  	p0 =	sne.s32 s24, $0x4C00;
	_ =	swait.ge [sflag:s20], $0x4000  }
0x7c: {  	[sflag:s20] =	ssyncset.done $0x0  }
0x7d: {  	s24 =	sadd.s32 $0x1800, s23;
	[sflag:s20] =	ssyncadd.s32 $0xFFFFC000  }
0x7e: {  	[spmem:s2] =	stream.indirect.scatter.add.f32 [tilespmem:s18], [sflag:$0x3], $0x80, s24, s17, $0xb8;
	[tilespmem:$0x1F000] =	vst v63  }
0x7f: {  	_ =	swait.ge [sflag:s14], $0x4000  }
0x80: {  	[sflag:s14] =	ssyncset.done $0x0  }
0x81: {  	s24 =	sadd.s32 $0x100, s23;
	[sflag:s14] =	ssyncadd.s32 $0xFFFFC000  }
0x82: {  	[tilespmem:s18], [sflag:$0x1] =	stream.indirect.gather [hbm4b:s4+s17], $0x80, s24, s17, $0xb8;
	[tilespmem:$0x1F000] =	vst v63  }
0x83: {  	_ =	swait.ge [sflag:s21], $0x4000  }
.Ltmp1:
0x84: {  	[sflag:s21] =	ssyncset.done $0x0;
	(pc) =	sbr.rel @p0 .LBB2_4-.Ltmp1, $4  }
0x85: {  	s23 =	sadd.s32 $0x1880, s23;
	[sflag:s21] =	ssyncadd.s32 $0xFFFFC000  }
0x86: {  	[spmem:s2] =	stream.indirect.scatter.add.f32 [tilespmem:s19], [sflag:$0x3], $0x80, s23, s17, $0xb8;
	[tilespmem:$0x1F000] =	vst v63  }
0x87: {  	_ =	swait.ge [sflag:s14], $0x4000  }
0x88: {  	s24 =	smov.u32 s28;
	s23 =	sshra.s32 s26, $0x2;
	[sflag:s14] =	ssyncset.done $0x0  }
0x89: {  	s24 =	sadd.s32 $0x80, s23;
	[sflag:s14] =	ssyncadd.s32 $0xFFFFC000  }
0x8a: {  	[tilespmem:s19], [sflag:$0x2] =	stream.indirect.gather [hbm4b:s4+s17], $0x80, s24, s17, $0xb8;
	[tilespmem:$0x1F000] =	vst v63  }
0x8b: {  	_ =	swait.ge [sflag:s20], $0x4000  }
0x8c: {  	[sflag:s20] =	ssyncset.done $0x0  }
0x8d: {  	s29 =	sadd.s32 $0x1800, s23;
	[sflag:s20] =	ssyncadd.s32 $0xFFFFC000  }
0x8e: {  	[spmem:s2] =	stream.indirect.scatter.add.f32 [tilespmem:s18], [sflag:$0x3], $0x80, s29, s17, $0xb8;
	[tilespmem:$0x1F000] =	vst v63  }
0x8f: {  	_ =	swait.ge [sflag:s14], $0x4000  }
0x90: {  	[sflag:s14] =	ssyncset.done $0x0  }
0x91: {  	s30 =	sadd.s32 $0x100, s23;
	[sflag:s14] =	ssyncadd.s32 $0xFFFFC000  }
0x92: {  	[tilespmem:s18], [sflag:$0x1] =	stream.indirect.gather [hbm4b:s4+s17], $0x80, s30, s17, $0xb8;
	[tilespmem:$0x1F000] =	vst v63  }
0x93: {  	_ =	swait.ge [sflag:s21], $0x4000  }
0x94: {  	[sflag:s21] =	ssyncset.done $0x0  }
0x95: {  	s31 =	sadd.s32 $0x1880, s23;
	[sflag:s21] =	ssyncadd.s32 $0xFFFFC000  }
0x96: {  	[spmem:s2] =	stream.indirect.scatter.add.f32 [tilespmem:s19], [sflag:$0x3], $0x80, s31, s17, $0xb8;
	[tilespmem:$0x1F000] =	vst v63  }
0x97: {  	_ =	swait.ge [sflag:s14], $0x4000  }
0x98: {  	[sflag:s14] =	ssyncset.done $0x0  }
0x99: {  	[sflag:s14] =	ssyncadd.s32 $0xFFFFC000  }
0x9a: {  	_ =	swait.ge [sflag:s20], $0x4000  }
0x9b: {  	s22 =	sadd.s32 $0x1, s22;
	[sflag:s20] =	ssyncset.done $0x0  }
0x9c: {  	p0 =	sne.s32 s22, s12;
	[sflag:s20] =	ssyncadd.s32 $0xFFFFC000  }
.Ltmp2:
0x9d: {  	[bflag:$0x0] =	sbarrier.arrive $0xFFFF;
	(pc) =	sbr.rel @p0 .LBB2_1-.Ltmp2, $4  }
0x9e: {  	[hbm:s11], [sflag:s15] =	dma.local [spmem:s16], $0x2800  }
0x9f: {  	_ =	swait.ge [sflag:s14], $0x2800  }
0xa0: {  	[sflag:s14] =	ssyncset.done $0x0  }
0xa1: {  	[sflag:s14] =	ssyncadd.s32 $0xFFFFD800  }
0xa2: {  	_ =	sfence.sel $0x180000  }
0xa3: {  	[bflag:$0x0] =	sbarrier.arrive $0xFFFF  }
0xa4: {  	p0 =	sne.s32 s1, $0x0;
	_ =	strace $0x9000004D  }
0xa5: {  	s0 =	sadd.s32 @!p0 $0x100000, s0;
	[bflag:$0x2] =	sbarrier.arrive $0xFFFF  }
0xa6: {  	[sflag:s0] =	ssyncadd.tile.s32 @!p0 $0x1;
	_ =	shalt  }
.Lfunc_end2:
_tile_overlayer_lowered:
.L_overlay_start_2:
0xa7: {  	(tag) =	ssettag $0x2  }
0xa8: {  	s0 =	rddreg [dreg:$0x0];
	s2 =	stileid.u32  }
0xa9: {  	s1 =	rddreg [dreg:$0x1];
	p0 =	sne.s32 s2, $0x0  }
0xaa: {  	s3 =	rddreg [dreg:$0x2];
	[bflag:$0x3] =	sbarrier.arrive $0xFFFF;
	s2 =	simm.s32 @!p0 $0x1C03  }
0xab: {  	[timem:s3], [sflag:s2] =	dma.local @!p0 [hbm:s0], s1  }
0xac: {  	s0 =	simm.s32 @!p0 $0x3  }
0xad: {  	_ =	swait.ge @!p0 [sflag:s0], s1  }
0xae: {  	s1 =	ssub.s32 @!p0 $0x0, s1;
	[sflag:s0] =	ssyncset.done @!p0 $0x0  }
0xaf: {  	[sflag:s0] =	ssyncadd.s32 @!p0 s1  }
0xb0: {  	[bflag:$0x3] =	sbarrier.arrive $0xFFFF  }
0xb1: {  	_ =	shalt  }

// kernel: kernel.21.cloned.1.call-start
scs
__scs_entry_jumppad:
0x0: {  	(pc) =	sbr.rel $0x88, $3  }
0x1: {  	(tag) =	ssettag $0x0;
	lr =	simm.s32 $0x1  }
0x2: {  	[smem:$0x3F94] =	sst lr;
	_ =	strace $0xD0000000  }
0x3: {  	_ = 	snop  }
0x4: {  	_ = 	snop  }
0x5: {  	_ = 	snop  }
0x6: {  	_ = 	snop  }
0x7: {  	_ = 	snop  }
__scs_overlays_trampoline_lowered:
0x8: {  	[smem:$0x3FA3] =	sst s0  }
0x9: {  	[smem:$0x3FA4] =	sst s1  }
0xa: {  	[smem:$0x3FA5] =	sst s2  }
0xb: {  	[smem:$0x3FA6] =	sst s3  }
0xc: {  	[smem:$0x3FA7] =	sst s4  }
0xd: {  	[smem:$0x3FA8] =	sst s5  }
0xe: {  	[smem:$0x3FA9] =	sst s6  }
0xf: {  	[smem:$0x3FAA] =	sst s7  }
0x10: {  	[smem:$0x3FAB] =	sst s8  }
0x11: {  	[smem:$0x3FAC] =	sst s9;
	s0 =	simm.s32 @!p0 $0x0  }
0x12: {  	s1 =	sld [smem:$0x3F92];
	s0 =	simm.s32 @p0 $0x1  }
0x13: {  	[smem:$0x3FAD] =	sst s0;
	s0 =	simm.s32 @!p1 $0x0  }
0x14: {  	s2 =	sld [smem:$0x3F91];
	s0 =	simm.s32 @p1 $0x1  }
0x15: {  	[smem:$0x3FAE] =	sst s0;
	s0 =	simm.s32 @!p2 $0x0  }
0x16: {  	s3 =	sld [smem:$0x3FDB];
	s0 =	simm.s32 @p2 $0x1  }
0x17: {  	s4 =	simm.s32 $0x1BF5;
	[smem:$0x3FB0] =	sst s0  }
0x18: {  	s0 =	sld [smem:$0x3F93];
	_ =	swait.ge [sflag:s4], $0x0  }
0x19: {  	s7 =	sld [smem:$0x3F94]  }
0x1a: {  	s8 =	sadd.s32 $0xFFFFE003, lr  }
0x1b: {  	s9 =	sadd.s32 $0xFFFFFEF7, lr;
	s5 =	simm.s32 $0xFFFFFFFF;
	p2 =	slt.u32 s8, $0xFFFFF086  }
0x1c: {  	p1 =	slt.u32 s9, $0xF7A;
	s5 =	simm.s32 @!p2 $0x0  }
0x1d: {  	s5 =	simm.s32 @p1 $0x1;
	p0 =	seq.s32 s7, s2  }
0x1e: {  	s7 =	smul.u32 @!p0 $0xF7A, s2;
	p2 =	seq.s32 @!p0 s5, $0x0  }
0x1f: {  	s9 =	smul.u32 $0xF7A, s1;
	s8 =	simm.s32 @!p0 $0x1BF5;
	p2 =	por !p2, p0  }
0x20: {  	[sflag:s8] =	ssyncset.s32 @!p0 $0xFFFFF086;
	s6 =	sadd.s32 @!p0 s3, s7;
	s7 =	simm.s32 @!p0 $0x108  }
0x21: {  	s3 =	sadd.s32 s3, s9;
	s6 =	sadd.s32 @!p0 $0x88, s6;
	s7 =	simm.s32 @p2 $0x1082  }
0x22: {  	[simem:s7], [sflag:s8] =	dma.local @!p0 [hbm:s6], $0xF7A  }
0x23: {  	s9 =	sor.u32 $0xD0000000, s2;
	s6 =	simm.s32 $0x108;
	_ =	swait.ge @!p0 [sflag:s8], $0x0  }
0x24: {  	s3 =	sadd.s32 $0x88, s3;
	s6 =	simm.s32 @!p1 $0x1082;
	[sflag:s4] =	ssyncset.s32 $0xFFFFF086  }
0x25: {  	[simem:s6], [sflag:s4] =	dma.local [hbm:s3], $0xF7A  }
0x26: {  	[smem:$0x3F94] =	sst s1;
	(tag) =	ssettag s2;
	_ =	strace s9  }
0x27: {  	s1 =	sld [smem:$0x3FA4]  }
0x28: {  	s2 =	sld [smem:$0x3FA5]  }
0x29: {  	s4 =	sld [smem:$0x3FA7]  }
0x2a: {  	p0 =	seq.s32 s5, $0x0;
	s5 =	sld [smem:$0x3FA8]  }
0x2b: {  	s6 =	sld [smem:$0x3FA9]  }
0x2c: {  	s7 =	sld [smem:$0x3FAA]  }
0x2d: {  	s3 =	simm.s32 $0x108;
	s8 =	sld [smem:$0x3FAB]  }
0x2e: {  	s3 =	simm.s32 @!p0 $0x1082;
	s9 =	sld [smem:$0x3FAC]  }
0x2f: {  	lr =	sadd.s32 s0, s3;
	s0 =	sld [smem:$0x3FA3]  }
0x30: {  	s3 =	sld [smem:$0x3FA6]  }
0x31: {  	[smem:$0x3FAF] =	sst s10  }
0x32: {  	s10 =	sld [smem:$0x3FAD];
	_ =	sdelay $0x3  }
0x33: {  	p0 =	seq.s32 s10, $0x1;
	s10 =	sld [smem:$0x3FAF];
	_ =	sdelay $0x3  }
0x34: {  	[smem:$0x3FAF] =	sst s10  }
0x35: {  	s10 =	sld [smem:$0x3FAE];
	_ =	sdelay $0x3  }
0x36: {  	p1 =	seq.s32 s10, $0x1;
	s10 =	sld [smem:$0x3FAF];
	_ =	sdelay $0x3  }
0x37: {  	[smem:$0x3FAF] =	sst s10  }
0x38: {  	s10 =	sld [smem:$0x3FB0]  }
0x39: {  	_ = 	snop;
	(pc) =	sbr.ind lr, $3  }
0x3a: {  	_ = 	snop  }
0x3b: {  	_ = 	snop  }
0x3c: {  	p2 =	seq.s32 s10, $0x1;
	s10 =	sld [smem:$0x3FAF]  }
0x3d: {  	_ =	shalt  }
0x3e: {  	_ =	shalt  }
0x3f: {  	_ =	shalt  }
0x40: {  	_ =	shalt  }
0x41: {  	_ =	shalt  }
0x42: {  	_ =	shalt  }
0x43: {  	_ =	shalt  }
0x44: {  	_ =	shalt  }
0x45: {  	_ =	shalt  }
0x46: {  	_ =	shalt  }
0x47: {  	_ =	shalt  }
0x48: {  	_ =	shalt  }
0x49: {  	_ =	shalt  }
0x4a: {  	_ =	shalt  }
0x4b: {  	_ =	shalt  }
0x4c: {  	_ =	shalt  }
0x4d: {  	_ =	shalt  }
0x4e: {  	_ =	shalt  }
0x4f: {  	_ =	shalt  }
0x50: {  	_ =	shalt  }
0x51: {  	_ =	shalt  }
0x52: {  	_ =	shalt  }
0x53: {  	_ =	shalt  }
0x54: {  	_ =	shalt  }
0x55: {  	_ =	shalt  }
0x56: {  	_ =	shalt  }
0x57: {  	_ =	shalt  }
0x58: {  	_ =	shalt  }
0x59: {  	_ =	shalt  }
0x5a: {  	_ =	shalt  }
0x5b: {  	_ =	shalt  }
0x5c: {  	_ =	shalt  }
0x5d: {  	_ =	shalt  }
0x5e: {  	_ =	shalt  }
0x5f: {  	_ =	shalt  }
0x60: {  	_ =	shalt  }
0x61: {  	_ =	shalt  }
0x62: {  	_ =	shalt  }
0x63: {  	_ =	shalt  }
0x64: {  	_ =	shalt  }
0x65: {  	_ =	shalt  }
0x66: {  	_ =	shalt  }
0x67: {  	_ =	shalt  }
0x68: {  	_ =	shalt  }
0x69: {  	_ =	shalt  }
0x6a: {  	_ =	shalt  }
0x6b: {  	_ =	shalt  }
0x6c: {  	_ =	shalt  }
0x6d: {  	_ =	shalt  }
0x6e: {  	_ =	shalt  }
0x6f: {  	_ =	shalt  }
0x70: {  	_ =	shalt  }
0x71: {  	_ =	shalt  }
0x72: {  	_ =	shalt  }
0x73: {  	_ =	shalt  }
0x74: {  	_ =	shalt  }
0x75: {  	_ =	shalt  }
0x76: {  	_ =	shalt  }
0x77: {  	_ =	shalt  }
0x78: {  	_ =	shalt  }
0x79: {  	_ =	shalt  }
0x7a: {  	_ =	shalt  }
0x7b: {  	_ =	shalt  }
0x7c: {  	_ =	shalt  }
0x7d: {  	_ =	shalt  }
0x7e: {  	_ =	shalt  }
0x7f: {  	_ =	shalt  }
0x80: {  	_ =	shalt  }
0x81: {  	_ =	shalt  }
0x82: {  	_ =	shalt  }
0x83: {  	_ =	shalt  }
0x84: {  	_ =	shalt  }
0x85: {  	_ =	shalt  }
0x86: {  	_ =	shalt  }
0x87: {  	_ =	shalt  }
.Lfunc_end0:
.L_simem_size_0:
called_computation.3_lowered:
.L_overlay_start_0:
0x88: {  	s2 =	sld [smem:$0x3FD9]  }
0x89: {  	s3 =	sld [smem:$0x3FFE];
	_ =	sdelay $0x1  }
0x8a: {  	s1 =	srdreg.scid  }
0x8b: {  	s0 =	sand.u32 $0x1, s1  }
0x8c: {  	s16 =	sshll.u32 s0, $0xA;
	s2 =	sadd.s32 s3, s2  }
0x8d: {  	s2 =	sadd.s32 s2, s16  }
0x8e: {  	[smem:$0x3FBB] =	sst s2  }
0x8f: {  	_ = 	snop  }
0x90: {  	(tm) =	ssettm $0x1  }
0x91: {  	s17 =	sld [smem:$0x3FFB];
	_ =	sdelay $0x3  }
0x92: {  	_ =	strace s17  }
0x93: {  	s2 =	sld [smem:$0x3FFC];
	_ =	sdelay $0x3  }
0x94: {  	_ =	strace s2  }
0x95: {  	s2 =	sld [smem:$0x3FFD];
	_ =	sdelay $0x3  }
0x96: {  	_ =	strace s2  }
0x97: {  	_ =	strace $0x8FFFFFFF  }
0x98: {  	s18 =	sld [smem:$0x3FDB];
	_ =	sdelay $0x1  }
0x99: {  	s19 =	simm.s32 $_scs_section_size  }
0x9a: {  	s4 =	simm.s32 $_size__tile_overlayer_lowered;
	s5 =	simm.s32 $_tile_overlayer_lowered  }
0x9b: {  	s22 =	simm.s32 $0x1BFF;
	s21 =	sshll.u32 s5, $0x1;
	s2 =	sadd.s32 s19, s18  }
0x9c: {  	s6 =	simm.s32 $0x0;
	s20 =	sshll.u32 s4, $0x1;
	s4 =	sadd.s32 s21, s2  }
0x9d: {  	[timem:s6], [sflag:s22] =	dma.local [hbm:s4], s20  }
0x9e: {  	_ =	swait.ge [sflag:s22], s20  }
0x9f: {  	s3 =	ssub.s32 $0x0, s20;
	[sflag:s22] =	ssyncset.done $0x0  }
0xa0: {  	[sflag:s22] =	ssyncadd.s32 s3;
	_ =	sdelay $0x1  }
0xa1: {  	s23 =	simm.s32 $0x1B8B  }
0xa2: {  	_ =	swait.ge [sflag:s23], $0x1  }
0xa3: {  	[sflag:s23] =	ssyncset.done $0x0  }
0xa4: {  	s25 =	simm.s32 $0x1B8E;
	s24 =	sld [smem:$0x3FFE];
	[sflag:s23] =	ssyncadd.s32 $0xFFFFFFFF  }
0xa5: {  	s26 =	simm.s32 $execute0_lowered;
	[smem:$0x3FD2] =	sst s25  }
0xa6: {  	s4 =	sshll.u32 s26, $0x1;
	_ =	strace $0x8000004F;
	[dreg:$0x1] =	wrdreg $0xFFFFFFFF  }
0xa7: {  	s28 =	simm.s32 $_size_execute0_lowered;
	s2 =	sadd.s32 s2, s4;
	[dreg:$0x0] =	wrdreg $0x0  }
0xa8: {  	s4 =	sshll.u32 s28, $0x1;
	[dreg:$0x2] =	wrdreg s2  }
0xa9: {  	[dreg:$0x3] =	wrdreg s4  }
0xaa: {  	[dreg:$0x4] =	wrdreg $0xC0  }
0xab: {  	_ =	task [dreg:s6], $0x5FFFF  }
0xac: {  	[dreg:$0x1] =	wrdreg $0xFFFFFFFF  }
0xad: {  	[dreg:$0x0] =	wrdreg $0x60  }
0xae: {  	[dreg:$0x2] =	wrdreg s24  }
0xaf: {  	[dreg:$0x3] =	wrdreg $0xB0000  }
0xb0: {  	[dreg:$0x4] =	wrdreg $0x9  }
0xb1: {  	_ =	task.clear_ibuf [dreg:s6], $0x5FFFF;
	_ =	strace $0x9000004F  }
0xb2: {  	s29 =	simm.s32 $0x9;
	_ =	strace $0x80000051  }
0xb3: {  	_ =	swait.ge [sflag:s29], $0x1  }
0xb4: {  	[sflag:s29] =	ssyncadd.s32 $0xFFFFFFFF  }
0xb5: {  	_ =	strace $0x90000051  }
0xb6: {  	_ =	sfence  }
0xb7: {  	s30 =	sld [smem:$0x0];
	_ =	sdelay $0x2  }
0xb8: {  	s31 =	sshll.u32 s1, $0xD;
	s1 =	sshrl.u32 s1, $0x2  }
0xb9: {  	s3 =	sand.u32 $0x4000, s31;
	s1 =	sadd.s32 s1, s30  }
0xba: {  	s0 =	sor.u32 s3, s0;
	s1 =	sshll.u32 s1, $0x11  }
0xbb: {  	s0 =	sor.u32 s1, s0  }
0xbc: {  	s0 =	sadd.s32 $0x8F2B, s0  }
0xbd: {  	[sflag:s0] =	ssyncadd.remote.s32 $0x1  }
0xbe: {  	_ =	sfence.sel $0xFFFF  }
0xbf: {  	[dreg:$0x0] =	wrdreg $0xFFFFFFFF;
	(pc) =	sbr.abs _section_cstart, $3  }
0xc0: {  	[dreg:$0x1] =	wrdreg $0xFFFFFFFF  }
0xc1: {  	_ =	task.clear_ibuf [dreg:s6], $0x2FFFF;
	_ =	strace $0x9FFFFFFF  }
0xc2: {  	(tm) =	ssettm $0x7FFFFFFF  }
0xc3: {  	_ =	shalt  }
tec
execute0_lowered:
.L_overlay_start_1:
0x0: {  	(tag) =	ssettag $0x1  }
0x1: {  	s0 =	rddreg [dreg:$0x0]  }
0x2: {  	s2 =	rddreg [dreg:$0x1]  }
0x3: {  	s3 =	srdreg.scid;
	s1 =	stileid.u32  }
0x4: {  	s13 =	simm.s32 $0x5000;
	s15 =	simm.s32 $0x7800;
	s21 =	simm.s32 $0x3  }
0x5: {  	s28 =	simm.s32 $0x0;
	s7 =	sand.u32 $0x1, s3;
	s14 =	smul.u32 $0x280, s1  }
0x6: {  	s3 =	simm.s32 $0x0;
	s10 =	sadd.s32 $0x81800, s0;
	s24 =	smul.u32 $0x50000, s1  }
0x7: {  	s4 =	sshll.u32 s7, $0x4;
	[smem:$0x7FF] =	sst s3;
	s5 =	smul.u32 $0xA000, s7  }
0x8: {  	s11 =	ssub.s32 $0x2, s7;
	s12 =	ssub.s32 $0x0, s7;
	p0 =	seq.s32 s7, $0x0  }
0x9: {  	s8 =	sor.u32 s1, s4;
	_ =	strace $0x80000050;
	s4 =	sadd.s32 $0x1FB800, s0  }
0xa: {  	s22 =	sshrl.u32 s11, $0x1;
	s25 =	sand.u32 $0xA000, s12;
	s13 =	simm.s32 @!p0 $0xA000  }
0xb: {  	s15 =	simm.s32 @!p0 $0xA000;
	s6 =	smul.u32 $0x300, s8;
	s5 =	sadd.s32 s14, s5  }
0xc: {  	s19 =	ssub.s32 s11, s22;
	s26 =	sadd.s32 s14, s25;
	s29 =	smul.u32 $0x1800, s8  }
0xd: {  	s11 =	simm.s32 $0x2800;
	s17 =	sadd.s32 s14, s13;
	s18 =	sadd.s32 s14, s15  }
0xe: {  	s22 =	simm.s32 $0x80;
	s25 =	simm.s32 $0x1;
	s5 =	sshll.u32 s5, $0x4  }
0xf: {  	s30 =	sshll.u32 s26, $0x4;
	s11 =	simm.s32 @!p0 $0xA000;
	s17 =	sshll.u32 s17, $0x4  }
0x10: {  	s31 =	sshll.u32 s18, $0x4;
	s19 =	smax.u32 s19, $0x1;
	s26 =	simm.s32 $0x2  }
0x11: {  	s9 =	sadd.s32 s6, s0;
	s0 =	sadd.s32 s5, s0;
	s6 =	sadd.s32 s10, s6  }
0x12: {  	s8 =	sadd.s32 s4, s30;
	s12 =	sshrl.u32 s29, $0x3;
	s11 =	sadd.s32 s14, s11  }
0x13: {  	s14 =	sadd.s32 s4, s17;
	s17 =	sadd.s32 s4, s31;
	s23 =	sadd.s32 $0x3800, s9  }
0x14: {  	s9 =	sshrl.u32 s24, $0x2;
	s16 =	sadd.s32 s10, s12;
	s11 =	sshll.u32 s11, $0x4  }
0x15: {  	s12 =	sadd.s32 $0xC1800, s0;
	s15 =	sadd.s32 $0xE9800, s0;
	s18 =	sadd.s32 $0x111800, s0  }
0x16: {  	s24 =	simm.s32 $0x7000;
	[dreg:$0x3] =	wrdreg s23;
	s7 =	sadd.s32 s9, s2  }
0x17: {  	s9 =	sadd.s32 $0x99800, s0;
	s10 =	sadd.s32 $0x6000, s16;
	s11 =	sadd.s32 s4, s11  }
0x18: {  	s13 =	sadd.s32 $0xC000, s16;
	s16 =	sadd.s32 $0x12000, s16;
	s23 =	simm.s32 $0x3000  }
.LBB2_1:
0x19: {  	s0 =	rddreg [dreg:$0x3];
	s1 =	simm.s32 $0x1800  }
0x1a: {  	[tilespmem:s1], [sflag:$0x3] =	stream.linear.gather [hbm4b:s0+s3], $0x1800, $0x38;
	[tilespmem:$0x1F000] =	vst v63  }
0x1b: {  	_ =	swait.ge [sflag:s21], $0x1800  }
0x1c: {  	[sflag:s21] =	ssyncset.done $0x0  }
0x1d: {  	[sflag:s21] =	ssyncadd.s32 $0xFFFFE800  }
0x1e: {  	[tilespmem:s3], [sflag:$0x3] =	stream.linear.gather [hbm4b:s6+s3], $0x1800, $0x38;
	[tilespmem:$0x1F000] =	vst v63  }
0x1f: {  	s5 =	stileid.u32;
	_ =	swait.ge [sflag:s21], $0x1800  }
0x20: {  	s0 =	sshll.u32 s5, $0x6;
	[sflag:s21] =	ssyncset.done $0x0  }
0x21: {  	s30 =	sshrl.u32 s7, $0x3;
	s29 =	sor.u32 $0x1C03, s0;
	[sflag:s21] =	ssyncadd.s32 $0xFFFFE800  }
0x22: {  	[spmem:s30], [sflag:s29] =	dma.local [hbm:s8], $0x2800  }
0x23: {  	_ =	swait.ge [sflag:s21], $0x2800  }
0x24: {  	[sflag:s21] =	ssyncset.done $0x0  }
0x25: {  	[sflag:s21] =	ssyncadd.s32 $0xFFFFD800  }
0x26: {  	[bflag:$0x0] =	sbarrier.arrive $0xFFFF  }
0x27: {  	[tilespmem:s23], [sflag:$0x1] =	stream.indirect.gather [hbm4b:s4+s22], $0x80, s3, s22, $0xb8;
	[tilespmem:$0x1F000] =	vst v63  }
0x28: {  	s20 =	simm.s32 $0x80  }
0x29: {  	[tilespmem:s24], [sflag:$0x2] =	stream.indirect.gather [hbm4b:s4+s22], $0x80, s20, s22, $0xb8;
	[tilespmem:$0x1F000] =	vst v63  }
0x2a: {  	_ =	swait.ge [sflag:s25], $0x4000  }
0x2b: {  	[sflag:s25] =	ssyncset.done $0x0  }
0x2c: {  	s1 =	simm.s32 $0x1800;
	[sflag:s25] =	ssyncadd.s32 $0xFFFFC000  }
0x2d: {  	[spmem:s2] =	stream.indirect.scatter.add.f32 [tilespmem:s23], [sflag:$0x3], $0x80, s1, s22, $0xb8;
	[tilespmem:$0x1F000] =	vst v63  }
0x2e: {  	_ =	swait.ge [sflag:s21], $0x4000  }
0x2f: {  	[sflag:s21] =	ssyncset.done $0x0  }
0x30: {  	s5 =	simm.s32 $0x100;
	[sflag:s21] =	ssyncadd.s32 $0xFFFFC000  }
0x31: {  	[tilespmem:s23], [sflag:$0x1] =	stream.indirect.gather [hbm4b:s4+s22], $0x80, s5, s22, $0xb8;
	[tilespmem:$0x1F000] =	vst v63  }
0x32: {  	_ =	swait.ge [sflag:s26], $0x4000  }
0x33: {  	[sflag:s26] =	ssyncset.done $0x0  }
0x34: {  	s20 =	simm.s32 $0x1880;
	[sflag:s26] =	ssyncadd.s32 $0xFFFFC000  }
0x35: {  	[spmem:s2] =	stream.indirect.scatter.add.f32 [tilespmem:s24], [sflag:$0x3], $0x80, s20, s22, $0xb8;
	[tilespmem:$0x1F000] =	vst v63  }
0x36: {  	_ =	swait.ge [sflag:s21], $0x4000  }
0x37: {  	s31 =	simm.s32 $0x100;
	s0 =	simm.s32 $0x800;
	[sflag:s21] =	ssyncset.done $0x0  }
.LBB2_2:
0x38: {  	s1 =	sadd.s32 $0x80, s31  }
0x39: {  	[sflag:s21] =	ssyncadd.s32 $0xFFFFC000;
	s20 =	smov.u32 s0;
	s5 =	sadd.s32 $0x400, s0  }
0x3a: {  	[tilespmem:s24], [sflag:$0x2] =	stream.indirect.gather [hbm4b:s4+s22], $0x80, s1, s22, $0xb8;
	[tilespmem:$0x1F000] =	vst v63  }
0x3b: {  	p0 =	sne.s32 s0, $0x4C00;
	_ =	swait.ge [sflag:s25], $0x4000  }
0x3c: {  	[sflag:s25] =	ssyncset.done $0x0  }
0x3d: {  	s0 =	sadd.s32 $0x1800, s31;
	[sflag:s25] =	ssyncadd.s32 $0xFFFFC000  }
0x3e: {  	[spmem:s2] =	stream.indirect.scatter.add.f32 [tilespmem:s23], [sflag:$0x3], $0x80, s0, s22, $0xb8;
	[tilespmem:$0x1F000] =	vst v63  }
0x3f: {  	_ =	swait.ge [sflag:s21], $0x4000  }
0x40: {  	[sflag:s21] =	ssyncset.done $0x0  }
0x41: {  	s0 =	sadd.s32 $0x100, s31;
	[sflag:s21] =	ssyncadd.s32 $0xFFFFC000  }
0x42: {  	[tilespmem:s23], [sflag:$0x1] =	stream.indirect.gather [hbm4b:s4+s22], $0x80, s0, s22, $0xb8;
	[tilespmem:$0x1F000] =	vst v63  }
0x43: {  	_ =	swait.ge [sflag:s26], $0x4000  }
.Ltmp0:
0x44: {  	[sflag:s26] =	ssyncset.done $0x0;
	(pc) =	sbr.rel @p0 .LBB2_2-.Ltmp0, $4  }
0x45: {  	s0 =	sadd.s32 $0x1880, s31;
	[sflag:s26] =	ssyncadd.s32 $0xFFFFC000  }
0x46: {  	[spmem:s2] =	stream.indirect.scatter.add.f32 [tilespmem:s24], [sflag:$0x3], $0x80, s0, s22, $0xb8;
	[tilespmem:$0x1F000] =	vst v63  }
0x47: {  	_ =	swait.ge [sflag:s21], $0x4000  }
0x48: {  	s31 =	sshra.s32 s20, $0x2;
	s0 =	smov.u32 s5;
	[sflag:s21] =	ssyncset.done $0x0  }
0x49: {  	s0 =	sadd.s32 $0x80, s31;
	[sflag:s21] =	ssyncadd.s32 $0xFFFFC000  }
0x4a: {  	[tilespmem:s24], [sflag:$0x2] =	stream.indirect.gather [hbm4b:s4+s22], $0x80, s0, s22, $0xb8;
	[tilespmem:$0x1F000] =	vst v63  }
0x4b: {  	_ =	swait.ge [sflag:s25], $0x4000  }
0x4c: {  	[sflag:s25] =	ssyncset.done $0x0  }
0x4d: {  	s5 =	sadd.s32 $0x1800, s31;
	[sflag:s25] =	ssyncadd.s32 $0xFFFFC000  }
0x4e: {  	[spmem:s2] =	stream.indirect.scatter.add.f32 [tilespmem:s23], [sflag:$0x3], $0x80, s5, s22, $0xb8;
	[tilespmem:$0x1F000] =	vst v63  }
0x4f: {  	_ =	swait.ge [sflag:s21], $0x4000  }
0x50: {  	[sflag:s21] =	ssyncset.done $0x0  }
0x51: {  	s20 =	sadd.s32 $0x100, s31;
	[sflag:s21] =	ssyncadd.s32 $0xFFFFC000  }
0x52: {  	[tilespmem:s23], [sflag:$0x1] =	stream.indirect.gather [hbm4b:s4+s22], $0x80, s20, s22, $0xb8;
	[tilespmem:$0x1F000] =	vst v63  }
0x53: {  	_ =	swait.ge [sflag:s26], $0x4000  }
0x54: {  	[sflag:s26] =	ssyncset.done $0x0  }
0x55: {  	s1 =	sadd.s32 $0x1880, s31;
	[sflag:s26] =	ssyncadd.s32 $0xFFFFC000  }
0x56: {  	[spmem:s2] =	stream.indirect.scatter.add.f32 [tilespmem:s24], [sflag:$0x3], $0x80, s1, s22, $0xb8;
	[tilespmem:$0x1F000] =	vst v63  }
0x57: {  	_ =	swait.ge [sflag:s21], $0x4000  }
0x58: {  	[sflag:s21] =	ssyncset.done $0x0  }
0x59: {  	[sflag:s21] =	ssyncadd.s32 $0xFFFFC000  }
0x5a: {  	_ =	swait.ge [sflag:s25], $0x4000  }
0x5b: {  	[sflag:s25] =	ssyncset.done $0x0  }
0x5c: {  	[sflag:s25] =	ssyncadd.s32 $0xFFFFC000  }
0x5d: {  	[bflag:$0x0] =	sbarrier.arrive $0xFFFF  }
0x5e: {  	[hbm:s9], [sflag:s29] =	dma.local [spmem:s30], $0x2800  }
0x5f: {  	_ =	swait.ge [sflag:s21], $0x2800  }
0x60: {  	[sflag:s21] =	ssyncset.done $0x0  }
0x61: {  	[sflag:s21] =	ssyncadd.s32 $0xFFFFD800  }
0x62: {  	s5 =	simm.s32 $0x0;
	[bflag:$0x0] =	sbarrier.arrive $0xFFFF  }
0x63: {  	[tilespmem:s5], [sflag:$0x3] =	stream.linear.gather [hbm4b:s10+s5], $0x1800, $0x38;
	[tilespmem:$0x1F000] =	vst v63  }
0x64: {  	_ =	swait.ge [sflag:s21], $0x1800  }
0x65: {  	[sflag:s21] =	ssyncset.done $0x0  }
0x66: {  	[sflag:s21] =	ssyncadd.s32 $0xFFFFE800  }
0x67: {  	[spmem:s30], [sflag:s29] =	dma.local [hbm:s11], $0x2800  }
0x68: {  	_ =	swait.ge [sflag:s21], $0x2800  }
0x69: {  	[sflag:s21] =	ssyncset.done $0x0  }
0x6a: {  	[sflag:s21] =	ssyncadd.s32 $0xFFFFD800  }
0x6b: {  	[bflag:$0x0] =	sbarrier.arrive $0xFFFF  }
0x6c: {  	[tilespmem:s23], [sflag:$0x1] =	stream.indirect.gather [hbm4b:s4+s22], $0x80, s5, s22, $0xb8;
	[tilespmem:$0x1F000] =	vst v63  }
0x6d: {  	s20 =	simm.s32 $0x80  }
0x6e: {  	[tilespmem:s24], [sflag:$0x2] =	stream.indirect.gather [hbm4b:s4+s22], $0x80, s20, s22, $0xb8;
	[tilespmem:$0x1F000] =	vst v63  }
0x6f: {  	_ =	swait.ge [sflag:s25], $0x4000  }
0x70: {  	[sflag:s25] =	ssyncset.done $0x0  }
0x71: {  	s1 =	simm.s32 $0x1800;
	[sflag:s25] =	ssyncadd.s32 $0xFFFFC000  }
0x72: {  	[spmem:s2] =	stream.indirect.scatter.add.f32 [tilespmem:s23], [sflag:$0x3], $0x80, s1, s22, $0xb8;
	[tilespmem:$0x1F000] =	vst v63  }
0x73: {  	_ =	swait.ge [sflag:s21], $0x4000  }
0x74: {  	[sflag:s21] =	ssyncset.done $0x0  }
0x75: {  	s5 =	simm.s32 $0x100;
	[sflag:s21] =	ssyncadd.s32 $0xFFFFC000  }
0x76: {  	[tilespmem:s23], [sflag:$0x1] =	stream.indirect.gather [hbm4b:s4+s22], $0x80, s5, s22, $0xb8;
	[tilespmem:$0x1F000] =	vst v63  }
0x77: {  	_ =	swait.ge [sflag:s26], $0x4000  }
0x78: {  	[sflag:s26] =	ssyncset.done $0x0  }
0x79: {  	s20 =	simm.s32 $0x1880;
	[sflag:s26] =	ssyncadd.s32 $0xFFFFC000  }
0x7a: {  	[spmem:s2] =	stream.indirect.scatter.add.f32 [tilespmem:s24], [sflag:$0x3], $0x80, s20, s22, $0xb8;
	[tilespmem:$0x1F000] =	vst v63  }
0x7b: {  	_ =	swait.ge [sflag:s21], $0x4000  }
0x7c: {  	s31 =	simm.s32 $0x100;
	s0 =	simm.s32 $0x800;
	[sflag:s21] =	ssyncset.done $0x0  }
.LBB2_4:
0x7d: {  	s1 =	sadd.s32 $0x80, s31  }
0x7e: {  	[sflag:s21] =	ssyncadd.s32 $0xFFFFC000;
	s5 =	smov.u32 s0;
	s20 =	sadd.s32 $0x400, s0  }
0x7f: {  	[tilespmem:s24], [sflag:$0x2] =	stream.indirect.gather [hbm4b:s4+s22], $0x80, s1, s22, $0xb8;
	[tilespmem:$0x1F000] =	vst v63  }
0x80: {  	p0 =	sne.s32 s0, $0x4C00;
	_ =	swait.ge [sflag:s25], $0x4000  }
0x81: {  	[sflag:s25] =	ssyncset.done $0x0  }
0x82: {  	s0 =	sadd.s32 $0x1800, s31;
	[sflag:s25] =	ssyncadd.s32 $0xFFFFC000  }
0x83: {  	[spmem:s2] =	stream.indirect.scatter.add.f32 [tilespmem:s23], [sflag:$0x3], $0x80, s0, s22, $0xb8;
	[tilespmem:$0x1F000] =	vst v63  }
0x84: {  	_ =	swait.ge [sflag:s21], $0x4000  }
0x85: {  	[sflag:s21] =	ssyncset.done $0x0  }
0x86: {  	s0 =	sadd.s32 $0x100, s31;
	[sflag:s21] =	ssyncadd.s32 $0xFFFFC000  }
0x87: {  	[tilespmem:s23], [sflag:$0x1] =	stream.indirect.gather [hbm4b:s4+s22], $0x80, s0, s22, $0xb8;
	[tilespmem:$0x1F000] =	vst v63  }
0x88: {  	_ =	swait.ge [sflag:s26], $0x4000  }
.Ltmp1:
0x89: {  	[sflag:s26] =	ssyncset.done $0x0;
	(pc) =	sbr.rel @p0 .LBB2_4-.Ltmp1, $4  }
0x8a: {  	s0 =	sadd.s32 $0x1880, s31;
	[sflag:s26] =	ssyncadd.s32 $0xFFFFC000  }
0x8b: {  	[spmem:s2] =	stream.indirect.scatter.add.f32 [tilespmem:s24], [sflag:$0x3], $0x80, s0, s22, $0xb8;
	[tilespmem:$0x1F000] =	vst v63  }
0x8c: {  	_ =	swait.ge [sflag:s21], $0x4000  }
0x8d: {  	s31 =	sshra.s32 s5, $0x2;
	s0 =	smov.u32 s20;
	[sflag:s21] =	ssyncset.done $0x0  }
0x8e: {  	s0 =	sadd.s32 $0x80, s31;
	[sflag:s21] =	ssyncadd.s32 $0xFFFFC000  }
0x8f: {  	[tilespmem:s24], [sflag:$0x2] =	stream.indirect.gather [hbm4b:s4+s22], $0x80, s0, s22, $0xb8;
	[tilespmem:$0x1F000] =	vst v63  }
0x90: {  	_ =	swait.ge [sflag:s25], $0x4000  }
0x91: {  	[sflag:s25] =	ssyncset.done $0x0  }
0x92: {  	s5 =	sadd.s32 $0x1800, s31;
	[sflag:s25] =	ssyncadd.s32 $0xFFFFC000  }
0x93: {  	[spmem:s2] =	stream.indirect.scatter.add.f32 [tilespmem:s23], [sflag:$0x3], $0x80, s5, s22, $0xb8;
	[tilespmem:$0x1F000] =	vst v63  }
0x94: {  	_ =	swait.ge [sflag:s21], $0x4000  }
0x95: {  	[sflag:s21] =	ssyncset.done $0x0  }
0x96: {  	s20 =	sadd.s32 $0x100, s31;
	[sflag:s21] =	ssyncadd.s32 $0xFFFFC000  }
0x97: {  	[tilespmem:s23], [sflag:$0x1] =	stream.indirect.gather [hbm4b:s4+s22], $0x80, s20, s22, $0xb8;
	[tilespmem:$0x1F000] =	vst v63  }
0x98: {  	_ =	swait.ge [sflag:s26], $0x4000  }
0x99: {  	[sflag:s26] =	ssyncset.done $0x0  }
0x9a: {  	s1 =	sadd.s32 $0x1880, s31;
	[sflag:s26] =	ssyncadd.s32 $0xFFFFC000  }
0x9b: {  	[spmem:s2] =	stream.indirect.scatter.add.f32 [tilespmem:s24], [sflag:$0x3], $0x80, s1, s22, $0xb8;
	[tilespmem:$0x1F000] =	vst v63  }
0x9c: {  	_ =	swait.ge [sflag:s21], $0x4000  }
0x9d: {  	[sflag:s21] =	ssyncset.done $0x0  }
0x9e: {  	[sflag:s21] =	ssyncadd.s32 $0xFFFFC000  }
0x9f: {  	_ =	swait.ge [sflag:s25], $0x4000  }
0xa0: {  	[sflag:s25] =	ssyncset.done $0x0  }
0xa1: {  	[sflag:s25] =	ssyncadd.s32 $0xFFFFC000  }
0xa2: {  	[bflag:$0x0] =	sbarrier.arrive $0xFFFF  }
0xa3: {  	[hbm:s12], [sflag:s29] =	dma.local [spmem:s30], $0x2800  }
0xa4: {  	_ =	swait.ge [sflag:s21], $0x2800  }
0xa5: {  	[sflag:s21] =	ssyncset.done $0x0  }
0xa6: {  	[sflag:s21] =	ssyncadd.s32 $0xFFFFD800  }
0xa7: {  	s5 =	simm.s32 $0x0;
	[bflag:$0x0] =	sbarrier.arrive $0xFFFF  }
0xa8: {  	[tilespmem:s5], [sflag:$0x3] =	stream.linear.gather [hbm4b:s13+s5], $0x1800, $0x38;
	[tilespmem:$0x1F000] =	vst v63  }
0xa9: {  	_ =	swait.ge [sflag:s21], $0x1800  }
0xaa: {  	[sflag:s21] =	ssyncset.done $0x0  }
0xab: {  	[sflag:s21] =	ssyncadd.s32 $0xFFFFE800  }
0xac: {  	[spmem:s30], [sflag:s29] =	dma.local [hbm:s14], $0x2800  }
0xad: {  	_ =	swait.ge [sflag:s21], $0x2800  }
0xae: {  	[sflag:s21] =	ssyncset.done $0x0  }
0xaf: {  	[sflag:s21] =	ssyncadd.s32 $0xFFFFD800  }
0xb0: {  	[bflag:$0x0] =	sbarrier.arrive $0xFFFF  }
0xb1: {  	[tilespmem:s23], [sflag:$0x1] =	stream.indirect.gather [hbm4b:s4+s22], $0x80, s5, s22, $0xb8;
	[tilespmem:$0x1F000] =	vst v63  }
0xb2: {  	s20 =	simm.s32 $0x80  }
0xb3: {  	[tilespmem:s24], [sflag:$0x2] =	stream.indirect.gather [hbm4b:s4+s22], $0x80, s20, s22, $0xb8;
	[tilespmem:$0x1F000] =	vst v63  }
0xb4: {  	_ =	swait.ge [sflag:s25], $0x4000  }
0xb5: {  	[sflag:s25] =	ssyncset.done $0x0  }
0xb6: {  	s1 =	simm.s32 $0x1800;
	[sflag:s25] =	ssyncadd.s32 $0xFFFFC000  }
0xb7: {  	[spmem:s2] =	stream.indirect.scatter.add.f32 [tilespmem:s23], [sflag:$0x3], $0x80, s1, s22, $0xb8;
	[tilespmem:$0x1F000] =	vst v63  }
0xb8: {  	_ =	swait.ge [sflag:s21], $0x4000  }
0xb9: {  	[sflag:s21] =	ssyncset.done $0x0  }
0xba: {  	s5 =	simm.s32 $0x100;
	[sflag:s21] =	ssyncadd.s32 $0xFFFFC000  }
0xbb: {  	[tilespmem:s23], [sflag:$0x1] =	stream.indirect.gather [hbm4b:s4+s22], $0x80, s5, s22, $0xb8;
	[tilespmem:$0x1F000] =	vst v63  }
0xbc: {  	_ =	swait.ge [sflag:s26], $0x4000  }
0xbd: {  	[sflag:s26] =	ssyncset.done $0x0  }
0xbe: {  	s20 =	simm.s32 $0x1880;
	[sflag:s26] =	ssyncadd.s32 $0xFFFFC000  }
0xbf: {  	[spmem:s2] =	stream.indirect.scatter.add.f32 [tilespmem:s24], [sflag:$0x3], $0x80, s20, s22, $0xb8;
	[tilespmem:$0x1F000] =	vst v63  }
0xc0: {  	_ =	swait.ge [sflag:s21], $0x4000  }
0xc1: {  	s31 =	simm.s32 $0x100;
	s0 =	simm.s32 $0x800;
	[sflag:s21] =	ssyncset.done $0x0  }
.LBB2_6:
0xc2: {  	s1 =	sadd.s32 $0x80, s31  }
0xc3: {  	[sflag:s21] =	ssyncadd.s32 $0xFFFFC000;
	s5 =	smov.u32 s0;
	s20 =	sadd.s32 $0x400, s0  }
0xc4: {  	[tilespmem:s24], [sflag:$0x2] =	stream.indirect.gather [hbm4b:s4+s22], $0x80, s1, s22, $0xb8;
	[tilespmem:$0x1F000] =	vst v63  }
0xc5: {  	p0 =	sne.s32 s0, $0x4C00;
	_ =	swait.ge [sflag:s25], $0x4000  }
0xc6: {  	[sflag:s25] =	ssyncset.done $0x0  }
0xc7: {  	s0 =	sadd.s32 $0x1800, s31;
	[sflag:s25] =	ssyncadd.s32 $0xFFFFC000  }
0xc8: {  	[spmem:s2] =	stream.indirect.scatter.add.f32 [tilespmem:s23], [sflag:$0x3], $0x80, s0, s22, $0xb8;
	[tilespmem:$0x1F000] =	vst v63  }
0xc9: {  	_ =	swait.ge [sflag:s21], $0x4000  }
0xca: {  	[sflag:s21] =	ssyncset.done $0x0  }
0xcb: {  	s0 =	sadd.s32 $0x100, s31;
	[sflag:s21] =	ssyncadd.s32 $0xFFFFC000  }
0xcc: {  	[tilespmem:s23], [sflag:$0x1] =	stream.indirect.gather [hbm4b:s4+s22], $0x80, s0, s22, $0xb8;
	[tilespmem:$0x1F000] =	vst v63  }
0xcd: {  	_ =	swait.ge [sflag:s26], $0x4000  }
.Ltmp2:
0xce: {  	[sflag:s26] =	ssyncset.done $0x0;
	(pc) =	sbr.rel @p0 .LBB2_6-.Ltmp2, $4  }
0xcf: {  	s0 =	sadd.s32 $0x1880, s31;
	[sflag:s26] =	ssyncadd.s32 $0xFFFFC000  }
0xd0: {  	[spmem:s2] =	stream.indirect.scatter.add.f32 [tilespmem:s24], [sflag:$0x3], $0x80, s0, s22, $0xb8;
	[tilespmem:$0x1F000] =	vst v63  }
0xd1: {  	_ =	swait.ge [sflag:s21], $0x4000  }
0xd2: {  	s31 =	sshra.s32 s5, $0x2;
	s0 =	smov.u32 s20;
	[sflag:s21] =	ssyncset.done $0x0  }
0xd3: {  	s0 =	sadd.s32 $0x80, s31;
	[sflag:s21] =	ssyncadd.s32 $0xFFFFC000  }
0xd4: {  	[tilespmem:s24], [sflag:$0x2] =	stream.indirect.gather [hbm4b:s4+s22], $0x80, s0, s22, $0xb8;
	[tilespmem:$0x1F000] =	vst v63  }
0xd5: {  	_ =	swait.ge [sflag:s25], $0x4000  }
0xd6: {  	[sflag:s25] =	ssyncset.done $0x0  }
0xd7: {  	s5 =	sadd.s32 $0x1800, s31;
	[sflag:s25] =	ssyncadd.s32 $0xFFFFC000  }
0xd8: {  	[spmem:s2] =	stream.indirect.scatter.add.f32 [tilespmem:s23], [sflag:$0x3], $0x80, s5, s22, $0xb8;
	[tilespmem:$0x1F000] =	vst v63  }
0xd9: {  	_ =	swait.ge [sflag:s21], $0x4000  }
0xda: {  	[sflag:s21] =	ssyncset.done $0x0  }
0xdb: {  	s20 =	sadd.s32 $0x100, s31;
	[sflag:s21] =	ssyncadd.s32 $0xFFFFC000  }
0xdc: {  	[tilespmem:s23], [sflag:$0x1] =	stream.indirect.gather [hbm4b:s4+s22], $0x80, s20, s22, $0xb8;
	[tilespmem:$0x1F000] =	vst v63  }
0xdd: {  	_ =	swait.ge [sflag:s26], $0x4000  }
0xde: {  	[sflag:s26] =	ssyncset.done $0x0  }
0xdf: {  	s1 =	sadd.s32 $0x1880, s31;
	[sflag:s26] =	ssyncadd.s32 $0xFFFFC000  }
0xe0: {  	[spmem:s2] =	stream.indirect.scatter.add.f32 [tilespmem:s24], [sflag:$0x3], $0x80, s1, s22, $0xb8;
	[tilespmem:$0x1F000] =	vst v63  }
0xe1: {  	_ =	swait.ge [sflag:s21], $0x4000  }
0xe2: {  	[sflag:s21] =	ssyncset.done $0x0  }
0xe3: {  	[sflag:s21] =	ssyncadd.s32 $0xFFFFC000  }
0xe4: {  	_ =	swait.ge [sflag:s25], $0x4000  }
0xe5: {  	[sflag:s25] =	ssyncset.done $0x0  }
0xe6: {  	[sflag:s25] =	ssyncadd.s32 $0xFFFFC000  }
0xe7: {  	[bflag:$0x0] =	sbarrier.arrive $0xFFFF  }
0xe8: {  	[hbm:s15], [sflag:s29] =	dma.local [spmem:s30], $0x2800  }
0xe9: {  	_ =	swait.ge [sflag:s21], $0x2800  }
0xea: {  	[sflag:s21] =	ssyncset.done $0x0  }
0xeb: {  	[sflag:s21] =	ssyncadd.s32 $0xFFFFD800  }
0xec: {  	s5 =	simm.s32 $0x0;
	[bflag:$0x0] =	sbarrier.arrive $0xFFFF  }
0xed: {  	[tilespmem:s5], [sflag:$0x3] =	stream.linear.gather [hbm4b:s16+s5], $0x1800, $0x38;
	[tilespmem:$0x1F000] =	vst v63  }
0xee: {  	_ =	swait.ge [sflag:s21], $0x1800  }
0xef: {  	[sflag:s21] =	ssyncset.done $0x0  }
0xf0: {  	[sflag:s21] =	ssyncadd.s32 $0xFFFFE800  }
0xf1: {  	[spmem:s30], [sflag:s29] =	dma.local [hbm:s17], $0x2800  }
0xf2: {  	_ =	swait.ge [sflag:s21], $0x2800  }
0xf3: {  	[sflag:s21] =	ssyncset.done $0x0  }
0xf4: {  	[sflag:s21] =	ssyncadd.s32 $0xFFFFD800  }
0xf5: {  	[bflag:$0x0] =	sbarrier.arrive $0xFFFF  }
0xf6: {  	[tilespmem:s23], [sflag:$0x1] =	stream.indirect.gather [hbm4b:s4+s22], $0x80, s5, s22, $0xb8;
	[tilespmem:$0x1F000] =	vst v63  }
0xf7: {  	s20 =	simm.s32 $0x80  }
0xf8: {  	[tilespmem:s24], [sflag:$0x2] =	stream.indirect.gather [hbm4b:s4+s22], $0x80, s20, s22, $0xb8;
	[tilespmem:$0x1F000] =	vst v63  }
0xf9: {  	_ =	swait.ge [sflag:s25], $0x4000  }
0xfa: {  	[sflag:s25] =	ssyncset.done $0x0  }
0xfb: {  	s1 =	simm.s32 $0x1800;
	[sflag:s25] =	ssyncadd.s32 $0xFFFFC000  }
0xfc: {  	[spmem:s2] =	stream.indirect.scatter.add.f32 [tilespmem:s23], [sflag:$0x3], $0x80, s1, s22, $0xb8;
	[tilespmem:$0x1F000] =	vst v63  }
0xfd: {  	_ =	swait.ge [sflag:s21], $0x4000  }
0xfe: {  	[sflag:s21] =	ssyncset.done $0x0  }
0xff: {  	s5 =	simm.s32 $0x100;
	[sflag:s21] =	ssyncadd.s32 $0xFFFFC000  }
0x100: {  	[tilespmem:s23], [sflag:$0x1] =	stream.indirect.gather [hbm4b:s4+s22], $0x80, s5, s22, $0xb8;
	[tilespmem:$0x1F000] =	vst v63  }
0x101: {  	_ =	swait.ge [sflag:s26], $0x4000  }
0x102: {  	[sflag:s26] =	ssyncset.done $0x0  }
0x103: {  	s20 =	simm.s32 $0x1880;
	[sflag:s26] =	ssyncadd.s32 $0xFFFFC000  }
0x104: {  	[spmem:s2] =	stream.indirect.scatter.add.f32 [tilespmem:s24], [sflag:$0x3], $0x80, s20, s22, $0xb8;
	[tilespmem:$0x1F000] =	vst v63  }
0x105: {  	_ =	swait.ge [sflag:s21], $0x4000  }
0x106: {  	s31 =	simm.s32 $0x100;
	s0 =	simm.s32 $0x800;
	[sflag:s21] =	ssyncset.done $0x0  }
.LBB2_8:
0x107: {  	s1 =	sadd.s32 $0x80, s31  }
0x108: {  	[sflag:s21] =	ssyncadd.s32 $0xFFFFC000;
	s5 =	smov.u32 s0;
	s20 =	sadd.s32 $0x400, s0  }
0x109: {  	[tilespmem:s24], [sflag:$0x2] =	stream.indirect.gather [hbm4b:s4+s22], $0x80, s1, s22, $0xb8;
	[tilespmem:$0x1F000] =	vst v63  }
0x10a: {  	p0 =	sne.s32 s0, $0x4C00;
	_ =	swait.ge [sflag:s25], $0x4000  }
0x10b: {  	[sflag:s25] =	ssyncset.done $0x0  }
0x10c: {  	s0 =	sadd.s32 $0x1800, s31;
	[sflag:s25] =	ssyncadd.s32 $0xFFFFC000  }
0x10d: {  	[spmem:s2] =	stream.indirect.scatter.add.f32 [tilespmem:s23], [sflag:$0x3], $0x80, s0, s22, $0xb8;
	[tilespmem:$0x1F000] =	vst v63  }
0x10e: {  	_ =	swait.ge [sflag:s21], $0x4000  }
0x10f: {  	[sflag:s21] =	ssyncset.done $0x0  }
0x110: {  	s0 =	sadd.s32 $0x100, s31;
	[sflag:s21] =	ssyncadd.s32 $0xFFFFC000  }
0x111: {  	[tilespmem:s23], [sflag:$0x1] =	stream.indirect.gather [hbm4b:s4+s22], $0x80, s0, s22, $0xb8;
	[tilespmem:$0x1F000] =	vst v63  }
0x112: {  	_ =	swait.ge [sflag:s26], $0x4000  }
.Ltmp3:
0x113: {  	[sflag:s26] =	ssyncset.done $0x0;
	(pc) =	sbr.rel @p0 .LBB2_8-.Ltmp3, $4  }
0x114: {  	s0 =	sadd.s32 $0x1880, s31;
	[sflag:s26] =	ssyncadd.s32 $0xFFFFC000  }
0x115: {  	[spmem:s2] =	stream.indirect.scatter.add.f32 [tilespmem:s24], [sflag:$0x3], $0x80, s0, s22, $0xb8;
	[tilespmem:$0x1F000] =	vst v63  }
0x116: {  	_ =	swait.ge [sflag:s21], $0x4000  }
0x117: {  	s31 =	sshra.s32 s5, $0x2;
	s0 =	smov.u32 s20;
	[sflag:s21] =	ssyncset.done $0x0  }
0x118: {  	s0 =	sadd.s32 $0x80, s31;
	[sflag:s21] =	ssyncadd.s32 $0xFFFFC000  }
0x119: {  	[tilespmem:s24], [sflag:$0x2] =	stream.indirect.gather [hbm4b:s4+s22], $0x80, s0, s22, $0xb8;
	[tilespmem:$0x1F000] =	vst v63  }
0x11a: {  	_ =	swait.ge [sflag:s25], $0x4000  }
0x11b: {  	[sflag:s25] =	ssyncset.done $0x0  }
0x11c: {  	s5 =	sadd.s32 $0x1800, s31;
	[sflag:s25] =	ssyncadd.s32 $0xFFFFC000  }
0x11d: {  	[spmem:s2] =	stream.indirect.scatter.add.f32 [tilespmem:s23], [sflag:$0x3], $0x80, s5, s22, $0xb8;
	[tilespmem:$0x1F000] =	vst v63  }
0x11e: {  	_ =	swait.ge [sflag:s21], $0x4000  }
0x11f: {  	[sflag:s21] =	ssyncset.done $0x0  }
0x120: {  	s20 =	sadd.s32 $0x100, s31;
	[sflag:s21] =	ssyncadd.s32 $0xFFFFC000  }
0x121: {  	[tilespmem:s23], [sflag:$0x1] =	stream.indirect.gather [hbm4b:s4+s22], $0x80, s20, s22, $0xb8;
	[tilespmem:$0x1F000] =	vst v63  }
0x122: {  	_ =	swait.ge [sflag:s26], $0x4000  }
0x123: {  	[sflag:s26] =	ssyncset.done $0x0  }
0x124: {  	s31 =	sadd.s32 $0x1880, s31;
	[sflag:s26] =	ssyncadd.s32 $0xFFFFC000  }
0x125: {  	[spmem:s2] =	stream.indirect.scatter.add.f32 [tilespmem:s24], [sflag:$0x3], $0x80, s31, s22, $0xb8;
	[tilespmem:$0x1F000] =	vst v63  }
0x126: {  	_ =	swait.ge [sflag:s21], $0x4000  }
0x127: {  	[sflag:s21] =	ssyncset.done $0x0  }
0x128: {  	[sflag:s21] =	ssyncadd.s32 $0xFFFFC000  }
0x129: {  	_ =	swait.ge [sflag:s25], $0x4000  }
0x12a: {  	s28 =	sadd.s32 $0x1, s28;
	[sflag:s25] =	ssyncset.done $0x0  }
0x12b: {  	p0 =	sne.s32 s28, s19;
	[sflag:s25] =	ssyncadd.s32 $0xFFFFC000  }
.Ltmp4:
0x12c: {  	[bflag:$0x0] =	sbarrier.arrive $0xFFFF;
	(pc) =	sbr.rel @p0 .LBB2_1-.Ltmp4, $4  }
0x12d: {  	[hbm:s18], [sflag:s29] =	dma.local [spmem:s30], $0x2800  }
0x12e: {  	_ =	swait.ge [sflag:s21], $0x2800  }
0x12f: {  	[sflag:s21] =	ssyncset.done $0x0  }
0x130: {  	[sflag:s21] =	ssyncadd.s32 $0xFFFFD800  }
0x131: {  	_ =	sfence.sel $0x180000  }
0x132: {  	[bflag:$0x0] =	sbarrier.arrive $0xFFFF  }
0x133: {  	_ =	strace $0x90000050  }
0x134: {  	s0 =	stileid.u32;
	[bflag:$0x2] =	sbarrier.arrive $0xFFFF  }
0x135: {  	p0 =	sne.s32 s0, $0x0;
	s0 =	rddreg [dreg:$0x2]  }
0x136: {  	s0 =	sadd.s32 @!p0 $0x100000, s0  }
0x137: {  	[sflag:s0] =	ssyncadd.tile.s32 @!p0 $0x1;
	_ =	shalt  }
.Lfunc_end2:
_tile_overlayer_lowered:
.L_overlay_start_2:
0x138: {  	(tag) =	ssettag $0x2  }
0x139: {  	s0 =	rddreg [dreg:$0x0];
	s2 =	stileid.u32  }
0x13a: {  	s1 =	rddreg [dreg:$0x1];
	p0 =	sne.s32 s2, $0x0  }
0x13b: {  	s3 =	rddreg [dreg:$0x2];
	[bflag:$0x3] =	sbarrier.arrive $0xFFFF;
	s2 =	simm.s32 @!p0 $0x1C03  }
0x13c: {  	[timem:s3], [sflag:s2] =	dma.local @!p0 [hbm:s0], s1  }
0x13d: {  	s0 =	simm.s32 @!p0 $0x3  }
0x13e: {  	_ =	swait.ge @!p0 [sflag:s0], s1  }
0x13f: {  	s1 =	ssub.s32 @!p0 $0x0, s1;
	[sflag:s0] =	ssyncset.done @!p0 $0x0  }
0x140: {  	[sflag:s0] =	ssyncadd.s32 @!p0 s1  }
0x141: {  	[bflag:$0x3] =	sbarrier.arrive $0xFFFF  }
0x142: {  	_ =	shalt  }

</sc_bundles>
